<compile_context>
chip_gen: v7x
topology: tpu7x:2x2x1
jax: 0.10.2.dev20260603
libtpu: 0.0.44.dev20260713+nightly
codegen_flags: <defaults>
</compile_context>

<pallas_src>
import functools

import jax
import jax.numpy as jnp
from jax import lax
from jax.experimental import pallas as pl
from jax.experimental.pallas import tpu as pltpu
from jax.experimental.pallas import tpu_sc as plsc

DIM = 128
LANES = 16
NVREG = DIM // LANES
CHUNK = 128
RING = 5


def _rsqrt(x):
    bits = lax.bitcast_convert_type(x, jnp.int32)
    magic = jnp.full(x.shape, 0x5F3759DF, jnp.int32)
    y = lax.bitcast_convert_type(magic - (bits >> 1), jnp.float32)
    for _ in range(3):
        y = y * (1.5 - 0.5 * x * y * y)
    return y


def _make_sc_kernel(n_rows, n_workers, num_cores):
    rows_per_w = n_rows // n_workers
    n_chunks = rows_per_w // CHUNK
    assert n_chunks % RING == 0 and n_chunks >= 2 * RING
    n_blocks = n_chunks // RING
    mesh = plsc.VectorSubcoreMesh(core_axis_name="c", subcore_axis_name="s")

    @functools.partial(
        pl.kernel,
        out_type=jax.ShapeDtypeStruct((n_rows, DIM), jnp.float32),
        mesh=mesh,
        compiler_params=pltpu.CompilerParams(needs_layout_passes=False),
        scratch_types=(
            [pltpu.VMEM((4, CHUNK), jnp.int32) for _ in range(RING)]
            + [pltpu.VMEM((CHUNK, DIM), jnp.float32) for _ in range(RING)]
            + [
                pltpu.VMEM((DIM,), jnp.float32),
                pltpu.VMEM((DIM,), jnp.float32),
                pltpu.VMEM((CHUNK,), jnp.float32),
                pltpu.VMEM((CHUNK,), jnp.float32),
                pltpu.SemaphoreType.DMA((RING,)),
                pltpu.SemaphoreType.DMA((RING,)),
                pltpu.SemaphoreType.DMA((RING,)),
            ]
        ),
    )
    def run(idx_h, ttab, stab, dtab, ptab, gam_h, bet_h, out_h,
            ix0, ix1, ix2, ix3, ix4, rw0, rw1, rw2, rw3, rw4,
            gam, bet, mu_buf, rs_buf, sem_g, sem_a, sem_s):
        idxs = (ix0, ix1, ix2, ix3, ix4)
        rows = (rw0, rw1, rw2, rw3, rw4)
        wid = lax.axis_index("s") * num_cores + lax.axis_index("c")
        cbase = wid * n_chunks
        rbase = wid * rows_per_w
        pltpu.sync_copy(gam_h, gam)
        pltpu.sync_copy(bet_h, bet)
        lane = lax.iota(jnp.int32, LANES)

        def idx_load(ci, j):
            pltpu.sync_copy(idx_h.at[cbase + ci], idxs[j])

        def gather_plain(j):
            pltpu.async_copy(ttab.at[idxs[j].at[0]], rows[j], sem_g.at[j])

        def wait_plain(j):
            pltpu.make_async_copy(
                ttab.at[idxs[j].at[0]], rows[j], sem_g.at[j]).wait()

        def gather_adds(j):
            pltpu.async_copy(stab.at[idxs[j].at[1]], rows[j], sem_a.at[j],
                             add=True)
            pltpu.async_copy(dtab.at[idxs[j].at[2]], rows[j], sem_a.at[j],
                             add=True)
            pltpu.async_copy(ptab.at[idxs[j].at[3]], rows[j], sem_a.at[j],
                             add=True)

        def wait_adds(j):
            pltpu.make_async_copy(
                stab.at[idxs[j].at[1]], rows[j], sem_a.at[j]).wait()
            pltpu.make_async_copy(
                dtab.at[idxs[j].at[2]], rows[j], sem_a.at[j]).wait()
            pltpu.make_async_copy(
                ptab.at[idxs[j].at[3]], rows[j], sem_a.at[j]).wait()

        def store(ci, j):
            pltpu.async_copy(
                rows[j], out_h.at[pl.ds(rbase + ci * CHUNK, CHUNK)],
                sem_s.at[j])

        def wait_store(ci, j):
            pltpu.make_async_copy(
                rows[j], out_h.at[pl.ds(rbase + ci * CHUNK, CHUNK)],
                sem_s.at[j]).wait()

        def compute(j):
            buf = rows[j]

            def group_body(g, carry):
                row_idx = g * LANES + lane

                def col_body(c, sc):
                    s, ss = sc
                    cv = (lane + c) & (DIM - 1)
                    col = plsc.load_gather(buf, [row_idx, cv])
                    return s + col, ss + col * col

                zeros = jnp.zeros((LANES,), jnp.float32)
                s, ss = lax.fori_loop(0, DIM, col_body, (zeros, zeros),
                                      unroll=8)
                mu = s * (1.0 / DIM)
                var = ss * (1.0 / DIM) - mu * mu
                rstd = _rsqrt(var + 1e-5)
                mu_buf[pl.ds(g * LANES, LANES)] = mu
                rs_buf[pl.ds(g * LANES, LANES)] = rstd
                return carry

            lax.fori_loop(0, CHUNK // LANES, group_body, 0)

            gs = [gam[pl.ds(LANES * k, LANES)] for k in range(NVREG)]
            bs = [bet[pl.ds(LANES * k, LANES)] for k in range(NVREG)]

            def row_body(r, c):
                rv = jnp.full((LANES,), r, jnp.int32)
                mu = plsc.load_gather(mu_buf, [rv])
                rstd = plsc.load_gather(rs_buf, [rv])
                for k in range(NVREG):
                    x = buf[r, pl.ds(LANES * k, LANES)]
                    buf[r, pl.ds(LANES * k, LANES)] = (
                        (x - mu) * rstd * gs[k] + bs[k])
                return c

            lax.fori_loop(0, CHUNK, row_body, 0, unroll=2)

        idx_load(0, 0)
        idx_load(1, 1)
        gather_plain(0)
        wait_plain(0)
        gather_adds(0)
        gather_plain(1)

        def block(k, carry):
            for p in range(RING):
                i = k * RING + p
                j1 = (p + 1) % RING
                j2 = (p + 2) % RING

                @pl.when(i + 1 < n_chunks)
                def _():
                    wait_plain(j1)
                    gather_adds(j1)

                @pl.when(i >= 3)
                def _():
                    wait_store(i - 3, j2)

                @pl.when(i + 2 < n_chunks)
                def _():
                    idx_load(i + 2, j2)
                    gather_plain(j2)

                wait_adds(p)
                compute(p)
                store(i, p)
            return carry

        lax.fori_loop(0, n_blocks, block, 0)
        for p in range(RING - 3, RING):
            wait_store(n_chunks - RING + p, p)

    return run


def kernel(token, segment, domain, position, token_table, segment_table,
           domain_table, pos_table, gamma, beta):
    b, l = token.shape
    n = b * l
    info = plsc.get_sparse_core_info()
    n_workers = info.num_cores * info.num_subcores
    run = _make_sc_kernel(n, n_workers, info.num_cores)
    ids = jnp.stack([
        token.reshape(n).astype(jnp.int32),
        segment.reshape(n).astype(jnp.int32),
        domain.reshape(n).astype(jnp.int32),
        position.reshape(n).astype(jnp.int32),
    ])
    idx_h = ids.reshape(4, n // CHUNK, CHUNK).transpose(1, 0, 2)
    out = run(idx_h, token_table, segment_table, domain_table, pos_table,
              gamma, beta)
    return out.reshape(b, l, DIM)

# --- scband reference (transcript-rebuilt; emitter-appended) ---
"""Pipeline reference for scband-masked-lang-model-embedding-layer-2370821947930 (READ-ONLY COPY).

The authoritative reference and input builder live on the scoring server;
editing this copy changes nothing except your own understanding.
"""

import jax, jax.numpy as jnp
import numpy as np

VOCAB = 100000
CTX = 200
DIM = 128
B, L = 1024, 200


def setup_inputs(seed: int = 0) -> dict:
    key = jax.random.key(seed)
    ks = jax.random.split(key, 12)
    token = jax.random.randint(ks[0], (B, L), 0, VOCAB, dtype=jnp.int64 if jax.config.jax_enable_x64 else jnp.int32)
    segment = jax.random.randint(ks[1], (B, L), 0, VOCAB, dtype=token.dtype)
    domain = jax.random.randint(ks[2], (B, L), 0, VOCAB, dtype=token.dtype)
    position = jax.random.randint(ks[3], (B, L), 0, CTX, dtype=token.dtype)
    token_table = jax.random.normal(ks[4], (VOCAB, DIM), dtype=jnp.float32) * 1.0
    segment_table = jax.random.normal(ks[5], (VOCAB, DIM), dtype=jnp.float32) * 1.0
    domain_table = jax.random.normal(ks[6], (VOCAB, DIM), dtype=jnp.float32) * 1.0
    pos_table = jax.random.normal(ks[7], (CTX, DIM), dtype=jnp.float32) * 0.02
    gamma = jnp.ones((DIM,), dtype=jnp.float32)
    beta = jnp.zeros((DIM,), dtype=jnp.float32)
    return {
        'token': token, 'segment': segment, 'domain': domain, 'position': position,
        'token_table': token_table, 'segment_table': segment_table,
        'domain_table': domain_table, 'pos_table': pos_table,
        'gamma': gamma, 'beta': beta,
    }


def _layernorm(x, gamma, beta, eps=1e-5):
    mu = jnp.mean(x, axis=-1, keepdims=True)
    var = jnp.mean(jnp.square(x - mu), axis=-1, keepdims=True)
    xhat = (x - mu) * jax.lax.rsqrt(var + eps)
    return xhat * gamma + beta


def reference(token, segment, domain, position, token_table, segment_table, domain_table, pos_table, gamma, beta):
    # embeddings[k](src[k]) for each feature, then sum over features, then layernorm
    e_tok = jnp.take(token_table, token, axis=0)
    e_seg = jnp.take(segment_table, segment, axis=0)
    e_dom = jnp.take(domain_table, domain, axis=0)
    e_pos = jnp.take(pos_table, position, axis=0)
    x = e_tok + e_seg + e_dom + e_pos  # sum over stacked feature embeddings
    return _layernorm(x, gamma, beta)

if __name__ == "__main__":
    import jax
    _d = setup_inputs()
    print(jax.jit(kernel)(*tuple(_d.values())))

</pallas_src>

<mosaic_0001>
#map = affine_map<(d0, d1) -> (0, 0, 0)>
#map1 = affine_map<(d0, d1) -> (0, 0)>
#map2 = affine_map<(d0, d1) -> (0)>
module attributes {stable_mosaic.version = 14 : i64} {
  func.func @run(%arg0: i32, %arg1: i32, %arg2: memref<1600x4x128xi32, #tpu.memory_space<hbm>>, %arg3: memref<100000x128xf32, #tpu.memory_space<hbm>>, %arg4: memref<100000x128xf32, #tpu.memory_space<hbm>>, %arg5: memref<100000x128xf32, #tpu.memory_space<hbm>>, %arg6: memref<200x128xf32, #tpu.memory_space<hbm>>, %arg7: memref<128xf32, #tpu.memory_space<hbm>>, %arg8: memref<128xf32, #tpu.memory_space<hbm>>, %arg9: memref<204800x128xf32, #tpu.memory_space<hbm>>, %arg10: memref<4x128xi32, #tpu.memory_space<vmem>>, %arg11: memref<4x128xi32, #tpu.memory_space<vmem>>, %arg12: memref<4x128xi32, #tpu.memory_space<vmem>>, %arg13: memref<4x128xi32, #tpu.memory_space<vmem>>, %arg14: memref<4x128xi32, #tpu.memory_space<vmem>>, %arg15: memref<128x128xf32, #tpu.memory_space<vmem>>, %arg16: memref<128x128xf32, #tpu.memory_space<vmem>>, %arg17: memref<128x128xf32, #tpu.memory_space<vmem>>, %arg18: memref<128x128xf32, #tpu.memory_space<vmem>>, %arg19: memref<128x128xf32, #tpu.memory_space<vmem>>, %arg20: memref<128xf32, #tpu.memory_space<vmem>>, %arg21: memref<128xf32, #tpu.memory_space<vmem>>, %arg22: memref<128xf32, #tpu.memory_space<vmem>>, %arg23: memref<128xf32, #tpu.memory_space<vmem>>, %arg24: memref<5x!tpu.dma_semaphore, #tpu.memory_space<semaphore_mem>>, %arg25: memref<5x!tpu.dma_semaphore, #tpu.memory_space<semaphore_mem>>, %arg26: memref<5x!tpu.dma_semaphore, #tpu.memory_space<semaphore_mem>>) attributes {dimension_semantics = [#tpu.dimension_semantics<core_parallel>, #tpu.dimension_semantics<subcore_parallel>], iteration_bounds = array<i64: 2, 16>, scalar_prefetch = 0 : i64, scratch_operands = 17 : i64, tpu.core_type = #tpu.core_type<sc_vector_subcore>, window_params = [{transform_indices = #map}, {transform_indices = #map1}, {transform_indices = #map1}, {transform_indices = #map1}, {transform_indices = #map1}, {transform_indices = #map2}, {transform_indices = #map2}, {transform_indices = #map1}]} {
    %mul3A = arith.constant 2 : i32
    %mul3A_0 = arith.muli %arg1, %mul3A : i32
    %add3A = arith.addi %mul3A_0, %arg0 : i32
    %mul3A_1 = arith.constant 50 : i32
    %mul3A_2 = arith.muli %add3A, %mul3A_1 : i32
    %mul3A_3 = arith.constant 6400 : i32
    %mul3A_4 = arith.muli %add3A, %mul3A_3 : i32
    "tpu.region"() ({
      %run_scoped3A = tpu.sem_alloc : memref<!tpu.dma_semaphore, #tpu.memory_space<semaphore_mem>>
      tpu.enqueue_dma source(%arg7 : memref<128xf32, #tpu.memory_space<hbm>>) target(%arg20 : memref<128xf32, #tpu.memory_space<vmem>>) target_semaphore(%run_scoped3A : memref<!tpu.dma_semaphore, #tpu.memory_space<semaphore_mem>>)
      tpu.wait_dma2 semaphore(%run_scoped3A : memref<!tpu.dma_semaphore, #tpu.memory_space<semaphore_mem>>) src(%arg7 : memref<128xf32, #tpu.memory_space<hbm>>) dst(%arg20 : memref<128xf32, #tpu.memory_space<vmem>>)
      tpu.yield
    }) : () -> ()
    "tpu.region"() ({
      %run_scoped3A = tpu.sem_alloc : memref<!tpu.dma_semaphore, #tpu.memory_space<semaphore_mem>>
      tpu.enqueue_dma source(%arg8 : memref<128xf32, #tpu.memory_space<hbm>>) target(%arg21 : memref<128xf32, #tpu.memory_space<vmem>>) target_semaphore(%run_scoped3A : memref<!tpu.dma_semaphore, #tpu.memory_space<semaphore_mem>>)
      tpu.wait_dma2 semaphore(%run_scoped3A : memref<!tpu.dma_semaphore, #tpu.memory_space<semaphore_mem>>) src(%arg8 : memref<128xf32, #tpu.memory_space<hbm>>) dst(%arg21 : memref<128xf32, #tpu.memory_space<vmem>>)
      tpu.yield
    }) : () -> ()
    %iota3A = tpu.iota {dimensions = array<i32: 0>} : vector<16xi32>
    %add3A_5 = arith.constant 0 : i32
    %add3A_6 = arith.addi %mul3A_2, %add3A_5 : i32
    "tpu.region"() ({
      %run_scoped3A = tpu.sem_alloc : memref<!tpu.dma_semaphore, #tpu.memory_space<semaphore_mem>>
      %dma_start3A_99 = arith.constant 0 : i32
      %dma_start3A_100 = arith.constant 0 : i32
      %dma_start3A_101 = tpu.memref_slice %arg2[%add3A_6, %dma_start3A_99, %dma_start3A_100] : memref<1600x4x128xi32, #tpu.memory_space<hbm>> -> memref<1x4x128xi32, #tpu.memory_space<hbm>>
      %dma_start3A_102 = tpu.memref_squeeze %dma_start3A_101 : memref<1x4x128xi32, #tpu.memory_space<hbm>> -> memref<4x128xi32, #tpu.memory_space<hbm>>
      %dma_start3A_103 = arith.constant 0 : i32
      %dma_start3A_104 = arith.constant 0 : i32
      %dma_start3A_105 = tpu.memref_slice %arg2[%add3A_6, %dma_start3A_103, %dma_start3A_104] : memref<1600x4x128xi32, #tpu.memory_space<hbm>> -> memref<1x4x128xi32, #tpu.memory_space<hbm>>
      %dma_start3A_106 = tpu.memref_squeeze %dma_start3A_105 : memref<1x4x128xi32, #tpu.memory_space<hbm>> -> memref<4x128xi32, #tpu.memory_space<hbm>>
      tpu.enqueue_dma source(%dma_start3A_106 : memref<4x128xi32, #tpu.memory_space<hbm>>) target(%arg10 : memref<4x128xi32, #tpu.memory_space<vmem>>) target_semaphore(%run_scoped3A : memref<!tpu.dma_semaphore, #tpu.memory_space<semaphore_mem>>)
      %dma_wait3A_107 = arith.constant 0 : i32
      %dma_wait3A_108 = arith.constant 0 : i32
      %dma_wait3A_109 = tpu.memref_slice %arg2[%add3A_6, %dma_wait3A_107, %dma_wait3A_108] : memref<1600x4x128xi32, #tpu.memory_space<hbm>> -> memref<1x4x128xi32, #tpu.memory_space<hbm>>
      %dma_wait3A_110 = tpu.memref_squeeze %dma_wait3A_109 : memref<1x4x128xi32, #tpu.memory_space<hbm>> -> memref<4x128xi32, #tpu.memory_space<hbm>>
      %dma_wait3A_111 = arith.constant 0 : i32
      %dma_wait3A_112 = arith.constant 0 : i32
      %dma_wait3A_113 = tpu.memref_slice %arg2[%add3A_6, %dma_wait3A_111, %dma_wait3A_112] : memref<1600x4x128xi32, #tpu.memory_space<hbm>> -> memref<1x4x128xi32, #tpu.memory_space<hbm>>
      %dma_wait3A_114 = tpu.memref_squeeze %dma_wait3A_113 : memref<1x4x128xi32, #tpu.memory_space<hbm>> -> memref<4x128xi32, #tpu.memory_space<hbm>>
      tpu.wait_dma2 semaphore(%run_scoped3A : memref<!tpu.dma_semaphore, #tpu.memory_space<semaphore_mem>>) src(%dma_wait3A_114 : memref<4x128xi32, #tpu.memory_space<hbm>>) dst(%arg10 : memref<4x128xi32, #tpu.memory_space<vmem>>)
      tpu.yield
    }) : () -> ()
    %add3A_7 = arith.constant 1 : i32
    %add3A_8 = arith.addi %mul3A_2, %add3A_7 : i32
    "tpu.region"() ({
      %run_scoped3A = tpu.sem_alloc : memref<!tpu.dma_semaphore, #tpu.memory_space<semaphore_mem>>
      %dma_start3A_99 = arith.constant 0 : i32
      %dma_start3A_100 = arith.constant 0 : i32
      %dma_start3A_101 = tpu.memref_slice %arg2[%add3A_8, %dma_start3A_99, %dma_start3A_100] : memref<1600x4x128xi32, #tpu.memory_space<hbm>> -> memref<1x4x128xi32, #tpu.memory_space<hbm>>
      %dma_start3A_102 = tpu.memref_squeeze %dma_start3A_101 : memref<1x4x128xi32, #tpu.memory_space<hbm>> -> memref<4x128xi32, #tpu.memory_space<hbm>>
      %dma_start3A_103 = arith.constant 0 : i32
      %dma_start3A_104 = arith.constant 0 : i32
      %dma_start3A_105 = tpu.memref_slice %arg2[%add3A_8, %dma_start3A_103, %dma_start3A_104] : memref<1600x4x128xi32, #tpu.memory_space<hbm>> -> memref<1x4x128xi32, #tpu.memory_space<hbm>>
      %dma_start3A_106 = tpu.memref_squeeze %dma_start3A_105 : memref<1x4x128xi32, #tpu.memory_space<hbm>> -> memref<4x128xi32, #tpu.memory_space<hbm>>
      tpu.enqueue_dma source(%dma_start3A_106 : memref<4x128xi32, #tpu.memory_space<hbm>>) target(%arg11 : memref<4x128xi32, #tpu.memory_space<vmem>>) target_semaphore(%run_scoped3A : memref<!tpu.dma_semaphore, #tpu.memory_space<semaphore_mem>>)
      %dma_wait3A_107 = arith.constant 0 : i32
      %dma_wait3A_108 = arith.constant 0 : i32
      %dma_wait3A_109 = tpu.memref_slice %arg2[%add3A_8, %dma_wait3A_107, %dma_wait3A_108] : memref<1600x4x128xi32, #tpu.memory_space<hbm>> -> memref<1x4x128xi32, #tpu.memory_space<hbm>>
      %dma_wait3A_110 = tpu.memref_squeeze %dma_wait3A_109 : memref<1x4x128xi32, #tpu.memory_space<hbm>> -> memref<4x128xi32, #tpu.memory_space<hbm>>
      %dma_wait3A_111 = arith.constant 0 : i32
      %dma_wait3A_112 = arith.constant 0 : i32
      %dma_wait3A_113 = tpu.memref_slice %arg2[%add3A_8, %dma_wait3A_111, %dma_wait3A_112] : memref<1600x4x128xi32, #tpu.memory_space<hbm>> -> memref<1x4x128xi32, #tpu.memory_space<hbm>>
      %dma_wait3A_114 = tpu.memref_squeeze %dma_wait3A_113 : memref<1x4x128xi32, #tpu.memory_space<hbm>> -> memref<4x128xi32, #tpu.memory_space<hbm>>
      tpu.wait_dma2 semaphore(%run_scoped3A : memref<!tpu.dma_semaphore, #tpu.memory_space<semaphore_mem>>) src(%dma_wait3A_114 : memref<4x128xi32, #tpu.memory_space<hbm>>) dst(%arg11 : memref<4x128xi32, #tpu.memory_space<vmem>>)
      tpu.yield
    }) : () -> ()
    %dma_start3A = arith.constant 0 : i32
    %dma_start3A_9 = arith.constant 0 : i32
    %dma_start3A_10 = arith.constant 0 : i32
    %dma_start3A_11 = tpu.memref_slice %arg10[%dma_start3A, %dma_start3A_10] : memref<4x128xi32, #tpu.memory_space<vmem>> -> memref<1x128xi32, #tpu.memory_space<vmem>>
    %dma_start3A_12 = tpu.memref_squeeze %dma_start3A_11 : memref<1x128xi32, #tpu.memory_space<vmem>> -> memref<128xi32, #tpu.memory_space<vmem>>
    %dma_start3A_13 = arith.constant 0 : i32
    %dma_start3A_14 = arith.constant 0 : i32
    %dma_start3A_15 = tpu.memref_slice %arg3[%dma_start3A_13, %dma_start3A_14] : memref<100000x128xf32, #tpu.memory_space<hbm>> -> memref<100000x128xf32, #tpu.memory_space<hbm>>
    %dma_start3A_16 = tpu.memref_slice %arg24[%dma_start3A_9] : memref<5x!tpu.dma_semaphore, #tpu.memory_space<semaphore_mem>> -> memref<1x!tpu.dma_semaphore, #tpu.memory_space<semaphore_mem>>
    %dma_start3A_17 = tpu.memref_squeeze %dma_start3A_16 : memref<1x!tpu.dma_semaphore, #tpu.memory_space<semaphore_mem>> -> memref<!tpu.dma_semaphore, #tpu.memory_space<semaphore_mem>>
    tpu.enqueue_indirect_dma source(%dma_start3A_15 : memref<100000x128xf32, #tpu.memory_space<hbm>>) target(%arg15 : memref<128x128xf32, #tpu.memory_space<vmem>>) offsets(%dma_start3A_12 : memref<128xi32, #tpu.memory_space<vmem>>) semaphore(%dma_start3A_17 : memref<!tpu.dma_semaphore, #tpu.memory_space<semaphore_mem>>)
    %dma_wait3A = arith.constant 0 : i32
    %dma_wait3A_18 = arith.constant 0 : i32
    %dma_wait3A_19 = arith.constant 0 : i32
    %dma_wait3A_20 = tpu.memref_slice %arg10[%dma_wait3A, %dma_wait3A_19] : memref<4x128xi32, #tpu.memory_space<vmem>> -> memref<1x128xi32, #tpu.memory_space<vmem>>
    %dma_wait3A_21 = tpu.memref_squeeze %dma_wait3A_20 : memref<1x128xi32, #tpu.memory_space<vmem>> -> memref<128xi32, #tpu.memory_space<vmem>>
    %dma_wait3A_22 = arith.constant 0 : i32
    %dma_wait3A_23 = arith.constant 0 : i32
    %dma_wait3A_24 = tpu.memref_slice %arg3[%dma_wait3A_22, %dma_wait3A_23] : memref<100000x128xf32, #tpu.memory_space<hbm>> -> memref<100000x128xf32, #tpu.memory_space<hbm>>
    %dma_wait3A_25 = tpu.memref_slice %arg24[%dma_wait3A_18] : memref<5x!tpu.dma_semaphore, #tpu.memory_space<semaphore_mem>> -> memref<1x!tpu.dma_semaphore, #tpu.memory_space<semaphore_mem>>
    %dma_wait3A_26 = tpu.memref_squeeze %dma_wait3A_25 : memref<1x!tpu.dma_semaphore, #tpu.memory_space<semaphore_mem>> -> memref<!tpu.dma_semaphore, #tpu.memory_space<semaphore_mem>>
    tpu.wait_indirect_dma semaphore(%dma_wait3A_26 : memref<!tpu.dma_semaphore, #tpu.memory_space<semaphore_mem>>) src(%dma_wait3A_24 : memref<100000x128xf32, #tpu.memory_space<hbm>>) dst(%arg15 : memref<128x128xf32, #tpu.memory_space<vmem>>)
    %dma_start3A_27 = arith.constant 1 : i32
    %dma_start3A_28 = arith.constant 0 : i32
    %dma_start3A_29 = arith.constant 0 : i32
    %dma_start3A_30 = tpu.memref_slice %arg10[%dma_start3A_27, %dma_start3A_29] : memref<4x128xi32, #tpu.memory_space<vmem>> -> memref<1x128xi32, #tpu.memory_space<vmem>>
    %dma_start3A_31 = tpu.memref_squeeze %dma_start3A_30 : memref<1x128xi32, #tpu.memory_space<vmem>> -> memref<128xi32, #tpu.memory_space<vmem>>
    %dma_start3A_32 = arith.constant 0 : i32
    %dma_start3A_33 = arith.constant 0 : i32
    %dma_start3A_34 = tpu.memref_slice %arg4[%dma_start3A_32, %dma_start3A_33] : memref<100000x128xf32, #tpu.memory_space<hbm>> -> memref<100000x128xf32, #tpu.memory_space<hbm>>
    %dma_start3A_35 = tpu.memref_slice %arg25[%dma_start3A_28] : memref<5x!tpu.dma_semaphore, #tpu.memory_space<semaphore_mem>> -> memref<1x!tpu.dma_semaphore, #tpu.memory_space<semaphore_mem>>
    %dma_start3A_36 = tpu.memref_squeeze %dma_start3A_35 : memref<1x!tpu.dma_semaphore, #tpu.memory_space<semaphore_mem>> -> memref<!tpu.dma_semaphore, #tpu.memory_space<semaphore_mem>>
    tpu.enqueue_indirect_dma source(%dma_start3A_34 : memref<100000x128xf32, #tpu.memory_space<hbm>>) target(%arg15 : memref<128x128xf32, #tpu.memory_space<vmem>>) offsets(%dma_start3A_31 : memref<128xi32, #tpu.memory_space<vmem>>) semaphore(%dma_start3A_36 : memref<!tpu.dma_semaphore, #tpu.memory_space<semaphore_mem>>) {add = true}
    %dma_start3A_37 = arith.constant 2 : i32
    %dma_start3A_38 = arith.constant 0 : i32
    %dma_start3A_39 = arith.constant 0 : i32
    %dma_start3A_40 = tpu.memref_slice %arg10[%dma_start3A_37, %dma_start3A_39] : memref<4x128xi32, #tpu.memory_space<vmem>> -> memref<1x128xi32, #tpu.memory_space<vmem>>
    %dma_start3A_41 = tpu.memref_squeeze %dma_start3A_40 : memref<1x128xi32, #tpu.memory_space<vmem>> -> memref<128xi32, #tpu.memory_space<vmem>>
    %dma_start3A_42 = arith.constant 0 : i32
    %dma_start3A_43 = arith.constant 0 : i32
    %dma_start3A_44 = tpu.memref_slice %arg5[%dma_start3A_42, %dma_start3A_43] : memref<100000x128xf32, #tpu.memory_space<hbm>> -> memref<100000x128xf32, #tpu.memory_space<hbm>>
    %dma_start3A_45 = tpu.memref_slice %arg25[%dma_start3A_38] : memref<5x!tpu.dma_semaphore, #tpu.memory_space<semaphore_mem>> -> memref<1x!tpu.dma_semaphore, #tpu.memory_space<semaphore_mem>>
    %dma_start3A_46 = tpu.memref_squeeze %dma_start3A_45 : memref<1x!tpu.dma_semaphore, #tpu.memory_space<semaphore_mem>> -> memref<!tpu.dma_semaphore, #tpu.memory_space<semaphore_mem>>
    tpu.enqueue_indirect_dma source(%dma_start3A_44 : memref<100000x128xf32, #tpu.memory_space<hbm>>) target(%arg15 : memref<128x128xf32, #tpu.memory_space<vmem>>) offsets(%dma_start3A_41 : memref<128xi32, #tpu.memory_space<vmem>>) semaphore(%dma_start3A_46 : memref<!tpu.dma_semaphore, #tpu.memory_space<semaphore_mem>>) {add = true}
    %dma_start3A_47 = arith.constant 3 : i32
    %dma_start3A_48 = arith.constant 0 : i32
    %dma_start3A_49 = arith.constant 0 : i32
    %dma_start3A_50 = tpu.memref_slice %arg10[%dma_start3A_47, %dma_start3A_49] : memref<4x128xi32, #tpu.memory_space<vmem>> -> memref<1x128xi32, #tpu.memory_space<vmem>>
    %dma_start3A_51 = tpu.memref_squeeze %dma_start3A_50 : memref<1x128xi32, #tpu.memory_space<vmem>> -> memref<128xi32, #tpu.memory_space<vmem>>
    %dma_start3A_52 = arith.constant 0 : i32
    %dma_start3A_53 = arith.constant 0 : i32
    %dma_start3A_54 = tpu.memref_slice %arg6[%dma_start3A_52, %dma_start3A_53] : memref<200x128xf32, #tpu.memory_space<hbm>> -> memref<200x128xf32, #tpu.memory_space<hbm>>
    %dma_start3A_55 = tpu.memref_slice %arg25[%dma_start3A_48] : memref<5x!tpu.dma_semaphore, #tpu.memory_space<semaphore_mem>> -> memref<1x!tpu.dma_semaphore, #tpu.memory_space<semaphore_mem>>
    %dma_start3A_56 = tpu.memref_squeeze %dma_start3A_55 : memref<1x!tpu.dma_semaphore, #tpu.memory_space<semaphore_mem>> -> memref<!tpu.dma_semaphore, #tpu.memory_space<semaphore_mem>>
    tpu.enqueue_indirect_dma source(%dma_start3A_54 : memref<200x128xf32, #tpu.memory_space<hbm>>) target(%arg15 : memref<128x128xf32, #tpu.memory_space<vmem>>) offsets(%dma_start3A_51 : memref<128xi32, #tpu.memory_space<vmem>>) semaphore(%dma_start3A_56 : memref<!tpu.dma_semaphore, #tpu.memory_space<semaphore_mem>>) {add = true}
    %dma_start3A_57 = arith.constant 0 : i32
    %dma_start3A_58 = arith.constant 1 : i32
    %dma_start3A_59 = arith.constant 0 : i32
    %dma_start3A_60 = tpu.memref_slice %arg11[%dma_start3A_57, %dma_start3A_59] : memref<4x128xi32, #tpu.memory_space<vmem>> -> memref<1x128xi32, #tpu.memory_space<vmem>>
    %dma_start3A_61 = tpu.memref_squeeze %dma_start3A_60 : memref<1x128xi32, #tpu.memory_space<vmem>> -> memref<128xi32, #tpu.memory_space<vmem>>
    %dma_start3A_62 = arith.constant 0 : i32
    %dma_start3A_63 = arith.constant 0 : i32
    %dma_start3A_64 = tpu.memref_slice %arg3[%dma_start3A_62, %dma_start3A_63] : memref<100000x128xf32, #tpu.memory_space<hbm>> -> memref<100000x128xf32, #tpu.memory_space<hbm>>
    %dma_start3A_65 = tpu.memref_slice %arg24[%dma_start3A_58] : memref<5x!tpu.dma_semaphore, #tpu.memory_space<semaphore_mem>> -> memref<1x!tpu.dma_semaphore, #tpu.memory_space<semaphore_mem>>
    %dma_start3A_66 = tpu.memref_squeeze %dma_start3A_65 : memref<1x!tpu.dma_semaphore, #tpu.memory_space<semaphore_mem>> -> memref<!tpu.dma_semaphore, #tpu.memory_space<semaphore_mem>>
    tpu.enqueue_indirect_dma source(%dma_start3A_64 : memref<100000x128xf32, #tpu.memory_space<hbm>>) target(%arg16 : memref<128x128xf32, #tpu.memory_space<vmem>>) offsets(%dma_start3A_61 : memref<128xi32, #tpu.memory_space<vmem>>) semaphore(%dma_start3A_66 : memref<!tpu.dma_semaphore, #tpu.memory_space<semaphore_mem>>)
    %scan3A = arith.constant 0 : i32
    %scan3A_67 = arith.constant 0 : i32
    %scan3A_68 = arith.constant 10 : i32
    %scan3A_69 = arith.addi %scan3A_67, %scan3A_68 : i32
    %scan3A_70 = arith.constant 1 : i32
    scf.for %scan3A_99 = %scan3A_67 to %scan3A_69 step %scan3A_70  : i32 {
      %mul3A_100 = arith.constant 5 : i32
      %mul3A_101 = arith.muli %scan3A_99, %mul3A_100 : i32
      %add3A_102 = arith.constant 0 : i32
      %add3A_103 = arith.addi %mul3A_101, %add3A_102 : i32
      %add3A_104 = arith.constant 1 : i32
      %add3A_105 = arith.addi %add3A_103, %add3A_104 : i32
      %lt3A = arith.constant 50 : i32
      %lt3A_106 = arith.cmpi slt, %add3A_105, %lt3A : i32
      %convert_element_type3A = arith.extui %lt3A_106 : i1 to i32
      %cond3A = arith.constant 0 : i32
      %cond3A_107 = arith.cmpi ne, %convert_element_type3A, %cond3A : i32
      scf.if %cond3A_107 {
        %dma_wait3A_630 = arith.constant 0 : i32
        %dma_wait3A_631 = arith.constant 1 : i32
        %dma_wait3A_632 = arith.constant 0 : i32
        %dma_wait3A_633 = tpu.memref_slice %arg11[%dma_wait3A_630, %dma_wait3A_632] : memref<4x128xi32, #tpu.memory_space<vmem>> -> memref<1x128xi32, #tpu.memory_space<vmem>>
        %dma_wait3A_634 = tpu.memref_squeeze %dma_wait3A_633 : memref<1x128xi32, #tpu.memory_space<vmem>> -> memref<128xi32, #tpu.memory_space<vmem>>
        %dma_wait3A_635 = arith.constant 0 : i32
        %dma_wait3A_636 = arith.constant 0 : i32
        %dma_wait3A_637 = tpu.memref_slice %arg3[%dma_wait3A_635, %dma_wait3A_636] : memref<100000x128xf32, #tpu.memory_space<hbm>> -> memref<100000x128xf32, #tpu.memory_space<hbm>>
        %dma_wait3A_638 = tpu.memref_slice %arg24[%dma_wait3A_631] : memref<5x!tpu.dma_semaphore, #tpu.memory_space<semaphore_mem>> -> memref<1x!tpu.dma_semaphore, #tpu.memory_space<semaphore_mem>>
        %dma_wait3A_639 = tpu.memref_squeeze %dma_wait3A_638 : memref<1x!tpu.dma_semaphore, #tpu.memory_space<semaphore_mem>> -> memref<!tpu.dma_semaphore, #tpu.memory_space<semaphore_mem>>
        tpu.wait_indirect_dma semaphore(%dma_wait3A_639 : memref<!tpu.dma_semaphore, #tpu.memory_space<semaphore_mem>>) src(%dma_wait3A_637 : memref<100000x128xf32, #tpu.memory_space<hbm>>) dst(%arg16 : memref<128x128xf32, #tpu.memory_space<vmem>>)
        %dma_start3A_640 = arith.constant 1 : i32
        %dma_start3A_641 = arith.constant 1 : i32
        %dma_start3A_642 = arith.constant 0 : i32
        %dma_start3A_643 = tpu.memref_slice %arg11[%dma_start3A_640, %dma_start3A_642] : memref<4x128xi32, #tpu.memory_space<vmem>> -> memref<1x128xi32, #tpu.memory_space<vmem>>
        %dma_start3A_644 = tpu.memref_squeeze %dma_start3A_643 : memref<1x128xi32, #tpu.memory_space<vmem>> -> memref<128xi32, #tpu.memory_space<vmem>>
        %dma_start3A_645 = arith.constant 0 : i32
        %dma_start3A_646 = arith.constant 0 : i32
        %dma_start3A_647 = tpu.memref_slice %arg4[%dma_start3A_645, %dma_start3A_646] : memref<100000x128xf32, #tpu.memory_space<hbm>> -> memref<100000x128xf32, #tpu.memory_space<hbm>>
        %dma_start3A_648 = tpu.memref_slice %arg25[%dma_start3A_641] : memref<5x!tpu.dma_semaphore, #tpu.memory_space<semaphore_mem>> -> memref<1x!tpu.dma_semaphore, #tpu.memory_space<semaphore_mem>>
        %dma_start3A_649 = tpu.memref_squeeze %dma_start3A_648 : memref<1x!tpu.dma_semaphore, #tpu.memory_space<semaphore_mem>> -> memref<!tpu.dma_semaphore, #tpu.memory_space<semaphore_mem>>
        tpu.enqueue_indirect_dma source(%dma_start3A_647 : memref<100000x128xf32, #tpu.memory_space<hbm>>) target(%arg16 : memref<128x128xf32, #tpu.memory_space<vmem>>) offsets(%dma_start3A_644 : memref<128xi32, #tpu.memory_space<vmem>>) semaphore(%dma_start3A_649 : memref<!tpu.dma_semaphore, #tpu.memory_space<semaphore_mem>>) {add = true}
        %dma_start3A_650 = arith.constant 2 : i32
        %dma_start3A_651 = arith.constant 1 : i32
        %dma_start3A_652 = arith.constant 0 : i32
        %dma_start3A_653 = tpu.memref_slice %arg11[%dma_start3A_650, %dma_start3A_652] : memref<4x128xi32, #tpu.memory_space<vmem>> -> memref<1x128xi32, #tpu.memory_space<vmem>>
        %dma_start3A_654 = tpu.memref_squeeze %dma_start3A_653 : memref<1x128xi32, #tpu.memory_space<vmem>> -> memref<128xi32, #tpu.memory_space<vmem>>
        %dma_start3A_655 = arith.constant 0 : i32
        %dma_start3A_656 = arith.constant 0 : i32
        %dma_start3A_657 = tpu.memref_slice %arg5[%dma_start3A_655, %dma_start3A_656] : memref<100000x128xf32, #tpu.memory_space<hbm>> -> memref<100000x128xf32, #tpu.memory_space<hbm>>
        %dma_start3A_658 = tpu.memref_slice %arg25[%dma_start3A_651] : memref<5x!tpu.dma_semaphore, #tpu.memory_space<semaphore_mem>> -> memref<1x!tpu.dma_semaphore, #tpu.memory_space<semaphore_mem>>
        %dma_start3A_659 = tpu.memref_squeeze %dma_start3A_658 : memref<1x!tpu.dma_semaphore, #tpu.memory_space<semaphore_mem>> -> memref<!tpu.dma_semaphore, #tpu.memory_space<semaphore_mem>>
        tpu.enqueue_indirect_dma source(%dma_start3A_657 : memref<100000x128xf32, #tpu.memory_space<hbm>>) target(%arg16 : memref<128x128xf32, #tpu.memory_space<vmem>>) offsets(%dma_start3A_654 : memref<128xi32, #tpu.memory_space<vmem>>) semaphore(%dma_start3A_659 : memref<!tpu.dma_semaphore, #tpu.memory_space<semaphore_mem>>) {add = true}
        %dma_start3A_660 = arith.constant 3 : i32
        %dma_start3A_661 = arith.constant 1 : i32
        %dma_start3A_662 = arith.constant 0 : i32
        %dma_start3A_663 = tpu.memref_slice %arg11[%dma_start3A_660, %dma_start3A_662] : memref<4x128xi32, #tpu.memory_space<vmem>> -> memref<1x128xi32, #tpu.memory_space<vmem>>
        %dma_start3A_664 = tpu.memref_squeeze %dma_start3A_663 : memref<1x128xi32, #tpu.memory_space<vmem>> -> memref<128xi32, #tpu.memory_space<vmem>>
        %dma_start3A_665 = arith.constant 0 : i32
        %dma_start3A_666 = arith.constant 0 : i32
        %dma_start3A_667 = tpu.memref_slice %arg6[%dma_start3A_665, %dma_start3A_666] : memref<200x128xf32, #tpu.memory_space<hbm>> -> memref<200x128xf32, #tpu.memory_space<hbm>>
        %dma_start3A_668 = tpu.memref_slice %arg25[%dma_start3A_661] : memref<5x!tpu.dma_semaphore, #tpu.memory_space<semaphore_mem>> -> memref<1x!tpu.dma_semaphore, #tpu.memory_space<semaphore_mem>>
        %dma_start3A_669 = tpu.memref_squeeze %dma_start3A_668 : memref<1x!tpu.dma_semaphore, #tpu.memory_space<semaphore_mem>> -> memref<!tpu.dma_semaphore, #tpu.memory_space<semaphore_mem>>
        tpu.enqueue_indirect_dma source(%dma_start3A_667 : memref<200x128xf32, #tpu.memory_space<hbm>>) target(%arg16 : memref<128x128xf32, #tpu.memory_space<vmem>>) offsets(%dma_start3A_664 : memref<128xi32, #tpu.memory_space<vmem>>) semaphore(%dma_start3A_669 : memref<!tpu.dma_semaphore, #tpu.memory_space<semaphore_mem>>) {add = true}
      } else {
      }
      %ge3A = arith.constant 3 : i32
      %ge3A_108 = arith.cmpi sge, %add3A_103, %ge3A : i32
      %convert_element_type3A_109 = arith.extui %ge3A_108 : i1 to i32
      %cond3A_110 = arith.constant 0 : i32
      %cond3A_111 = arith.cmpi ne, %convert_element_type3A_109, %cond3A_110 : i32
      scf.if %cond3A_111 {
        %sub3A = arith.constant 3 : i32
        %sub3A_630 = arith.subi %add3A_103, %sub3A : i32
        %mul3A_631 = arith.constant 128 : i32
        %mul3A_632 = arith.muli %sub3A_630, %mul3A_631 : i32
        %add3A_633 = arith.addi %mul3A_4, %mul3A_632 : i32
        %dma_wait3A_634 = arith.constant 2 : i32
        %dma_wait3A_635 = arith.constant 0 : i32
        %dma_wait3A_636 = tpu.memref_slice %arg9[%add3A_633, %dma_wait3A_635] : memref<204800x128xf32, #tpu.memory_space<hbm>> -> memref<128x128xf32, #tpu.memory_space<hbm>>
        %dma_wait3A_637 = tpu.memref_slice %arg26[%dma_wait3A_634] : memref<5x!tpu.dma_semaphore, #tpu.memory_space<semaphore_mem>> -> memref<1x!tpu.dma_semaphore, #tpu.memory_space<semaphore_mem>>
        %dma_wait3A_638 = tpu.memref_squeeze %dma_wait3A_637 : memref<1x!tpu.dma_semaphore, #tpu.memory_space<semaphore_mem>> -> memref<!tpu.dma_semaphore, #tpu.memory_space<semaphore_mem>>
        %dma_wait3A_639 = arith.constant 0 : i32
        %dma_wait3A_640 = tpu.memref_slice %arg9[%add3A_633, %dma_wait3A_639] : memref<204800x128xf32, #tpu.memory_space<hbm>> -> memref<128x128xf32, #tpu.memory_space<hbm>>
        tpu.wait_dma2 semaphore(%dma_wait3A_638 : memref<!tpu.dma_semaphore, #tpu.memory_space<semaphore_mem>>) src(%arg17 : memref<128x128xf32, #tpu.memory_space<vmem>>) dst(%dma_wait3A_640 : memref<128x128xf32, #tpu.memory_space<hbm>>)
      } else {
      }
      %add3A_112 = arith.constant 2 : i32
      %add3A_113 = arith.addi %add3A_103, %add3A_112 : i32
      %lt3A_114 = arith.constant 50 : i32
      %lt3A_115 = arith.cmpi slt, %add3A_113, %lt3A_114 : i32
      %convert_element_type3A_116 = arith.extui %lt3A_115 : i1 to i32
      %cond3A_117 = arith.constant 0 : i32
      %cond3A_118 = arith.cmpi ne, %convert_element_type3A_116, %cond3A_117 : i32
      scf.if %cond3A_118 {
        %add3A_630 = arith.constant 2 : i32
        %add3A_631 = arith.addi %add3A_103, %add3A_630 : i32
        %add3A_632 = arith.addi %mul3A_2, %add3A_631 : i32
        "tpu.region"() ({
          %run_scoped3A = tpu.sem_alloc : memref<!tpu.dma_semaphore, #tpu.memory_space<semaphore_mem>>
          %dma_start3A_643 = arith.constant 0 : i32
          %dma_start3A_644 = arith.constant 0 : i32
          %dma_start3A_645 = tpu.memref_slice %arg2[%add3A_632, %dma_start3A_643, %dma_start3A_644] : memref<1600x4x128xi32, #tpu.memory_space<hbm>> -> memref<1x4x128xi32, #tpu.memory_space<hbm>>
          %dma_start3A_646 = tpu.memref_squeeze %dma_start3A_645 : memref<1x4x128xi32, #tpu.memory_space<hbm>> -> memref<4x128xi32, #tpu.memory_space<hbm>>
          %dma_start3A_647 = arith.constant 0 : i32
          %dma_start3A_648 = arith.constant 0 : i32
          %dma_start3A_649 = tpu.memref_slice %arg2[%add3A_632, %dma_start3A_647, %dma_start3A_648] : memref<1600x4x128xi32, #tpu.memory_space<hbm>> -> memref<1x4x128xi32, #tpu.memory_space<hbm>>
          %dma_start3A_650 = tpu.memref_squeeze %dma_start3A_649 : memref<1x4x128xi32, #tpu.memory_space<hbm>> -> memref<4x128xi32, #tpu.memory_space<hbm>>
          tpu.enqueue_dma source(%dma_start3A_650 : memref<4x128xi32, #tpu.memory_space<hbm>>) target(%arg12 : memref<4x128xi32, #tpu.memory_space<vmem>>) target_semaphore(%run_scoped3A : memref<!tpu.dma_semaphore, #tpu.memory_space<semaphore_mem>>)
          %dma_wait3A_651 = arith.constant 0 : i32
          %dma_wait3A_652 = arith.constant 0 : i32
          %dma_wait3A_653 = tpu.memref_slice %arg2[%add3A_632, %dma_wait3A_651, %dma_wait3A_652] : memref<1600x4x128xi32, #tpu.memory_space<hbm>> -> memref<1x4x128xi32, #tpu.memory_space<hbm>>
          %dma_wait3A_654 = tpu.memref_squeeze %dma_wait3A_653 : memref<1x4x128xi32, #tpu.memory_space<hbm>> -> memref<4x128xi32, #tpu.memory_space<hbm>>
          %dma_wait3A_655 = arith.constant 0 : i32
          %dma_wait3A_656 = arith.constant 0 : i32
          %dma_wait3A_657 = tpu.memref_slice %arg2[%add3A_632, %dma_wait3A_655, %dma_wait3A_656] : memref<1600x4x128xi32, #tpu.memory_space<hbm>> -> memref<1x4x128xi32, #tpu.memory_space<hbm>>
          %dma_wait3A_658 = tpu.memref_squeeze %dma_wait3A_657 : memref<1x4x128xi32, #tpu.memory_space<hbm>> -> memref<4x128xi32, #tpu.memory_space<hbm>>
          tpu.wait_dma2 semaphore(%run_scoped3A : memref<!tpu.dma_semaphore, #tpu.memory_space<semaphore_mem>>) src(%dma_wait3A_658 : memref<4x128xi32, #tpu.memory_space<hbm>>) dst(%arg12 : memref<4x128xi32, #tpu.memory_space<vmem>>)
          tpu.yield
        }) : () -> ()
        %dma_start3A_633 = arith.constant 0 : i32
        %dma_start3A_634 = arith.constant 2 : i32
        %dma_start3A_635 = arith.constant 0 : i32
        %dma_start3A_636 = tpu.memref_slice %arg12[%dma_start3A_633, %dma_start3A_635] : memref<4x128xi32, #tpu.memory_space<vmem>> -> memref<1x128xi32, #tpu.memory_space<vmem>>
        %dma_start3A_637 = tpu.memref_squeeze %dma_start3A_636 : memref<1x128xi32, #tpu.memory_space<vmem>> -> memref<128xi32, #tpu.memory_space<vmem>>
        %dma_start3A_638 = arith.constant 0 : i32
        %dma_start3A_639 = arith.constant 0 : i32
        %dma_start3A_640 = tpu.memref_slice %arg3[%dma_start3A_638, %dma_start3A_639] : memref<100000x128xf32, #tpu.memory_space<hbm>> -> memref<100000x128xf32, #tpu.memory_space<hbm>>
        %dma_start3A_641 = tpu.memref_slice %arg24[%dma_start3A_634] : memref<5x!tpu.dma_semaphore, #tpu.memory_space<semaphore_mem>> -> memref<1x!tpu.dma_semaphore, #tpu.memory_space<semaphore_mem>>
        %dma_start3A_642 = tpu.memref_squeeze %dma_start3A_641 : memref<1x!tpu.dma_semaphore, #tpu.memory_space<semaphore_mem>> -> memref<!tpu.dma_semaphore, #tpu.memory_space<semaphore_mem>>
        tpu.enqueue_indirect_dma source(%dma_start3A_640 : memref<100000x128xf32, #tpu.memory_space<hbm>>) target(%arg17 : memref<128x128xf32, #tpu.memory_space<vmem>>) offsets(%dma_start3A_637 : memref<128xi32, #tpu.memory_space<vmem>>) semaphore(%dma_start3A_642 : memref<!tpu.dma_semaphore, #tpu.memory_space<semaphore_mem>>)
      } else {
      }
      %dma_wait3A_119 = arith.constant 1 : i32
      %dma_wait3A_120 = arith.constant 0 : i32
      %dma_wait3A_121 = arith.constant 0 : i32
      %dma_wait3A_122 = tpu.memref_slice %arg10[%dma_wait3A_119, %dma_wait3A_121] : memref<4x128xi32, #tpu.memory_space<vmem>> -> memref<1x128xi32, #tpu.memory_space<vmem>>
      %dma_wait3A_123 = tpu.memref_squeeze %dma_wait3A_122 : memref<1x128xi32, #tpu.memory_space<vmem>> -> memref<128xi32, #tpu.memory_space<vmem>>
      %dma_wait3A_124 = arith.constant 0 : i32
      %dma_wait3A_125 = arith.constant 0 : i32
      %dma_wait3A_126 = tpu.memref_slice %arg4[%dma_wait3A_124, %dma_wait3A_125] : memref<100000x128xf32, #tpu.memory_space<hbm>> -> memref<100000x128xf32, #tpu.memory_space<hbm>>
      %dma_wait3A_127 = tpu.memref_slice %arg25[%dma_wait3A_120] : memref<5x!tpu.dma_semaphore, #tpu.memory_space<semaphore_mem>> -> memref<1x!tpu.dma_semaphore, #tpu.memory_space<semaphore_mem>>
      %dma_wait3A_128 = tpu.memref_squeeze %dma_wait3A_127 : memref<1x!tpu.dma_semaphore, #tpu.memory_space<semaphore_mem>> -> memref<!tpu.dma_semaphore, #tpu.memory_space<semaphore_mem>>
      tpu.wait_indirect_dma semaphore(%dma_wait3A_128 : memref<!tpu.dma_semaphore, #tpu.memory_space<semaphore_mem>>) src(%dma_wait3A_126 : memref<100000x128xf32, #tpu.memory_space<hbm>>) dst(%arg15 : memref<128x128xf32, #tpu.memory_space<vmem>>)
      %dma_wait3A_129 = arith.constant 2 : i32
      %dma_wait3A_130 = arith.constant 0 : i32
      %dma_wait3A_131 = arith.constant 0 : i32
      %dma_wait3A_132 = tpu.memref_slice %arg10[%dma_wait3A_129, %dma_wait3A_131] : memref<4x128xi32, #tpu.memory_space<vmem>> -> memref<1x128xi32, #tpu.memory_space<vmem>>
      %dma_wait3A_133 = tpu.memref_squeeze %dma_wait3A_132 : memref<1x128xi32, #tpu.memory_space<vmem>> -> memref<128xi32, #tpu.memory_space<vmem>>
      %dma_wait3A_134 = arith.constant 0 : i32
      %dma_wait3A_135 = arith.constant 0 : i32
      %dma_wait3A_136 = tpu.memref_slice %arg5[%dma_wait3A_134, %dma_wait3A_135] : memref<100000x128xf32, #tpu.memory_space<hbm>> -> memref<100000x128xf32, #tpu.memory_space<hbm>>
      %dma_wait3A_137 = tpu.memref_slice %arg25[%dma_wait3A_130] : memref<5x!tpu.dma_semaphore, #tpu.memory_space<semaphore_mem>> -> memref<1x!tpu.dma_semaphore, #tpu.memory_space<semaphore_mem>>
      %dma_wait3A_138 = tpu.memref_squeeze %dma_wait3A_137 : memref<1x!tpu.dma_semaphore, #tpu.memory_space<semaphore_mem>> -> memref<!tpu.dma_semaphore, #tpu.memory_space<semaphore_mem>>
      tpu.wait_indirect_dma semaphore(%dma_wait3A_138 : memref<!tpu.dma_semaphore, #tpu.memory_space<semaphore_mem>>) src(%dma_wait3A_136 : memref<100000x128xf32, #tpu.memory_space<hbm>>) dst(%arg15 : memref<128x128xf32, #tpu.memory_space<vmem>>)
      %dma_wait3A_139 = arith.constant 3 : i32
      %dma_wait3A_140 = arith.constant 0 : i32
      %dma_wait3A_141 = arith.constant 0 : i32
      %dma_wait3A_142 = tpu.memref_slice %arg10[%dma_wait3A_139, %dma_wait3A_141] : memref<4x128xi32, #tpu.memory_space<vmem>> -> memref<1x128xi32, #tpu.memory_space<vmem>>
      %dma_wait3A_143 = tpu.memref_squeeze %dma_wait3A_142 : memref<1x128xi32, #tpu.memory_space<vmem>> -> memref<128xi32, #tpu.memory_space<vmem>>
      %dma_wait3A_144 = arith.constant 0 : i32
      %dma_wait3A_145 = arith.constant 0 : i32
      %dma_wait3A_146 = tpu.memref_slice %arg6[%dma_wait3A_144, %dma_wait3A_145] : memref<200x128xf32, #tpu.memory_space<hbm>> -> memref<200x128xf32, #tpu.memory_space<hbm>>
      %dma_wait3A_147 = tpu.memref_slice %arg25[%dma_wait3A_140] : memref<5x!tpu.dma_semaphore, #tpu.memory_space<semaphore_mem>> -> memref<1x!tpu.dma_semaphore, #tpu.memory_space<semaphore_mem>>
      %dma_wait3A_148 = tpu.memref_squeeze %dma_wait3A_147 : memref<1x!tpu.dma_semaphore, #tpu.memory_space<semaphore_mem>> -> memref<!tpu.dma_semaphore, #tpu.memory_space<semaphore_mem>>
      tpu.wait_indirect_dma semaphore(%dma_wait3A_148 : memref<!tpu.dma_semaphore, #tpu.memory_space<semaphore_mem>>) src(%dma_wait3A_146 : memref<200x128xf32, #tpu.memory_space<hbm>>) dst(%arg15 : memref<128x128xf32, #tpu.memory_space<vmem>>)
      %scan3A_149 = arith.constant 0 : i32
      %scan3A_150 = arith.constant 0 : i32
      %scan3A_151 = arith.constant 8 : i32
      %scan3A_152 = arith.addi %scan3A_150, %scan3A_151 : i32
      %scan3A_153 = arith.constant 1 : i32
      scf.for %scan3A_630 = %scan3A_150 to %scan3A_152 step %scan3A_153  : i32 {
        %mul3A_631 = arith.constant 16 : i32
        %mul3A_632 = arith.muli %scan3A_630, %mul3A_631 : i32
        %add3A_633 = vector.broadcast %mul3A_632 : i32 to vector<16xi32>
        %add3A_634 = arith.addi %add3A_633, %iota3A : vector<16xi32>
        %broadcast_in_dim3A = arith.constant 0.000000e+00 : f32
        %broadcast_in_dim3A_635 = vector.broadcast %broadcast_in_dim3A : f32 to vector<16xf32>
        %scan3A_636 = arith.constant 0 : i32
        %scan3A_637 = arith.constant 128 : i32
        %scan3A_638 = arith.addi %scan3A_636, %scan3A_637 : i32
        %scan3A_639 = arith.constant 8 : i32
        %scan3A_640:2 = scf.for %scan3A_692 = %scan3A_636 to %scan3A_638 step %scan3A_639 iter_args(%scan3A_693 = %broadcast_in_dim3A_635, %scan3A_694 = %broadcast_in_dim3A_635) -> (vector<16xf32>, vector<16xf32>)  : i32 {
          %add3A_695 = vector.broadcast %scan3A_692 : i32 to vector<16xi32>
          %add3A_696 = arith.addi %iota3A, %add3A_695 : vector<16xi32>
          %and3A = arith.constant 127 : i32
          %and3A_697 = vector.broadcast %and3A : i32 to vector<16xi32>
          %and3A_698 = arith.andi %add3A_696, %and3A_697 : vector<16xi32>
          %gather3A = tpu.vector_load_idx %arg15[%add3A_634, %and3A_698] : memref<128x128xf32, #tpu.memory_space<vmem>>[vector<16xi32>, vector<16xi32>], vector<16xf32>,
          %add3A_699 = arith.addf %scan3A_693, %gather3A : vector<16xf32>
          %mul3A_700 = arith.mulf %gather3A, %gather3A : vector<16xf32>
          %add3A_701 = arith.addf %scan3A_694, %mul3A_700 : vector<16xf32>
          %scan3A_702 = arith.constant 1 : i32
          %scan3A_703 = arith.addi %scan3A_692, %scan3A_702 : i32
          %add3A_704 = vector.broadcast %scan3A_703 : i32 to vector<16xi32>
          %add3A_705 = arith.addi %iota3A, %add3A_704 : vector<16xi32>
          %and3A_706 = arith.constant 127 : i32
          %and3A_707 = vector.broadcast %and3A_706 : i32 to vector<16xi32>
          %and3A_708 = arith.andi %add3A_705, %and3A_707 : vector<16xi32>
          %gather3A_709 = tpu.vector_load_idx %arg15[%add3A_634, %and3A_708] : memref<128x128xf32, #tpu.memory_space<vmem>>[vector<16xi32>, vector<16xi32>], vector<16xf32>,
          %add3A_710 = arith.addf %add3A_699, %gather3A_709 : vector<16xf32>
          %mul3A_711 = arith.mulf %gather3A_709, %gather3A_709 : vector<16xf32>
          %add3A_712 = arith.addf %add3A_701, %mul3A_711 : vector<16xf32>
          %scan3A_713 = arith.constant 2 : i32
          %scan3A_714 = arith.addi %scan3A_692, %scan3A_713 : i32
          %add3A_715 = vector.broadcast %scan3A_714 : i32 to vector<16xi32>
          %add3A_716 = arith.addi %iota3A, %add3A_715 : vector<16xi32>
          %and3A_717 = arith.constant 127 : i32
          %and3A_718 = vector.broadcast %and3A_717 : i32 to vector<16xi32>
          %and3A_719 = arith.andi %add3A_716, %and3A_718 : vector<16xi32>
          %gather3A_720 = tpu.vector_load_idx %arg15[%add3A_634, %and3A_719] : memref<128x128xf32, #tpu.memory_space<vmem>>[vector<16xi32>, vector<16xi32>], vector<16xf32>,
          %add3A_721 = arith.addf %add3A_710, %gather3A_720 : vector<16xf32>
          %mul3A_722 = arith.mulf %gather3A_720, %gather3A_720 : vector<16xf32>
          %add3A_723 = arith.addf %add3A_712, %mul3A_722 : vector<16xf32>
          %scan3A_724 = arith.constant 3 : i32
          %scan3A_725 = arith.addi %scan3A_692, %scan3A_724 : i32
          %add3A_726 = vector.broadcast %scan3A_725 : i32 to vector<16xi32>
          %add3A_727 = arith.addi %iota3A, %add3A_726 : vector<16xi32>
          %and3A_728 = arith.constant 127 : i32
          %and3A_729 = vector.broadcast %and3A_728 : i32 to vector<16xi32>
          %and3A_730 = arith.andi %add3A_727, %and3A_729 : vector<16xi32>
          %gather3A_731 = tpu.vector_load_idx %arg15[%add3A_634, %and3A_730] : memref<128x128xf32, #tpu.memory_space<vmem>>[vector<16xi32>, vector<16xi32>], vector<16xf32>,
          %add3A_732 = arith.addf %add3A_721, %gather3A_731 : vector<16xf32>
          %mul3A_733 = arith.mulf %gather3A_731, %gather3A_731 : vector<16xf32>
          %add3A_734 = arith.addf %add3A_723, %mul3A_733 : vector<16xf32>
          %scan3A_735 = arith.constant 4 : i32
          %scan3A_736 = arith.addi %scan3A_692, %scan3A_735 : i32
          %add3A_737 = vector.broadcast %scan3A_736 : i32 to vector<16xi32>
          %add3A_738 = arith.addi %iota3A, %add3A_737 : vector<16xi32>
          %and3A_739 = arith.constant 127 : i32
          %and3A_740 = vector.broadcast %and3A_739 : i32 to vector<16xi32>
          %and3A_741 = arith.andi %add3A_738, %and3A_740 : vector<16xi32>
          %gather3A_742 = tpu.vector_load_idx %arg15[%add3A_634, %and3A_741] : memref<128x128xf32, #tpu.memory_space<vmem>>[vector<16xi32>, vector<16xi32>], vector<16xf32>,
          %add3A_743 = arith.addf %add3A_732, %gather3A_742 : vector<16xf32>
          %mul3A_744 = arith.mulf %gather3A_742, %gather3A_742 : vector<16xf32>
          %add3A_745 = arith.addf %add3A_734, %mul3A_744 : vector<16xf32>
          %scan3A_746 = arith.constant 5 : i32
          %scan3A_747 = arith.addi %scan3A_692, %scan3A_746 : i32
          %add3A_748 = vector.broadcast %scan3A_747 : i32 to vector<16xi32>
          %add3A_749 = arith.addi %iota3A, %add3A_748 : vector<16xi32>
          %and3A_750 = arith.constant 127 : i32
          %and3A_751 = vector.broadcast %and3A_750 : i32 to vector<16xi32>
          %and3A_752 = arith.andi %add3A_749, %and3A_751 : vector<16xi32>
          %gather3A_753 = tpu.vector_load_idx %arg15[%add3A_634, %and3A_752] : memref<128x128xf32, #tpu.memory_space<vmem>>[vector<16xi32>, vector<16xi32>], vector<16xf32>,
          %add3A_754 = arith.addf %add3A_743, %gather3A_753 : vector<16xf32>
          %mul3A_755 = arith.mulf %gather3A_753, %gather3A_753 : vector<16xf32>
          %add3A_756 = arith.addf %add3A_745, %mul3A_755 : vector<16xf32>
          %scan3A_757 = arith.constant 6 : i32
          %scan3A_758 = arith.addi %scan3A_692, %scan3A_757 : i32
          %add3A_759 = vector.broadcast %scan3A_758 : i32 to vector<16xi32>
          %add3A_760 = arith.addi %iota3A, %add3A_759 : vector<16xi32>
          %and3A_761 = arith.constant 127 : i32
          %and3A_762 = vector.broadcast %and3A_761 : i32 to vector<16xi32>
          %and3A_763 = arith.andi %add3A_760, %and3A_762 : vector<16xi32>
          %gather3A_764 = tpu.vector_load_idx %arg15[%add3A_634, %and3A_763] : memref<128x128xf32, #tpu.memory_space<vmem>>[vector<16xi32>, vector<16xi32>], vector<16xf32>,
          %add3A_765 = arith.addf %add3A_754, %gather3A_764 : vector<16xf32>
          %mul3A_766 = arith.mulf %gather3A_764, %gather3A_764 : vector<16xf32>
          %add3A_767 = arith.addf %add3A_756, %mul3A_766 : vector<16xf32>
          %scan3A_768 = arith.constant 7 : i32
          %scan3A_769 = arith.addi %scan3A_692, %scan3A_768 : i32
          %add3A_770 = vector.broadcast %scan3A_769 : i32 to vector<16xi32>
          %add3A_771 = arith.addi %iota3A, %add3A_770 : vector<16xi32>
          %and3A_772 = arith.constant 127 : i32
          %and3A_773 = vector.broadcast %and3A_772 : i32 to vector<16xi32>
          %and3A_774 = arith.andi %add3A_771, %and3A_773 : vector<16xi32>
          %gather3A_775 = tpu.vector_load_idx %arg15[%add3A_634, %and3A_774] : memref<128x128xf32, #tpu.memory_space<vmem>>[vector<16xi32>, vector<16xi32>], vector<16xf32>,
          %add3A_776 = arith.addf %add3A_765, %gather3A_775 : vector<16xf32>
          %mul3A_777 = arith.mulf %gather3A_775, %gather3A_775 : vector<16xf32>
          %add3A_778 = arith.addf %add3A_767, %mul3A_777 : vector<16xf32>
          scf.yield %add3A_776, %add3A_778 : vector<16xf32>, vector<16xf32>
        }
        %scan3A_641 = arith.constant 128 : i32
        %mul3A_642 = arith.constant 7.812500e-03 : f32
        %mul3A_643 = vector.broadcast %mul3A_642 : f32 to vector<16xf32>
        %mul3A_644 = arith.mulf %scan3A_640#0, %mul3A_643 : vector<16xf32>
        %mul3A_645 = arith.constant 7.812500e-03 : f32
        %mul3A_646 = vector.broadcast %mul3A_645 : f32 to vector<16xf32>
        %mul3A_647 = arith.mulf %scan3A_640#1, %mul3A_646 : vector<16xf32>
        %mul3A_648 = arith.mulf %mul3A_644, %mul3A_644 : vector<16xf32>
        %sub3A = arith.subf %mul3A_647, %mul3A_648 : vector<16xf32>
        %add3A_649 = arith.constant 9.99999974E-6 : f32
        %add3A_650 = vector.broadcast %add3A_649 : f32 to vector<16xf32>
        %add3A_651 = arith.addf %sub3A, %add3A_650 : vector<16xf32>
        %bitcast_convert_type3A = tpu.bitcast %add3A_651 : vector<16xf32> -> vector<16xi32>
        %broadcast_in_dim3A_652 = arith.constant 1597463007 : i32
        %broadcast_in_dim3A_653 = vector.broadcast %broadcast_in_dim3A_652 : i32 to vector<16xi32>
        %shift_right_arithmetic3A = arith.constant 1 : i32
        %shift_right_arithmetic3A_654 = vector.broadcast %shift_right_arithmetic3A : i32 to vector<16xi32>
        %shift_right_arithmetic3A_655 = arith.shrsi %bitcast_convert_type3A, %shift_right_arithmetic3A_654 : vector<16xi32>
        %sub3A_656 = arith.subi %broadcast_in_dim3A_653, %shift_right_arithmetic3A_655 : vector<16xi32>
        %bitcast_convert_type3A_657 = tpu.bitcast %sub3A_656 : vector<16xi32> -> vector<16xf32>
        %mul3A_658 = arith.constant 5.000000e-01 : f32
        %mul3A_659 = vector.broadcast %mul3A_658 : f32 to vector<16xf32>
        %mul3A_660 = arith.mulf %mul3A_659, %add3A_651 : vector<16xf32>
        %mul3A_661 = arith.mulf %mul3A_660, %bitcast_convert_type3A_657 : vector<16xf32>
        %mul3A_662 = arith.mulf %mul3A_661, %bitcast_convert_type3A_657 : vector<16xf32>
        %sub3A_663 = arith.constant 1.500000e+00 : f32
        %sub3A_664 = vector.broadcast %sub3A_663 : f32 to vector<16xf32>
        %sub3A_665 = arith.subf %sub3A_664, %mul3A_662 : vector<16xf32>
        %mul3A_666 = arith.mulf %bitcast_convert_type3A_657, %sub3A_665 : vector<16xf32>
        %mul3A_667 = arith.constant 5.000000e-01 : f32
        %mul3A_668 = vector.broadcast %mul3A_667 : f32 to vector<16xf32>
        %mul3A_669 = arith.mulf %mul3A_668, %add3A_651 : vector<16xf32>
        %mul3A_670 = arith.mulf %mul3A_669, %mul3A_666 : vector<16xf32>
        %mul3A_671 = arith.mulf %mul3A_670, %mul3A_666 : vector<16xf32>
        %sub3A_672 = arith.constant 1.500000e+00 : f32
        %sub3A_673 = vector.broadcast %sub3A_672 : f32 to vector<16xf32>
        %sub3A_674 = arith.subf %sub3A_673, %mul3A_671 : vector<16xf32>
        %mul3A_675 = arith.mulf %mul3A_666, %sub3A_674 : vector<16xf32>
        %mul3A_676 = arith.constant 5.000000e-01 : f32
        %mul3A_677 = vector.broadcast %mul3A_676 : f32 to vector<16xf32>
        %mul3A_678 = arith.mulf %mul3A_677, %add3A_651 : vector<16xf32>
        %mul3A_679 = arith.mulf %mul3A_678, %mul3A_675 : vector<16xf32>
        %mul3A_680 = arith.mulf %mul3A_679, %mul3A_675 : vector<16xf32>
        %sub3A_681 = arith.constant 1.500000e+00 : f32
        %sub3A_682 = vector.broadcast %sub3A_681 : f32 to vector<16xf32>
        %sub3A_683 = arith.subf %sub3A_682, %mul3A_680 : vector<16xf32>
        %mul3A_684 = arith.mulf %mul3A_675, %sub3A_683 : vector<16xf32>
        %mul3A_685 = arith.constant 16 : i32
        %mul3A_686 = arith.muli %scan3A_630, %mul3A_685 : i32
        %swap3A = arith.index_cast %mul3A_686 : i32 to index
        %swap3A_687 = tpu.vector_load %arg22[%swap3A] {strides = array<i32>} : memref<128xf32, #tpu.memory_space<vmem>>, vector<16xf32>,
        tpu.vector_store %arg22[%swap3A], %mul3A_644 {strides = array<i32>} : memref<128xf32, #tpu.memory_space<vmem>>, vector<16xf32>,
        %mul3A_688 = arith.constant 16 : i32
        %mul3A_689 = arith.muli %scan3A_630, %mul3A_688 : i32
        %swap3A_690 = arith.index_cast %mul3A_689 : i32 to index
        %swap3A_691 = tpu.vector_load %arg23[%swap3A_690] {strides = array<i32>} : memref<128xf32, #tpu.memory_space<vmem>>, vector<16xf32>,
        tpu.vector_store %arg23[%swap3A_690], %mul3A_684 {strides = array<i32>} : memref<128xf32, #tpu.memory_space<vmem>>, vector<16xf32>,
      }
      %scan3A_154 = arith.constant 8 : i32
      %get3A = arith.constant 0 : index
      %get3A_155 = tpu.vector_load %arg20[%get3A] {strides = array<i32>} : memref<128xf32, #tpu.memory_space<vmem>>, vector<16xf32>,
      %get3A_156 = arith.constant 16 : index
      %get3A_157 = tpu.vector_load %arg20[%get3A_156] {strides = array<i32>} : memref<128xf32, #tpu.memory_space<vmem>>, vector<16xf32>,
      %get3A_158 = arith.constant 32 : index
      %get3A_159 = tpu.vector_load %arg20[%get3A_158] {strides = array<i32>} : memref<128xf32, #tpu.memory_space<vmem>>, vector<16xf32>,
      %get3A_160 = arith.constant 48 : index
      %get3A_161 = tpu.vector_load %arg20[%get3A_160] {strides = array<i32>} : memref<128xf32, #tpu.memory_space<vmem>>, vector<16xf32>,
      %get3A_162 = arith.constant 64 : index
      %get3A_163 = tpu.vector_load %arg20[%get3A_162] {strides = array<i32>} : memref<128xf32, #tpu.memory_space<vmem>>, vector<16xf32>,
      %get3A_164 = arith.constant 80 : index
      %get3A_165 = tpu.vector_load %arg20[%get3A_164] {strides = array<i32>} : memref<128xf32, #tpu.memory_space<vmem>>, vector<16xf32>,
      %get3A_166 = arith.constant 96 : index
      %get3A_167 = tpu.vector_load %arg20[%get3A_166] {strides = array<i32>} : memref<128xf32, #tpu.memory_space<vmem>>, vector<16xf32>,
      %get3A_168 = arith.constant 112 : index
      %get3A_169 = tpu.vector_load %arg20[%get3A_168] {strides = array<i32>} : memref<128xf32, #tpu.memory_space<vmem>>, vector<16xf32>,
      %get3A_170 = arith.constant 0 : index
      %get3A_171 = tpu.vector_load %arg21[%get3A_170] {strides = array<i32>} : memref<128xf32, #tpu.memory_space<vmem>>, vector<16xf32>,
      %get3A_172 = arith.constant 16 : index
      %get3A_173 = tpu.vector_load %arg21[%get3A_172] {strides = array<i32>} : memref<128xf32, #tpu.memory_space<vmem>>, vector<16xf32>,
      %get3A_174 = arith.constant 32 : index
      %get3A_175 = tpu.vector_load %arg21[%get3A_174] {strides = array<i32>} : memref<128xf32, #tpu.memory_space<vmem>>, vector<16xf32>,
      %get3A_176 = arith.constant 48 : index
      %get3A_177 = tpu.vector_load %arg21[%get3A_176] {strides = array<i32>} : memref<128xf32, #tpu.memory_space<vmem>>, vector<16xf32>,
      %get3A_178 = arith.constant 64 : index
      %get3A_179 = tpu.vector_load %arg21[%get3A_178] {strides = array<i32>} : memref<128xf32, #tpu.memory_space<vmem>>, vector<16xf32>,
      %get3A_180 = arith.constant 80 : index
      %get3A_181 = tpu.vector_load %arg21[%get3A_180] {strides = array<i32>} : memref<128xf32, #tpu.memory_space<vmem>>, vector<16xf32>,
      %get3A_182 = arith.constant 96 : index
      %get3A_183 = tpu.vector_load %arg21[%get3A_182] {strides = array<i32>} : memref<128xf32, #tpu.memory_space<vmem>>, vector<16xf32>,
      %get3A_184 = arith.constant 112 : index
      %get3A_185 = tpu.vector_load %arg21[%get3A_184] {strides = array<i32>} : memref<128xf32, #tpu.memory_space<vmem>>, vector<16xf32>,
      %scan3A_186 = arith.constant 0 : i32
      %scan3A_187 = arith.constant 0 : i32
      %scan3A_188 = arith.constant 128 : i32
      %scan3A_189 = arith.addi %scan3A_187, %scan3A_188 : i32
      %scan3A_190 = arith.constant 2 : i32
      scf.for %scan3A_630 = %scan3A_187 to %scan3A_189 step %scan3A_190  : i32 {
        %broadcast_in_dim3A = vector.broadcast %scan3A_630 : i32 to vector<16xi32>
        %gather3A = tpu.vector_load_idx %arg22[%broadcast_in_dim3A] : memref<128xf32, #tpu.memory_space<vmem>>[vector<16xi32>], vector<16xf32>,
        %gather3A_631 = tpu.vector_load_idx %arg23[%broadcast_in_dim3A] : memref<128xf32, #tpu.memory_space<vmem>>[vector<16xi32>], vector<16xf32>,
        %get3A_632 = arith.index_cast %scan3A_630 : i32 to index
        %get3A_633 = arith.constant 0 : index
        %get3A_634 = tpu.vector_load %arg15[%get3A_632, %get3A_633] {strides = array<i32>} : memref<128x128xf32, #tpu.memory_space<vmem>>, vector<16xf32>,
        %sub3A = arith.subf %get3A_634, %gather3A : vector<16xf32>
        %mul3A_635 = arith.mulf %sub3A, %gather3A_631 : vector<16xf32>
        %mul3A_636 = arith.mulf %mul3A_635, %get3A_155 : vector<16xf32>
        %add3A_637 = arith.addf %mul3A_636, %get3A_171 : vector<16xf32>
        %swap3A = arith.index_cast %scan3A_630 : i32 to index
        %swap3A_638 = arith.constant 0 : index
        %swap3A_639 = tpu.vector_load %arg15[%swap3A, %swap3A_638] {strides = array<i32>} : memref<128x128xf32, #tpu.memory_space<vmem>>, vector<16xf32>,
        tpu.vector_store %arg15[%swap3A, %swap3A_638], %add3A_637 {strides = array<i32>} : memref<128x128xf32, #tpu.memory_space<vmem>>, vector<16xf32>,
        %get3A_640 = arith.index_cast %scan3A_630 : i32 to index
        %get3A_641 = arith.constant 16 : index
        %get3A_642 = tpu.vector_load %arg15[%get3A_640, %get3A_641] {strides = array<i32>} : memref<128x128xf32, #tpu.memory_space<vmem>>, vector<16xf32>,
        %sub3A_643 = arith.subf %get3A_642, %gather3A : vector<16xf32>
        %mul3A_644 = arith.mulf %sub3A_643, %gather3A_631 : vector<16xf32>
        %mul3A_645 = arith.mulf %mul3A_644, %get3A_157 : vector<16xf32>
        %add3A_646 = arith.addf %mul3A_645, %get3A_173 : vector<16xf32>
        %swap3A_647 = arith.index_cast %scan3A_630 : i32 to index
        %swap3A_648 = arith.constant 16 : index
        %swap3A_649 = tpu.vector_load %arg15[%swap3A_647, %swap3A_648] {strides = array<i32>} : memref<128x128xf32, #tpu.memory_space<vmem>>, vector<16xf32>,
        tpu.vector_store %arg15[%swap3A_647, %swap3A_648], %add3A_646 {strides = array<i32>} : memref<128x128xf32, #tpu.memory_space<vmem>>, vector<16xf32>,
        %get3A_650 = arith.index_cast %scan3A_630 : i32 to index
        %get3A_651 = arith.constant 32 : index
        %get3A_652 = tpu.vector_load %arg15[%get3A_650, %get3A_651] {strides = array<i32>} : memref<128x128xf32, #tpu.memory_space<vmem>>, vector<16xf32>,
        %sub3A_653 = arith.subf %get3A_652, %gather3A : vector<16xf32>
        %mul3A_654 = arith.mulf %sub3A_653, %gather3A_631 : vector<16xf32>
        %mul3A_655 = arith.mulf %mul3A_654, %get3A_159 : vector<16xf32>
        %add3A_656 = arith.addf %mul3A_655, %get3A_175 : vector<16xf32>
        %swap3A_657 = arith.index_cast %scan3A_630 : i32 to index
        %swap3A_658 = arith.constant 32 : index
        %swap3A_659 = tpu.vector_load %arg15[%swap3A_657, %swap3A_658] {strides = array<i32>} : memref<128x128xf32, #tpu.memory_space<vmem>>, vector<16xf32>,
        tpu.vector_store %arg15[%swap3A_657, %swap3A_658], %add3A_656 {strides = array<i32>} : memref<128x128xf32, #tpu.memory_space<vmem>>, vector<16xf32>,
        %get3A_660 = arith.index_cast %scan3A_630 : i32 to index
        %get3A_661 = arith.constant 48 : index
        %get3A_662 = tpu.vector_load %arg15[%get3A_660, %get3A_661] {strides = array<i32>} : memref<128x128xf32, #tpu.memory_space<vmem>>, vector<16xf32>,
        %sub3A_663 = arith.subf %get3A_662, %gather3A : vector<16xf32>
        %mul3A_664 = arith.mulf %sub3A_663, %gather3A_631 : vector<16xf32>
        %mul3A_665 = arith.mulf %mul3A_664, %get3A_161 : vector<16xf32>
        %add3A_666 = arith.addf %mul3A_665, %get3A_177 : vector<16xf32>
        %swap3A_667 = arith.index_cast %scan3A_630 : i32 to index
        %swap3A_668 = arith.constant 48 : index
        %swap3A_669 = tpu.vector_load %arg15[%swap3A_667, %swap3A_668] {strides = array<i32>} : memref<128x128xf32, #tpu.memory_space<vmem>>, vector<16xf32>,
        tpu.vector_store %arg15[%swap3A_667, %swap3A_668], %add3A_666 {strides = array<i32>} : memref<128x128xf32, #tpu.memory_space<vmem>>, vector<16xf32>,
        %get3A_670 = arith.index_cast %scan3A_630 : i32 to index
        %get3A_671 = arith.constant 64 : index
        %get3A_672 = tpu.vector_load %arg15[%get3A_670, %get3A_671] {strides = array<i32>} : memref<128x128xf32, #tpu.memory_space<vmem>>, vector<16xf32>,
        %sub3A_673 = arith.subf %get3A_672, %gather3A : vector<16xf32>
        %mul3A_674 = arith.mulf %sub3A_673, %gather3A_631 : vector<16xf32>
        %mul3A_675 = arith.mulf %mul3A_674, %get3A_163 : vector<16xf32>
        %add3A_676 = arith.addf %mul3A_675, %get3A_179 : vector<16xf32>
        %swap3A_677 = arith.index_cast %scan3A_630 : i32 to index
        %swap3A_678 = arith.constant 64 : index
        %swap3A_679 = tpu.vector_load %arg15[%swap3A_677, %swap3A_678] {strides = array<i32>} : memref<128x128xf32, #tpu.memory_space<vmem>>, vector<16xf32>,
        tpu.vector_store %arg15[%swap3A_677, %swap3A_678], %add3A_676 {strides = array<i32>} : memref<128x128xf32, #tpu.memory_space<vmem>>, vector<16xf32>,
        %get3A_680 = arith.index_cast %scan3A_630 : i32 to index
        %get3A_681 = arith.constant 80 : index
        %get3A_682 = tpu.vector_load %arg15[%get3A_680, %get3A_681] {strides = array<i32>} : memref<128x128xf32, #tpu.memory_space<vmem>>, vector<16xf32>,
        %sub3A_683 = arith.subf %get3A_682, %gather3A : vector<16xf32>
        %mul3A_684 = arith.mulf %sub3A_683, %gather3A_631 : vector<16xf32>
        %mul3A_685 = arith.mulf %mul3A_684, %get3A_165 : vector<16xf32>
        %add3A_686 = arith.addf %mul3A_685, %get3A_181 : vector<16xf32>
        %swap3A_687 = arith.index_cast %scan3A_630 : i32 to index
        %swap3A_688 = arith.constant 80 : index
        %swap3A_689 = tpu.vector_load %arg15[%swap3A_687, %swap3A_688] {strides = array<i32>} : memref<128x128xf32, #tpu.memory_space<vmem>>, vector<16xf32>,
        tpu.vector_store %arg15[%swap3A_687, %swap3A_688], %add3A_686 {strides = array<i32>} : memref<128x128xf32, #tpu.memory_space<vmem>>, vector<16xf32>,
        %get3A_690 = arith.index_cast %scan3A_630 : i32 to index
        %get3A_691 = arith.constant 96 : index
        %get3A_692 = tpu.vector_load %arg15[%get3A_690, %get3A_691] {strides = array<i32>} : memref<128x128xf32, #tpu.memory_space<vmem>>, vector<16xf32>,
        %sub3A_693 = arith.subf %get3A_692, %gather3A : vector<16xf32>
        %mul3A_694 = arith.mulf %sub3A_693, %gather3A_631 : vector<16xf32>
        %mul3A_695 = arith.mulf %mul3A_694, %get3A_167 : vector<16xf32>
        %add3A_696 = arith.addf %mul3A_695, %get3A_183 : vector<16xf32>
        %swap3A_697 = arith.index_cast %scan3A_630 : i32 to index
        %swap3A_698 = arith.constant 96 : index
        %swap3A_699 = tpu.vector_load %arg15[%swap3A_697, %swap3A_698] {strides = array<i32>} : memref<128x128xf32, #tpu.memory_space<vmem>>, vector<16xf32>,
        tpu.vector_store %arg15[%swap3A_697, %swap3A_698], %add3A_696 {strides = array<i32>} : memref<128x128xf32, #tpu.memory_space<vmem>>, vector<16xf32>,
        %get3A_700 = arith.index_cast %scan3A_630 : i32 to index
        %get3A_701 = arith.constant 112 : index
        %get3A_702 = tpu.vector_load %arg15[%get3A_700, %get3A_701] {strides = array<i32>} : memref<128x128xf32, #tpu.memory_space<vmem>>, vector<16xf32>,
        %sub3A_703 = arith.subf %get3A_702, %gather3A : vector<16xf32>
        %mul3A_704 = arith.mulf %sub3A_703, %gather3A_631 : vector<16xf32>
        %mul3A_705 = arith.mulf %mul3A_704, %get3A_169 : vector<16xf32>
        %add3A_706 = arith.addf %mul3A_705, %get3A_185 : vector<16xf32>
        %swap3A_707 = arith.index_cast %scan3A_630 : i32 to index
        %swap3A_708 = arith.constant 112 : index
        %swap3A_709 = tpu.vector_load %arg15[%swap3A_707, %swap3A_708] {strides = array<i32>} : memref<128x128xf32, #tpu.memory_space<vmem>>, vector<16xf32>,
        tpu.vector_store %arg15[%swap3A_707, %swap3A_708], %add3A_706 {strides = array<i32>} : memref<128x128xf32, #tpu.memory_space<vmem>>, vector<16xf32>,
        %scan3A_710 = arith.constant 1 : i32
        %scan3A_711 = arith.addi %scan3A_630, %scan3A_710 : i32
        %broadcast_in_dim3A_712 = vector.broadcast %scan3A_711 : i32 to vector<16xi32>
        %gather3A_713 = tpu.vector_load_idx %arg22[%broadcast_in_dim3A_712] : memref<128xf32, #tpu.memory_space<vmem>>[vector<16xi32>], vector<16xf32>,
        %gather3A_714 = tpu.vector_load_idx %arg23[%broadcast_in_dim3A_712] : memref<128xf32, #tpu.memory_space<vmem>>[vector<16xi32>], vector<16xf32>,
        %get3A_715 = arith.index_cast %scan3A_711 : i32 to index
        %get3A_716 = arith.constant 0 : index
        %get3A_717 = tpu.vector_load %arg15[%get3A_715, %get3A_716] {strides = array<i32>} : memref<128x128xf32, #tpu.memory_space<vmem>>, vector<16xf32>,
        %sub3A_718 = arith.subf %get3A_717, %gather3A_713 : vector<16xf32>
        %mul3A_719 = arith.mulf %sub3A_718, %gather3A_714 : vector<16xf32>
        %mul3A_720 = arith.mulf %mul3A_719, %get3A_155 : vector<16xf32>
        %add3A_721 = arith.addf %mul3A_720, %get3A_171 : vector<16xf32>
        %swap3A_722 = arith.index_cast %scan3A_711 : i32 to index
        %swap3A_723 = arith.constant 0 : index
        %swap3A_724 = tpu.vector_load %arg15[%swap3A_722, %swap3A_723] {strides = array<i32>} : memref<128x128xf32, #tpu.memory_space<vmem>>, vector<16xf32>,
        tpu.vector_store %arg15[%swap3A_722, %swap3A_723], %add3A_721 {strides = array<i32>} : memref<128x128xf32, #tpu.memory_space<vmem>>, vector<16xf32>,
        %get3A_725 = arith.index_cast %scan3A_711 : i32 to index
        %get3A_726 = arith.constant 16 : index
        %get3A_727 = tpu.vector_load %arg15[%get3A_725, %get3A_726] {strides = array<i32>} : memref<128x128xf32, #tpu.memory_space<vmem>>, vector<16xf32>,
        %sub3A_728 = arith.subf %get3A_727, %gather3A_713 : vector<16xf32>
        %mul3A_729 = arith.mulf %sub3A_728, %gather3A_714 : vector<16xf32>
        %mul3A_730 = arith.mulf %mul3A_729, %get3A_157 : vector<16xf32>
        %add3A_731 = arith.addf %mul3A_730, %get3A_173 : vector<16xf32>
        %swap3A_732 = arith.index_cast %scan3A_711 : i32 to index
        %swap3A_733 = arith.constant 16 : index
        %swap3A_734 = tpu.vector_load %arg15[%swap3A_732, %swap3A_733] {strides = array<i32>} : memref<128x128xf32, #tpu.memory_space<vmem>>, vector<16xf32>,
        tpu.vector_store %arg15[%swap3A_732, %swap3A_733], %add3A_731 {strides = array<i32>} : memref<128x128xf32, #tpu.memory_space<vmem>>, vector<16xf32>,
        %get3A_735 = arith.index_cast %scan3A_711 : i32 to index
        %get3A_736 = arith.constant 32 : index
        %get3A_737 = tpu.vector_load %arg15[%get3A_735, %get3A_736] {strides = array<i32>} : memref<128x128xf32, #tpu.memory_space<vmem>>, vector<16xf32>,
        %sub3A_738 = arith.subf %get3A_737, %gather3A_713 : vector<16xf32>
        %mul3A_739 = arith.mulf %sub3A_738, %gather3A_714 : vector<16xf32>
        %mul3A_740 = arith.mulf %mul3A_739, %get3A_159 : vector<16xf32>
        %add3A_741 = arith.addf %mul3A_740, %get3A_175 : vector<16xf32>
        %swap3A_742 = arith.index_cast %scan3A_711 : i32 to index
        %swap3A_743 = arith.constant 32 : index
        %swap3A_744 = tpu.vector_load %arg15[%swap3A_742, %swap3A_743] {strides = array<i32>} : memref<128x128xf32, #tpu.memory_space<vmem>>, vector<16xf32>,
        tpu.vector_store %arg15[%swap3A_742, %swap3A_743], %add3A_741 {strides = array<i32>} : memref<128x128xf32, #tpu.memory_space<vmem>>, vector<16xf32>,
        %get3A_745 = arith.index_cast %scan3A_711 : i32 to index
        %get3A_746 = arith.constant 48 : index
        %get3A_747 = tpu.vector_load %arg15[%get3A_745, %get3A_746] {strides = array<i32>} : memref<128x128xf32, #tpu.memory_space<vmem>>, vector<16xf32>,
        %sub3A_748 = arith.subf %get3A_747, %gather3A_713 : vector<16xf32>
        %mul3A_749 = arith.mulf %sub3A_748, %gather3A_714 : vector<16xf32>
        %mul3A_750 = arith.mulf %mul3A_749, %get3A_161 : vector<16xf32>
        %add3A_751 = arith.addf %mul3A_750, %get3A_177 : vector<16xf32>
        %swap3A_752 = arith.index_cast %scan3A_711 : i32 to index
        %swap3A_753 = arith.constant 48 : index
        %swap3A_754 = tpu.vector_load %arg15[%swap3A_752, %swap3A_753] {strides = array<i32>} : memref<128x128xf32, #tpu.memory_space<vmem>>, vector<16xf32>,
        tpu.vector_store %arg15[%swap3A_752, %swap3A_753], %add3A_751 {strides = array<i32>} : memref<128x128xf32, #tpu.memory_space<vmem>>, vector<16xf32>,
        %get3A_755 = arith.index_cast %scan3A_711 : i32 to index
        %get3A_756 = arith.constant 64 : index
        %get3A_757 = tpu.vector_load %arg15[%get3A_755, %get3A_756] {strides = array<i32>} : memref<128x128xf32, #tpu.memory_space<vmem>>, vector<16xf32>,
        %sub3A_758 = arith.subf %get3A_757, %gather3A_713 : vector<16xf32>
        %mul3A_759 = arith.mulf %sub3A_758, %gather3A_714 : vector<16xf32>
        %mul3A_760 = arith.mulf %mul3A_759, %get3A_163 : vector<16xf32>
        %add3A_761 = arith.addf %mul3A_760, %get3A_179 : vector<16xf32>
        %swap3A_762 = arith.index_cast %scan3A_711 : i32 to index
        %swap3A_763 = arith.constant 64 : index
        %swap3A_764 = tpu.vector_load %arg15[%swap3A_762, %swap3A_763] {strides = array<i32>} : memref<128x128xf32, #tpu.memory_space<vmem>>, vector<16xf32>,
        tpu.vector_store %arg15[%swap3A_762, %swap3A_763], %add3A_761 {strides = array<i32>} : memref<128x128xf32, #tpu.memory_space<vmem>>, vector<16xf32>,
        %get3A_765 = arith.index_cast %scan3A_711 : i32 to index
        %get3A_766 = arith.constant 80 : index
        %get3A_767 = tpu.vector_load %arg15[%get3A_765, %get3A_766] {strides = array<i32>} : memref<128x128xf32, #tpu.memory_space<vmem>>, vector<16xf32>,
        %sub3A_768 = arith.subf %get3A_767, %gather3A_713 : vector<16xf32>
        %mul3A_769 = arith.mulf %sub3A_768, %gather3A_714 : vector<16xf32>
        %mul3A_770 = arith.mulf %mul3A_769, %get3A_165 : vector<16xf32>
        %add3A_771 = arith.addf %mul3A_770, %get3A_181 : vector<16xf32>
        %swap3A_772 = arith.index_cast %scan3A_711 : i32 to index
        %swap3A_773 = arith.constant 80 : index
        %swap3A_774 = tpu.vector_load %arg15[%swap3A_772, %swap3A_773] {strides = array<i32>} : memref<128x128xf32, #tpu.memory_space<vmem>>, vector<16xf32>,
        tpu.vector_store %arg15[%swap3A_772, %swap3A_773], %add3A_771 {strides = array<i32>} : memref<128x128xf32, #tpu.memory_space<vmem>>, vector<16xf32>,
        %get3A_775 = arith.index_cast %scan3A_711 : i32 to index
        %get3A_776 = arith.constant 96 : index
        %get3A_777 = tpu.vector_load %arg15[%get3A_775, %get3A_776] {strides = array<i32>} : memref<128x128xf32, #tpu.memory_space<vmem>>, vector<16xf32>,
        %sub3A_778 = arith.subf %get3A_777, %gather3A_713 : vector<16xf32>
        %mul3A_779 = arith.mulf %sub3A_778, %gather3A_714 : vector<16xf32>
        %mul3A_780 = arith.mulf %mul3A_779, %get3A_167 : vector<16xf32>
        %add3A_781 = arith.addf %mul3A_780, %get3A_183 : vector<16xf32>
        %swap3A_782 = arith.index_cast %scan3A_711 : i32 to index
        %swap3A_783 = arith.constant 96 : index
        %swap3A_784 = tpu.vector_load %arg15[%swap3A_782, %swap3A_783] {strides = array<i32>} : memref<128x128xf32, #tpu.memory_space<vmem>>, vector<16xf32>,
        tpu.vector_store %arg15[%swap3A_782, %swap3A_783], %add3A_781 {strides = array<i32>} : memref<128x128xf32, #tpu.memory_space<vmem>>, vector<16xf32>,
        %get3A_785 = arith.index_cast %scan3A_711 : i32 to index
        %get3A_786 = arith.constant 112 : index
        %get3A_787 = tpu.vector_load %arg15[%get3A_785, %get3A_786] {strides = array<i32>} : memref<128x128xf32, #tpu.memory_space<vmem>>, vector<16xf32>,
        %sub3A_788 = arith.subf %get3A_787, %gather3A_713 : vector<16xf32>
        %mul3A_789 = arith.mulf %sub3A_788, %gather3A_714 : vector<16xf32>
        %mul3A_790 = arith.mulf %mul3A_789, %get3A_169 : vector<16xf32>
        %add3A_791 = arith.addf %mul3A_790, %get3A_185 : vector<16xf32>
        %swap3A_792 = arith.index_cast %scan3A_711 : i32 to index
        %swap3A_793 = arith.constant 112 : index
        %swap3A_794 = tpu.vector_load %arg15[%swap3A_792, %swap3A_793] {strides = array<i32>} : memref<128x128xf32, #tpu.memory_space<vmem>>, vector<16xf32>,
        tpu.vector_store %arg15[%swap3A_792, %swap3A_793], %add3A_791 {strides = array<i32>} : memref<128x128xf32, #tpu.memory_space<vmem>>, vector<16xf32>,
      }
      %scan3A_191 = arith.constant 128 : i32
      %mul3A_192 = arith.constant 128 : i32
      %mul3A_193 = arith.muli %add3A_103, %mul3A_192 : i32
      %add3A_194 = arith.addi %mul3A_4, %mul3A_193 : i32
      %dma_start3A_195 = arith.constant 0 : i32
      %dma_start3A_196 = arith.constant 0 : i32
      %dma_start3A_197 = tpu.memref_slice %arg9[%add3A_194, %dma_start3A_196] : memref<204800x128xf32, #tpu.memory_space<hbm>> -> memref<128x128xf32, #tpu.memory_space<hbm>>
      %dma_start3A_198 = tpu.memref_slice %arg26[%dma_start3A_195] : memref<5x!tpu.dma_semaphore, #tpu.memory_space<semaphore_mem>> -> memref<1x!tpu.dma_semaphore, #tpu.memory_space<semaphore_mem>>
      %dma_start3A_199 = tpu.memref_squeeze %dma_start3A_198 : memref<1x!tpu.dma_semaphore, #tpu.memory_space<semaphore_mem>> -> memref<!tpu.dma_semaphore, #tpu.memory_space<semaphore_mem>>
      %dma_start3A_200 = arith.constant 0 : i32
      %dma_start3A_201 = tpu.memref_slice %arg9[%add3A_194, %dma_start3A_200] : memref<204800x128xf32, #tpu.memory_space<hbm>> -> memref<128x128xf32, #tpu.memory_space<hbm>>
      tpu.enqueue_dma source(%arg15 : memref<128x128xf32, #tpu.memory_space<vmem>>) target(%dma_start3A_201 : memref<128x128xf32, #tpu.memory_space<hbm>>) target_semaphore(%dma_start3A_199 : memref<!tpu.dma_semaphore, #tpu.memory_space<semaphore_mem>>)
      %mul3A_202 = arith.constant 5 : i32
      %mul3A_203 = arith.muli %scan3A_99, %mul3A_202 : i32
      %add3A_204 = arith.constant 1 : i32
      %add3A_205 = arith.addi %mul3A_203, %add3A_204 : i32
      %add3A_206 = arith.constant 1 : i32
      %add3A_207 = arith.addi %add3A_205, %add3A_206 : i32
      %lt3A_208 = arith.constant 50 : i32
      %lt3A_209 = arith.cmpi slt, %add3A_207, %lt3A_208 : i32
      %convert_element_type3A_210 = arith.extui %lt3A_209 : i1 to i32
      %cond3A_211 = arith.constant 0 : i32
      %cond3A_212 = arith.cmpi ne, %convert_element_type3A_210, %cond3A_211 : i32
      scf.if %cond3A_212 {
        %dma_wait3A_630 = arith.constant 0 : i32
        %dma_wait3A_631 = arith.constant 2 : i32
        %dma_wait3A_632 = arith.constant 0 : i32
        %dma_wait3A_633 = tpu.memref_slice %arg12[%dma_wait3A_630, %dma_wait3A_632] : memref<4x128xi32, #tpu.memory_space<vmem>> -> memref<1x128xi32, #tpu.memory_space<vmem>>
        %dma_wait3A_634 = tpu.memref_squeeze %dma_wait3A_633 : memref<1x128xi32, #tpu.memory_space<vmem>> -> memref<128xi32, #tpu.memory_space<vmem>>
        %dma_wait3A_635 = arith.constant 0 : i32
        %dma_wait3A_636 = arith.constant 0 : i32
        %dma_wait3A_637 = tpu.memref_slice %arg3[%dma_wait3A_635, %dma_wait3A_636] : memref<100000x128xf32, #tpu.memory_space<hbm>> -> memref<100000x128xf32, #tpu.memory_space<hbm>>
        %dma_wait3A_638 = tpu.memref_slice %arg24[%dma_wait3A_631] : memref<5x!tpu.dma_semaphore, #tpu.memory_space<semaphore_mem>> -> memref<1x!tpu.dma_semaphore, #tpu.memory_space<semaphore_mem>>
        %dma_wait3A_639 = tpu.memref_squeeze %dma_wait3A_638 : memref<1x!tpu.dma_semaphore, #tpu.memory_space<semaphore_mem>> -> memref<!tpu.dma_semaphore, #tpu.memory_space<semaphore_mem>>
        tpu.wait_indirect_dma semaphore(%dma_wait3A_639 : memref<!tpu.dma_semaphore, #tpu.memory_space<semaphore_mem>>) src(%dma_wait3A_637 : memref<100000x128xf32, #tpu.memory_space<hbm>>) dst(%arg17 : memref<128x128xf32, #tpu.memory_space<vmem>>)
        %dma_start3A_640 = arith.constant 1 : i32
        %dma_start3A_641 = arith.constant 2 : i32
        %dma_start3A_642 = arith.constant 0 : i32
        %dma_start3A_643 = tpu.memref_slice %arg12[%dma_start3A_640, %dma_start3A_642] : memref<4x128xi32, #tpu.memory_space<vmem>> -> memref<1x128xi32, #tpu.memory_space<vmem>>
        %dma_start3A_644 = tpu.memref_squeeze %dma_start3A_643 : memref<1x128xi32, #tpu.memory_space<vmem>> -> memref<128xi32, #tpu.memory_space<vmem>>
        %dma_start3A_645 = arith.constant 0 : i32
        %dma_start3A_646 = arith.constant 0 : i32
        %dma_start3A_647 = tpu.memref_slice %arg4[%dma_start3A_645, %dma_start3A_646] : memref<100000x128xf32, #tpu.memory_space<hbm>> -> memref<100000x128xf32, #tpu.memory_space<hbm>>
        %dma_start3A_648 = tpu.memref_slice %arg25[%dma_start3A_641] : memref<5x!tpu.dma_semaphore, #tpu.memory_space<semaphore_mem>> -> memref<1x!tpu.dma_semaphore, #tpu.memory_space<semaphore_mem>>
        %dma_start3A_649 = tpu.memref_squeeze %dma_start3A_648 : memref<1x!tpu.dma_semaphore, #tpu.memory_space<semaphore_mem>> -> memref<!tpu.dma_semaphore, #tpu.memory_space<semaphore_mem>>
        tpu.enqueue_indirect_dma source(%dma_start3A_647 : memref<100000x128xf32, #tpu.memory_space<hbm>>) target(%arg17 : memref<128x128xf32, #tpu.memory_space<vmem>>) offsets(%dma_start3A_644 : memref<128xi32, #tpu.memory_space<vmem>>) semaphore(%dma_start3A_649 : memref<!tpu.dma_semaphore, #tpu.memory_space<semaphore_mem>>) {add = true}
        %dma_start3A_650 = arith.constant 2 : i32
        %dma_start3A_651 = arith.constant 2 : i32
        %dma_start3A_652 = arith.constant 0 : i32
        %dma_start3A_653 = tpu.memref_slice %arg12[%dma_start3A_650, %dma_start3A_652] : memref<4x128xi32, #tpu.memory_space<vmem>> -> memref<1x128xi32, #tpu.memory_space<vmem>>
        %dma_start3A_654 = tpu.memref_squeeze %dma_start3A_653 : memref<1x128xi32, #tpu.memory_space<vmem>> -> memref<128xi32, #tpu.memory_space<vmem>>
        %dma_start3A_655 = arith.constant 0 : i32
        %dma_start3A_656 = arith.constant 0 : i32
        %dma_start3A_657 = tpu.memref_slice %arg5[%dma_start3A_655, %dma_start3A_656] : memref<100000x128xf32, #tpu.memory_space<hbm>> -> memref<100000x128xf32, #tpu.memory_space<hbm>>
        %dma_start3A_658 = tpu.memref_slice %arg25[%dma_start3A_651] : memref<5x!tpu.dma_semaphore, #tpu.memory_space<semaphore_mem>> -> memref<1x!tpu.dma_semaphore, #tpu.memory_space<semaphore_mem>>
        %dma_start3A_659 = tpu.memref_squeeze %dma_start3A_658 : memref<1x!tpu.dma_semaphore, #tpu.memory_space<semaphore_mem>> -> memref<!tpu.dma_semaphore, #tpu.memory_space<semaphore_mem>>
        tpu.enqueue_indirect_dma source(%dma_start3A_657 : memref<100000x128xf32, #tpu.memory_space<hbm>>) target(%arg17 : memref<128x128xf32, #tpu.memory_space<vmem>>) offsets(%dma_start3A_654 : memref<128xi32, #tpu.memory_space<vmem>>) semaphore(%dma_start3A_659 : memref<!tpu.dma_semaphore, #tpu.memory_space<semaphore_mem>>) {add = true}
        %dma_start3A_660 = arith.constant 3 : i32
        %dma_start3A_661 = arith.constant 2 : i32
        %dma_start3A_662 = arith.constant 0 : i32
        %dma_start3A_663 = tpu.memref_slice %arg12[%dma_start3A_660, %dma_start3A_662] : memref<4x128xi32, #tpu.memory_space<vmem>> -> memref<1x128xi32, #tpu.memory_space<vmem>>
        %dma_start3A_664 = tpu.memref_squeeze %dma_start3A_663 : memref<1x128xi32, #tpu.memory_space<vmem>> -> memref<128xi32, #tpu.memory_space<vmem>>
        %dma_start3A_665 = arith.constant 0 : i32
        %dma_start3A_666 = arith.constant 0 : i32
        %dma_start3A_667 = tpu.memref_slice %arg6[%dma_start3A_665, %dma_start3A_666] : memref<200x128xf32, #tpu.memory_space<hbm>> -> memref<200x128xf32, #tpu.memory_space<hbm>>
        %dma_start3A_668 = tpu.memref_slice %arg25[%dma_start3A_661] : memref<5x!tpu.dma_semaphore, #tpu.memory_space<semaphore_mem>> -> memref<1x!tpu.dma_semaphore, #tpu.memory_space<semaphore_mem>>
        %dma_start3A_669 = tpu.memref_squeeze %dma_start3A_668 : memref<1x!tpu.dma_semaphore, #tpu.memory_space<semaphore_mem>> -> memref<!tpu.dma_semaphore, #tpu.memory_space<semaphore_mem>>
        tpu.enqueue_indirect_dma source(%dma_start3A_667 : memref<200x128xf32, #tpu.memory_space<hbm>>) target(%arg17 : memref<128x128xf32, #tpu.memory_space<vmem>>) offsets(%dma_start3A_664 : memref<128xi32, #tpu.memory_space<vmem>>) semaphore(%dma_start3A_669 : memref<!tpu.dma_semaphore, #tpu.memory_space<semaphore_mem>>) {add = true}
      } else {
      }
      %ge3A_213 = arith.constant 3 : i32
      %ge3A_214 = arith.cmpi sge, %add3A_205, %ge3A_213 : i32
      %convert_element_type3A_215 = arith.extui %ge3A_214 : i1 to i32
      %cond3A_216 = arith.constant 0 : i32
      %cond3A_217 = arith.cmpi ne, %convert_element_type3A_215, %cond3A_216 : i32
      scf.if %cond3A_217 {
        %sub3A = arith.constant 3 : i32
        %sub3A_630 = arith.subi %add3A_205, %sub3A : i32
        %mul3A_631 = arith.constant 128 : i32
        %mul3A_632 = arith.muli %sub3A_630, %mul3A_631 : i32
        %add3A_633 = arith.addi %mul3A_4, %mul3A_632 : i32
        %dma_wait3A_634 = arith.constant 3 : i32
        %dma_wait3A_635 = arith.constant 0 : i32
        %dma_wait3A_636 = tpu.memref_slice %arg9[%add3A_633, %dma_wait3A_635] : memref<204800x128xf32, #tpu.memory_space<hbm>> -> memref<128x128xf32, #tpu.memory_space<hbm>>
        %dma_wait3A_637 = tpu.memref_slice %arg26[%dma_wait3A_634] : memref<5x!tpu.dma_semaphore, #tpu.memory_space<semaphore_mem>> -> memref<1x!tpu.dma_semaphore, #tpu.memory_space<semaphore_mem>>
        %dma_wait3A_638 = tpu.memref_squeeze %dma_wait3A_637 : memref<1x!tpu.dma_semaphore, #tpu.memory_space<semaphore_mem>> -> memref<!tpu.dma_semaphore, #tpu.memory_space<semaphore_mem>>
        %dma_wait3A_639 = arith.constant 0 : i32
        %dma_wait3A_640 = tpu.memref_slice %arg9[%add3A_633, %dma_wait3A_639] : memref<204800x128xf32, #tpu.memory_space<hbm>> -> memref<128x128xf32, #tpu.memory_space<hbm>>
        tpu.wait_dma2 semaphore(%dma_wait3A_638 : memref<!tpu.dma_semaphore, #tpu.memory_space<semaphore_mem>>) src(%arg18 : memref<128x128xf32, #tpu.memory_space<vmem>>) dst(%dma_wait3A_640 : memref<128x128xf32, #tpu.memory_space<hbm>>)
      } else {
      }
      %add3A_218 = arith.constant 2 : i32
      %add3A_219 = arith.addi %add3A_205, %add3A_218 : i32
      %lt3A_220 = arith.constant 50 : i32
      %lt3A_221 = arith.cmpi slt, %add3A_219, %lt3A_220 : i32
      %convert_element_type3A_222 = arith.extui %lt3A_221 : i1 to i32
      %cond3A_223 = arith.constant 0 : i32
      %cond3A_224 = arith.cmpi ne, %convert_element_type3A_222, %cond3A_223 : i32
      scf.if %cond3A_224 {
        %add3A_630 = arith.constant 2 : i32
        %add3A_631 = arith.addi %add3A_205, %add3A_630 : i32
        %add3A_632 = arith.addi %mul3A_2, %add3A_631 : i32
        "tpu.region"() ({
          %run_scoped3A = tpu.sem_alloc : memref<!tpu.dma_semaphore, #tpu.memory_space<semaphore_mem>>
          %dma_start3A_643 = arith.constant 0 : i32
          %dma_start3A_644 = arith.constant 0 : i32
          %dma_start3A_645 = tpu.memref_slice %arg2[%add3A_632, %dma_start3A_643, %dma_start3A_644] : memref<1600x4x128xi32, #tpu.memory_space<hbm>> -> memref<1x4x128xi32, #tpu.memory_space<hbm>>
          %dma_start3A_646 = tpu.memref_squeeze %dma_start3A_645 : memref<1x4x128xi32, #tpu.memory_space<hbm>> -> memref<4x128xi32, #tpu.memory_space<hbm>>
          %dma_start3A_647 = arith.constant 0 : i32
          %dma_start3A_648 = arith.constant 0 : i32
          %dma_start3A_649 = tpu.memref_slice %arg2[%add3A_632, %dma_start3A_647, %dma_start3A_648] : memref<1600x4x128xi32, #tpu.memory_space<hbm>> -> memref<1x4x128xi32, #tpu.memory_space<hbm>>
          %dma_start3A_650 = tpu.memref_squeeze %dma_start3A_649 : memref<1x4x128xi32, #tpu.memory_space<hbm>> -> memref<4x128xi32, #tpu.memory_space<hbm>>
          tpu.enqueue_dma source(%dma_start3A_650 : memref<4x128xi32, #tpu.memory_space<hbm>>) target(%arg13 : memref<4x128xi32, #tpu.memory_space<vmem>>) target_semaphore(%run_scoped3A : memref<!tpu.dma_semaphore, #tpu.memory_space<semaphore_mem>>)
          %dma_wait3A_651 = arith.constant 0 : i32
          %dma_wait3A_652 = arith.constant 0 : i32
          %dma_wait3A_653 = tpu.memref_slice %arg2[%add3A_632, %dma_wait3A_651, %dma_wait3A_652] : memref<1600x4x128xi32, #tpu.memory_space<hbm>> -> memref<1x4x128xi32, #tpu.memory_space<hbm>>
          %dma_wait3A_654 = tpu.memref_squeeze %dma_wait3A_653 : memref<1x4x128xi32, #tpu.memory_space<hbm>> -> memref<4x128xi32, #tpu.memory_space<hbm>>
          %dma_wait3A_655 = arith.constant 0 : i32
          %dma_wait3A_656 = arith.constant 0 : i32
          %dma_wait3A_657 = tpu.memref_slice %arg2[%add3A_632, %dma_wait3A_655, %dma_wait3A_656] : memref<1600x4x128xi32, #tpu.memory_space<hbm>> -> memref<1x4x128xi32, #tpu.memory_space<hbm>>
          %dma_wait3A_658 = tpu.memref_squeeze %dma_wait3A_657 : memref<1x4x128xi32, #tpu.memory_space<hbm>> -> memref<4x128xi32, #tpu.memory_space<hbm>>
          tpu.wait_dma2 semaphore(%run_scoped3A : memref<!tpu.dma_semaphore, #tpu.memory_space<semaphore_mem>>) src(%dma_wait3A_658 : memref<4x128xi32, #tpu.memory_space<hbm>>) dst(%arg13 : memref<4x128xi32, #tpu.memory_space<vmem>>)
          tpu.yield
        }) : () -> ()
        %dma_start3A_633 = arith.constant 0 : i32
        %dma_start3A_634 = arith.constant 3 : i32
        %dma_start3A_635 = arith.constant 0 : i32
        %dma_start3A_636 = tpu.memref_slice %arg13[%dma_start3A_633, %dma_start3A_635] : memref<4x128xi32, #tpu.memory_space<vmem>> -> memref<1x128xi32, #tpu.memory_space<vmem>>
        %dma_start3A_637 = tpu.memref_squeeze %dma_start3A_636 : memref<1x128xi32, #tpu.memory_space<vmem>> -> memref<128xi32, #tpu.memory_space<vmem>>
        %dma_start3A_638 = arith.constant 0 : i32
        %dma_start3A_639 = arith.constant 0 : i32
        %dma_start3A_640 = tpu.memref_slice %arg3[%dma_start3A_638, %dma_start3A_639] : memref<100000x128xf32, #tpu.memory_space<hbm>> -> memref<100000x128xf32, #tpu.memory_space<hbm>>
        %dma_start3A_641 = tpu.memref_slice %arg24[%dma_start3A_634] : memref<5x!tpu.dma_semaphore, #tpu.memory_space<semaphore_mem>> -> memref<1x!tpu.dma_semaphore, #tpu.memory_space<semaphore_mem>>
        %dma_start3A_642 = tpu.memref_squeeze %dma_start3A_641 : memref<1x!tpu.dma_semaphore, #tpu.memory_space<semaphore_mem>> -> memref<!tpu.dma_semaphore, #tpu.memory_space<semaphore_mem>>
        tpu.enqueue_indirect_dma source(%dma_start3A_640 : memref<100000x128xf32, #tpu.memory_space<hbm>>) target(%arg18 : memref<128x128xf32, #tpu.memory_space<vmem>>) offsets(%dma_start3A_637 : memref<128xi32, #tpu.memory_space<vmem>>) semaphore(%dma_start3A_642 : memref<!tpu.dma_semaphore, #tpu.memory_space<semaphore_mem>>)
      } else {
      }
      %dma_wait3A_225 = arith.constant 1 : i32
      %dma_wait3A_226 = arith.constant 1 : i32
      %dma_wait3A_227 = arith.constant 0 : i32
      %dma_wait3A_228 = tpu.memref_slice %arg11[%dma_wait3A_225, %dma_wait3A_227] : memref<4x128xi32, #tpu.memory_space<vmem>> -> memref<1x128xi32, #tpu.memory_space<vmem>>
      %dma_wait3A_229 = tpu.memref_squeeze %dma_wait3A_228 : memref<1x128xi32, #tpu.memory_space<vmem>> -> memref<128xi32, #tpu.memory_space<vmem>>
      %dma_wait3A_230 = arith.constant 0 : i32
      %dma_wait3A_231 = arith.constant 0 : i32
      %dma_wait3A_232 = tpu.memref_slice %arg4[%dma_wait3A_230, %dma_wait3A_231] : memref<100000x128xf32, #tpu.memory_space<hbm>> -> memref<100000x128xf32, #tpu.memory_space<hbm>>
      %dma_wait3A_233 = tpu.memref_slice %arg25[%dma_wait3A_226] : memref<5x!tpu.dma_semaphore, #tpu.memory_space<semaphore_mem>> -> memref<1x!tpu.dma_semaphore, #tpu.memory_space<semaphore_mem>>
      %dma_wait3A_234 = tpu.memref_squeeze %dma_wait3A_233 : memref<1x!tpu.dma_semaphore, #tpu.memory_space<semaphore_mem>> -> memref<!tpu.dma_semaphore, #tpu.memory_space<semaphore_mem>>
      tpu.wait_indirect_dma semaphore(%dma_wait3A_234 : memref<!tpu.dma_semaphore, #tpu.memory_space<semaphore_mem>>) src(%dma_wait3A_232 : memref<100000x128xf32, #tpu.memory_space<hbm>>) dst(%arg16 : memref<128x128xf32, #tpu.memory_space<vmem>>)
      %dma_wait3A_235 = arith.constant 2 : i32
      %dma_wait3A_236 = arith.constant 1 : i32
      %dma_wait3A_237 = arith.constant 0 : i32
      %dma_wait3A_238 = tpu.memref_slice %arg11[%dma_wait3A_235, %dma_wait3A_237] : memref<4x128xi32, #tpu.memory_space<vmem>> -> memref<1x128xi32, #tpu.memory_space<vmem>>
      %dma_wait3A_239 = tpu.memref_squeeze %dma_wait3A_238 : memref<1x128xi32, #tpu.memory_space<vmem>> -> memref<128xi32, #tpu.memory_space<vmem>>
      %dma_wait3A_240 = arith.constant 0 : i32
      %dma_wait3A_241 = arith.constant 0 : i32
      %dma_wait3A_242 = tpu.memref_slice %arg5[%dma_wait3A_240, %dma_wait3A_241] : memref<100000x128xf32, #tpu.memory_space<hbm>> -> memref<100000x128xf32, #tpu.memory_space<hbm>>
      %dma_wait3A_243 = tpu.memref_slice %arg25[%dma_wait3A_236] : memref<5x!tpu.dma_semaphore, #tpu.memory_space<semaphore_mem>> -> memref<1x!tpu.dma_semaphore, #tpu.memory_space<semaphore_mem>>
      %dma_wait3A_244 = tpu.memref_squeeze %dma_wait3A_243 : memref<1x!tpu.dma_semaphore, #tpu.memory_space<semaphore_mem>> -> memref<!tpu.dma_semaphore, #tpu.memory_space<semaphore_mem>>
      tpu.wait_indirect_dma semaphore(%dma_wait3A_244 : memref<!tpu.dma_semaphore, #tpu.memory_space<semaphore_mem>>) src(%dma_wait3A_242 : memref<100000x128xf32, #tpu.memory_space<hbm>>) dst(%arg16 : memref<128x128xf32, #tpu.memory_space<vmem>>)
      %dma_wait3A_245 = arith.constant 3 : i32
      %dma_wait3A_246 = arith.constant 1 : i32
      %dma_wait3A_247 = arith.constant 0 : i32
      %dma_wait3A_248 = tpu.memref_slice %arg11[%dma_wait3A_245, %dma_wait3A_247] : memref<4x128xi32, #tpu.memory_space<vmem>> -> memref<1x128xi32, #tpu.memory_space<vmem>>
      %dma_wait3A_249 = tpu.memref_squeeze %dma_wait3A_248 : memref<1x128xi32, #tpu.memory_space<vmem>> -> memref<128xi32, #tpu.memory_space<vmem>>
      %dma_wait3A_250 = arith.constant 0 : i32
      %dma_wait3A_251 = arith.constant 0 : i32
      %dma_wait3A_252 = tpu.memref_slice %arg6[%dma_wait3A_250, %dma_wait3A_251] : memref<200x128xf32, #tpu.memory_space<hbm>> -> memref<200x128xf32, #tpu.memory_space<hbm>>
      %dma_wait3A_253 = tpu.memref_slice %arg25[%dma_wait3A_246] : memref<5x!tpu.dma_semaphore, #tpu.memory_space<semaphore_mem>> -> memref<1x!tpu.dma_semaphore, #tpu.memory_space<semaphore_mem>>
      %dma_wait3A_254 = tpu.memref_squeeze %dma_wait3A_253 : memref<1x!tpu.dma_semaphore, #tpu.memory_space<semaphore_mem>> -> memref<!tpu.dma_semaphore, #tpu.memory_space<semaphore_mem>>
      tpu.wait_indirect_dma semaphore(%dma_wait3A_254 : memref<!tpu.dma_semaphore, #tpu.memory_space<semaphore_mem>>) src(%dma_wait3A_252 : memref<200x128xf32, #tpu.memory_space<hbm>>) dst(%arg16 : memref<128x128xf32, #tpu.memory_space<vmem>>)
      %scan3A_255 = arith.constant 0 : i32
      %scan3A_256 = arith.constant 0 : i32
      %scan3A_257 = arith.constant 8 : i32
      %scan3A_258 = arith.addi %scan3A_256, %scan3A_257 : i32
      %scan3A_259 = arith.constant 1 : i32
      scf.for %scan3A_630 = %scan3A_256 to %scan3A_258 step %scan3A_259  : i32 {
        %mul3A_631 = arith.constant 16 : i32
        %mul3A_632 = arith.muli %scan3A_630, %mul3A_631 : i32
        %add3A_633 = vector.broadcast %mul3A_632 : i32 to vector<16xi32>
        %add3A_634 = arith.addi %add3A_633, %iota3A : vector<16xi32>
        %broadcast_in_dim3A = arith.constant 0.000000e+00 : f32
        %broadcast_in_dim3A_635 = vector.broadcast %broadcast_in_dim3A : f32 to vector<16xf32>
        %scan3A_636 = arith.constant 0 : i32
        %scan3A_637 = arith.constant 128 : i32
        %scan3A_638 = arith.addi %scan3A_636, %scan3A_637 : i32
        %scan3A_639 = arith.constant 8 : i32
        %scan3A_640:2 = scf.for %scan3A_692 = %scan3A_636 to %scan3A_638 step %scan3A_639 iter_args(%scan3A_693 = %broadcast_in_dim3A_635, %scan3A_694 = %broadcast_in_dim3A_635) -> (vector<16xf32>, vector<16xf32>)  : i32 {
          %add3A_695 = vector.broadcast %scan3A_692 : i32 to vector<16xi32>
          %add3A_696 = arith.addi %iota3A, %add3A_695 : vector<16xi32>
          %and3A = arith.constant 127 : i32
          %and3A_697 = vector.broadcast %and3A : i32 to vector<16xi32>
          %and3A_698 = arith.andi %add3A_696, %and3A_697 : vector<16xi32>
          %gather3A = tpu.vector_load_idx %arg16[%add3A_634, %and3A_698] : memref<128x128xf32, #tpu.memory_space<vmem>>[vector<16xi32>, vector<16xi32>], vector<16xf32>,
          %add3A_699 = arith.addf %scan3A_693, %gather3A : vector<16xf32>
          %mul3A_700 = arith.mulf %gather3A, %gather3A : vector<16xf32>
          %add3A_701 = arith.addf %scan3A_694, %mul3A_700 : vector<16xf32>
          %scan3A_702 = arith.constant 1 : i32
          %scan3A_703 = arith.addi %scan3A_692, %scan3A_702 : i32
          %add3A_704 = vector.broadcast %scan3A_703 : i32 to vector<16xi32>
          %add3A_705 = arith.addi %iota3A, %add3A_704 : vector<16xi32>
          %and3A_706 = arith.constant 127 : i32
          %and3A_707 = vector.broadcast %and3A_706 : i32 to vector<16xi32>
          %and3A_708 = arith.andi %add3A_705, %and3A_707 : vector<16xi32>
          %gather3A_709 = tpu.vector_load_idx %arg16[%add3A_634, %and3A_708] : memref<128x128xf32, #tpu.memory_space<vmem>>[vector<16xi32>, vector<16xi32>], vector<16xf32>,
          %add3A_710 = arith.addf %add3A_699, %gather3A_709 : vector<16xf32>
          %mul3A_711 = arith.mulf %gather3A_709, %gather3A_709 : vector<16xf32>
          %add3A_712 = arith.addf %add3A_701, %mul3A_711 : vector<16xf32>
          %scan3A_713 = arith.constant 2 : i32
          %scan3A_714 = arith.addi %scan3A_692, %scan3A_713 : i32
          %add3A_715 = vector.broadcast %scan3A_714 : i32 to vector<16xi32>
          %add3A_716 = arith.addi %iota3A, %add3A_715 : vector<16xi32>
          %and3A_717 = arith.constant 127 : i32
          %and3A_718 = vector.broadcast %and3A_717 : i32 to vector<16xi32>
          %and3A_719 = arith.andi %add3A_716, %and3A_718 : vector<16xi32>
          %gather3A_720 = tpu.vector_load_idx %arg16[%add3A_634, %and3A_719] : memref<128x128xf32, #tpu.memory_space<vmem>>[vector<16xi32>, vector<16xi32>], vector<16xf32>,
          %add3A_721 = arith.addf %add3A_710, %gather3A_720 : vector<16xf32>
          %mul3A_722 = arith.mulf %gather3A_720, %gather3A_720 : vector<16xf32>
          %add3A_723 = arith.addf %add3A_712, %mul3A_722 : vector<16xf32>
          %scan3A_724 = arith.constant 3 : i32
          %scan3A_725 = arith.addi %scan3A_692, %scan3A_724 : i32
          %add3A_726 = vector.broadcast %scan3A_725 : i32 to vector<16xi32>
          %add3A_727 = arith.addi %iota3A, %add3A_726 : vector<16xi32>
          %and3A_728 = arith.constant 127 : i32
          %and3A_729 = vector.broadcast %and3A_728 : i32 to vector<16xi32>
          %and3A_730 = arith.andi %add3A_727, %and3A_729 : vector<16xi32>
          %gather3A_731 = tpu.vector_load_idx %arg16[%add3A_634, %and3A_730] : memref<128x128xf32, #tpu.memory_space<vmem>>[vector<16xi32>, vector<16xi32>], vector<16xf32>,
          %add3A_732 = arith.addf %add3A_721, %gather3A_731 : vector<16xf32>
          %mul3A_733 = arith.mulf %gather3A_731, %gather3A_731 : vector<16xf32>
          %add3A_734 = arith.addf %add3A_723, %mul3A_733 : vector<16xf32>
          %scan3A_735 = arith.constant 4 : i32
          %scan3A_736 = arith.addi %scan3A_692, %scan3A_735 : i32
          %add3A_737 = vector.broadcast %scan3A_736 : i32 to vector<16xi32>
          %add3A_738 = arith.addi %iota3A, %add3A_737 : vector<16xi32>
          %and3A_739 = arith.constant 127 : i32
          %and3A_740 = vector.broadcast %and3A_739 : i32 to vector<16xi32>
          %and3A_741 = arith.andi %add3A_738, %and3A_740 : vector<16xi32>
          %gather3A_742 = tpu.vector_load_idx %arg16[%add3A_634, %and3A_741] : memref<128x128xf32, #tpu.memory_space<vmem>>[vector<16xi32>, vector<16xi32>], vector<16xf32>,
          %add3A_743 = arith.addf %add3A_732, %gather3A_742 : vector<16xf32>
          %mul3A_744 = arith.mulf %gather3A_742, %gather3A_742 : vector<16xf32>
          %add3A_745 = arith.addf %add3A_734, %mul3A_744 : vector<16xf32>
          %scan3A_746 = arith.constant 5 : i32
          %scan3A_747 = arith.addi %scan3A_692, %scan3A_746 : i32
          %add3A_748 = vector.broadcast %scan3A_747 : i32 to vector<16xi32>
          %add3A_749 = arith.addi %iota3A, %add3A_748 : vector<16xi32>
          %and3A_750 = arith.constant 127 : i32
          %and3A_751 = vector.broadcast %and3A_750 : i32 to vector<16xi32>
          %and3A_752 = arith.andi %add3A_749, %and3A_751 : vector<16xi32>
          %gather3A_753 = tpu.vector_load_idx %arg16[%add3A_634, %and3A_752] : memref<128x128xf32, #tpu.memory_space<vmem>>[vector<16xi32>, vector<16xi32>], vector<16xf32>,
          %add3A_754 = arith.addf %add3A_743, %gather3A_753 : vector<16xf32>
          %mul3A_755 = arith.mulf %gather3A_753, %gather3A_753 : vector<16xf32>
          %add3A_756 = arith.addf %add3A_745, %mul3A_755 : vector<16xf32>
          %scan3A_757 = arith.constant 6 : i32
          %scan3A_758 = arith.addi %scan3A_692, %scan3A_757 : i32
          %add3A_759 = vector.broadcast %scan3A_758 : i32 to vector<16xi32>
          %add3A_760 = arith.addi %iota3A, %add3A_759 : vector<16xi32>
          %and3A_761 = arith.constant 127 : i32
          %and3A_762 = vector.broadcast %and3A_761 : i32 to vector<16xi32>
          %and3A_763 = arith.andi %add3A_760, %and3A_762 : vector<16xi32>
          %gather3A_764 = tpu.vector_load_idx %arg16[%add3A_634, %and3A_763] : memref<128x128xf32, #tpu.memory_space<vmem>>[vector<16xi32>, vector<16xi32>], vector<16xf32>,
          %add3A_765 = arith.addf %add3A_754, %gather3A_764 : vector<16xf32>
          %mul3A_766 = arith.mulf %gather3A_764, %gather3A_764 : vector<16xf32>
          %add3A_767 = arith.addf %add3A_756, %mul3A_766 : vector<16xf32>
          %scan3A_768 = arith.constant 7 : i32
          %scan3A_769 = arith.addi %scan3A_692, %scan3A_768 : i32
          %add3A_770 = vector.broadcast %scan3A_769 : i32 to vector<16xi32>
          %add3A_771 = arith.addi %iota3A, %add3A_770 : vector<16xi32>
          %and3A_772 = arith.constant 127 : i32
          %and3A_773 = vector.broadcast %and3A_772 : i32 to vector<16xi32>
          %and3A_774 = arith.andi %add3A_771, %and3A_773 : vector<16xi32>
          %gather3A_775 = tpu.vector_load_idx %arg16[%add3A_634, %and3A_774] : memref<128x128xf32, #tpu.memory_space<vmem>>[vector<16xi32>, vector<16xi32>], vector<16xf32>,
          %add3A_776 = arith.addf %add3A_765, %gather3A_775 : vector<16xf32>
          %mul3A_777 = arith.mulf %gather3A_775, %gather3A_775 : vector<16xf32>
          %add3A_778 = arith.addf %add3A_767, %mul3A_777 : vector<16xf32>
          scf.yield %add3A_776, %add3A_778 : vector<16xf32>, vector<16xf32>
        }
        %scan3A_641 = arith.constant 128 : i32
        %mul3A_642 = arith.constant 7.812500e-03 : f32
        %mul3A_643 = vector.broadcast %mul3A_642 : f32 to vector<16xf32>
        %mul3A_644 = arith.mulf %scan3A_640#0, %mul3A_643 : vector<16xf32>
        %mul3A_645 = arith.constant 7.812500e-03 : f32
        %mul3A_646 = vector.broadcast %mul3A_645 : f32 to vector<16xf32>
        %mul3A_647 = arith.mulf %scan3A_640#1, %mul3A_646 : vector<16xf32>
        %mul3A_648 = arith.mulf %mul3A_644, %mul3A_644 : vector<16xf32>
        %sub3A = arith.subf %mul3A_647, %mul3A_648 : vector<16xf32>
        %add3A_649 = arith.constant 9.99999974E-6 : f32
        %add3A_650 = vector.broadcast %add3A_649 : f32 to vector<16xf32>
        %add3A_651 = arith.addf %sub3A, %add3A_650 : vector<16xf32>
        %bitcast_convert_type3A = tpu.bitcast %add3A_651 : vector<16xf32> -> vector<16xi32>
        %broadcast_in_dim3A_652 = arith.constant 1597463007 : i32
        %broadcast_in_dim3A_653 = vector.broadcast %broadcast_in_dim3A_652 : i32 to vector<16xi32>
        %shift_right_arithmetic3A = arith.constant 1 : i32
        %shift_right_arithmetic3A_654 = vector.broadcast %shift_right_arithmetic3A : i32 to vector<16xi32>
        %shift_right_arithmetic3A_655 = arith.shrsi %bitcast_convert_type3A, %shift_right_arithmetic3A_654 : vector<16xi32>
        %sub3A_656 = arith.subi %broadcast_in_dim3A_653, %shift_right_arithmetic3A_655 : vector<16xi32>
        %bitcast_convert_type3A_657 = tpu.bitcast %sub3A_656 : vector<16xi32> -> vector<16xf32>
        %mul3A_658 = arith.constant 5.000000e-01 : f32
        %mul3A_659 = vector.broadcast %mul3A_658 : f32 to vector<16xf32>
        %mul3A_660 = arith.mulf %mul3A_659, %add3A_651 : vector<16xf32>
        %mul3A_661 = arith.mulf %mul3A_660, %bitcast_convert_type3A_657 : vector<16xf32>
        %mul3A_662 = arith.mulf %mul3A_661, %bitcast_convert_type3A_657 : vector<16xf32>
        %sub3A_663 = arith.constant 1.500000e+00 : f32
        %sub3A_664 = vector.broadcast %sub3A_663 : f32 to vector<16xf32>
        %sub3A_665 = arith.subf %sub3A_664, %mul3A_662 : vector<16xf32>
        %mul3A_666 = arith.mulf %bitcast_convert_type3A_657, %sub3A_665 : vector<16xf32>
        %mul3A_667 = arith.constant 5.000000e-01 : f32
        %mul3A_668 = vector.broadcast %mul3A_667 : f32 to vector<16xf32>
        %mul3A_669 = arith.mulf %mul3A_668, %add3A_651 : vector<16xf32>
        %mul3A_670 = arith.mulf %mul3A_669, %mul3A_666 : vector<16xf32>
        %mul3A_671 = arith.mulf %mul3A_670, %mul3A_666 : vector<16xf32>
        %sub3A_672 = arith.constant 1.500000e+00 : f32
        %sub3A_673 = vector.broadcast %sub3A_672 : f32 to vector<16xf32>
        %sub3A_674 = arith.subf %sub3A_673, %mul3A_671 : vector<16xf32>
        %mul3A_675 = arith.mulf %mul3A_666, %sub3A_674 : vector<16xf32>
        %mul3A_676 = arith.constant 5.000000e-01 : f32
        %mul3A_677 = vector.broadcast %mul3A_676 : f32 to vector<16xf32>
        %mul3A_678 = arith.mulf %mul3A_677, %add3A_651 : vector<16xf32>
        %mul3A_679 = arith.mulf %mul3A_678, %mul3A_675 : vector<16xf32>
        %mul3A_680 = arith.mulf %mul3A_679, %mul3A_675 : vector<16xf32>
        %sub3A_681 = arith.constant 1.500000e+00 : f32
        %sub3A_682 = vector.broadcast %sub3A_681 : f32 to vector<16xf32>
        %sub3A_683 = arith.subf %sub3A_682, %mul3A_680 : vector<16xf32>
        %mul3A_684 = arith.mulf %mul3A_675, %sub3A_683 : vector<16xf32>
        %mul3A_685 = arith.constant 16 : i32
        %mul3A_686 = arith.muli %scan3A_630, %mul3A_685 : i32
        %swap3A = arith.index_cast %mul3A_686 : i32 to index
        %swap3A_687 = tpu.vector_load %arg22[%swap3A] {strides = array<i32>} : memref<128xf32, #tpu.memory_space<vmem>>, vector<16xf32>,
        tpu.vector_store %arg22[%swap3A], %mul3A_644 {strides = array<i32>} : memref<128xf32, #tpu.memory_space<vmem>>, vector<16xf32>,
        %mul3A_688 = arith.constant 16 : i32
        %mul3A_689 = arith.muli %scan3A_630, %mul3A_688 : i32
        %swap3A_690 = arith.index_cast %mul3A_689 : i32 to index
        %swap3A_691 = tpu.vector_load %arg23[%swap3A_690] {strides = array<i32>} : memref<128xf32, #tpu.memory_space<vmem>>, vector<16xf32>,
        tpu.vector_store %arg23[%swap3A_690], %mul3A_684 {strides = array<i32>} : memref<128xf32, #tpu.memory_space<vmem>>, vector<16xf32>,
      }
      %scan3A_260 = arith.constant 8 : i32
      %get3A_261 = arith.constant 0 : index
      %get3A_262 = tpu.vector_load %arg20[%get3A_261] {strides = array<i32>} : memref<128xf32, #tpu.memory_space<vmem>>, vector<16xf32>,
      %get3A_263 = arith.constant 16 : index
      %get3A_264 = tpu.vector_load %arg20[%get3A_263] {strides = array<i32>} : memref<128xf32, #tpu.memory_space<vmem>>, vector<16xf32>,
      %get3A_265 = arith.constant 32 : index
      %get3A_266 = tpu.vector_load %arg20[%get3A_265] {strides = array<i32>} : memref<128xf32, #tpu.memory_space<vmem>>, vector<16xf32>,
      %get3A_267 = arith.constant 48 : index
      %get3A_268 = tpu.vector_load %arg20[%get3A_267] {strides = array<i32>} : memref<128xf32, #tpu.memory_space<vmem>>, vector<16xf32>,
      %get3A_269 = arith.constant 64 : index
      %get3A_270 = tpu.vector_load %arg20[%get3A_269] {strides = array<i32>} : memref<128xf32, #tpu.memory_space<vmem>>, vector<16xf32>,
      %get3A_271 = arith.constant 80 : index
      %get3A_272 = tpu.vector_load %arg20[%get3A_271] {strides = array<i32>} : memref<128xf32, #tpu.memory_space<vmem>>, vector<16xf32>,
      %get3A_273 = arith.constant 96 : index
      %get3A_274 = tpu.vector_load %arg20[%get3A_273] {strides = array<i32>} : memref<128xf32, #tpu.memory_space<vmem>>, vector<16xf32>,
      %get3A_275 = arith.constant 112 : index
      %get3A_276 = tpu.vector_load %arg20[%get3A_275] {strides = array<i32>} : memref<128xf32, #tpu.memory_space<vmem>>, vector<16xf32>,
      %get3A_277 = arith.constant 0 : index
      %get3A_278 = tpu.vector_load %arg21[%get3A_277] {strides = array<i32>} : memref<128xf32, #tpu.memory_space<vmem>>, vector<16xf32>,
      %get3A_279 = arith.constant 16 : index
      %get3A_280 = tpu.vector_load %arg21[%get3A_279] {strides = array<i32>} : memref<128xf32, #tpu.memory_space<vmem>>, vector<16xf32>,
      %get3A_281 = arith.constant 32 : index
      %get3A_282 = tpu.vector_load %arg21[%get3A_281] {strides = array<i32>} : memref<128xf32, #tpu.memory_space<vmem>>, vector<16xf32>,
      %get3A_283 = arith.constant 48 : index
      %get3A_284 = tpu.vector_load %arg21[%get3A_283] {strides = array<i32>} : memref<128xf32, #tpu.memory_space<vmem>>, vector<16xf32>,
      %get3A_285 = arith.constant 64 : index
      %get3A_286 = tpu.vector_load %arg21[%get3A_285] {strides = array<i32>} : memref<128xf32, #tpu.memory_space<vmem>>, vector<16xf32>,
      %get3A_287 = arith.constant 80 : index
      %get3A_288 = tpu.vector_load %arg21[%get3A_287] {strides = array<i32>} : memref<128xf32, #tpu.memory_space<vmem>>, vector<16xf32>,
      %get3A_289 = arith.constant 96 : index
      %get3A_290 = tpu.vector_load %arg21[%get3A_289] {strides = array<i32>} : memref<128xf32, #tpu.memory_space<vmem>>, vector<16xf32>,
      %get3A_291 = arith.constant 112 : index
      %get3A_292 = tpu.vector_load %arg21[%get3A_291] {strides = array<i32>} : memref<128xf32, #tpu.memory_space<vmem>>, vector<16xf32>,
      %scan3A_293 = arith.constant 0 : i32
      %scan3A_294 = arith.constant 0 : i32
      %scan3A_295 = arith.constant 128 : i32
      %scan3A_296 = arith.addi %scan3A_294, %scan3A_295 : i32
      %scan3A_297 = arith.constant 2 : i32
      scf.for %scan3A_630 = %scan3A_294 to %scan3A_296 step %scan3A_297  : i32 {
        %broadcast_in_dim3A = vector.broadcast %scan3A_630 : i32 to vector<16xi32>
        %gather3A = tpu.vector_load_idx %arg22[%broadcast_in_dim3A] : memref<128xf32, #tpu.memory_space<vmem>>[vector<16xi32>], vector<16xf32>,
        %gather3A_631 = tpu.vector_load_idx %arg23[%broadcast_in_dim3A] : memref<128xf32, #tpu.memory_space<vmem>>[vector<16xi32>], vector<16xf32>,
        %get3A_632 = arith.index_cast %scan3A_630 : i32 to index
        %get3A_633 = arith.constant 0 : index
        %get3A_634 = tpu.vector_load %arg16[%get3A_632, %get3A_633] {strides = array<i32>} : memref<128x128xf32, #tpu.memory_space<vmem>>, vector<16xf32>,
        %sub3A = arith.subf %get3A_634, %gather3A : vector<16xf32>
        %mul3A_635 = arith.mulf %sub3A, %gather3A_631 : vector<16xf32>
        %mul3A_636 = arith.mulf %mul3A_635, %get3A_262 : vector<16xf32>
        %add3A_637 = arith.addf %mul3A_636, %get3A_278 : vector<16xf32>
        %swap3A = arith.index_cast %scan3A_630 : i32 to index
        %swap3A_638 = arith.constant 0 : index
        %swap3A_639 = tpu.vector_load %arg16[%swap3A, %swap3A_638] {strides = array<i32>} : memref<128x128xf32, #tpu.memory_space<vmem>>, vector<16xf32>,
        tpu.vector_store %arg16[%swap3A, %swap3A_638], %add3A_637 {strides = array<i32>} : memref<128x128xf32, #tpu.memory_space<vmem>>, vector<16xf32>,
        %get3A_640 = arith.index_cast %scan3A_630 : i32 to index
        %get3A_641 = arith.constant 16 : index
        %get3A_642 = tpu.vector_load %arg16[%get3A_640, %get3A_641] {strides = array<i32>} : memref<128x128xf32, #tpu.memory_space<vmem>>, vector<16xf32>,
        %sub3A_643 = arith.subf %get3A_642, %gather3A : vector<16xf32>
        %mul3A_644 = arith.mulf %sub3A_643, %gather3A_631 : vector<16xf32>
        %mul3A_645 = arith.mulf %mul3A_644, %get3A_264 : vector<16xf32>
        %add3A_646 = arith.addf %mul3A_645, %get3A_280 : vector<16xf32>
        %swap3A_647 = arith.index_cast %scan3A_630 : i32 to index
        %swap3A_648 = arith.constant 16 : index
        %swap3A_649 = tpu.vector_load %arg16[%swap3A_647, %swap3A_648] {strides = array<i32>} : memref<128x128xf32, #tpu.memory_space<vmem>>, vector<16xf32>,
        tpu.vector_store %arg16[%swap3A_647, %swap3A_648], %add3A_646 {strides = array<i32>} : memref<128x128xf32, #tpu.memory_space<vmem>>, vector<16xf32>,
        %get3A_650 = arith.index_cast %scan3A_630 : i32 to index
        %get3A_651 = arith.constant 32 : index
        %get3A_652 = tpu.vector_load %arg16[%get3A_650, %get3A_651] {strides = array<i32>} : memref<128x128xf32, #tpu.memory_space<vmem>>, vector<16xf32>,
        %sub3A_653 = arith.subf %get3A_652, %gather3A : vector<16xf32>
        %mul3A_654 = arith.mulf %sub3A_653, %gather3A_631 : vector<16xf32>
        %mul3A_655 = arith.mulf %mul3A_654, %get3A_266 : vector<16xf32>
        %add3A_656 = arith.addf %mul3A_655, %get3A_282 : vector<16xf32>
        %swap3A_657 = arith.index_cast %scan3A_630 : i32 to index
        %swap3A_658 = arith.constant 32 : index
        %swap3A_659 = tpu.vector_load %arg16[%swap3A_657, %swap3A_658] {strides = array<i32>} : memref<128x128xf32, #tpu.memory_space<vmem>>, vector<16xf32>,
        tpu.vector_store %arg16[%swap3A_657, %swap3A_658], %add3A_656 {strides = array<i32>} : memref<128x128xf32, #tpu.memory_space<vmem>>, vector<16xf32>,
        %get3A_660 = arith.index_cast %scan3A_630 : i32 to index
        %get3A_661 = arith.constant 48 : index
        %get3A_662 = tpu.vector_load %arg16[%get3A_660, %get3A_661] {strides = array<i32>} : memref<128x128xf32, #tpu.memory_space<vmem>>, vector<16xf32>,
        %sub3A_663 = arith.subf %get3A_662, %gather3A : vector<16xf32>
        %mul3A_664 = arith.mulf %sub3A_663, %gather3A_631 : vector<16xf32>
        %mul3A_665 = arith.mulf %mul3A_664, %get3A_268 : vector<16xf32>
        %add3A_666 = arith.addf %mul3A_665, %get3A_284 : vector<16xf32>
        %swap3A_667 = arith.index_cast %scan3A_630 : i32 to index
        %swap3A_668 = arith.constant 48 : index
        %swap3A_669 = tpu.vector_load %arg16[%swap3A_667, %swap3A_668] {strides = array<i32>} : memref<128x128xf32, #tpu.memory_space<vmem>>, vector<16xf32>,
        tpu.vector_store %arg16[%swap3A_667, %swap3A_668], %add3A_666 {strides = array<i32>} : memref<128x128xf32, #tpu.memory_space<vmem>>, vector<16xf32>,
        %get3A_670 = arith.index_cast %scan3A_630 : i32 to index
        %get3A_671 = arith.constant 64 : index
        %get3A_672 = tpu.vector_load %arg16[%get3A_670, %get3A_671] {strides = array<i32>} : memref<128x128xf32, #tpu.memory_space<vmem>>, vector<16xf32>,
        %sub3A_673 = arith.subf %get3A_672, %gather3A : vector<16xf32>
        %mul3A_674 = arith.mulf %sub3A_673, %gather3A_631 : vector<16xf32>
        %mul3A_675 = arith.mulf %mul3A_674, %get3A_270 : vector<16xf32>
        %add3A_676 = arith.addf %mul3A_675, %get3A_286 : vector<16xf32>
        %swap3A_677 = arith.index_cast %scan3A_630 : i32 to index
        %swap3A_678 = arith.constant 64 : index
        %swap3A_679 = tpu.vector_load %arg16[%swap3A_677, %swap3A_678] {strides = array<i32>} : memref<128x128xf32, #tpu.memory_space<vmem>>, vector<16xf32>,
        tpu.vector_store %arg16[%swap3A_677, %swap3A_678], %add3A_676 {strides = array<i32>} : memref<128x128xf32, #tpu.memory_space<vmem>>, vector<16xf32>,
        %get3A_680 = arith.index_cast %scan3A_630 : i32 to index
        %get3A_681 = arith.constant 80 : index
        %get3A_682 = tpu.vector_load %arg16[%get3A_680, %get3A_681] {strides = array<i32>} : memref<128x128xf32, #tpu.memory_space<vmem>>, vector<16xf32>,
        %sub3A_683 = arith.subf %get3A_682, %gather3A : vector<16xf32>
        %mul3A_684 = arith.mulf %sub3A_683, %gather3A_631 : vector<16xf32>
        %mul3A_685 = arith.mulf %mul3A_684, %get3A_272 : vector<16xf32>
        %add3A_686 = arith.addf %mul3A_685, %get3A_288 : vector<16xf32>
        %swap3A_687 = arith.index_cast %scan3A_630 : i32 to index
        %swap3A_688 = arith.constant 80 : index
        %swap3A_689 = tpu.vector_load %arg16[%swap3A_687, %swap3A_688] {strides = array<i32>} : memref<128x128xf32, #tpu.memory_space<vmem>>, vector<16xf32>,
        tpu.vector_store %arg16[%swap3A_687, %swap3A_688], %add3A_686 {strides = array<i32>} : memref<128x128xf32, #tpu.memory_space<vmem>>, vector<16xf32>,
        %get3A_690 = arith.index_cast %scan3A_630 : i32 to index
        %get3A_691 = arith.constant 96 : index
        %get3A_692 = tpu.vector_load %arg16[%get3A_690, %get3A_691] {strides = array<i32>} : memref<128x128xf32, #tpu.memory_space<vmem>>, vector<16xf32>,
        %sub3A_693 = arith.subf %get3A_692, %gather3A : vector<16xf32>
        %mul3A_694 = arith.mulf %sub3A_693, %gather3A_631 : vector<16xf32>
        %mul3A_695 = arith.mulf %mul3A_694, %get3A_274 : vector<16xf32>
        %add3A_696 = arith.addf %mul3A_695, %get3A_290 : vector<16xf32>
        %swap3A_697 = arith.index_cast %scan3A_630 : i32 to index
        %swap3A_698 = arith.constant 96 : index
        %swap3A_699 = tpu.vector_load %arg16[%swap3A_697, %swap3A_698] {strides = array<i32>} : memref<128x128xf32, #tpu.memory_space<vmem>>, vector<16xf32>,
        tpu.vector_store %arg16[%swap3A_697, %swap3A_698], %add3A_696 {strides = array<i32>} : memref<128x128xf32, #tpu.memory_space<vmem>>, vector<16xf32>,
        %get3A_700 = arith.index_cast %scan3A_630 : i32 to index
        %get3A_701 = arith.constant 112 : index
        %get3A_702 = tpu.vector_load %arg16[%get3A_700, %get3A_701] {strides = array<i32>} : memref<128x128xf32, #tpu.memory_space<vmem>>, vector<16xf32>,
        %sub3A_703 = arith.subf %get3A_702, %gather3A : vector<16xf32>
        %mul3A_704 = arith.mulf %sub3A_703, %gather3A_631 : vector<16xf32>
        %mul3A_705 = arith.mulf %mul3A_704, %get3A_276 : vector<16xf32>
        %add3A_706 = arith.addf %mul3A_705, %get3A_292 : vector<16xf32>
        %swap3A_707 = arith.index_cast %scan3A_630 : i32 to index
        %swap3A_708 = arith.constant 112 : index
        %swap3A_709 = tpu.vector_load %arg16[%swap3A_707, %swap3A_708] {strides = array<i32>} : memref<128x128xf32, #tpu.memory_space<vmem>>, vector<16xf32>,
        tpu.vector_store %arg16[%swap3A_707, %swap3A_708], %add3A_706 {strides = array<i32>} : memref<128x128xf32, #tpu.memory_space<vmem>>, vector<16xf32>,
        %scan3A_710 = arith.constant 1 : i32
        %scan3A_711 = arith.addi %scan3A_630, %scan3A_710 : i32
        %broadcast_in_dim3A_712 = vector.broadcast %scan3A_711 : i32 to vector<16xi32>
        %gather3A_713 = tpu.vector_load_idx %arg22[%broadcast_in_dim3A_712] : memref<128xf32, #tpu.memory_space<vmem>>[vector<16xi32>], vector<16xf32>,
        %gather3A_714 = tpu.vector_load_idx %arg23[%broadcast_in_dim3A_712] : memref<128xf32, #tpu.memory_space<vmem>>[vector<16xi32>], vector<16xf32>,
        %get3A_715 = arith.index_cast %scan3A_711 : i32 to index
        %get3A_716 = arith.constant 0 : index
        %get3A_717 = tpu.vector_load %arg16[%get3A_715, %get3A_716] {strides = array<i32>} : memref<128x128xf32, #tpu.memory_space<vmem>>, vector<16xf32>,
        %sub3A_718 = arith.subf %get3A_717, %gather3A_713 : vector<16xf32>
        %mul3A_719 = arith.mulf %sub3A_718, %gather3A_714 : vector<16xf32>
        %mul3A_720 = arith.mulf %mul3A_719, %get3A_262 : vector<16xf32>
        %add3A_721 = arith.addf %mul3A_720, %get3A_278 : vector<16xf32>
        %swap3A_722 = arith.index_cast %scan3A_711 : i32 to index
        %swap3A_723 = arith.constant 0 : index
        %swap3A_724 = tpu.vector_load %arg16[%swap3A_722, %swap3A_723] {strides = array<i32>} : memref<128x128xf32, #tpu.memory_space<vmem>>, vector<16xf32>,
        tpu.vector_store %arg16[%swap3A_722, %swap3A_723], %add3A_721 {strides = array<i32>} : memref<128x128xf32, #tpu.memory_space<vmem>>, vector<16xf32>,
        %get3A_725 = arith.index_cast %scan3A_711 : i32 to index
        %get3A_726 = arith.constant 16 : index
        %get3A_727 = tpu.vector_load %arg16[%get3A_725, %get3A_726] {strides = array<i32>} : memref<128x128xf32, #tpu.memory_space<vmem>>, vector<16xf32>,
        %sub3A_728 = arith.subf %get3A_727, %gather3A_713 : vector<16xf32>
        %mul3A_729 = arith.mulf %sub3A_728, %gather3A_714 : vector<16xf32>
        %mul3A_730 = arith.mulf %mul3A_729, %get3A_264 : vector<16xf32>
        %add3A_731 = arith.addf %mul3A_730, %get3A_280 : vector<16xf32>
        %swap3A_732 = arith.index_cast %scan3A_711 : i32 to index
        %swap3A_733 = arith.constant 16 : index
        %swap3A_734 = tpu.vector_load %arg16[%swap3A_732, %swap3A_733] {strides = array<i32>} : memref<128x128xf32, #tpu.memory_space<vmem>>, vector<16xf32>,
        tpu.vector_store %arg16[%swap3A_732, %swap3A_733], %add3A_731 {strides = array<i32>} : memref<128x128xf32, #tpu.memory_space<vmem>>, vector<16xf32>,
        %get3A_735 = arith.index_cast %scan3A_711 : i32 to index
        %get3A_736 = arith.constant 32 : index
        %get3A_737 = tpu.vector_load %arg16[%get3A_735, %get3A_736] {strides = array<i32>} : memref<128x128xf32, #tpu.memory_space<vmem>>, vector<16xf32>,
        %sub3A_738 = arith.subf %get3A_737, %gather3A_713 : vector<16xf32>
        %mul3A_739 = arith.mulf %sub3A_738, %gather3A_714 : vector<16xf32>
        %mul3A_740 = arith.mulf %mul3A_739, %get3A_266 : vector<16xf32>
        %add3A_741 = arith.addf %mul3A_740, %get3A_282 : vector<16xf32>
        %swap3A_742 = arith.index_cast %scan3A_711 : i32 to index
        %swap3A_743 = arith.constant 32 : index
        %swap3A_744 = tpu.vector_load %arg16[%swap3A_742, %swap3A_743] {strides = array<i32>} : memref<128x128xf32, #tpu.memory_space<vmem>>, vector<16xf32>,
        tpu.vector_store %arg16[%swap3A_742, %swap3A_743], %add3A_741 {strides = array<i32>} : memref<128x128xf32, #tpu.memory_space<vmem>>, vector<16xf32>,
        %get3A_745 = arith.index_cast %scan3A_711 : i32 to index
        %get3A_746 = arith.constant 48 : index
        %get3A_747 = tpu.vector_load %arg16[%get3A_745, %get3A_746] {strides = array<i32>} : memref<128x128xf32, #tpu.memory_space<vmem>>, vector<16xf32>,
        %sub3A_748 = arith.subf %get3A_747, %gather3A_713 : vector<16xf32>
        %mul3A_749 = arith.mulf %sub3A_748, %gather3A_714 : vector<16xf32>
        %mul3A_750 = arith.mulf %mul3A_749, %get3A_268 : vector<16xf32>
        %add3A_751 = arith.addf %mul3A_750, %get3A_284 : vector<16xf32>
        %swap3A_752 = arith.index_cast %scan3A_711 : i32 to index
        %swap3A_753 = arith.constant 48 : index
        %swap3A_754 = tpu.vector_load %arg16[%swap3A_752, %swap3A_753] {strides = array<i32>} : memref<128x128xf32, #tpu.memory_space<vmem>>, vector<16xf32>,
        tpu.vector_store %arg16[%swap3A_752, %swap3A_753], %add3A_751 {strides = array<i32>} : memref<128x128xf32, #tpu.memory_space<vmem>>, vector<16xf32>,
        %get3A_755 = arith.index_cast %scan3A_711 : i32 to index
        %get3A_756 = arith.constant 64 : index
        %get3A_757 = tpu.vector_load %arg16[%get3A_755, %get3A_756] {strides = array<i32>} : memref<128x128xf32, #tpu.memory_space<vmem>>, vector<16xf32>,
        %sub3A_758 = arith.subf %get3A_757, %gather3A_713 : vector<16xf32>
        %mul3A_759 = arith.mulf %sub3A_758, %gather3A_714 : vector<16xf32>
        %mul3A_760 = arith.mulf %mul3A_759, %get3A_270 : vector<16xf32>
        %add3A_761 = arith.addf %mul3A_760, %get3A_286 : vector<16xf32>
        %swap3A_762 = arith.index_cast %scan3A_711 : i32 to index
        %swap3A_763 = arith.constant 64 : index
        %swap3A_764 = tpu.vector_load %arg16[%swap3A_762, %swap3A_763] {strides = array<i32>} : memref<128x128xf32, #tpu.memory_space<vmem>>, vector<16xf32>,
        tpu.vector_store %arg16[%swap3A_762, %swap3A_763], %add3A_761 {strides = array<i32>} : memref<128x128xf32, #tpu.memory_space<vmem>>, vector<16xf32>,
        %get3A_765 = arith.index_cast %scan3A_711 : i32 to index
        %get3A_766 = arith.constant 80 : index
        %get3A_767 = tpu.vector_load %arg16[%get3A_765, %get3A_766] {strides = array<i32>} : memref<128x128xf32, #tpu.memory_space<vmem>>, vector<16xf32>,
        %sub3A_768 = arith.subf %get3A_767, %gather3A_713 : vector<16xf32>
        %mul3A_769 = arith.mulf %sub3A_768, %gather3A_714 : vector<16xf32>
        %mul3A_770 = arith.mulf %mul3A_769, %get3A_272 : vector<16xf32>
        %add3A_771 = arith.addf %mul3A_770, %get3A_288 : vector<16xf32>
        %swap3A_772 = arith.index_cast %scan3A_711 : i32 to index
        %swap3A_773 = arith.constant 80 : index
        %swap3A_774 = tpu.vector_load %arg16[%swap3A_772, %swap3A_773] {strides = array<i32>} : memref<128x128xf32, #tpu.memory_space<vmem>>, vector<16xf32>,
        tpu.vector_store %arg16[%swap3A_772, %swap3A_773], %add3A_771 {strides = array<i32>} : memref<128x128xf32, #tpu.memory_space<vmem>>, vector<16xf32>,
        %get3A_775 = arith.index_cast %scan3A_711 : i32 to index
        %get3A_776 = arith.constant 96 : index
        %get3A_777 = tpu.vector_load %arg16[%get3A_775, %get3A_776] {strides = array<i32>} : memref<128x128xf32, #tpu.memory_space<vmem>>, vector<16xf32>,
        %sub3A_778 = arith.subf %get3A_777, %gather3A_713 : vector<16xf32>
        %mul3A_779 = arith.mulf %sub3A_778, %gather3A_714 : vector<16xf32>
        %mul3A_780 = arith.mulf %mul3A_779, %get3A_274 : vector<16xf32>
        %add3A_781 = arith.addf %mul3A_780, %get3A_290 : vector<16xf32>
        %swap3A_782 = arith.index_cast %scan3A_711 : i32 to index
        %swap3A_783 = arith.constant 96 : index
        %swap3A_784 = tpu.vector_load %arg16[%swap3A_782, %swap3A_783] {strides = array<i32>} : memref<128x128xf32, #tpu.memory_space<vmem>>, vector<16xf32>,
        tpu.vector_store %arg16[%swap3A_782, %swap3A_783], %add3A_781 {strides = array<i32>} : memref<128x128xf32, #tpu.memory_space<vmem>>, vector<16xf32>,
        %get3A_785 = arith.index_cast %scan3A_711 : i32 to index
        %get3A_786 = arith.constant 112 : index
        %get3A_787 = tpu.vector_load %arg16[%get3A_785, %get3A_786] {strides = array<i32>} : memref<128x128xf32, #tpu.memory_space<vmem>>, vector<16xf32>,
        %sub3A_788 = arith.subf %get3A_787, %gather3A_713 : vector<16xf32>
        %mul3A_789 = arith.mulf %sub3A_788, %gather3A_714 : vector<16xf32>
        %mul3A_790 = arith.mulf %mul3A_789, %get3A_276 : vector<16xf32>
        %add3A_791 = arith.addf %mul3A_790, %get3A_292 : vector<16xf32>
        %swap3A_792 = arith.index_cast %scan3A_711 : i32 to index
        %swap3A_793 = arith.constant 112 : index
        %swap3A_794 = tpu.vector_load %arg16[%swap3A_792, %swap3A_793] {strides = array<i32>} : memref<128x128xf32, #tpu.memory_space<vmem>>, vector<16xf32>,
        tpu.vector_store %arg16[%swap3A_792, %swap3A_793], %add3A_791 {strides = array<i32>} : memref<128x128xf32, #tpu.memory_space<vmem>>, vector<16xf32>,
      }
      %scan3A_298 = arith.constant 128 : i32
      %mul3A_299 = arith.constant 128 : i32
      %mul3A_300 = arith.muli %add3A_205, %mul3A_299 : i32
      %add3A_301 = arith.addi %mul3A_4, %mul3A_300 : i32
      %dma_start3A_302 = arith.constant 1 : i32
      %dma_start3A_303 = arith.constant 0 : i32
      %dma_start3A_304 = tpu.memref_slice %arg9[%add3A_301, %dma_start3A_303] : memref<204800x128xf32, #tpu.memory_space<hbm>> -> memref<128x128xf32, #tpu.memory_space<hbm>>
      %dma_start3A_305 = tpu.memref_slice %arg26[%dma_start3A_302] : memref<5x!tpu.dma_semaphore, #tpu.memory_space<semaphore_mem>> -> memref<1x!tpu.dma_semaphore, #tpu.memory_space<semaphore_mem>>
      %dma_start3A_306 = tpu.memref_squeeze %dma_start3A_305 : memref<1x!tpu.dma_semaphore, #tpu.memory_space<semaphore_mem>> -> memref<!tpu.dma_semaphore, #tpu.memory_space<semaphore_mem>>
      %dma_start3A_307 = arith.constant 0 : i32
      %dma_start3A_308 = tpu.memref_slice %arg9[%add3A_301, %dma_start3A_307] : memref<204800x128xf32, #tpu.memory_space<hbm>> -> memref<128x128xf32, #tpu.memory_space<hbm>>
      tpu.enqueue_dma source(%arg16 : memref<128x128xf32, #tpu.memory_space<vmem>>) target(%dma_start3A_308 : memref<128x128xf32, #tpu.memory_space<hbm>>) target_semaphore(%dma_start3A_306 : memref<!tpu.dma_semaphore, #tpu.memory_space<semaphore_mem>>)
      %mul3A_309 = arith.constant 5 : i32
      %mul3A_310 = arith.muli %scan3A_99, %mul3A_309 : i32
      %add3A_311 = arith.constant 2 : i32
      %add3A_312 = arith.addi %mul3A_310, %add3A_311 : i32
      %add3A_313 = arith.constant 1 : i32
      %add3A_314 = arith.addi %add3A_312, %add3A_313 : i32
      %lt3A_315 = arith.constant 50 : i32
      %lt3A_316 = arith.cmpi slt, %add3A_314, %lt3A_315 : i32
      %convert_element_type3A_317 = arith.extui %lt3A_316 : i1 to i32
      %cond3A_318 = arith.constant 0 : i32
      %cond3A_319 = arith.cmpi ne, %convert_element_type3A_317, %cond3A_318 : i32
      scf.if %cond3A_319 {
        %dma_wait3A_630 = arith.constant 0 : i32
        %dma_wait3A_631 = arith.constant 3 : i32
        %dma_wait3A_632 = arith.constant 0 : i32
        %dma_wait3A_633 = tpu.memref_slice %arg13[%dma_wait3A_630, %dma_wait3A_632] : memref<4x128xi32, #tpu.memory_space<vmem>> -> memref<1x128xi32, #tpu.memory_space<vmem>>
        %dma_wait3A_634 = tpu.memref_squeeze %dma_wait3A_633 : memref<1x128xi32, #tpu.memory_space<vmem>> -> memref<128xi32, #tpu.memory_space<vmem>>
        %dma_wait3A_635 = arith.constant 0 : i32
        %dma_wait3A_636 = arith.constant 0 : i32
        %dma_wait3A_637 = tpu.memref_slice %arg3[%dma_wait3A_635, %dma_wait3A_636] : memref<100000x128xf32, #tpu.memory_space<hbm>> -> memref<100000x128xf32, #tpu.memory_space<hbm>>
        %dma_wait3A_638 = tpu.memref_slice %arg24[%dma_wait3A_631] : memref<5x!tpu.dma_semaphore, #tpu.memory_space<semaphore_mem>> -> memref<1x!tpu.dma_semaphore, #tpu.memory_space<semaphore_mem>>
        %dma_wait3A_639 = tpu.memref_squeeze %dma_wait3A_638 : memref<1x!tpu.dma_semaphore, #tpu.memory_space<semaphore_mem>> -> memref<!tpu.dma_semaphore, #tpu.memory_space<semaphore_mem>>
        tpu.wait_indirect_dma semaphore(%dma_wait3A_639 : memref<!tpu.dma_semaphore, #tpu.memory_space<semaphore_mem>>) src(%dma_wait3A_637 : memref<100000x128xf32, #tpu.memory_space<hbm>>) dst(%arg18 : memref<128x128xf32, #tpu.memory_space<vmem>>)
        %dma_start3A_640 = arith.constant 1 : i32
        %dma_start3A_641 = arith.constant 3 : i32
        %dma_start3A_642 = arith.constant 0 : i32
        %dma_start3A_643 = tpu.memref_slice %arg13[%dma_start3A_640, %dma_start3A_642] : memref<4x128xi32, #tpu.memory_space<vmem>> -> memref<1x128xi32, #tpu.memory_space<vmem>>
        %dma_start3A_644 = tpu.memref_squeeze %dma_start3A_643 : memref<1x128xi32, #tpu.memory_space<vmem>> -> memref<128xi32, #tpu.memory_space<vmem>>
        %dma_start3A_645 = arith.constant 0 : i32
        %dma_start3A_646 = arith.constant 0 : i32
        %dma_start3A_647 = tpu.memref_slice %arg4[%dma_start3A_645, %dma_start3A_646] : memref<100000x128xf32, #tpu.memory_space<hbm>> -> memref<100000x128xf32, #tpu.memory_space<hbm>>
        %dma_start3A_648 = tpu.memref_slice %arg25[%dma_start3A_641] : memref<5x!tpu.dma_semaphore, #tpu.memory_space<semaphore_mem>> -> memref<1x!tpu.dma_semaphore, #tpu.memory_space<semaphore_mem>>
        %dma_start3A_649 = tpu.memref_squeeze %dma_start3A_648 : memref<1x!tpu.dma_semaphore, #tpu.memory_space<semaphore_mem>> -> memref<!tpu.dma_semaphore, #tpu.memory_space<semaphore_mem>>
        tpu.enqueue_indirect_dma source(%dma_start3A_647 : memref<100000x128xf32, #tpu.memory_space<hbm>>) target(%arg18 : memref<128x128xf32, #tpu.memory_space<vmem>>) offsets(%dma_start3A_644 : memref<128xi32, #tpu.memory_space<vmem>>) semaphore(%dma_start3A_649 : memref<!tpu.dma_semaphore, #tpu.memory_space<semaphore_mem>>) {add = true}
        %dma_start3A_650 = arith.constant 2 : i32
        %dma_start3A_651 = arith.constant 3 : i32
        %dma_start3A_652 = arith.constant 0 : i32
        %dma_start3A_653 = tpu.memref_slice %arg13[%dma_start3A_650, %dma_start3A_652] : memref<4x128xi32, #tpu.memory_space<vmem>> -> memref<1x128xi32, #tpu.memory_space<vmem>>
        %dma_start3A_654 = tpu.memref_squeeze %dma_start3A_653 : memref<1x128xi32, #tpu.memory_space<vmem>> -> memref<128xi32, #tpu.memory_space<vmem>>
        %dma_start3A_655 = arith.constant 0 : i32
        %dma_start3A_656 = arith.constant 0 : i32
        %dma_start3A_657 = tpu.memref_slice %arg5[%dma_start3A_655, %dma_start3A_656] : memref<100000x128xf32, #tpu.memory_space<hbm>> -> memref<100000x128xf32, #tpu.memory_space<hbm>>
        %dma_start3A_658 = tpu.memref_slice %arg25[%dma_start3A_651] : memref<5x!tpu.dma_semaphore, #tpu.memory_space<semaphore_mem>> -> memref<1x!tpu.dma_semaphore, #tpu.memory_space<semaphore_mem>>
        %dma_start3A_659 = tpu.memref_squeeze %dma_start3A_658 : memref<1x!tpu.dma_semaphore, #tpu.memory_space<semaphore_mem>> -> memref<!tpu.dma_semaphore, #tpu.memory_space<semaphore_mem>>
        tpu.enqueue_indirect_dma source(%dma_start3A_657 : memref<100000x128xf32, #tpu.memory_space<hbm>>) target(%arg18 : memref<128x128xf32, #tpu.memory_space<vmem>>) offsets(%dma_start3A_654 : memref<128xi32, #tpu.memory_space<vmem>>) semaphore(%dma_start3A_659 : memref<!tpu.dma_semaphore, #tpu.memory_space<semaphore_mem>>) {add = true}
        %dma_start3A_660 = arith.constant 3 : i32
        %dma_start3A_661 = arith.constant 3 : i32
        %dma_start3A_662 = arith.constant 0 : i32
        %dma_start3A_663 = tpu.memref_slice %arg13[%dma_start3A_660, %dma_start3A_662] : memref<4x128xi32, #tpu.memory_space<vmem>> -> memref<1x128xi32, #tpu.memory_space<vmem>>
        %dma_start3A_664 = tpu.memref_squeeze %dma_start3A_663 : memref<1x128xi32, #tpu.memory_space<vmem>> -> memref<128xi32, #tpu.memory_space<vmem>>
        %dma_start3A_665 = arith.constant 0 : i32
        %dma_start3A_666 = arith.constant 0 : i32
        %dma_start3A_667 = tpu.memref_slice %arg6[%dma_start3A_665, %dma_start3A_666] : memref<200x128xf32, #tpu.memory_space<hbm>> -> memref<200x128xf32, #tpu.memory_space<hbm>>
        %dma_start3A_668 = tpu.memref_slice %arg25[%dma_start3A_661] : memref<5x!tpu.dma_semaphore, #tpu.memory_space<semaphore_mem>> -> memref<1x!tpu.dma_semaphore, #tpu.memory_space<semaphore_mem>>
        %dma_start3A_669 = tpu.memref_squeeze %dma_start3A_668 : memref<1x!tpu.dma_semaphore, #tpu.memory_space<semaphore_mem>> -> memref<!tpu.dma_semaphore, #tpu.memory_space<semaphore_mem>>
        tpu.enqueue_indirect_dma source(%dma_start3A_667 : memref<200x128xf32, #tpu.memory_space<hbm>>) target(%arg18 : memref<128x128xf32, #tpu.memory_space<vmem>>) offsets(%dma_start3A_664 : memref<128xi32, #tpu.memory_space<vmem>>) semaphore(%dma_start3A_669 : memref<!tpu.dma_semaphore, #tpu.memory_space<semaphore_mem>>) {add = true}
      } else {
      }
      %ge3A_320 = arith.constant 3 : i32
      %ge3A_321 = arith.cmpi sge, %add3A_312, %ge3A_320 : i32
      %convert_element_type3A_322 = arith.extui %ge3A_321 : i1 to i32
      %cond3A_323 = arith.constant 0 : i32
      %cond3A_324 = arith.cmpi ne, %convert_element_type3A_322, %cond3A_323 : i32
      scf.if %cond3A_324 {
        %sub3A = arith.constant 3 : i32
        %sub3A_630 = arith.subi %add3A_312, %sub3A : i32
        %mul3A_631 = arith.constant 128 : i32
        %mul3A_632 = arith.muli %sub3A_630, %mul3A_631 : i32
        %add3A_633 = arith.addi %mul3A_4, %mul3A_632 : i32
        %dma_wait3A_634 = arith.constant 4 : i32
        %dma_wait3A_635 = arith.constant 0 : i32
        %dma_wait3A_636 = tpu.memref_slice %arg9[%add3A_633, %dma_wait3A_635] : memref<204800x128xf32, #tpu.memory_space<hbm>> -> memref<128x128xf32, #tpu.memory_space<hbm>>
        %dma_wait3A_637 = tpu.memref_slice %arg26[%dma_wait3A_634] : memref<5x!tpu.dma_semaphore, #tpu.memory_space<semaphore_mem>> -> memref<1x!tpu.dma_semaphore, #tpu.memory_space<semaphore_mem>>
        %dma_wait3A_638 = tpu.memref_squeeze %dma_wait3A_637 : memref<1x!tpu.dma_semaphore, #tpu.memory_space<semaphore_mem>> -> memref<!tpu.dma_semaphore, #tpu.memory_space<semaphore_mem>>
        %dma_wait3A_639 = arith.constant 0 : i32
        %dma_wait3A_640 = tpu.memref_slice %arg9[%add3A_633, %dma_wait3A_639] : memref<204800x128xf32, #tpu.memory_space<hbm>> -> memref<128x128xf32, #tpu.memory_space<hbm>>
        tpu.wait_dma2 semaphore(%dma_wait3A_638 : memref<!tpu.dma_semaphore, #tpu.memory_space<semaphore_mem>>) src(%arg19 : memref<128x128xf32, #tpu.memory_space<vmem>>) dst(%dma_wait3A_640 : memref<128x128xf32, #tpu.memory_space<hbm>>)
      } else {
      }
      %add3A_325 = arith.constant 2 : i32
      %add3A_326 = arith.addi %add3A_312, %add3A_325 : i32
      %lt3A_327 = arith.constant 50 : i32
      %lt3A_328 = arith.cmpi slt, %add3A_326, %lt3A_327 : i32
      %convert_element_type3A_329 = arith.extui %lt3A_328 : i1 to i32
      %cond3A_330 = arith.constant 0 : i32
      %cond3A_331 = arith.cmpi ne, %convert_element_type3A_329, %cond3A_330 : i32
      scf.if %cond3A_331 {
        %add3A_630 = arith.constant 2 : i32
        %add3A_631 = arith.addi %add3A_312, %add3A_630 : i32
        %add3A_632 = arith.addi %mul3A_2, %add3A_631 : i32
        "tpu.region"() ({
          %run_scoped3A = tpu.sem_alloc : memref<!tpu.dma_semaphore, #tpu.memory_space<semaphore_mem>>
          %dma_start3A_643 = arith.constant 0 : i32
          %dma_start3A_644 = arith.constant 0 : i32
          %dma_start3A_645 = tpu.memref_slice %arg2[%add3A_632, %dma_start3A_643, %dma_start3A_644] : memref<1600x4x128xi32, #tpu.memory_space<hbm>> -> memref<1x4x128xi32, #tpu.memory_space<hbm>>
          %dma_start3A_646 = tpu.memref_squeeze %dma_start3A_645 : memref<1x4x128xi32, #tpu.memory_space<hbm>> -> memref<4x128xi32, #tpu.memory_space<hbm>>
          %dma_start3A_647 = arith.constant 0 : i32
          %dma_start3A_648 = arith.constant 0 : i32
          %dma_start3A_649 = tpu.memref_slice %arg2[%add3A_632, %dma_start3A_647, %dma_start3A_648] : memref<1600x4x128xi32, #tpu.memory_space<hbm>> -> memref<1x4x128xi32, #tpu.memory_space<hbm>>
          %dma_start3A_650 = tpu.memref_squeeze %dma_start3A_649 : memref<1x4x128xi32, #tpu.memory_space<hbm>> -> memref<4x128xi32, #tpu.memory_space<hbm>>
          tpu.enqueue_dma source(%dma_start3A_650 : memref<4x128xi32, #tpu.memory_space<hbm>>) target(%arg14 : memref<4x128xi32, #tpu.memory_space<vmem>>) target_semaphore(%run_scoped3A : memref<!tpu.dma_semaphore, #tpu.memory_space<semaphore_mem>>)
          %dma_wait3A_651 = arith.constant 0 : i32
          %dma_wait3A_652 = arith.constant 0 : i32
          %dma_wait3A_653 = tpu.memref_slice %arg2[%add3A_632, %dma_wait3A_651, %dma_wait3A_652] : memref<1600x4x128xi32, #tpu.memory_space<hbm>> -> memref<1x4x128xi32, #tpu.memory_space<hbm>>
          %dma_wait3A_654 = tpu.memref_squeeze %dma_wait3A_653 : memref<1x4x128xi32, #tpu.memory_space<hbm>> -> memref<4x128xi32, #tpu.memory_space<hbm>>
          %dma_wait3A_655 = arith.constant 0 : i32
          %dma_wait3A_656 = arith.constant 0 : i32
          %dma_wait3A_657 = tpu.memref_slice %arg2[%add3A_632, %dma_wait3A_655, %dma_wait3A_656] : memref<1600x4x128xi32, #tpu.memory_space<hbm>> -> memref<1x4x128xi32, #tpu.memory_space<hbm>>
          %dma_wait3A_658 = tpu.memref_squeeze %dma_wait3A_657 : memref<1x4x128xi32, #tpu.memory_space<hbm>> -> memref<4x128xi32, #tpu.memory_space<hbm>>
          tpu.wait_dma2 semaphore(%run_scoped3A : memref<!tpu.dma_semaphore, #tpu.memory_space<semaphore_mem>>) src(%dma_wait3A_658 : memref<4x128xi32, #tpu.memory_space<hbm>>) dst(%arg14 : memref<4x128xi32, #tpu.memory_space<vmem>>)
          tpu.yield
        }) : () -> ()
        %dma_start3A_633 = arith.constant 0 : i32
        %dma_start3A_634 = arith.constant 4 : i32
        %dma_start3A_635 = arith.constant 0 : i32
        %dma_start3A_636 = tpu.memref_slice %arg14[%dma_start3A_633, %dma_start3A_635] : memref<4x128xi32, #tpu.memory_space<vmem>> -> memref<1x128xi32, #tpu.memory_space<vmem>>
        %dma_start3A_637 = tpu.memref_squeeze %dma_start3A_636 : memref<1x128xi32, #tpu.memory_space<vmem>> -> memref<128xi32, #tpu.memory_space<vmem>>
        %dma_start3A_638 = arith.constant 0 : i32
        %dma_start3A_639 = arith.constant 0 : i32
        %dma_start3A_640 = tpu.memref_slice %arg3[%dma_start3A_638, %dma_start3A_639] : memref<100000x128xf32, #tpu.memory_space<hbm>> -> memref<100000x128xf32, #tpu.memory_space<hbm>>
        %dma_start3A_641 = tpu.memref_slice %arg24[%dma_start3A_634] : memref<5x!tpu.dma_semaphore, #tpu.memory_space<semaphore_mem>> -> memref<1x!tpu.dma_semaphore, #tpu.memory_space<semaphore_mem>>
        %dma_start3A_642 = tpu.memref_squeeze %dma_start3A_641 : memref<1x!tpu.dma_semaphore, #tpu.memory_space<semaphore_mem>> -> memref<!tpu.dma_semaphore, #tpu.memory_space<semaphore_mem>>
        tpu.enqueue_indirect_dma source(%dma_start3A_640 : memref<100000x128xf32, #tpu.memory_space<hbm>>) target(%arg19 : memref<128x128xf32, #tpu.memory_space<vmem>>) offsets(%dma_start3A_637 : memref<128xi32, #tpu.memory_space<vmem>>) semaphore(%dma_start3A_642 : memref<!tpu.dma_semaphore, #tpu.memory_space<semaphore_mem>>)
      } else {
      }
      %dma_wait3A_332 = arith.constant 1 : i32
      %dma_wait3A_333 = arith.constant 2 : i32
      %dma_wait3A_334 = arith.constant 0 : i32
      %dma_wait3A_335 = tpu.memref_slice %arg12[%dma_wait3A_332, %dma_wait3A_334] : memref<4x128xi32, #tpu.memory_space<vmem>> -> memref<1x128xi32, #tpu.memory_space<vmem>>
      %dma_wait3A_336 = tpu.memref_squeeze %dma_wait3A_335 : memref<1x128xi32, #tpu.memory_space<vmem>> -> memref<128xi32, #tpu.memory_space<vmem>>
      %dma_wait3A_337 = arith.constant 0 : i32
      %dma_wait3A_338 = arith.constant 0 : i32
      %dma_wait3A_339 = tpu.memref_slice %arg4[%dma_wait3A_337, %dma_wait3A_338] : memref<100000x128xf32, #tpu.memory_space<hbm>> -> memref<100000x128xf32, #tpu.memory_space<hbm>>
      %dma_wait3A_340 = tpu.memref_slice %arg25[%dma_wait3A_333] : memref<5x!tpu.dma_semaphore, #tpu.memory_space<semaphore_mem>> -> memref<1x!tpu.dma_semaphore, #tpu.memory_space<semaphore_mem>>
      %dma_wait3A_341 = tpu.memref_squeeze %dma_wait3A_340 : memref<1x!tpu.dma_semaphore, #tpu.memory_space<semaphore_mem>> -> memref<!tpu.dma_semaphore, #tpu.memory_space<semaphore_mem>>
      tpu.wait_indirect_dma semaphore(%dma_wait3A_341 : memref<!tpu.dma_semaphore, #tpu.memory_space<semaphore_mem>>) src(%dma_wait3A_339 : memref<100000x128xf32, #tpu.memory_space<hbm>>) dst(%arg17 : memref<128x128xf32, #tpu.memory_space<vmem>>)
      %dma_wait3A_342 = arith.constant 2 : i32
      %dma_wait3A_343 = arith.constant 2 : i32
      %dma_wait3A_344 = arith.constant 0 : i32
      %dma_wait3A_345 = tpu.memref_slice %arg12[%dma_wait3A_342, %dma_wait3A_344] : memref<4x128xi32, #tpu.memory_space<vmem>> -> memref<1x128xi32, #tpu.memory_space<vmem>>
      %dma_wait3A_346 = tpu.memref_squeeze %dma_wait3A_345 : memref<1x128xi32, #tpu.memory_space<vmem>> -> memref<128xi32, #tpu.memory_space<vmem>>
      %dma_wait3A_347 = arith.constant 0 : i32
      %dma_wait3A_348 = arith.constant 0 : i32
      %dma_wait3A_349 = tpu.memref_slice %arg5[%dma_wait3A_347, %dma_wait3A_348] : memref<100000x128xf32, #tpu.memory_space<hbm>> -> memref<100000x128xf32, #tpu.memory_space<hbm>>
      %dma_wait3A_350 = tpu.memref_slice %arg25[%dma_wait3A_343] : memref<5x!tpu.dma_semaphore, #tpu.memory_space<semaphore_mem>> -> memref<1x!tpu.dma_semaphore, #tpu.memory_space<semaphore_mem>>
      %dma_wait3A_351 = tpu.memref_squeeze %dma_wait3A_350 : memref<1x!tpu.dma_semaphore, #tpu.memory_space<semaphore_mem>> -> memref<!tpu.dma_semaphore, #tpu.memory_space<semaphore_mem>>
      tpu.wait_indirect_dma semaphore(%dma_wait3A_351 : memref<!tpu.dma_semaphore, #tpu.memory_space<semaphore_mem>>) src(%dma_wait3A_349 : memref<100000x128xf32, #tpu.memory_space<hbm>>) dst(%arg17 : memref<128x128xf32, #tpu.memory_space<vmem>>)
      %dma_wait3A_352 = arith.constant 3 : i32
      %dma_wait3A_353 = arith.constant 2 : i32
      %dma_wait3A_354 = arith.constant 0 : i32
      %dma_wait3A_355 = tpu.memref_slice %arg12[%dma_wait3A_352, %dma_wait3A_354] : memref<4x128xi32, #tpu.memory_space<vmem>> -> memref<1x128xi32, #tpu.memory_space<vmem>>
      %dma_wait3A_356 = tpu.memref_squeeze %dma_wait3A_355 : memref<1x128xi32, #tpu.memory_space<vmem>> -> memref<128xi32, #tpu.memory_space<vmem>>
      %dma_wait3A_357 = arith.constant 0 : i32
      %dma_wait3A_358 = arith.constant 0 : i32
      %dma_wait3A_359 = tpu.memref_slice %arg6[%dma_wait3A_357, %dma_wait3A_358] : memref<200x128xf32, #tpu.memory_space<hbm>> -> memref<200x128xf32, #tpu.memory_space<hbm>>
      %dma_wait3A_360 = tpu.memref_slice %arg25[%dma_wait3A_353] : memref<5x!tpu.dma_semaphore, #tpu.memory_space<semaphore_mem>> -> memref<1x!tpu.dma_semaphore, #tpu.memory_space<semaphore_mem>>
      %dma_wait3A_361 = tpu.memref_squeeze %dma_wait3A_360 : memref<1x!tpu.dma_semaphore, #tpu.memory_space<semaphore_mem>> -> memref<!tpu.dma_semaphore, #tpu.memory_space<semaphore_mem>>
      tpu.wait_indirect_dma semaphore(%dma_wait3A_361 : memref<!tpu.dma_semaphore, #tpu.memory_space<semaphore_mem>>) src(%dma_wait3A_359 : memref<200x128xf32, #tpu.memory_space<hbm>>) dst(%arg17 : memref<128x128xf32, #tpu.memory_space<vmem>>)
      %scan3A_362 = arith.constant 0 : i32
      %scan3A_363 = arith.constant 0 : i32
      %scan3A_364 = arith.constant 8 : i32
      %scan3A_365 = arith.addi %scan3A_363, %scan3A_364 : i32
      %scan3A_366 = arith.constant 1 : i32
      scf.for %scan3A_630 = %scan3A_363 to %scan3A_365 step %scan3A_366  : i32 {
        %mul3A_631 = arith.constant 16 : i32
        %mul3A_632 = arith.muli %scan3A_630, %mul3A_631 : i32
        %add3A_633 = vector.broadcast %mul3A_632 : i32 to vector<16xi32>
        %add3A_634 = arith.addi %add3A_633, %iota3A : vector<16xi32>
        %broadcast_in_dim3A = arith.constant 0.000000e+00 : f32
        %broadcast_in_dim3A_635 = vector.broadcast %broadcast_in_dim3A : f32 to vector<16xf32>
        %scan3A_636 = arith.constant 0 : i32
        %scan3A_637 = arith.constant 128 : i32
        %scan3A_638 = arith.addi %scan3A_636, %scan3A_637 : i32
        %scan3A_639 = arith.constant 8 : i32
        %scan3A_640:2 = scf.for %scan3A_692 = %scan3A_636 to %scan3A_638 step %scan3A_639 iter_args(%scan3A_693 = %broadcast_in_dim3A_635, %scan3A_694 = %broadcast_in_dim3A_635) -> (vector<16xf32>, vector<16xf32>)  : i32 {
          %add3A_695 = vector.broadcast %scan3A_692 : i32 to vector<16xi32>
          %add3A_696 = arith.addi %iota3A, %add3A_695 : vector<16xi32>
          %and3A = arith.constant 127 : i32
          %and3A_697 = vector.broadcast %and3A : i32 to vector<16xi32>
          %and3A_698 = arith.andi %add3A_696, %and3A_697 : vector<16xi32>
          %gather3A = tpu.vector_load_idx %arg17[%add3A_634, %and3A_698] : memref<128x128xf32, #tpu.memory_space<vmem>>[vector<16xi32>, vector<16xi32>], vector<16xf32>,
          %add3A_699 = arith.addf %scan3A_693, %gather3A : vector<16xf32>
          %mul3A_700 = arith.mulf %gather3A, %gather3A : vector<16xf32>
          %add3A_701 = arith.addf %scan3A_694, %mul3A_700 : vector<16xf32>
          %scan3A_702 = arith.constant 1 : i32
          %scan3A_703 = arith.addi %scan3A_692, %scan3A_702 : i32
          %add3A_704 = vector.broadcast %scan3A_703 : i32 to vector<16xi32>
          %add3A_705 = arith.addi %iota3A, %add3A_704 : vector<16xi32>
          %and3A_706 = arith.constant 127 : i32
          %and3A_707 = vector.broadcast %and3A_706 : i32 to vector<16xi32>
          %and3A_708 = arith.andi %add3A_705, %and3A_707 : vector<16xi32>
          %gather3A_709 = tpu.vector_load_idx %arg17[%add3A_634, %and3A_708] : memref<128x128xf32, #tpu.memory_space<vmem>>[vector<16xi32>, vector<16xi32>], vector<16xf32>,
          %add3A_710 = arith.addf %add3A_699, %gather3A_709 : vector<16xf32>
          %mul3A_711 = arith.mulf %gather3A_709, %gather3A_709 : vector<16xf32>
          %add3A_712 = arith.addf %add3A_701, %mul3A_711 : vector<16xf32>
          %scan3A_713 = arith.constant 2 : i32
          %scan3A_714 = arith.addi %scan3A_692, %scan3A_713 : i32
          %add3A_715 = vector.broadcast %scan3A_714 : i32 to vector<16xi32>
          %add3A_716 = arith.addi %iota3A, %add3A_715 : vector<16xi32>
          %and3A_717 = arith.constant 127 : i32
          %and3A_718 = vector.broadcast %and3A_717 : i32 to vector<16xi32>
          %and3A_719 = arith.andi %add3A_716, %and3A_718 : vector<16xi32>
          %gather3A_720 = tpu.vector_load_idx %arg17[%add3A_634, %and3A_719] : memref<128x128xf32, #tpu.memory_space<vmem>>[vector<16xi32>, vector<16xi32>], vector<16xf32>,
          %add3A_721 = arith.addf %add3A_710, %gather3A_720 : vector<16xf32>
          %mul3A_722 = arith.mulf %gather3A_720, %gather3A_720 : vector<16xf32>
          %add3A_723 = arith.addf %add3A_712, %mul3A_722 : vector<16xf32>
          %scan3A_724 = arith.constant 3 : i32
          %scan3A_725 = arith.addi %scan3A_692, %scan3A_724 : i32
          %add3A_726 = vector.broadcast %scan3A_725 : i32 to vector<16xi32>
          %add3A_727 = arith.addi %iota3A, %add3A_726 : vector<16xi32>
          %and3A_728 = arith.constant 127 : i32
          %and3A_729 = vector.broadcast %and3A_728 : i32 to vector<16xi32>
          %and3A_730 = arith.andi %add3A_727, %and3A_729 : vector<16xi32>
          %gather3A_731 = tpu.vector_load_idx %arg17[%add3A_634, %and3A_730] : memref<128x128xf32, #tpu.memory_space<vmem>>[vector<16xi32>, vector<16xi32>], vector<16xf32>,
          %add3A_732 = arith.addf %add3A_721, %gather3A_731 : vector<16xf32>
          %mul3A_733 = arith.mulf %gather3A_731, %gather3A_731 : vector<16xf32>
          %add3A_734 = arith.addf %add3A_723, %mul3A_733 : vector<16xf32>
          %scan3A_735 = arith.constant 4 : i32
          %scan3A_736 = arith.addi %scan3A_692, %scan3A_735 : i32
          %add3A_737 = vector.broadcast %scan3A_736 : i32 to vector<16xi32>
          %add3A_738 = arith.addi %iota3A, %add3A_737 : vector<16xi32>
          %and3A_739 = arith.constant 127 : i32
          %and3A_740 = vector.broadcast %and3A_739 : i32 to vector<16xi32>
          %and3A_741 = arith.andi %add3A_738, %and3A_740 : vector<16xi32>
          %gather3A_742 = tpu.vector_load_idx %arg17[%add3A_634, %and3A_741] : memref<128x128xf32, #tpu.memory_space<vmem>>[vector<16xi32>, vector<16xi32>], vector<16xf32>,
          %add3A_743 = arith.addf %add3A_732, %gather3A_742 : vector<16xf32>
          %mul3A_744 = arith.mulf %gather3A_742, %gather3A_742 : vector<16xf32>
          %add3A_745 = arith.addf %add3A_734, %mul3A_744 : vector<16xf32>
          %scan3A_746 = arith.constant 5 : i32
          %scan3A_747 = arith.addi %scan3A_692, %scan3A_746 : i32
          %add3A_748 = vector.broadcast %scan3A_747 : i32 to vector<16xi32>
          %add3A_749 = arith.addi %iota3A, %add3A_748 : vector<16xi32>
          %and3A_750 = arith.constant 127 : i32
          %and3A_751 = vector.broadcast %and3A_750 : i32 to vector<16xi32>
          %and3A_752 = arith.andi %add3A_749, %and3A_751 : vector<16xi32>
          %gather3A_753 = tpu.vector_load_idx %arg17[%add3A_634, %and3A_752] : memref<128x128xf32, #tpu.memory_space<vmem>>[vector<16xi32>, vector<16xi32>], vector<16xf32>,
          %add3A_754 = arith.addf %add3A_743, %gather3A_753 : vector<16xf32>
          %mul3A_755 = arith.mulf %gather3A_753, %gather3A_753 : vector<16xf32>
          %add3A_756 = arith.addf %add3A_745, %mul3A_755 : vector<16xf32>
          %scan3A_757 = arith.constant 6 : i32
          %scan3A_758 = arith.addi %scan3A_692, %scan3A_757 : i32
          %add3A_759 = vector.broadcast %scan3A_758 : i32 to vector<16xi32>
          %add3A_760 = arith.addi %iota3A, %add3A_759 : vector<16xi32>
          %and3A_761 = arith.constant 127 : i32
          %and3A_762 = vector.broadcast %and3A_761 : i32 to vector<16xi32>
          %and3A_763 = arith.andi %add3A_760, %and3A_762 : vector<16xi32>
          %gather3A_764 = tpu.vector_load_idx %arg17[%add3A_634, %and3A_763] : memref<128x128xf32, #tpu.memory_space<vmem>>[vector<16xi32>, vector<16xi32>], vector<16xf32>,
          %add3A_765 = arith.addf %add3A_754, %gather3A_764 : vector<16xf32>
          %mul3A_766 = arith.mulf %gather3A_764, %gather3A_764 : vector<16xf32>
          %add3A_767 = arith.addf %add3A_756, %mul3A_766 : vector<16xf32>
          %scan3A_768 = arith.constant 7 : i32
          %scan3A_769 = arith.addi %scan3A_692, %scan3A_768 : i32
          %add3A_770 = vector.broadcast %scan3A_769 : i32 to vector<16xi32>
          %add3A_771 = arith.addi %iota3A, %add3A_770 : vector<16xi32>
          %and3A_772 = arith.constant 127 : i32
          %and3A_773 = vector.broadcast %and3A_772 : i32 to vector<16xi32>
          %and3A_774 = arith.andi %add3A_771, %and3A_773 : vector<16xi32>
          %gather3A_775 = tpu.vector_load_idx %arg17[%add3A_634, %and3A_774] : memref<128x128xf32, #tpu.memory_space<vmem>>[vector<16xi32>, vector<16xi32>], vector<16xf32>,
          %add3A_776 = arith.addf %add3A_765, %gather3A_775 : vector<16xf32>
          %mul3A_777 = arith.mulf %gather3A_775, %gather3A_775 : vector<16xf32>
          %add3A_778 = arith.addf %add3A_767, %mul3A_777 : vector<16xf32>
          scf.yield %add3A_776, %add3A_778 : vector<16xf32>, vector<16xf32>
        }
        %scan3A_641 = arith.constant 128 : i32
        %mul3A_642 = arith.constant 7.812500e-03 : f32
        %mul3A_643 = vector.broadcast %mul3A_642 : f32 to vector<16xf32>
        %mul3A_644 = arith.mulf %scan3A_640#0, %mul3A_643 : vector<16xf32>
        %mul3A_645 = arith.constant 7.812500e-03 : f32
        %mul3A_646 = vector.broadcast %mul3A_645 : f32 to vector<16xf32>
        %mul3A_647 = arith.mulf %scan3A_640#1, %mul3A_646 : vector<16xf32>
        %mul3A_648 = arith.mulf %mul3A_644, %mul3A_644 : vector<16xf32>
        %sub3A = arith.subf %mul3A_647, %mul3A_648 : vector<16xf32>
        %add3A_649 = arith.constant 9.99999974E-6 : f32
        %add3A_650 = vector.broadcast %add3A_649 : f32 to vector<16xf32>
        %add3A_651 = arith.addf %sub3A, %add3A_650 : vector<16xf32>
        %bitcast_convert_type3A = tpu.bitcast %add3A_651 : vector<16xf32> -> vector<16xi32>
        %broadcast_in_dim3A_652 = arith.constant 1597463007 : i32
        %broadcast_in_dim3A_653 = vector.broadcast %broadcast_in_dim3A_652 : i32 to vector<16xi32>
        %shift_right_arithmetic3A = arith.constant 1 : i32
        %shift_right_arithmetic3A_654 = vector.broadcast %shift_right_arithmetic3A : i32 to vector<16xi32>
        %shift_right_arithmetic3A_655 = arith.shrsi %bitcast_convert_type3A, %shift_right_arithmetic3A_654 : vector<16xi32>
        %sub3A_656 = arith.subi %broadcast_in_dim3A_653, %shift_right_arithmetic3A_655 : vector<16xi32>
        %bitcast_convert_type3A_657 = tpu.bitcast %sub3A_656 : vector<16xi32> -> vector<16xf32>
        %mul3A_658 = arith.constant 5.000000e-01 : f32
        %mul3A_659 = vector.broadcast %mul3A_658 : f32 to vector<16xf32>
        %mul3A_660 = arith.mulf %mul3A_659, %add3A_651 : vector<16xf32>
        %mul3A_661 = arith.mulf %mul3A_660, %bitcast_convert_type3A_657 : vector<16xf32>
        %mul3A_662 = arith.mulf %mul3A_661, %bitcast_convert_type3A_657 : vector<16xf32>
        %sub3A_663 = arith.constant 1.500000e+00 : f32
        %sub3A_664 = vector.broadcast %sub3A_663 : f32 to vector<16xf32>
        %sub3A_665 = arith.subf %sub3A_664, %mul3A_662 : vector<16xf32>
        %mul3A_666 = arith.mulf %bitcast_convert_type3A_657, %sub3A_665 : vector<16xf32>
        %mul3A_667 = arith.constant 5.000000e-01 : f32
        %mul3A_668 = vector.broadcast %mul3A_667 : f32 to vector<16xf32>
        %mul3A_669 = arith.mulf %mul3A_668, %add3A_651 : vector<16xf32>
        %mul3A_670 = arith.mulf %mul3A_669, %mul3A_666 : vector<16xf32>
        %mul3A_671 = arith.mulf %mul3A_670, %mul3A_666 : vector<16xf32>
        %sub3A_672 = arith.constant 1.500000e+00 : f32
        %sub3A_673 = vector.broadcast %sub3A_672 : f32 to vector<16xf32>
        %sub3A_674 = arith.subf %sub3A_673, %mul3A_671 : vector<16xf32>
        %mul3A_675 = arith.mulf %mul3A_666, %sub3A_674 : vector<16xf32>
        %mul3A_676 = arith.constant 5.000000e-01 : f32
        %mul3A_677 = vector.broadcast %mul3A_676 : f32 to vector<16xf32>
        %mul3A_678 = arith.mulf %mul3A_677, %add3A_651 : vector<16xf32>
        %mul3A_679 = arith.mulf %mul3A_678, %mul3A_675 : vector<16xf32>
        %mul3A_680 = arith.mulf %mul3A_679, %mul3A_675 : vector<16xf32>
        %sub3A_681 = arith.constant 1.500000e+00 : f32
        %sub3A_682 = vector.broadcast %sub3A_681 : f32 to vector<16xf32>
        %sub3A_683 = arith.subf %sub3A_682, %mul3A_680 : vector<16xf32>
        %mul3A_684 = arith.mulf %mul3A_675, %sub3A_683 : vector<16xf32>
        %mul3A_685 = arith.constant 16 : i32
        %mul3A_686 = arith.muli %scan3A_630, %mul3A_685 : i32
        %swap3A = arith.index_cast %mul3A_686 : i32 to index
        %swap3A_687 = tpu.vector_load %arg22[%swap3A] {strides = array<i32>} : memref<128xf32, #tpu.memory_space<vmem>>, vector<16xf32>,
        tpu.vector_store %arg22[%swap3A], %mul3A_644 {strides = array<i32>} : memref<128xf32, #tpu.memory_space<vmem>>, vector<16xf32>,
        %mul3A_688 = arith.constant 16 : i32
        %mul3A_689 = arith.muli %scan3A_630, %mul3A_688 : i32
        %swap3A_690 = arith.index_cast %mul3A_689 : i32 to index
        %swap3A_691 = tpu.vector_load %arg23[%swap3A_690] {strides = array<i32>} : memref<128xf32, #tpu.memory_space<vmem>>, vector<16xf32>,
        tpu.vector_store %arg23[%swap3A_690], %mul3A_684 {strides = array<i32>} : memref<128xf32, #tpu.memory_space<vmem>>, vector<16xf32>,
      }
      %scan3A_367 = arith.constant 8 : i32
      %get3A_368 = arith.constant 0 : index
      %get3A_369 = tpu.vector_load %arg20[%get3A_368] {strides = array<i32>} : memref<128xf32, #tpu.memory_space<vmem>>, vector<16xf32>,
      %get3A_370 = arith.constant 16 : index
      %get3A_371 = tpu.vector_load %arg20[%get3A_370] {strides = array<i32>} : memref<128xf32, #tpu.memory_space<vmem>>, vector<16xf32>,
      %get3A_372 = arith.constant 32 : index
      %get3A_373 = tpu.vector_load %arg20[%get3A_372] {strides = array<i32>} : memref<128xf32, #tpu.memory_space<vmem>>, vector<16xf32>,
      %get3A_374 = arith.constant 48 : index
      %get3A_375 = tpu.vector_load %arg20[%get3A_374] {strides = array<i32>} : memref<128xf32, #tpu.memory_space<vmem>>, vector<16xf32>,
      %get3A_376 = arith.constant 64 : index
      %get3A_377 = tpu.vector_load %arg20[%get3A_376] {strides = array<i32>} : memref<128xf32, #tpu.memory_space<vmem>>, vector<16xf32>,
      %get3A_378 = arith.constant 80 : index
      %get3A_379 = tpu.vector_load %arg20[%get3A_378] {strides = array<i32>} : memref<128xf32, #tpu.memory_space<vmem>>, vector<16xf32>,
      %get3A_380 = arith.constant 96 : index
      %get3A_381 = tpu.vector_load %arg20[%get3A_380] {strides = array<i32>} : memref<128xf32, #tpu.memory_space<vmem>>, vector<16xf32>,
      %get3A_382 = arith.constant 112 : index
      %get3A_383 = tpu.vector_load %arg20[%get3A_382] {strides = array<i32>} : memref<128xf32, #tpu.memory_space<vmem>>, vector<16xf32>,
      %get3A_384 = arith.constant 0 : index
      %get3A_385 = tpu.vector_load %arg21[%get3A_384] {strides = array<i32>} : memref<128xf32, #tpu.memory_space<vmem>>, vector<16xf32>,
      %get3A_386 = arith.constant 16 : index
      %get3A_387 = tpu.vector_load %arg21[%get3A_386] {strides = array<i32>} : memref<128xf32, #tpu.memory_space<vmem>>, vector<16xf32>,
      %get3A_388 = arith.constant 32 : index
      %get3A_389 = tpu.vector_load %arg21[%get3A_388] {strides = array<i32>} : memref<128xf32, #tpu.memory_space<vmem>>, vector<16xf32>,
      %get3A_390 = arith.constant 48 : index
      %get3A_391 = tpu.vector_load %arg21[%get3A_390] {strides = array<i32>} : memref<128xf32, #tpu.memory_space<vmem>>, vector<16xf32>,
      %get3A_392 = arith.constant 64 : index
      %get3A_393 = tpu.vector_load %arg21[%get3A_392] {strides = array<i32>} : memref<128xf32, #tpu.memory_space<vmem>>, vector<16xf32>,
      %get3A_394 = arith.constant 80 : index
      %get3A_395 = tpu.vector_load %arg21[%get3A_394] {strides = array<i32>} : memref<128xf32, #tpu.memory_space<vmem>>, vector<16xf32>,
      %get3A_396 = arith.constant 96 : index
      %get3A_397 = tpu.vector_load %arg21[%get3A_396] {strides = array<i32>} : memref<128xf32, #tpu.memory_space<vmem>>, vector<16xf32>,
      %get3A_398 = arith.constant 112 : index
      %get3A_399 = tpu.vector_load %arg21[%get3A_398] {strides = array<i32>} : memref<128xf32, #tpu.memory_space<vmem>>, vector<16xf32>,
      %scan3A_400 = arith.constant 0 : i32
      %scan3A_401 = arith.constant 0 : i32
      %scan3A_402 = arith.constant 128 : i32
      %scan3A_403 = arith.addi %scan3A_401, %scan3A_402 : i32
      %scan3A_404 = arith.constant 2 : i32
      scf.for %scan3A_630 = %scan3A_401 to %scan3A_403 step %scan3A_404  : i32 {
        %broadcast_in_dim3A = vector.broadcast %scan3A_630 : i32 to vector<16xi32>
        %gather3A = tpu.vector_load_idx %arg22[%broadcast_in_dim3A] : memref<128xf32, #tpu.memory_space<vmem>>[vector<16xi32>], vector<16xf32>,
        %gather3A_631 = tpu.vector_load_idx %arg23[%broadcast_in_dim3A] : memref<128xf32, #tpu.memory_space<vmem>>[vector<16xi32>], vector<16xf32>,
        %get3A_632 = arith.index_cast %scan3A_630 : i32 to index
        %get3A_633 = arith.constant 0 : index
        %get3A_634 = tpu.vector_load %arg17[%get3A_632, %get3A_633] {strides = array<i32>} : memref<128x128xf32, #tpu.memory_space<vmem>>, vector<16xf32>,
        %sub3A = arith.subf %get3A_634, %gather3A : vector<16xf32>
        %mul3A_635 = arith.mulf %sub3A, %gather3A_631 : vector<16xf32>
        %mul3A_636 = arith.mulf %mul3A_635, %get3A_369 : vector<16xf32>
        %add3A_637 = arith.addf %mul3A_636, %get3A_385 : vector<16xf32>
        %swap3A = arith.index_cast %scan3A_630 : i32 to index
        %swap3A_638 = arith.constant 0 : index
        %swap3A_639 = tpu.vector_load %arg17[%swap3A, %swap3A_638] {strides = array<i32>} : memref<128x128xf32, #tpu.memory_space<vmem>>, vector<16xf32>,
        tpu.vector_store %arg17[%swap3A, %swap3A_638], %add3A_637 {strides = array<i32>} : memref<128x128xf32, #tpu.memory_space<vmem>>, vector<16xf32>,
        %get3A_640 = arith.index_cast %scan3A_630 : i32 to index
        %get3A_641 = arith.constant 16 : index
        %get3A_642 = tpu.vector_load %arg17[%get3A_640, %get3A_641] {strides = array<i32>} : memref<128x128xf32, #tpu.memory_space<vmem>>, vector<16xf32>,
        %sub3A_643 = arith.subf %get3A_642, %gather3A : vector<16xf32>
        %mul3A_644 = arith.mulf %sub3A_643, %gather3A_631 : vector<16xf32>
        %mul3A_645 = arith.mulf %mul3A_644, %get3A_371 : vector<16xf32>
        %add3A_646 = arith.addf %mul3A_645, %get3A_387 : vector<16xf32>
        %swap3A_647 = arith.index_cast %scan3A_630 : i32 to index
        %swap3A_648 = arith.constant 16 : index
        %swap3A_649 = tpu.vector_load %arg17[%swap3A_647, %swap3A_648] {strides = array<i32>} : memref<128x128xf32, #tpu.memory_space<vmem>>, vector<16xf32>,
        tpu.vector_store %arg17[%swap3A_647, %swap3A_648], %add3A_646 {strides = array<i32>} : memref<128x128xf32, #tpu.memory_space<vmem>>, vector<16xf32>,
        %get3A_650 = arith.index_cast %scan3A_630 : i32 to index
        %get3A_651 = arith.constant 32 : index
        %get3A_652 = tpu.vector_load %arg17[%get3A_650, %get3A_651] {strides = array<i32>} : memref<128x128xf32, #tpu.memory_space<vmem>>, vector<16xf32>,
        %sub3A_653 = arith.subf %get3A_652, %gather3A : vector<16xf32>
        %mul3A_654 = arith.mulf %sub3A_653, %gather3A_631 : vector<16xf32>
        %mul3A_655 = arith.mulf %mul3A_654, %get3A_373 : vector<16xf32>
        %add3A_656 = arith.addf %mul3A_655, %get3A_389 : vector<16xf32>
        %swap3A_657 = arith.index_cast %scan3A_630 : i32 to index
        %swap3A_658 = arith.constant 32 : index
        %swap3A_659 = tpu.vector_load %arg17[%swap3A_657, %swap3A_658] {strides = array<i32>} : memref<128x128xf32, #tpu.memory_space<vmem>>, vector<16xf32>,
        tpu.vector_store %arg17[%swap3A_657, %swap3A_658], %add3A_656 {strides = array<i32>} : memref<128x128xf32, #tpu.memory_space<vmem>>, vector<16xf32>,
        %get3A_660 = arith.index_cast %scan3A_630 : i32 to index
        %get3A_661 = arith.constant 48 : index
        %get3A_662 = tpu.vector_load %arg17[%get3A_660, %get3A_661] {strides = array<i32>} : memref<128x128xf32, #tpu.memory_space<vmem>>, vector<16xf32>,
        %sub3A_663 = arith.subf %get3A_662, %gather3A : vector<16xf32>
        %mul3A_664 = arith.mulf %sub3A_663, %gather3A_631 : vector<16xf32>
        %mul3A_665 = arith.mulf %mul3A_664, %get3A_375 : vector<16xf32>
        %add3A_666 = arith.addf %mul3A_665, %get3A_391 : vector<16xf32>
        %swap3A_667 = arith.index_cast %scan3A_630 : i32 to index
        %swap3A_668 = arith.constant 48 : index
        %swap3A_669 = tpu.vector_load %arg17[%swap3A_667, %swap3A_668] {strides = array<i32>} : memref<128x128xf32, #tpu.memory_space<vmem>>, vector<16xf32>,
        tpu.vector_store %arg17[%swap3A_667, %swap3A_668], %add3A_666 {strides = array<i32>} : memref<128x128xf32, #tpu.memory_space<vmem>>, vector<16xf32>,
        %get3A_670 = arith.index_cast %scan3A_630 : i32 to index
        %get3A_671 = arith.constant 64 : index
        %get3A_672 = tpu.vector_load %arg17[%get3A_670, %get3A_671] {strides = array<i32>} : memref<128x128xf32, #tpu.memory_space<vmem>>, vector<16xf32>,
        %sub3A_673 = arith.subf %get3A_672, %gather3A : vector<16xf32>
        %mul3A_674 = arith.mulf %sub3A_673, %gather3A_631 : vector<16xf32>
        %mul3A_675 = arith.mulf %mul3A_674, %get3A_377 : vector<16xf32>
        %add3A_676 = arith.addf %mul3A_675, %get3A_393 : vector<16xf32>
        %swap3A_677 = arith.index_cast %scan3A_630 : i32 to index
        %swap3A_678 = arith.constant 64 : index
        %swap3A_679 = tpu.vector_load %arg17[%swap3A_677, %swap3A_678] {strides = array<i32>} : memref<128x128xf32, #tpu.memory_space<vmem>>, vector<16xf32>,
        tpu.vector_store %arg17[%swap3A_677, %swap3A_678], %add3A_676 {strides = array<i32>} : memref<128x128xf32, #tpu.memory_space<vmem>>, vector<16xf32>,
        %get3A_680 = arith.index_cast %scan3A_630 : i32 to index
        %get3A_681 = arith.constant 80 : index
        %get3A_682 = tpu.vector_load %arg17[%get3A_680, %get3A_681] {strides = array<i32>} : memref<128x128xf32, #tpu.memory_space<vmem>>, vector<16xf32>,
        %sub3A_683 = arith.subf %get3A_682, %gather3A : vector<16xf32>
        %mul3A_684 = arith.mulf %sub3A_683, %gather3A_631 : vector<16xf32>
        %mul3A_685 = arith.mulf %mul3A_684, %get3A_379 : vector<16xf32>
        %add3A_686 = arith.addf %mul3A_685, %get3A_395 : vector<16xf32>
        %swap3A_687 = arith.index_cast %scan3A_630 : i32 to index
        %swap3A_688 = arith.constant 80 : index
        %swap3A_689 = tpu.vector_load %arg17[%swap3A_687, %swap3A_688] {strides = array<i32>} : memref<128x128xf32, #tpu.memory_space<vmem>>, vector<16xf32>,
        tpu.vector_store %arg17[%swap3A_687, %swap3A_688], %add3A_686 {strides = array<i32>} : memref<128x128xf32, #tpu.memory_space<vmem>>, vector<16xf32>,
        %get3A_690 = arith.index_cast %scan3A_630 : i32 to index
        %get3A_691 = arith.constant 96 : index
        %get3A_692 = tpu.vector_load %arg17[%get3A_690, %get3A_691] {strides = array<i32>} : memref<128x128xf32, #tpu.memory_space<vmem>>, vector<16xf32>,
        %sub3A_693 = arith.subf %get3A_692, %gather3A : vector<16xf32>
        %mul3A_694 = arith.mulf %sub3A_693, %gather3A_631 : vector<16xf32>
        %mul3A_695 = arith.mulf %mul3A_694, %get3A_381 : vector<16xf32>
        %add3A_696 = arith.addf %mul3A_695, %get3A_397 : vector<16xf32>
        %swap3A_697 = arith.index_cast %scan3A_630 : i32 to index
        %swap3A_698 = arith.constant 96 : index
        %swap3A_699 = tpu.vector_load %arg17[%swap3A_697, %swap3A_698] {strides = array<i32>} : memref<128x128xf32, #tpu.memory_space<vmem>>, vector<16xf32>,
        tpu.vector_store %arg17[%swap3A_697, %swap3A_698], %add3A_696 {strides = array<i32>} : memref<128x128xf32, #tpu.memory_space<vmem>>, vector<16xf32>,
        %get3A_700 = arith.index_cast %scan3A_630 : i32 to index
        %get3A_701 = arith.constant 112 : index
        %get3A_702 = tpu.vector_load %arg17[%get3A_700, %get3A_701] {strides = array<i32>} : memref<128x128xf32, #tpu.memory_space<vmem>>, vector<16xf32>,
        %sub3A_703 = arith.subf %get3A_702, %gather3A : vector<16xf32>
        %mul3A_704 = arith.mulf %sub3A_703, %gather3A_631 : vector<16xf32>
        %mul3A_705 = arith.mulf %mul3A_704, %get3A_383 : vector<16xf32>
        %add3A_706 = arith.addf %mul3A_705, %get3A_399 : vector<16xf32>
        %swap3A_707 = arith.index_cast %scan3A_630 : i32 to index
        %swap3A_708 = arith.constant 112 : index
        %swap3A_709 = tpu.vector_load %arg17[%swap3A_707, %swap3A_708] {strides = array<i32>} : memref<128x128xf32, #tpu.memory_space<vmem>>, vector<16xf32>,
        tpu.vector_store %arg17[%swap3A_707, %swap3A_708], %add3A_706 {strides = array<i32>} : memref<128x128xf32, #tpu.memory_space<vmem>>, vector<16xf32>,
        %scan3A_710 = arith.constant 1 : i32
        %scan3A_711 = arith.addi %scan3A_630, %scan3A_710 : i32
        %broadcast_in_dim3A_712 = vector.broadcast %scan3A_711 : i32 to vector<16xi32>
        %gather3A_713 = tpu.vector_load_idx %arg22[%broadcast_in_dim3A_712] : memref<128xf32, #tpu.memory_space<vmem>>[vector<16xi32>], vector<16xf32>,
        %gather3A_714 = tpu.vector_load_idx %arg23[%broadcast_in_dim3A_712] : memref<128xf32, #tpu.memory_space<vmem>>[vector<16xi32>], vector<16xf32>,
        %get3A_715 = arith.index_cast %scan3A_711 : i32 to index
        %get3A_716 = arith.constant 0 : index
        %get3A_717 = tpu.vector_load %arg17[%get3A_715, %get3A_716] {strides = array<i32>} : memref<128x128xf32, #tpu.memory_space<vmem>>, vector<16xf32>,
        %sub3A_718 = arith.subf %get3A_717, %gather3A_713 : vector<16xf32>
        %mul3A_719 = arith.mulf %sub3A_718, %gather3A_714 : vector<16xf32>
        %mul3A_720 = arith.mulf %mul3A_719, %get3A_369 : vector<16xf32>
        %add3A_721 = arith.addf %mul3A_720, %get3A_385 : vector<16xf32>
        %swap3A_722 = arith.index_cast %scan3A_711 : i32 to index
        %swap3A_723 = arith.constant 0 : index
        %swap3A_724 = tpu.vector_load %arg17[%swap3A_722, %swap3A_723] {strides = array<i32>} : memref<128x128xf32, #tpu.memory_space<vmem>>, vector<16xf32>,
        tpu.vector_store %arg17[%swap3A_722, %swap3A_723], %add3A_721 {strides = array<i32>} : memref<128x128xf32, #tpu.memory_space<vmem>>, vector<16xf32>,
        %get3A_725 = arith.index_cast %scan3A_711 : i32 to index
        %get3A_726 = arith.constant 16 : index
        %get3A_727 = tpu.vector_load %arg17[%get3A_725, %get3A_726] {strides = array<i32>} : memref<128x128xf32, #tpu.memory_space<vmem>>, vector<16xf32>,
        %sub3A_728 = arith.subf %get3A_727, %gather3A_713 : vector<16xf32>
        %mul3A_729 = arith.mulf %sub3A_728, %gather3A_714 : vector<16xf32>
        %mul3A_730 = arith.mulf %mul3A_729, %get3A_371 : vector<16xf32>
        %add3A_731 = arith.addf %mul3A_730, %get3A_387 : vector<16xf32>
        %swap3A_732 = arith.index_cast %scan3A_711 : i32 to index
        %swap3A_733 = arith.constant 16 : index
        %swap3A_734 = tpu.vector_load %arg17[%swap3A_732, %swap3A_733] {strides = array<i32>} : memref<128x128xf32, #tpu.memory_space<vmem>>, vector<16xf32>,
        tpu.vector_store %arg17[%swap3A_732, %swap3A_733], %add3A_731 {strides = array<i32>} : memref<128x128xf32, #tpu.memory_space<vmem>>, vector<16xf32>,
        %get3A_735 = arith.index_cast %scan3A_711 : i32 to index
        %get3A_736 = arith.constant 32 : index
        %get3A_737 = tpu.vector_load %arg17[%get3A_735, %get3A_736] {strides = array<i32>} : memref<128x128xf32, #tpu.memory_space<vmem>>, vector<16xf32>,
        %sub3A_738 = arith.subf %get3A_737, %gather3A_713 : vector<16xf32>
        %mul3A_739 = arith.mulf %sub3A_738, %gather3A_714 : vector<16xf32>
        %mul3A_740 = arith.mulf %mul3A_739, %get3A_373 : vector<16xf32>
        %add3A_741 = arith.addf %mul3A_740, %get3A_389 : vector<16xf32>
        %swap3A_742 = arith.index_cast %scan3A_711 : i32 to index
        %swap3A_743 = arith.constant 32 : index
        %swap3A_744 = tpu.vector_load %arg17[%swap3A_742, %swap3A_743] {strides = array<i32>} : memref<128x128xf32, #tpu.memory_space<vmem>>, vector<16xf32>,
        tpu.vector_store %arg17[%swap3A_742, %swap3A_743], %add3A_741 {strides = array<i32>} : memref<128x128xf32, #tpu.memory_space<vmem>>, vector<16xf32>,
        %get3A_745 = arith.index_cast %scan3A_711 : i32 to index
        %get3A_746 = arith.constant 48 : index
        %get3A_747 = tpu.vector_load %arg17[%get3A_745, %get3A_746] {strides = array<i32>} : memref<128x128xf32, #tpu.memory_space<vmem>>, vector<16xf32>,
        %sub3A_748 = arith.subf %get3A_747, %gather3A_713 : vector<16xf32>
        %mul3A_749 = arith.mulf %sub3A_748, %gather3A_714 : vector<16xf32>
        %mul3A_750 = arith.mulf %mul3A_749, %get3A_375 : vector<16xf32>
        %add3A_751 = arith.addf %mul3A_750, %get3A_391 : vector<16xf32>
        %swap3A_752 = arith.index_cast %scan3A_711 : i32 to index
        %swap3A_753 = arith.constant 48 : index
        %swap3A_754 = tpu.vector_load %arg17[%swap3A_752, %swap3A_753] {strides = array<i32>} : memref<128x128xf32, #tpu.memory_space<vmem>>, vector<16xf32>,
        tpu.vector_store %arg17[%swap3A_752, %swap3A_753], %add3A_751 {strides = array<i32>} : memref<128x128xf32, #tpu.memory_space<vmem>>, vector<16xf32>,
        %get3A_755 = arith.index_cast %scan3A_711 : i32 to index
        %get3A_756 = arith.constant 64 : index
        %get3A_757 = tpu.vector_load %arg17[%get3A_755, %get3A_756] {strides = array<i32>} : memref<128x128xf32, #tpu.memory_space<vmem>>, vector<16xf32>,
        %sub3A_758 = arith.subf %get3A_757, %gather3A_713 : vector<16xf32>
        %mul3A_759 = arith.mulf %sub3A_758, %gather3A_714 : vector<16xf32>
        %mul3A_760 = arith.mulf %mul3A_759, %get3A_377 : vector<16xf32>
        %add3A_761 = arith.addf %mul3A_760, %get3A_393 : vector<16xf32>
        %swap3A_762 = arith.index_cast %scan3A_711 : i32 to index
        %swap3A_763 = arith.constant 64 : index
        %swap3A_764 = tpu.vector_load %arg17[%swap3A_762, %swap3A_763] {strides = array<i32>} : memref<128x128xf32, #tpu.memory_space<vmem>>, vector<16xf32>,
        tpu.vector_store %arg17[%swap3A_762, %swap3A_763], %add3A_761 {strides = array<i32>} : memref<128x128xf32, #tpu.memory_space<vmem>>, vector<16xf32>,
        %get3A_765 = arith.index_cast %scan3A_711 : i32 to index
        %get3A_766 = arith.constant 80 : index
        %get3A_767 = tpu.vector_load %arg17[%get3A_765, %get3A_766] {strides = array<i32>} : memref<128x128xf32, #tpu.memory_space<vmem>>, vector<16xf32>,
        %sub3A_768 = arith.subf %get3A_767, %gather3A_713 : vector<16xf32>
        %mul3A_769 = arith.mulf %sub3A_768, %gather3A_714 : vector<16xf32>
        %mul3A_770 = arith.mulf %mul3A_769, %get3A_379 : vector<16xf32>
        %add3A_771 = arith.addf %mul3A_770, %get3A_395 : vector<16xf32>
        %swap3A_772 = arith.index_cast %scan3A_711 : i32 to index
        %swap3A_773 = arith.constant 80 : index
        %swap3A_774 = tpu.vector_load %arg17[%swap3A_772, %swap3A_773] {strides = array<i32>} : memref<128x128xf32, #tpu.memory_space<vmem>>, vector<16xf32>,
        tpu.vector_store %arg17[%swap3A_772, %swap3A_773], %add3A_771 {strides = array<i32>} : memref<128x128xf32, #tpu.memory_space<vmem>>, vector<16xf32>,
        %get3A_775 = arith.index_cast %scan3A_711 : i32 to index
        %get3A_776 = arith.constant 96 : index
        %get3A_777 = tpu.vector_load %arg17[%get3A_775, %get3A_776] {strides = array<i32>} : memref<128x128xf32, #tpu.memory_space<vmem>>, vector<16xf32>,
        %sub3A_778 = arith.subf %get3A_777, %gather3A_713 : vector<16xf32>
        %mul3A_779 = arith.mulf %sub3A_778, %gather3A_714 : vector<16xf32>
        %mul3A_780 = arith.mulf %mul3A_779, %get3A_381 : vector<16xf32>
        %add3A_781 = arith.addf %mul3A_780, %get3A_397 : vector<16xf32>
        %swap3A_782 = arith.index_cast %scan3A_711 : i32 to index
        %swap3A_783 = arith.constant 96 : index
        %swap3A_784 = tpu.vector_load %arg17[%swap3A_782, %swap3A_783] {strides = array<i32>} : memref<128x128xf32, #tpu.memory_space<vmem>>, vector<16xf32>,
        tpu.vector_store %arg17[%swap3A_782, %swap3A_783], %add3A_781 {strides = array<i32>} : memref<128x128xf32, #tpu.memory_space<vmem>>, vector<16xf32>,
        %get3A_785 = arith.index_cast %scan3A_711 : i32 to index
        %get3A_786 = arith.constant 112 : index
        %get3A_787 = tpu.vector_load %arg17[%get3A_785, %get3A_786] {strides = array<i32>} : memref<128x128xf32, #tpu.memory_space<vmem>>, vector<16xf32>,
        %sub3A_788 = arith.subf %get3A_787, %gather3A_713 : vector<16xf32>
        %mul3A_789 = arith.mulf %sub3A_788, %gather3A_714 : vector<16xf32>
        %mul3A_790 = arith.mulf %mul3A_789, %get3A_383 : vector<16xf32>
        %add3A_791 = arith.addf %mul3A_790, %get3A_399 : vector<16xf32>
        %swap3A_792 = arith.index_cast %scan3A_711 : i32 to index
        %swap3A_793 = arith.constant 112 : index
        %swap3A_794 = tpu.vector_load %arg17[%swap3A_792, %swap3A_793] {strides = array<i32>} : memref<128x128xf32, #tpu.memory_space<vmem>>, vector<16xf32>,
        tpu.vector_store %arg17[%swap3A_792, %swap3A_793], %add3A_791 {strides = array<i32>} : memref<128x128xf32, #tpu.memory_space<vmem>>, vector<16xf32>,
      }
      %scan3A_405 = arith.constant 128 : i32
      %mul3A_406 = arith.constant 128 : i32
      %mul3A_407 = arith.muli %add3A_312, %mul3A_406 : i32
      %add3A_408 = arith.addi %mul3A_4, %mul3A_407 : i32
      %dma_start3A_409 = arith.constant 2 : i32
      %dma_start3A_410 = arith.constant 0 : i32
      %dma_start3A_411 = tpu.memref_slice %arg9[%add3A_408, %dma_start3A_410] : memref<204800x128xf32, #tpu.memory_space<hbm>> -> memref<128x128xf32, #tpu.memory_space<hbm>>
      %dma_start3A_412 = tpu.memref_slice %arg26[%dma_start3A_409] : memref<5x!tpu.dma_semaphore, #tpu.memory_space<semaphore_mem>> -> memref<1x!tpu.dma_semaphore, #tpu.memory_space<semaphore_mem>>
      %dma_start3A_413 = tpu.memref_squeeze %dma_start3A_412 : memref<1x!tpu.dma_semaphore, #tpu.memory_space<semaphore_mem>> -> memref<!tpu.dma_semaphore, #tpu.memory_space<semaphore_mem>>
      %dma_start3A_414 = arith.constant 0 : i32
      %dma_start3A_415 = tpu.memref_slice %arg9[%add3A_408, %dma_start3A_414] : memref<204800x128xf32, #tpu.memory_space<hbm>> -> memref<128x128xf32, #tpu.memory_space<hbm>>
      tpu.enqueue_dma source(%arg17 : memref<128x128xf32, #tpu.memory_space<vmem>>) target(%dma_start3A_415 : memref<128x128xf32, #tpu.memory_space<hbm>>) target_semaphore(%dma_start3A_413 : memref<!tpu.dma_semaphore, #tpu.memory_space<semaphore_mem>>)
      %mul3A_416 = arith.constant 5 : i32
      %mul3A_417 = arith.muli %scan3A_99, %mul3A_416 : i32
      %add3A_418 = arith.constant 3 : i32
      %add3A_419 = arith.addi %mul3A_417, %add3A_418 : i32
      %add3A_420 = arith.constant 1 : i32
      %add3A_421 = arith.addi %add3A_419, %add3A_420 : i32
      %lt3A_422 = arith.constant 50 : i32
      %lt3A_423 = arith.cmpi slt, %add3A_421, %lt3A_422 : i32
      %convert_element_type3A_424 = arith.extui %lt3A_423 : i1 to i32
      %cond3A_425 = arith.constant 0 : i32
      %cond3A_426 = arith.cmpi ne, %convert_element_type3A_424, %cond3A_425 : i32
      scf.if %cond3A_426 {
        %dma_wait3A_630 = arith.constant 0 : i32
        %dma_wait3A_631 = arith.constant 4 : i32
        %dma_wait3A_632 = arith.constant 0 : i32
        %dma_wait3A_633 = tpu.memref_slice %arg14[%dma_wait3A_630, %dma_wait3A_632] : memref<4x128xi32, #tpu.memory_space<vmem>> -> memref<1x128xi32, #tpu.memory_space<vmem>>
        %dma_wait3A_634 = tpu.memref_squeeze %dma_wait3A_633 : memref<1x128xi32, #tpu.memory_space<vmem>> -> memref<128xi32, #tpu.memory_space<vmem>>
        %dma_wait3A_635 = arith.constant 0 : i32
        %dma_wait3A_636 = arith.constant 0 : i32
        %dma_wait3A_637 = tpu.memref_slice %arg3[%dma_wait3A_635, %dma_wait3A_636] : memref<100000x128xf32, #tpu.memory_space<hbm>> -> memref<100000x128xf32, #tpu.memory_space<hbm>>
        %dma_wait3A_638 = tpu.memref_slice %arg24[%dma_wait3A_631] : memref<5x!tpu.dma_semaphore, #tpu.memory_space<semaphore_mem>> -> memref<1x!tpu.dma_semaphore, #tpu.memory_space<semaphore_mem>>
        %dma_wait3A_639 = tpu.memref_squeeze %dma_wait3A_638 : memref<1x!tpu.dma_semaphore, #tpu.memory_space<semaphore_mem>> -> memref<!tpu.dma_semaphore, #tpu.memory_space<semaphore_mem>>
        tpu.wait_indirect_dma semaphore(%dma_wait3A_639 : memref<!tpu.dma_semaphore, #tpu.memory_space<semaphore_mem>>) src(%dma_wait3A_637 : memref<100000x128xf32, #tpu.memory_space<hbm>>) dst(%arg19 : memref<128x128xf32, #tpu.memory_space<vmem>>)
        %dma_start3A_640 = arith.constant 1 : i32
        %dma_start3A_641 = arith.constant 4 : i32
        %dma_start3A_642 = arith.constant 0 : i32
        %dma_start3A_643 = tpu.memref_slice %arg14[%dma_start3A_640, %dma_start3A_642] : memref<4x128xi32, #tpu.memory_space<vmem>> -> memref<1x128xi32, #tpu.memory_space<vmem>>
        %dma_start3A_644 = tpu.memref_squeeze %dma_start3A_643 : memref<1x128xi32, #tpu.memory_space<vmem>> -> memref<128xi32, #tpu.memory_space<vmem>>
        %dma_start3A_645 = arith.constant 0 : i32
        %dma_start3A_646 = arith.constant 0 : i32
        %dma_start3A_647 = tpu.memref_slice %arg4[%dma_start3A_645, %dma_start3A_646] : memref<100000x128xf32, #tpu.memory_space<hbm>> -> memref<100000x128xf32, #tpu.memory_space<hbm>>
        %dma_start3A_648 = tpu.memref_slice %arg25[%dma_start3A_641] : memref<5x!tpu.dma_semaphore, #tpu.memory_space<semaphore_mem>> -> memref<1x!tpu.dma_semaphore, #tpu.memory_space<semaphore_mem>>
        %dma_start3A_649 = tpu.memref_squeeze %dma_start3A_648 : memref<1x!tpu.dma_semaphore, #tpu.memory_space<semaphore_mem>> -> memref<!tpu.dma_semaphore, #tpu.memory_space<semaphore_mem>>
        tpu.enqueue_indirect_dma source(%dma_start3A_647 : memref<100000x128xf32, #tpu.memory_space<hbm>>) target(%arg19 : memref<128x128xf32, #tpu.memory_space<vmem>>) offsets(%dma_start3A_644 : memref<128xi32, #tpu.memory_space<vmem>>) semaphore(%dma_start3A_649 : memref<!tpu.dma_semaphore, #tpu.memory_space<semaphore_mem>>) {add = true}
        %dma_start3A_650 = arith.constant 2 : i32
        %dma_start3A_651 = arith.constant 4 : i32
        %dma_start3A_652 = arith.constant 0 : i32
        %dma_start3A_653 = tpu.memref_slice %arg14[%dma_start3A_650, %dma_start3A_652] : memref<4x128xi32, #tpu.memory_space<vmem>> -> memref<1x128xi32, #tpu.memory_space<vmem>>
        %dma_start3A_654 = tpu.memref_squeeze %dma_start3A_653 : memref<1x128xi32, #tpu.memory_space<vmem>> -> memref<128xi32, #tpu.memory_space<vmem>>
        %dma_start3A_655 = arith.constant 0 : i32
        %dma_start3A_656 = arith.constant 0 : i32
        %dma_start3A_657 = tpu.memref_slice %arg5[%dma_start3A_655, %dma_start3A_656] : memref<100000x128xf32, #tpu.memory_space<hbm>> -> memref<100000x128xf32, #tpu.memory_space<hbm>>
        %dma_start3A_658 = tpu.memref_slice %arg25[%dma_start3A_651] : memref<5x!tpu.dma_semaphore, #tpu.memory_space<semaphore_mem>> -> memref<1x!tpu.dma_semaphore, #tpu.memory_space<semaphore_mem>>
        %dma_start3A_659 = tpu.memref_squeeze %dma_start3A_658 : memref<1x!tpu.dma_semaphore, #tpu.memory_space<semaphore_mem>> -> memref<!tpu.dma_semaphore, #tpu.memory_space<semaphore_mem>>
        tpu.enqueue_indirect_dma source(%dma_start3A_657 : memref<100000x128xf32, #tpu.memory_space<hbm>>) target(%arg19 : memref<128x128xf32, #tpu.memory_space<vmem>>) offsets(%dma_start3A_654 : memref<128xi32, #tpu.memory_space<vmem>>) semaphore(%dma_start3A_659 : memref<!tpu.dma_semaphore, #tpu.memory_space<semaphore_mem>>) {add = true}
        %dma_start3A_660 = arith.constant 3 : i32
        %dma_start3A_661 = arith.constant 4 : i32
        %dma_start3A_662 = arith.constant 0 : i32
        %dma_start3A_663 = tpu.memref_slice %arg14[%dma_start3A_660, %dma_start3A_662] : memref<4x128xi32, #tpu.memory_space<vmem>> -> memref<1x128xi32, #tpu.memory_space<vmem>>
        %dma_start3A_664 = tpu.memref_squeeze %dma_start3A_663 : memref<1x128xi32, #tpu.memory_space<vmem>> -> memref<128xi32, #tpu.memory_space<vmem>>
        %dma_start3A_665 = arith.constant 0 : i32
        %dma_start3A_666 = arith.constant 0 : i32
        %dma_start3A_667 = tpu.memref_slice %arg6[%dma_start3A_665, %dma_start3A_666] : memref<200x128xf32, #tpu.memory_space<hbm>> -> memref<200x128xf32, #tpu.memory_space<hbm>>
        %dma_start3A_668 = tpu.memref_slice %arg25[%dma_start3A_661] : memref<5x!tpu.dma_semaphore, #tpu.memory_space<semaphore_mem>> -> memref<1x!tpu.dma_semaphore, #tpu.memory_space<semaphore_mem>>
        %dma_start3A_669 = tpu.memref_squeeze %dma_start3A_668 : memref<1x!tpu.dma_semaphore, #tpu.memory_space<semaphore_mem>> -> memref<!tpu.dma_semaphore, #tpu.memory_space<semaphore_mem>>
        tpu.enqueue_indirect_dma source(%dma_start3A_667 : memref<200x128xf32, #tpu.memory_space<hbm>>) target(%arg19 : memref<128x128xf32, #tpu.memory_space<vmem>>) offsets(%dma_start3A_664 : memref<128xi32, #tpu.memory_space<vmem>>) semaphore(%dma_start3A_669 : memref<!tpu.dma_semaphore, #tpu.memory_space<semaphore_mem>>) {add = true}
      } else {
      }
      %ge3A_427 = arith.constant 3 : i32
      %ge3A_428 = arith.cmpi sge, %add3A_419, %ge3A_427 : i32
      %convert_element_type3A_429 = arith.extui %ge3A_428 : i1 to i32
      %cond3A_430 = arith.constant 0 : i32
      %cond3A_431 = arith.cmpi ne, %convert_element_type3A_429, %cond3A_430 : i32
      scf.if %cond3A_431 {
        %sub3A = arith.constant 3 : i32
        %sub3A_630 = arith.subi %add3A_419, %sub3A : i32
        %mul3A_631 = arith.constant 128 : i32
        %mul3A_632 = arith.muli %sub3A_630, %mul3A_631 : i32
        %add3A_633 = arith.addi %mul3A_4, %mul3A_632 : i32
        %dma_wait3A_634 = arith.constant 0 : i32
        %dma_wait3A_635 = arith.constant 0 : i32
        %dma_wait3A_636 = tpu.memref_slice %arg9[%add3A_633, %dma_wait3A_635] : memref<204800x128xf32, #tpu.memory_space<hbm>> -> memref<128x128xf32, #tpu.memory_space<hbm>>
        %dma_wait3A_637 = tpu.memref_slice %arg26[%dma_wait3A_634] : memref<5x!tpu.dma_semaphore, #tpu.memory_space<semaphore_mem>> -> memref<1x!tpu.dma_semaphore, #tpu.memory_space<semaphore_mem>>
        %dma_wait3A_638 = tpu.memref_squeeze %dma_wait3A_637 : memref<1x!tpu.dma_semaphore, #tpu.memory_space<semaphore_mem>> -> memref<!tpu.dma_semaphore, #tpu.memory_space<semaphore_mem>>
        %dma_wait3A_639 = arith.constant 0 : i32
        %dma_wait3A_640 = tpu.memref_slice %arg9[%add3A_633, %dma_wait3A_639] : memref<204800x128xf32, #tpu.memory_space<hbm>> -> memref<128x128xf32, #tpu.memory_space<hbm>>
        tpu.wait_dma2 semaphore(%dma_wait3A_638 : memref<!tpu.dma_semaphore, #tpu.memory_space<semaphore_mem>>) src(%arg15 : memref<128x128xf32, #tpu.memory_space<vmem>>) dst(%dma_wait3A_640 : memref<128x128xf32, #tpu.memory_space<hbm>>)
      } else {
      }
      %add3A_432 = arith.constant 2 : i32
      %add3A_433 = arith.addi %add3A_419, %add3A_432 : i32
      %lt3A_434 = arith.constant 50 : i32
      %lt3A_435 = arith.cmpi slt, %add3A_433, %lt3A_434 : i32
      %convert_element_type3A_436 = arith.extui %lt3A_435 : i1 to i32
      %cond3A_437 = arith.constant 0 : i32
      %cond3A_438 = arith.cmpi ne, %convert_element_type3A_436, %cond3A_437 : i32
      scf.if %cond3A_438 {
        %add3A_630 = arith.constant 2 : i32
        %add3A_631 = arith.addi %add3A_419, %add3A_630 : i32
        %add3A_632 = arith.addi %mul3A_2, %add3A_631 : i32
        "tpu.region"() ({
          %run_scoped3A = tpu.sem_alloc : memref<!tpu.dma_semaphore, #tpu.memory_space<semaphore_mem>>
          %dma_start3A_643 = arith.constant 0 : i32
          %dma_start3A_644 = arith.constant 0 : i32
          %dma_start3A_645 = tpu.memref_slice %arg2[%add3A_632, %dma_start3A_643, %dma_start3A_644] : memref<1600x4x128xi32, #tpu.memory_space<hbm>> -> memref<1x4x128xi32, #tpu.memory_space<hbm>>
          %dma_start3A_646 = tpu.memref_squeeze %dma_start3A_645 : memref<1x4x128xi32, #tpu.memory_space<hbm>> -> memref<4x128xi32, #tpu.memory_space<hbm>>
          %dma_start3A_647 = arith.constant 0 : i32
          %dma_start3A_648 = arith.constant 0 : i32
          %dma_start3A_649 = tpu.memref_slice %arg2[%add3A_632, %dma_start3A_647, %dma_start3A_648] : memref<1600x4x128xi32, #tpu.memory_space<hbm>> -> memref<1x4x128xi32, #tpu.memory_space<hbm>>
          %dma_start3A_650 = tpu.memref_squeeze %dma_start3A_649 : memref<1x4x128xi32, #tpu.memory_space<hbm>> -> memref<4x128xi32, #tpu.memory_space<hbm>>
          tpu.enqueue_dma source(%dma_start3A_650 : memref<4x128xi32, #tpu.memory_space<hbm>>) target(%arg10 : memref<4x128xi32, #tpu.memory_space<vmem>>) target_semaphore(%run_scoped3A : memref<!tpu.dma_semaphore, #tpu.memory_space<semaphore_mem>>)
          %dma_wait3A_651 = arith.constant 0 : i32
          %dma_wait3A_652 = arith.constant 0 : i32
          %dma_wait3A_653 = tpu.memref_slice %arg2[%add3A_632, %dma_wait3A_651, %dma_wait3A_652] : memref<1600x4x128xi32, #tpu.memory_space<hbm>> -> memref<1x4x128xi32, #tpu.memory_space<hbm>>
          %dma_wait3A_654 = tpu.memref_squeeze %dma_wait3A_653 : memref<1x4x128xi32, #tpu.memory_space<hbm>> -> memref<4x128xi32, #tpu.memory_space<hbm>>
          %dma_wait3A_655 = arith.constant 0 : i32
          %dma_wait3A_656 = arith.constant 0 : i32
          %dma_wait3A_657 = tpu.memref_slice %arg2[%add3A_632, %dma_wait3A_655, %dma_wait3A_656] : memref<1600x4x128xi32, #tpu.memory_space<hbm>> -> memref<1x4x128xi32, #tpu.memory_space<hbm>>
          %dma_wait3A_658 = tpu.memref_squeeze %dma_wait3A_657 : memref<1x4x128xi32, #tpu.memory_space<hbm>> -> memref<4x128xi32, #tpu.memory_space<hbm>>
          tpu.wait_dma2 semaphore(%run_scoped3A : memref<!tpu.dma_semaphore, #tpu.memory_space<semaphore_mem>>) src(%dma_wait3A_658 : memref<4x128xi32, #tpu.memory_space<hbm>>) dst(%arg10 : memref<4x128xi32, #tpu.memory_space<vmem>>)
          tpu.yield
        }) : () -> ()
        %dma_start3A_633 = arith.constant 0 : i32
        %dma_start3A_634 = arith.constant 0 : i32
        %dma_start3A_635 = arith.constant 0 : i32
        %dma_start3A_636 = tpu.memref_slice %arg10[%dma_start3A_633, %dma_start3A_635] : memref<4x128xi32, #tpu.memory_space<vmem>> -> memref<1x128xi32, #tpu.memory_space<vmem>>
        %dma_start3A_637 = tpu.memref_squeeze %dma_start3A_636 : memref<1x128xi32, #tpu.memory_space<vmem>> -> memref<128xi32, #tpu.memory_space<vmem>>
        %dma_start3A_638 = arith.constant 0 : i32
        %dma_start3A_639 = arith.constant 0 : i32
        %dma_start3A_640 = tpu.memref_slice %arg3[%dma_start3A_638, %dma_start3A_639] : memref<100000x128xf32, #tpu.memory_space<hbm>> -> memref<100000x128xf32, #tpu.memory_space<hbm>>
        %dma_start3A_641 = tpu.memref_slice %arg24[%dma_start3A_634] : memref<5x!tpu.dma_semaphore, #tpu.memory_space<semaphore_mem>> -> memref<1x!tpu.dma_semaphore, #tpu.memory_space<semaphore_mem>>
        %dma_start3A_642 = tpu.memref_squeeze %dma_start3A_641 : memref<1x!tpu.dma_semaphore, #tpu.memory_space<semaphore_mem>> -> memref<!tpu.dma_semaphore, #tpu.memory_space<semaphore_mem>>
        tpu.enqueue_indirect_dma source(%dma_start3A_640 : memref<100000x128xf32, #tpu.memory_space<hbm>>) target(%arg15 : memref<128x128xf32, #tpu.memory_space<vmem>>) offsets(%dma_start3A_637 : memref<128xi32, #tpu.memory_space<vmem>>) semaphore(%dma_start3A_642 : memref<!tpu.dma_semaphore, #tpu.memory_space<semaphore_mem>>)
      } else {
      }
      %dma_wait3A_439 = arith.constant 1 : i32
      %dma_wait3A_440 = arith.constant 3 : i32
      %dma_wait3A_441 = arith.constant 0 : i32
      %dma_wait3A_442 = tpu.memref_slice %arg13[%dma_wait3A_439, %dma_wait3A_441] : memref<4x128xi32, #tpu.memory_space<vmem>> -> memref<1x128xi32, #tpu.memory_space<vmem>>
      %dma_wait3A_443 = tpu.memref_squeeze %dma_wait3A_442 : memref<1x128xi32, #tpu.memory_space<vmem>> -> memref<128xi32, #tpu.memory_space<vmem>>
      %dma_wait3A_444 = arith.constant 0 : i32
      %dma_wait3A_445 = arith.constant 0 : i32
      %dma_wait3A_446 = tpu.memref_slice %arg4[%dma_wait3A_444, %dma_wait3A_445] : memref<100000x128xf32, #tpu.memory_space<hbm>> -> memref<100000x128xf32, #tpu.memory_space<hbm>>
      %dma_wait3A_447 = tpu.memref_slice %arg25[%dma_wait3A_440] : memref<5x!tpu.dma_semaphore, #tpu.memory_space<semaphore_mem>> -> memref<1x!tpu.dma_semaphore, #tpu.memory_space<semaphore_mem>>
      %dma_wait3A_448 = tpu.memref_squeeze %dma_wait3A_447 : memref<1x!tpu.dma_semaphore, #tpu.memory_space<semaphore_mem>> -> memref<!tpu.dma_semaphore, #tpu.memory_space<semaphore_mem>>
      tpu.wait_indirect_dma semaphore(%dma_wait3A_448 : memref<!tpu.dma_semaphore, #tpu.memory_space<semaphore_mem>>) src(%dma_wait3A_446 : memref<100000x128xf32, #tpu.memory_space<hbm>>) dst(%arg18 : memref<128x128xf32, #tpu.memory_space<vmem>>)
      %dma_wait3A_449 = arith.constant 2 : i32
      %dma_wait3A_450 = arith.constant 3 : i32
      %dma_wait3A_451 = arith.constant 0 : i32
      %dma_wait3A_452 = tpu.memref_slice %arg13[%dma_wait3A_449, %dma_wait3A_451] : memref<4x128xi32, #tpu.memory_space<vmem>> -> memref<1x128xi32, #tpu.memory_space<vmem>>
      %dma_wait3A_453 = tpu.memref_squeeze %dma_wait3A_452 : memref<1x128xi32, #tpu.memory_space<vmem>> -> memref<128xi32, #tpu.memory_space<vmem>>
      %dma_wait3A_454 = arith.constant 0 : i32
      %dma_wait3A_455 = arith.constant 0 : i32
      %dma_wait3A_456 = tpu.memref_slice %arg5[%dma_wait3A_454, %dma_wait3A_455] : memref<100000x128xf32, #tpu.memory_space<hbm>> -> memref<100000x128xf32, #tpu.memory_space<hbm>>
      %dma_wait3A_457 = tpu.memref_slice %arg25[%dma_wait3A_450] : memref<5x!tpu.dma_semaphore, #tpu.memory_space<semaphore_mem>> -> memref<1x!tpu.dma_semaphore, #tpu.memory_space<semaphore_mem>>
      %dma_wait3A_458 = tpu.memref_squeeze %dma_wait3A_457 : memref<1x!tpu.dma_semaphore, #tpu.memory_space<semaphore_mem>> -> memref<!tpu.dma_semaphore, #tpu.memory_space<semaphore_mem>>
      tpu.wait_indirect_dma semaphore(%dma_wait3A_458 : memref<!tpu.dma_semaphore, #tpu.memory_space<semaphore_mem>>) src(%dma_wait3A_456 : memref<100000x128xf32, #tpu.memory_space<hbm>>) dst(%arg18 : memref<128x128xf32, #tpu.memory_space<vmem>>)
      %dma_wait3A_459 = arith.constant 3 : i32
      %dma_wait3A_460 = arith.constant 3 : i32
      %dma_wait3A_461 = arith.constant 0 : i32
      %dma_wait3A_462 = tpu.memref_slice %arg13[%dma_wait3A_459, %dma_wait3A_461] : memref<4x128xi32, #tpu.memory_space<vmem>> -> memref<1x128xi32, #tpu.memory_space<vmem>>
      %dma_wait3A_463 = tpu.memref_squeeze %dma_wait3A_462 : memref<1x128xi32, #tpu.memory_space<vmem>> -> memref<128xi32, #tpu.memory_space<vmem>>
      %dma_wait3A_464 = arith.constant 0 : i32
      %dma_wait3A_465 = arith.constant 0 : i32
      %dma_wait3A_466 = tpu.memref_slice %arg6[%dma_wait3A_464, %dma_wait3A_465] : memref<200x128xf32, #tpu.memory_space<hbm>> -> memref<200x128xf32, #tpu.memory_space<hbm>>
      %dma_wait3A_467 = tpu.memref_slice %arg25[%dma_wait3A_460] : memref<5x!tpu.dma_semaphore, #tpu.memory_space<semaphore_mem>> -> memref<1x!tpu.dma_semaphore, #tpu.memory_space<semaphore_mem>>
      %dma_wait3A_468 = tpu.memref_squeeze %dma_wait3A_467 : memref<1x!tpu.dma_semaphore, #tpu.memory_space<semaphore_mem>> -> memref<!tpu.dma_semaphore, #tpu.memory_space<semaphore_mem>>
      tpu.wait_indirect_dma semaphore(%dma_wait3A_468 : memref<!tpu.dma_semaphore, #tpu.memory_space<semaphore_mem>>) src(%dma_wait3A_466 : memref<200x128xf32, #tpu.memory_space<hbm>>) dst(%arg18 : memref<128x128xf32, #tpu.memory_space<vmem>>)
      %scan3A_469 = arith.constant 0 : i32
      %scan3A_470 = arith.constant 0 : i32
      %scan3A_471 = arith.constant 8 : i32
      %scan3A_472 = arith.addi %scan3A_470, %scan3A_471 : i32
      %scan3A_473 = arith.constant 1 : i32
      scf.for %scan3A_630 = %scan3A_470 to %scan3A_472 step %scan3A_473  : i32 {
        %mul3A_631 = arith.constant 16 : i32
        %mul3A_632 = arith.muli %scan3A_630, %mul3A_631 : i32
        %add3A_633 = vector.broadcast %mul3A_632 : i32 to vector<16xi32>
        %add3A_634 = arith.addi %add3A_633, %iota3A : vector<16xi32>
        %broadcast_in_dim3A = arith.constant 0.000000e+00 : f32
        %broadcast_in_dim3A_635 = vector.broadcast %broadcast_in_dim3A : f32 to vector<16xf32>
        %scan3A_636 = arith.constant 0 : i32
        %scan3A_637 = arith.constant 128 : i32
        %scan3A_638 = arith.addi %scan3A_636, %scan3A_637 : i32
        %scan3A_639 = arith.constant 8 : i32
        %scan3A_640:2 = scf.for %scan3A_692 = %scan3A_636 to %scan3A_638 step %scan3A_639 iter_args(%scan3A_693 = %broadcast_in_dim3A_635, %scan3A_694 = %broadcast_in_dim3A_635) -> (vector<16xf32>, vector<16xf32>)  : i32 {
          %add3A_695 = vector.broadcast %scan3A_692 : i32 to vector<16xi32>
          %add3A_696 = arith.addi %iota3A, %add3A_695 : vector<16xi32>
          %and3A = arith.constant 127 : i32
          %and3A_697 = vector.broadcast %and3A : i32 to vector<16xi32>
          %and3A_698 = arith.andi %add3A_696, %and3A_697 : vector<16xi32>
          %gather3A = tpu.vector_load_idx %arg18[%add3A_634, %and3A_698] : memref<128x128xf32, #tpu.memory_space<vmem>>[vector<16xi32>, vector<16xi32>], vector<16xf32>,
          %add3A_699 = arith.addf %scan3A_693, %gather3A : vector<16xf32>
          %mul3A_700 = arith.mulf %gather3A, %gather3A : vector<16xf32>
          %add3A_701 = arith.addf %scan3A_694, %mul3A_700 : vector<16xf32>
          %scan3A_702 = arith.constant 1 : i32
          %scan3A_703 = arith.addi %scan3A_692, %scan3A_702 : i32
          %add3A_704 = vector.broadcast %scan3A_703 : i32 to vector<16xi32>
          %add3A_705 = arith.addi %iota3A, %add3A_704 : vector<16xi32>
          %and3A_706 = arith.constant 127 : i32
          %and3A_707 = vector.broadcast %and3A_706 : i32 to vector<16xi32>
          %and3A_708 = arith.andi %add3A_705, %and3A_707 : vector<16xi32>
          %gather3A_709 = tpu.vector_load_idx %arg18[%add3A_634, %and3A_708] : memref<128x128xf32, #tpu.memory_space<vmem>>[vector<16xi32>, vector<16xi32>], vector<16xf32>,
          %add3A_710 = arith.addf %add3A_699, %gather3A_709 : vector<16xf32>
          %mul3A_711 = arith.mulf %gather3A_709, %gather3A_709 : vector<16xf32>
          %add3A_712 = arith.addf %add3A_701, %mul3A_711 : vector<16xf32>
          %scan3A_713 = arith.constant 2 : i32
          %scan3A_714 = arith.addi %scan3A_692, %scan3A_713 : i32
          %add3A_715 = vector.broadcast %scan3A_714 : i32 to vector<16xi32>
          %add3A_716 = arith.addi %iota3A, %add3A_715 : vector<16xi32>
          %and3A_717 = arith.constant 127 : i32
          %and3A_718 = vector.broadcast %and3A_717 : i32 to vector<16xi32>
          %and3A_719 = arith.andi %add3A_716, %and3A_718 : vector<16xi32>
          %gather3A_720 = tpu.vector_load_idx %arg18[%add3A_634, %and3A_719] : memref<128x128xf32, #tpu.memory_space<vmem>>[vector<16xi32>, vector<16xi32>], vector<16xf32>,
          %add3A_721 = arith.addf %add3A_710, %gather3A_720 : vector<16xf32>
          %mul3A_722 = arith.mulf %gather3A_720, %gather3A_720 : vector<16xf32>
          %add3A_723 = arith.addf %add3A_712, %mul3A_722 : vector<16xf32>
          %scan3A_724 = arith.constant 3 : i32
          %scan3A_725 = arith.addi %scan3A_692, %scan3A_724 : i32
          %add3A_726 = vector.broadcast %scan3A_725 : i32 to vector<16xi32>
          %add3A_727 = arith.addi %iota3A, %add3A_726 : vector<16xi32>
          %and3A_728 = arith.constant 127 : i32
          %and3A_729 = vector.broadcast %and3A_728 : i32 to vector<16xi32>
          %and3A_730 = arith.andi %add3A_727, %and3A_729 : vector<16xi32>
          %gather3A_731 = tpu.vector_load_idx %arg18[%add3A_634, %and3A_730] : memref<128x128xf32, #tpu.memory_space<vmem>>[vector<16xi32>, vector<16xi32>], vector<16xf32>,
          %add3A_732 = arith.addf %add3A_721, %gather3A_731 : vector<16xf32>
          %mul3A_733 = arith.mulf %gather3A_731, %gather3A_731 : vector<16xf32>
          %add3A_734 = arith.addf %add3A_723, %mul3A_733 : vector<16xf32>
          %scan3A_735 = arith.constant 4 : i32
          %scan3A_736 = arith.addi %scan3A_692, %scan3A_735 : i32
          %add3A_737 = vector.broadcast %scan3A_736 : i32 to vector<16xi32>
          %add3A_738 = arith.addi %iota3A, %add3A_737 : vector<16xi32>
          %and3A_739 = arith.constant 127 : i32
          %and3A_740 = vector.broadcast %and3A_739 : i32 to vector<16xi32>
          %and3A_741 = arith.andi %add3A_738, %and3A_740 : vector<16xi32>
          %gather3A_742 = tpu.vector_load_idx %arg18[%add3A_634, %and3A_741] : memref<128x128xf32, #tpu.memory_space<vmem>>[vector<16xi32>, vector<16xi32>], vector<16xf32>,
          %add3A_743 = arith.addf %add3A_732, %gather3A_742 : vector<16xf32>
          %mul3A_744 = arith.mulf %gather3A_742, %gather3A_742 : vector<16xf32>
          %add3A_745 = arith.addf %add3A_734, %mul3A_744 : vector<16xf32>
          %scan3A_746 = arith.constant 5 : i32
          %scan3A_747 = arith.addi %scan3A_692, %scan3A_746 : i32
          %add3A_748 = vector.broadcast %scan3A_747 : i32 to vector<16xi32>
          %add3A_749 = arith.addi %iota3A, %add3A_748 : vector<16xi32>
          %and3A_750 = arith.constant 127 : i32
          %and3A_751 = vector.broadcast %and3A_750 : i32 to vector<16xi32>
          %and3A_752 = arith.andi %add3A_749, %and3A_751 : vector<16xi32>
          %gather3A_753 = tpu.vector_load_idx %arg18[%add3A_634, %and3A_752] : memref<128x128xf32, #tpu.memory_space<vmem>>[vector<16xi32>, vector<16xi32>], vector<16xf32>,
          %add3A_754 = arith.addf %add3A_743, %gather3A_753 : vector<16xf32>
          %mul3A_755 = arith.mulf %gather3A_753, %gather3A_753 : vector<16xf32>
          %add3A_756 = arith.addf %add3A_745, %mul3A_755 : vector<16xf32>
          %scan3A_757 = arith.constant 6 : i32
          %scan3A_758 = arith.addi %scan3A_692, %scan3A_757 : i32
          %add3A_759 = vector.broadcast %scan3A_758 : i32 to vector<16xi32>
          %add3A_760 = arith.addi %iota3A, %add3A_759 : vector<16xi32>
          %and3A_761 = arith.constant 127 : i32
          %and3A_762 = vector.broadcast %and3A_761 : i32 to vector<16xi32>
          %and3A_763 = arith.andi %add3A_760, %and3A_762 : vector<16xi32>
          %gather3A_764 = tpu.vector_load_idx %arg18[%add3A_634, %and3A_763] : memref<128x128xf32, #tpu.memory_space<vmem>>[vector<16xi32>, vector<16xi32>], vector<16xf32>,
          %add3A_765 = arith.addf %add3A_754, %gather3A_764 : vector<16xf32>
          %mul3A_766 = arith.mulf %gather3A_764, %gather3A_764 : vector<16xf32>
          %add3A_767 = arith.addf %add3A_756, %mul3A_766 : vector<16xf32>
          %scan3A_768 = arith.constant 7 : i32
          %scan3A_769 = arith.addi %scan3A_692, %scan3A_768 : i32
          %add3A_770 = vector.broadcast %scan3A_769 : i32 to vector<16xi32>
          %add3A_771 = arith.addi %iota3A, %add3A_770 : vector<16xi32>
          %and3A_772 = arith.constant 127 : i32
          %and3A_773 = vector.broadcast %and3A_772 : i32 to vector<16xi32>
          %and3A_774 = arith.andi %add3A_771, %and3A_773 : vector<16xi32>
          %gather3A_775 = tpu.vector_load_idx %arg18[%add3A_634, %and3A_774] : memref<128x128xf32, #tpu.memory_space<vmem>>[vector<16xi32>, vector<16xi32>], vector<16xf32>,
          %add3A_776 = arith.addf %add3A_765, %gather3A_775 : vector<16xf32>
          %mul3A_777 = arith.mulf %gather3A_775, %gather3A_775 : vector<16xf32>
          %add3A_778 = arith.addf %add3A_767, %mul3A_777 : vector<16xf32>
          scf.yield %add3A_776, %add3A_778 : vector<16xf32>, vector<16xf32>
        }
        %scan3A_641 = arith.constant 128 : i32
        %mul3A_642 = arith.constant 7.812500e-03 : f32
        %mul3A_643 = vector.broadcast %mul3A_642 : f32 to vector<16xf32>
        %mul3A_644 = arith.mulf %scan3A_640#0, %mul3A_643 : vector<16xf32>
        %mul3A_645 = arith.constant 7.812500e-03 : f32
        %mul3A_646 = vector.broadcast %mul3A_645 : f32 to vector<16xf32>
        %mul3A_647 = arith.mulf %scan3A_640#1, %mul3A_646 : vector<16xf32>
        %mul3A_648 = arith.mulf %mul3A_644, %mul3A_644 : vector<16xf32>
        %sub3A = arith.subf %mul3A_647, %mul3A_648 : vector<16xf32>
        %add3A_649 = arith.constant 9.99999974E-6 : f32
        %add3A_650 = vector.broadcast %add3A_649 : f32 to vector<16xf32>
        %add3A_651 = arith.addf %sub3A, %add3A_650 : vector<16xf32>
        %bitcast_convert_type3A = tpu.bitcast %add3A_651 : vector<16xf32> -> vector<16xi32>
        %broadcast_in_dim3A_652 = arith.constant 1597463007 : i32
        %broadcast_in_dim3A_653 = vector.broadcast %broadcast_in_dim3A_652 : i32 to vector<16xi32>
        %shift_right_arithmetic3A = arith.constant 1 : i32
        %shift_right_arithmetic3A_654 = vector.broadcast %shift_right_arithmetic3A : i32 to vector<16xi32>
        %shift_right_arithmetic3A_655 = arith.shrsi %bitcast_convert_type3A, %shift_right_arithmetic3A_654 : vector<16xi32>
        %sub3A_656 = arith.subi %broadcast_in_dim3A_653, %shift_right_arithmetic3A_655 : vector<16xi32>
        %bitcast_convert_type3A_657 = tpu.bitcast %sub3A_656 : vector<16xi32> -> vector<16xf32>
        %mul3A_658 = arith.constant 5.000000e-01 : f32
        %mul3A_659 = vector.broadcast %mul3A_658 : f32 to vector<16xf32>
        %mul3A_660 = arith.mulf %mul3A_659, %add3A_651 : vector<16xf32>
        %mul3A_661 = arith.mulf %mul3A_660, %bitcast_convert_type3A_657 : vector<16xf32>
        %mul3A_662 = arith.mulf %mul3A_661, %bitcast_convert_type3A_657 : vector<16xf32>
        %sub3A_663 = arith.constant 1.500000e+00 : f32
        %sub3A_664 = vector.broadcast %sub3A_663 : f32 to vector<16xf32>
        %sub3A_665 = arith.subf %sub3A_664, %mul3A_662 : vector<16xf32>
        %mul3A_666 = arith.mulf %bitcast_convert_type3A_657, %sub3A_665 : vector<16xf32>
        %mul3A_667 = arith.constant 5.000000e-01 : f32
        %mul3A_668 = vector.broadcast %mul3A_667 : f32 to vector<16xf32>
        %mul3A_669 = arith.mulf %mul3A_668, %add3A_651 : vector<16xf32>
        %mul3A_670 = arith.mulf %mul3A_669, %mul3A_666 : vector<16xf32>
        %mul3A_671 = arith.mulf %mul3A_670, %mul3A_666 : vector<16xf32>
        %sub3A_672 = arith.constant 1.500000e+00 : f32
        %sub3A_673 = vector.broadcast %sub3A_672 : f32 to vector<16xf32>
        %sub3A_674 = arith.subf %sub3A_673, %mul3A_671 : vector<16xf32>
        %mul3A_675 = arith.mulf %mul3A_666, %sub3A_674 : vector<16xf32>
        %mul3A_676 = arith.constant 5.000000e-01 : f32
        %mul3A_677 = vector.broadcast %mul3A_676 : f32 to vector<16xf32>
        %mul3A_678 = arith.mulf %mul3A_677, %add3A_651 : vector<16xf32>
        %mul3A_679 = arith.mulf %mul3A_678, %mul3A_675 : vector<16xf32>
        %mul3A_680 = arith.mulf %mul3A_679, %mul3A_675 : vector<16xf32>
        %sub3A_681 = arith.constant 1.500000e+00 : f32
        %sub3A_682 = vector.broadcast %sub3A_681 : f32 to vector<16xf32>
        %sub3A_683 = arith.subf %sub3A_682, %mul3A_680 : vector<16xf32>
        %mul3A_684 = arith.mulf %mul3A_675, %sub3A_683 : vector<16xf32>
        %mul3A_685 = arith.constant 16 : i32
        %mul3A_686 = arith.muli %scan3A_630, %mul3A_685 : i32
        %swap3A = arith.index_cast %mul3A_686 : i32 to index
        %swap3A_687 = tpu.vector_load %arg22[%swap3A] {strides = array<i32>} : memref<128xf32, #tpu.memory_space<vmem>>, vector<16xf32>,
        tpu.vector_store %arg22[%swap3A], %mul3A_644 {strides = array<i32>} : memref<128xf32, #tpu.memory_space<vmem>>, vector<16xf32>,
        %mul3A_688 = arith.constant 16 : i32
        %mul3A_689 = arith.muli %scan3A_630, %mul3A_688 : i32
        %swap3A_690 = arith.index_cast %mul3A_689 : i32 to index
        %swap3A_691 = tpu.vector_load %arg23[%swap3A_690] {strides = array<i32>} : memref<128xf32, #tpu.memory_space<vmem>>, vector<16xf32>,
        tpu.vector_store %arg23[%swap3A_690], %mul3A_684 {strides = array<i32>} : memref<128xf32, #tpu.memory_space<vmem>>, vector<16xf32>,
      }
      %scan3A_474 = arith.constant 8 : i32
      %get3A_475 = arith.constant 0 : index
      %get3A_476 = tpu.vector_load %arg20[%get3A_475] {strides = array<i32>} : memref<128xf32, #tpu.memory_space<vmem>>, vector<16xf32>,
      %get3A_477 = arith.constant 16 : index
      %get3A_478 = tpu.vector_load %arg20[%get3A_477] {strides = array<i32>} : memref<128xf32, #tpu.memory_space<vmem>>, vector<16xf32>,
      %get3A_479 = arith.constant 32 : index
      %get3A_480 = tpu.vector_load %arg20[%get3A_479] {strides = array<i32>} : memref<128xf32, #tpu.memory_space<vmem>>, vector<16xf32>,
      %get3A_481 = arith.constant 48 : index
      %get3A_482 = tpu.vector_load %arg20[%get3A_481] {strides = array<i32>} : memref<128xf32, #tpu.memory_space<vmem>>, vector<16xf32>,
      %get3A_483 = arith.constant 64 : index
      %get3A_484 = tpu.vector_load %arg20[%get3A_483] {strides = array<i32>} : memref<128xf32, #tpu.memory_space<vmem>>, vector<16xf32>,
      %get3A_485 = arith.constant 80 : index
      %get3A_486 = tpu.vector_load %arg20[%get3A_485] {strides = array<i32>} : memref<128xf32, #tpu.memory_space<vmem>>, vector<16xf32>,
      %get3A_487 = arith.constant 96 : index
      %get3A_488 = tpu.vector_load %arg20[%get3A_487] {strides = array<i32>} : memref<128xf32, #tpu.memory_space<vmem>>, vector<16xf32>,
      %get3A_489 = arith.constant 112 : index
      %get3A_490 = tpu.vector_load %arg20[%get3A_489] {strides = array<i32>} : memref<128xf32, #tpu.memory_space<vmem>>, vector<16xf32>,
      %get3A_491 = arith.constant 0 : index
      %get3A_492 = tpu.vector_load %arg21[%get3A_491] {strides = array<i32>} : memref<128xf32, #tpu.memory_space<vmem>>, vector<16xf32>,
      %get3A_493 = arith.constant 16 : index
      %get3A_494 = tpu.vector_load %arg21[%get3A_493] {strides = array<i32>} : memref<128xf32, #tpu.memory_space<vmem>>, vector<16xf32>,
      %get3A_495 = arith.constant 32 : index
      %get3A_496 = tpu.vector_load %arg21[%get3A_495] {strides = array<i32>} : memref<128xf32, #tpu.memory_space<vmem>>, vector<16xf32>,
      %get3A_497 = arith.constant 48 : index
      %get3A_498 = tpu.vector_load %arg21[%get3A_497] {strides = array<i32>} : memref<128xf32, #tpu.memory_space<vmem>>, vector<16xf32>,
      %get3A_499 = arith.constant 64 : index
      %get3A_500 = tpu.vector_load %arg21[%get3A_499] {strides = array<i32>} : memref<128xf32, #tpu.memory_space<vmem>>, vector<16xf32>,
      %get3A_501 = arith.constant 80 : index
      %get3A_502 = tpu.vector_load %arg21[%get3A_501] {strides = array<i32>} : memref<128xf32, #tpu.memory_space<vmem>>, vector<16xf32>,
      %get3A_503 = arith.constant 96 : index
      %get3A_504 = tpu.vector_load %arg21[%get3A_503] {strides = array<i32>} : memref<128xf32, #tpu.memory_space<vmem>>, vector<16xf32>,
      %get3A_505 = arith.constant 112 : index
      %get3A_506 = tpu.vector_load %arg21[%get3A_505] {strides = array<i32>} : memref<128xf32, #tpu.memory_space<vmem>>, vector<16xf32>,
      %scan3A_507 = arith.constant 0 : i32
      %scan3A_508 = arith.constant 0 : i32
      %scan3A_509 = arith.constant 128 : i32
      %scan3A_510 = arith.addi %scan3A_508, %scan3A_509 : i32
      %scan3A_511 = arith.constant 2 : i32
      scf.for %scan3A_630 = %scan3A_508 to %scan3A_510 step %scan3A_511  : i32 {
        %broadcast_in_dim3A = vector.broadcast %scan3A_630 : i32 to vector<16xi32>
        %gather3A = tpu.vector_load_idx %arg22[%broadcast_in_dim3A] : memref<128xf32, #tpu.memory_space<vmem>>[vector<16xi32>], vector<16xf32>,
        %gather3A_631 = tpu.vector_load_idx %arg23[%broadcast_in_dim3A] : memref<128xf32, #tpu.memory_space<vmem>>[vector<16xi32>], vector<16xf32>,
        %get3A_632 = arith.index_cast %scan3A_630 : i32 to index
        %get3A_633 = arith.constant 0 : index
        %get3A_634 = tpu.vector_load %arg18[%get3A_632, %get3A_633] {strides = array<i32>} : memref<128x128xf32, #tpu.memory_space<vmem>>, vector<16xf32>,
        %sub3A = arith.subf %get3A_634, %gather3A : vector<16xf32>
        %mul3A_635 = arith.mulf %sub3A, %gather3A_631 : vector<16xf32>
        %mul3A_636 = arith.mulf %mul3A_635, %get3A_476 : vector<16xf32>
        %add3A_637 = arith.addf %mul3A_636, %get3A_492 : vector<16xf32>
        %swap3A = arith.index_cast %scan3A_630 : i32 to index
        %swap3A_638 = arith.constant 0 : index
        %swap3A_639 = tpu.vector_load %arg18[%swap3A, %swap3A_638] {strides = array<i32>} : memref<128x128xf32, #tpu.memory_space<vmem>>, vector<16xf32>,
        tpu.vector_store %arg18[%swap3A, %swap3A_638], %add3A_637 {strides = array<i32>} : memref<128x128xf32, #tpu.memory_space<vmem>>, vector<16xf32>,
        %get3A_640 = arith.index_cast %scan3A_630 : i32 to index
        %get3A_641 = arith.constant 16 : index
        %get3A_642 = tpu.vector_load %arg18[%get3A_640, %get3A_641] {strides = array<i32>} : memref<128x128xf32, #tpu.memory_space<vmem>>, vector<16xf32>,
        %sub3A_643 = arith.subf %get3A_642, %gather3A : vector<16xf32>
        %mul3A_644 = arith.mulf %sub3A_643, %gather3A_631 : vector<16xf32>
        %mul3A_645 = arith.mulf %mul3A_644, %get3A_478 : vector<16xf32>
        %add3A_646 = arith.addf %mul3A_645, %get3A_494 : vector<16xf32>
        %swap3A_647 = arith.index_cast %scan3A_630 : i32 to index
        %swap3A_648 = arith.constant 16 : index
        %swap3A_649 = tpu.vector_load %arg18[%swap3A_647, %swap3A_648] {strides = array<i32>} : memref<128x128xf32, #tpu.memory_space<vmem>>, vector<16xf32>,
        tpu.vector_store %arg18[%swap3A_647, %swap3A_648], %add3A_646 {strides = array<i32>} : memref<128x128xf32, #tpu.memory_space<vmem>>, vector<16xf32>,
        %get3A_650 = arith.index_cast %scan3A_630 : i32 to index
        %get3A_651 = arith.constant 32 : index
        %get3A_652 = tpu.vector_load %arg18[%get3A_650, %get3A_651] {strides = array<i32>} : memref<128x128xf32, #tpu.memory_space<vmem>>, vector<16xf32>,
        %sub3A_653 = arith.subf %get3A_652, %gather3A : vector<16xf32>
        %mul3A_654 = arith.mulf %sub3A_653, %gather3A_631 : vector<16xf32>
        %mul3A_655 = arith.mulf %mul3A_654, %get3A_480 : vector<16xf32>
        %add3A_656 = arith.addf %mul3A_655, %get3A_496 : vector<16xf32>
        %swap3A_657 = arith.index_cast %scan3A_630 : i32 to index
        %swap3A_658 = arith.constant 32 : index
        %swap3A_659 = tpu.vector_load %arg18[%swap3A_657, %swap3A_658] {strides = array<i32>} : memref<128x128xf32, #tpu.memory_space<vmem>>, vector<16xf32>,
        tpu.vector_store %arg18[%swap3A_657, %swap3A_658], %add3A_656 {strides = array<i32>} : memref<128x128xf32, #tpu.memory_space<vmem>>, vector<16xf32>,
        %get3A_660 = arith.index_cast %scan3A_630 : i32 to index
        %get3A_661 = arith.constant 48 : index
        %get3A_662 = tpu.vector_load %arg18[%get3A_660, %get3A_661] {strides = array<i32>} : memref<128x128xf32, #tpu.memory_space<vmem>>, vector<16xf32>,
        %sub3A_663 = arith.subf %get3A_662, %gather3A : vector<16xf32>
        %mul3A_664 = arith.mulf %sub3A_663, %gather3A_631 : vector<16xf32>
        %mul3A_665 = arith.mulf %mul3A_664, %get3A_482 : vector<16xf32>
        %add3A_666 = arith.addf %mul3A_665, %get3A_498 : vector<16xf32>
        %swap3A_667 = arith.index_cast %scan3A_630 : i32 to index
        %swap3A_668 = arith.constant 48 : index
        %swap3A_669 = tpu.vector_load %arg18[%swap3A_667, %swap3A_668] {strides = array<i32>} : memref<128x128xf32, #tpu.memory_space<vmem>>, vector<16xf32>,
        tpu.vector_store %arg18[%swap3A_667, %swap3A_668], %add3A_666 {strides = array<i32>} : memref<128x128xf32, #tpu.memory_space<vmem>>, vector<16xf32>,
        %get3A_670 = arith.index_cast %scan3A_630 : i32 to index
        %get3A_671 = arith.constant 64 : index
        %get3A_672 = tpu.vector_load %arg18[%get3A_670, %get3A_671] {strides = array<i32>} : memref<128x128xf32, #tpu.memory_space<vmem>>, vector<16xf32>,
        %sub3A_673 = arith.subf %get3A_672, %gather3A : vector<16xf32>
        %mul3A_674 = arith.mulf %sub3A_673, %gather3A_631 : vector<16xf32>
        %mul3A_675 = arith.mulf %mul3A_674, %get3A_484 : vector<16xf32>
        %add3A_676 = arith.addf %mul3A_675, %get3A_500 : vector<16xf32>
        %swap3A_677 = arith.index_cast %scan3A_630 : i32 to index
        %swap3A_678 = arith.constant 64 : index
        %swap3A_679 = tpu.vector_load %arg18[%swap3A_677, %swap3A_678] {strides = array<i32>} : memref<128x128xf32, #tpu.memory_space<vmem>>, vector<16xf32>,
        tpu.vector_store %arg18[%swap3A_677, %swap3A_678], %add3A_676 {strides = array<i32>} : memref<128x128xf32, #tpu.memory_space<vmem>>, vector<16xf32>,
        %get3A_680 = arith.index_cast %scan3A_630 : i32 to index
        %get3A_681 = arith.constant 80 : index
        %get3A_682 = tpu.vector_load %arg18[%get3A_680, %get3A_681] {strides = array<i32>} : memref<128x128xf32, #tpu.memory_space<vmem>>, vector<16xf32>,
        %sub3A_683 = arith.subf %get3A_682, %gather3A : vector<16xf32>
        %mul3A_684 = arith.mulf %sub3A_683, %gather3A_631 : vector<16xf32>
        %mul3A_685 = arith.mulf %mul3A_684, %get3A_486 : vector<16xf32>
        %add3A_686 = arith.addf %mul3A_685, %get3A_502 : vector<16xf32>
        %swap3A_687 = arith.index_cast %scan3A_630 : i32 to index
        %swap3A_688 = arith.constant 80 : index
        %swap3A_689 = tpu.vector_load %arg18[%swap3A_687, %swap3A_688] {strides = array<i32>} : memref<128x128xf32, #tpu.memory_space<vmem>>, vector<16xf32>,
        tpu.vector_store %arg18[%swap3A_687, %swap3A_688], %add3A_686 {strides = array<i32>} : memref<128x128xf32, #tpu.memory_space<vmem>>, vector<16xf32>,
        %get3A_690 = arith.index_cast %scan3A_630 : i32 to index
        %get3A_691 = arith.constant 96 : index
        %get3A_692 = tpu.vector_load %arg18[%get3A_690, %get3A_691] {strides = array<i32>} : memref<128x128xf32, #tpu.memory_space<vmem>>, vector<16xf32>,
        %sub3A_693 = arith.subf %get3A_692, %gather3A : vector<16xf32>
        %mul3A_694 = arith.mulf %sub3A_693, %gather3A_631 : vector<16xf32>
        %mul3A_695 = arith.mulf %mul3A_694, %get3A_488 : vector<16xf32>
        %add3A_696 = arith.addf %mul3A_695, %get3A_504 : vector<16xf32>
        %swap3A_697 = arith.index_cast %scan3A_630 : i32 to index
        %swap3A_698 = arith.constant 96 : index
        %swap3A_699 = tpu.vector_load %arg18[%swap3A_697, %swap3A_698] {strides = array<i32>} : memref<128x128xf32, #tpu.memory_space<vmem>>, vector<16xf32>,
        tpu.vector_store %arg18[%swap3A_697, %swap3A_698], %add3A_696 {strides = array<i32>} : memref<128x128xf32, #tpu.memory_space<vmem>>, vector<16xf32>,
        %get3A_700 = arith.index_cast %scan3A_630 : i32 to index
        %get3A_701 = arith.constant 112 : index
        %get3A_702 = tpu.vector_load %arg18[%get3A_700, %get3A_701] {strides = array<i32>} : memref<128x128xf32, #tpu.memory_space<vmem>>, vector<16xf32>,
        %sub3A_703 = arith.subf %get3A_702, %gather3A : vector<16xf32>
        %mul3A_704 = arith.mulf %sub3A_703, %gather3A_631 : vector<16xf32>
        %mul3A_705 = arith.mulf %mul3A_704, %get3A_490 : vector<16xf32>
        %add3A_706 = arith.addf %mul3A_705, %get3A_506 : vector<16xf32>
        %swap3A_707 = arith.index_cast %scan3A_630 : i32 to index
        %swap3A_708 = arith.constant 112 : index
        %swap3A_709 = tpu.vector_load %arg18[%swap3A_707, %swap3A_708] {strides = array<i32>} : memref<128x128xf32, #tpu.memory_space<vmem>>, vector<16xf32>,
        tpu.vector_store %arg18[%swap3A_707, %swap3A_708], %add3A_706 {strides = array<i32>} : memref<128x128xf32, #tpu.memory_space<vmem>>, vector<16xf32>,
        %scan3A_710 = arith.constant 1 : i32
        %scan3A_711 = arith.addi %scan3A_630, %scan3A_710 : i32
        %broadcast_in_dim3A_712 = vector.broadcast %scan3A_711 : i32 to vector<16xi32>
        %gather3A_713 = tpu.vector_load_idx %arg22[%broadcast_in_dim3A_712] : memref<128xf32, #tpu.memory_space<vmem>>[vector<16xi32>], vector<16xf32>,
        %gather3A_714 = tpu.vector_load_idx %arg23[%broadcast_in_dim3A_712] : memref<128xf32, #tpu.memory_space<vmem>>[vector<16xi32>], vector<16xf32>,
        %get3A_715 = arith.index_cast %scan3A_711 : i32 to index
        %get3A_716 = arith.constant 0 : index
        %get3A_717 = tpu.vector_load %arg18[%get3A_715, %get3A_716] {strides = array<i32>} : memref<128x128xf32, #tpu.memory_space<vmem>>, vector<16xf32>,
        %sub3A_718 = arith.subf %get3A_717, %gather3A_713 : vector<16xf32>
        %mul3A_719 = arith.mulf %sub3A_718, %gather3A_714 : vector<16xf32>
        %mul3A_720 = arith.mulf %mul3A_719, %get3A_476 : vector<16xf32>
        %add3A_721 = arith.addf %mul3A_720, %get3A_492 : vector<16xf32>
        %swap3A_722 = arith.index_cast %scan3A_711 : i32 to index
        %swap3A_723 = arith.constant 0 : index
        %swap3A_724 = tpu.vector_load %arg18[%swap3A_722, %swap3A_723] {strides = array<i32>} : memref<128x128xf32, #tpu.memory_space<vmem>>, vector<16xf32>,
        tpu.vector_store %arg18[%swap3A_722, %swap3A_723], %add3A_721 {strides = array<i32>} : memref<128x128xf32, #tpu.memory_space<vmem>>, vector<16xf32>,
        %get3A_725 = arith.index_cast %scan3A_711 : i32 to index
        %get3A_726 = arith.constant 16 : index
        %get3A_727 = tpu.vector_load %arg18[%get3A_725, %get3A_726] {strides = array<i32>} : memref<128x128xf32, #tpu.memory_space<vmem>>, vector<16xf32>,
        %sub3A_728 = arith.subf %get3A_727, %gather3A_713 : vector<16xf32>
        %mul3A_729 = arith.mulf %sub3A_728, %gather3A_714 : vector<16xf32>
        %mul3A_730 = arith.mulf %mul3A_729, %get3A_478 : vector<16xf32>
        %add3A_731 = arith.addf %mul3A_730, %get3A_494 : vector<16xf32>
        %swap3A_732 = arith.index_cast %scan3A_711 : i32 to index
        %swap3A_733 = arith.constant 16 : index
        %swap3A_734 = tpu.vector_load %arg18[%swap3A_732, %swap3A_733] {strides = array<i32>} : memref<128x128xf32, #tpu.memory_space<vmem>>, vector<16xf32>,
        tpu.vector_store %arg18[%swap3A_732, %swap3A_733], %add3A_731 {strides = array<i32>} : memref<128x128xf32, #tpu.memory_space<vmem>>, vector<16xf32>,
        %get3A_735 = arith.index_cast %scan3A_711 : i32 to index
        %get3A_736 = arith.constant 32 : index
        %get3A_737 = tpu.vector_load %arg18[%get3A_735, %get3A_736] {strides = array<i32>} : memref<128x128xf32, #tpu.memory_space<vmem>>, vector<16xf32>,
        %sub3A_738 = arith.subf %get3A_737, %gather3A_713 : vector<16xf32>
        %mul3A_739 = arith.mulf %sub3A_738, %gather3A_714 : vector<16xf32>
        %mul3A_740 = arith.mulf %mul3A_739, %get3A_480 : vector<16xf32>
        %add3A_741 = arith.addf %mul3A_740, %get3A_496 : vector<16xf32>
        %swap3A_742 = arith.index_cast %scan3A_711 : i32 to index
        %swap3A_743 = arith.constant 32 : index
        %swap3A_744 = tpu.vector_load %arg18[%swap3A_742, %swap3A_743] {strides = array<i32>} : memref<128x128xf32, #tpu.memory_space<vmem>>, vector<16xf32>,
        tpu.vector_store %arg18[%swap3A_742, %swap3A_743], %add3A_741 {strides = array<i32>} : memref<128x128xf32, #tpu.memory_space<vmem>>, vector<16xf32>,
        %get3A_745 = arith.index_cast %scan3A_711 : i32 to index
        %get3A_746 = arith.constant 48 : index
        %get3A_747 = tpu.vector_load %arg18[%get3A_745, %get3A_746] {strides = array<i32>} : memref<128x128xf32, #tpu.memory_space<vmem>>, vector<16xf32>,
        %sub3A_748 = arith.subf %get3A_747, %gather3A_713 : vector<16xf32>
        %mul3A_749 = arith.mulf %sub3A_748, %gather3A_714 : vector<16xf32>
        %mul3A_750 = arith.mulf %mul3A_749, %get3A_482 : vector<16xf32>
        %add3A_751 = arith.addf %mul3A_750, %get3A_498 : vector<16xf32>
        %swap3A_752 = arith.index_cast %scan3A_711 : i32 to index
        %swap3A_753 = arith.constant 48 : index
        %swap3A_754 = tpu.vector_load %arg18[%swap3A_752, %swap3A_753] {strides = array<i32>} : memref<128x128xf32, #tpu.memory_space<vmem>>, vector<16xf32>,
        tpu.vector_store %arg18[%swap3A_752, %swap3A_753], %add3A_751 {strides = array<i32>} : memref<128x128xf32, #tpu.memory_space<vmem>>, vector<16xf32>,
        %get3A_755 = arith.index_cast %scan3A_711 : i32 to index
        %get3A_756 = arith.constant 64 : index
        %get3A_757 = tpu.vector_load %arg18[%get3A_755, %get3A_756] {strides = array<i32>} : memref<128x128xf32, #tpu.memory_space<vmem>>, vector<16xf32>,
        %sub3A_758 = arith.subf %get3A_757, %gather3A_713 : vector<16xf32>
        %mul3A_759 = arith.mulf %sub3A_758, %gather3A_714 : vector<16xf32>
        %mul3A_760 = arith.mulf %mul3A_759, %get3A_484 : vector<16xf32>
        %add3A_761 = arith.addf %mul3A_760, %get3A_500 : vector<16xf32>
        %swap3A_762 = arith.index_cast %scan3A_711 : i32 to index
        %swap3A_763 = arith.constant 64 : index
        %swap3A_764 = tpu.vector_load %arg18[%swap3A_762, %swap3A_763] {strides = array<i32>} : memref<128x128xf32, #tpu.memory_space<vmem>>, vector<16xf32>,
        tpu.vector_store %arg18[%swap3A_762, %swap3A_763], %add3A_761 {strides = array<i32>} : memref<128x128xf32, #tpu.memory_space<vmem>>, vector<16xf32>,
        %get3A_765 = arith.index_cast %scan3A_711 : i32 to index
        %get3A_766 = arith.constant 80 : index
        %get3A_767 = tpu.vector_load %arg18[%get3A_765, %get3A_766] {strides = array<i32>} : memref<128x128xf32, #tpu.memory_space<vmem>>, vector<16xf32>,
        %sub3A_768 = arith.subf %get3A_767, %gather3A_713 : vector<16xf32>
        %mul3A_769 = arith.mulf %sub3A_768, %gather3A_714 : vector<16xf32>
        %mul3A_770 = arith.mulf %mul3A_769, %get3A_486 : vector<16xf32>
        %add3A_771 = arith.addf %mul3A_770, %get3A_502 : vector<16xf32>
        %swap3A_772 = arith.index_cast %scan3A_711 : i32 to index
        %swap3A_773 = arith.constant 80 : index
        %swap3A_774 = tpu.vector_load %arg18[%swap3A_772, %swap3A_773] {strides = array<i32>} : memref<128x128xf32, #tpu.memory_space<vmem>>, vector<16xf32>,
        tpu.vector_store %arg18[%swap3A_772, %swap3A_773], %add3A_771 {strides = array<i32>} : memref<128x128xf32, #tpu.memory_space<vmem>>, vector<16xf32>,
        %get3A_775 = arith.index_cast %scan3A_711 : i32 to index
        %get3A_776 = arith.constant 96 : index
        %get3A_777 = tpu.vector_load %arg18[%get3A_775, %get3A_776] {strides = array<i32>} : memref<128x128xf32, #tpu.memory_space<vmem>>, vector<16xf32>,
        %sub3A_778 = arith.subf %get3A_777, %gather3A_713 : vector<16xf32>
        %mul3A_779 = arith.mulf %sub3A_778, %gather3A_714 : vector<16xf32>
        %mul3A_780 = arith.mulf %mul3A_779, %get3A_488 : vector<16xf32>
        %add3A_781 = arith.addf %mul3A_780, %get3A_504 : vector<16xf32>
        %swap3A_782 = arith.index_cast %scan3A_711 : i32 to index
        %swap3A_783 = arith.constant 96 : index
        %swap3A_784 = tpu.vector_load %arg18[%swap3A_782, %swap3A_783] {strides = array<i32>} : memref<128x128xf32, #tpu.memory_space<vmem>>, vector<16xf32>,
        tpu.vector_store %arg18[%swap3A_782, %swap3A_783], %add3A_781 {strides = array<i32>} : memref<128x128xf32, #tpu.memory_space<vmem>>, vector<16xf32>,
        %get3A_785 = arith.index_cast %scan3A_711 : i32 to index
        %get3A_786 = arith.constant 112 : index
        %get3A_787 = tpu.vector_load %arg18[%get3A_785, %get3A_786] {strides = array<i32>} : memref<128x128xf32, #tpu.memory_space<vmem>>, vector<16xf32>,
        %sub3A_788 = arith.subf %get3A_787, %gather3A_713 : vector<16xf32>
        %mul3A_789 = arith.mulf %sub3A_788, %gather3A_714 : vector<16xf32>
        %mul3A_790 = arith.mulf %mul3A_789, %get3A_490 : vector<16xf32>
        %add3A_791 = arith.addf %mul3A_790, %get3A_506 : vector<16xf32>
        %swap3A_792 = arith.index_cast %scan3A_711 : i32 to index
        %swap3A_793 = arith.constant 112 : index
        %swap3A_794 = tpu.vector_load %arg18[%swap3A_792, %swap3A_793] {strides = array<i32>} : memref<128x128xf32, #tpu.memory_space<vmem>>, vector<16xf32>,
        tpu.vector_store %arg18[%swap3A_792, %swap3A_793], %add3A_791 {strides = array<i32>} : memref<128x128xf32, #tpu.memory_space<vmem>>, vector<16xf32>,
      }
      %scan3A_512 = arith.constant 128 : i32
      %mul3A_513 = arith.constant 128 : i32
      %mul3A_514 = arith.muli %add3A_419, %mul3A_513 : i32
      %add3A_515 = arith.addi %mul3A_4, %mul3A_514 : i32
      %dma_start3A_516 = arith.constant 3 : i32
      %dma_start3A_517 = arith.constant 0 : i32
      %dma_start3A_518 = tpu.memref_slice %arg9[%add3A_515, %dma_start3A_517] : memref<204800x128xf32, #tpu.memory_space<hbm>> -> memref<128x128xf32, #tpu.memory_space<hbm>>
      %dma_start3A_519 = tpu.memref_slice %arg26[%dma_start3A_516] : memref<5x!tpu.dma_semaphore, #tpu.memory_space<semaphore_mem>> -> memref<1x!tpu.dma_semaphore, #tpu.memory_space<semaphore_mem>>
      %dma_start3A_520 = tpu.memref_squeeze %dma_start3A_519 : memref<1x!tpu.dma_semaphore, #tpu.memory_space<semaphore_mem>> -> memref<!tpu.dma_semaphore, #tpu.memory_space<semaphore_mem>>
      %dma_start3A_521 = arith.constant 0 : i32
      %dma_start3A_522 = tpu.memref_slice %arg9[%add3A_515, %dma_start3A_521] : memref<204800x128xf32, #tpu.memory_space<hbm>> -> memref<128x128xf32, #tpu.memory_space<hbm>>
      tpu.enqueue_dma source(%arg18 : memref<128x128xf32, #tpu.memory_space<vmem>>) target(%dma_start3A_522 : memref<128x128xf32, #tpu.memory_space<hbm>>) target_semaphore(%dma_start3A_520 : memref<!tpu.dma_semaphore, #tpu.memory_space<semaphore_mem>>)
      %mul3A_523 = arith.constant 5 : i32
      %mul3A_524 = arith.muli %scan3A_99, %mul3A_523 : i32
      %add3A_525 = arith.constant 4 : i32
      %add3A_526 = arith.addi %mul3A_524, %add3A_525 : i32
      %add3A_527 = arith.constant 1 : i32
      %add3A_528 = arith.addi %add3A_526, %add3A_527 : i32
      %lt3A_529 = arith.constant 50 : i32
      %lt3A_530 = arith.cmpi slt, %add3A_528, %lt3A_529 : i32
      %convert_element_type3A_531 = arith.extui %lt3A_530 : i1 to i32
      %cond3A_532 = arith.constant 0 : i32
      %cond3A_533 = arith.cmpi ne, %convert_element_type3A_531, %cond3A_532 : i32
      scf.if %cond3A_533 {
        %dma_wait3A_630 = arith.constant 0 : i32
        %dma_wait3A_631 = arith.constant 0 : i32
        %dma_wait3A_632 = arith.constant 0 : i32
        %dma_wait3A_633 = tpu.memref_slice %arg10[%dma_wait3A_630, %dma_wait3A_632] : memref<4x128xi32, #tpu.memory_space<vmem>> -> memref<1x128xi32, #tpu.memory_space<vmem>>
        %dma_wait3A_634 = tpu.memref_squeeze %dma_wait3A_633 : memref<1x128xi32, #tpu.memory_space<vmem>> -> memref<128xi32, #tpu.memory_space<vmem>>
        %dma_wait3A_635 = arith.constant 0 : i32
        %dma_wait3A_636 = arith.constant 0 : i32
        %dma_wait3A_637 = tpu.memref_slice %arg3[%dma_wait3A_635, %dma_wait3A_636] : memref<100000x128xf32, #tpu.memory_space<hbm>> -> memref<100000x128xf32, #tpu.memory_space<hbm>>
        %dma_wait3A_638 = tpu.memref_slice %arg24[%dma_wait3A_631] : memref<5x!tpu.dma_semaphore, #tpu.memory_space<semaphore_mem>> -> memref<1x!tpu.dma_semaphore, #tpu.memory_space<semaphore_mem>>
        %dma_wait3A_639 = tpu.memref_squeeze %dma_wait3A_638 : memref<1x!tpu.dma_semaphore, #tpu.memory_space<semaphore_mem>> -> memref<!tpu.dma_semaphore, #tpu.memory_space<semaphore_mem>>
        tpu.wait_indirect_dma semaphore(%dma_wait3A_639 : memref<!tpu.dma_semaphore, #tpu.memory_space<semaphore_mem>>) src(%dma_wait3A_637 : memref<100000x128xf32, #tpu.memory_space<hbm>>) dst(%arg15 : memref<128x128xf32, #tpu.memory_space<vmem>>)
        %dma_start3A_640 = arith.constant 1 : i32
        %dma_start3A_641 = arith.constant 0 : i32
        %dma_start3A_642 = arith.constant 0 : i32
        %dma_start3A_643 = tpu.memref_slice %arg10[%dma_start3A_640, %dma_start3A_642] : memref<4x128xi32, #tpu.memory_space<vmem>> -> memref<1x128xi32, #tpu.memory_space<vmem>>
        %dma_start3A_644 = tpu.memref_squeeze %dma_start3A_643 : memref<1x128xi32, #tpu.memory_space<vmem>> -> memref<128xi32, #tpu.memory_space<vmem>>
        %dma_start3A_645 = arith.constant 0 : i32
        %dma_start3A_646 = arith.constant 0 : i32
        %dma_start3A_647 = tpu.memref_slice %arg4[%dma_start3A_645, %dma_start3A_646] : memref<100000x128xf32, #tpu.memory_space<hbm>> -> memref<100000x128xf32, #tpu.memory_space<hbm>>
        %dma_start3A_648 = tpu.memref_slice %arg25[%dma_start3A_641] : memref<5x!tpu.dma_semaphore, #tpu.memory_space<semaphore_mem>> -> memref<1x!tpu.dma_semaphore, #tpu.memory_space<semaphore_mem>>
        %dma_start3A_649 = tpu.memref_squeeze %dma_start3A_648 : memref<1x!tpu.dma_semaphore, #tpu.memory_space<semaphore_mem>> -> memref<!tpu.dma_semaphore, #tpu.memory_space<semaphore_mem>>
        tpu.enqueue_indirect_dma source(%dma_start3A_647 : memref<100000x128xf32, #tpu.memory_space<hbm>>) target(%arg15 : memref<128x128xf32, #tpu.memory_space<vmem>>) offsets(%dma_start3A_644 : memref<128xi32, #tpu.memory_space<vmem>>) semaphore(%dma_start3A_649 : memref<!tpu.dma_semaphore, #tpu.memory_space<semaphore_mem>>) {add = true}
        %dma_start3A_650 = arith.constant 2 : i32
        %dma_start3A_651 = arith.constant 0 : i32
        %dma_start3A_652 = arith.constant 0 : i32
        %dma_start3A_653 = tpu.memref_slice %arg10[%dma_start3A_650, %dma_start3A_652] : memref<4x128xi32, #tpu.memory_space<vmem>> -> memref<1x128xi32, #tpu.memory_space<vmem>>
        %dma_start3A_654 = tpu.memref_squeeze %dma_start3A_653 : memref<1x128xi32, #tpu.memory_space<vmem>> -> memref<128xi32, #tpu.memory_space<vmem>>
        %dma_start3A_655 = arith.constant 0 : i32
        %dma_start3A_656 = arith.constant 0 : i32
        %dma_start3A_657 = tpu.memref_slice %arg5[%dma_start3A_655, %dma_start3A_656] : memref<100000x128xf32, #tpu.memory_space<hbm>> -> memref<100000x128xf32, #tpu.memory_space<hbm>>
        %dma_start3A_658 = tpu.memref_slice %arg25[%dma_start3A_651] : memref<5x!tpu.dma_semaphore, #tpu.memory_space<semaphore_mem>> -> memref<1x!tpu.dma_semaphore, #tpu.memory_space<semaphore_mem>>
        %dma_start3A_659 = tpu.memref_squeeze %dma_start3A_658 : memref<1x!tpu.dma_semaphore, #tpu.memory_space<semaphore_mem>> -> memref<!tpu.dma_semaphore, #tpu.memory_space<semaphore_mem>>
        tpu.enqueue_indirect_dma source(%dma_start3A_657 : memref<100000x128xf32, #tpu.memory_space<hbm>>) target(%arg15 : memref<128x128xf32, #tpu.memory_space<vmem>>) offsets(%dma_start3A_654 : memref<128xi32, #tpu.memory_space<vmem>>) semaphore(%dma_start3A_659 : memref<!tpu.dma_semaphore, #tpu.memory_space<semaphore_mem>>) {add = true}
        %dma_start3A_660 = arith.constant 3 : i32
        %dma_start3A_661 = arith.constant 0 : i32
        %dma_start3A_662 = arith.constant 0 : i32
        %dma_start3A_663 = tpu.memref_slice %arg10[%dma_start3A_660, %dma_start3A_662] : memref<4x128xi32, #tpu.memory_space<vmem>> -> memref<1x128xi32, #tpu.memory_space<vmem>>
        %dma_start3A_664 = tpu.memref_squeeze %dma_start3A_663 : memref<1x128xi32, #tpu.memory_space<vmem>> -> memref<128xi32, #tpu.memory_space<vmem>>
        %dma_start3A_665 = arith.constant 0 : i32
        %dma_start3A_666 = arith.constant 0 : i32
        %dma_start3A_667 = tpu.memref_slice %arg6[%dma_start3A_665, %dma_start3A_666] : memref<200x128xf32, #tpu.memory_space<hbm>> -> memref<200x128xf32, #tpu.memory_space<hbm>>
        %dma_start3A_668 = tpu.memref_slice %arg25[%dma_start3A_661] : memref<5x!tpu.dma_semaphore, #tpu.memory_space<semaphore_mem>> -> memref<1x!tpu.dma_semaphore, #tpu.memory_space<semaphore_mem>>
        %dma_start3A_669 = tpu.memref_squeeze %dma_start3A_668 : memref<1x!tpu.dma_semaphore, #tpu.memory_space<semaphore_mem>> -> memref<!tpu.dma_semaphore, #tpu.memory_space<semaphore_mem>>
        tpu.enqueue_indirect_dma source(%dma_start3A_667 : memref<200x128xf32, #tpu.memory_space<hbm>>) target(%arg15 : memref<128x128xf32, #tpu.memory_space<vmem>>) offsets(%dma_start3A_664 : memref<128xi32, #tpu.memory_space<vmem>>) semaphore(%dma_start3A_669 : memref<!tpu.dma_semaphore, #tpu.memory_space<semaphore_mem>>) {add = true}
      } else {
      }
      %ge3A_534 = arith.constant 3 : i32
      %ge3A_535 = arith.cmpi sge, %add3A_526, %ge3A_534 : i32
      %convert_element_type3A_536 = arith.extui %ge3A_535 : i1 to i32
      %cond3A_537 = arith.constant 0 : i32
      %cond3A_538 = arith.cmpi ne, %convert_element_type3A_536, %cond3A_537 : i32
      scf.if %cond3A_538 {
        %sub3A = arith.constant 3 : i32
        %sub3A_630 = arith.subi %add3A_526, %sub3A : i32
        %mul3A_631 = arith.constant 128 : i32
        %mul3A_632 = arith.muli %sub3A_630, %mul3A_631 : i32
        %add3A_633 = arith.addi %mul3A_4, %mul3A_632 : i32
        %dma_wait3A_634 = arith.constant 1 : i32
        %dma_wait3A_635 = arith.constant 0 : i32
        %dma_wait3A_636 = tpu.memref_slice %arg9[%add3A_633, %dma_wait3A_635] : memref<204800x128xf32, #tpu.memory_space<hbm>> -> memref<128x128xf32, #tpu.memory_space<hbm>>
        %dma_wait3A_637 = tpu.memref_slice %arg26[%dma_wait3A_634] : memref<5x!tpu.dma_semaphore, #tpu.memory_space<semaphore_mem>> -> memref<1x!tpu.dma_semaphore, #tpu.memory_space<semaphore_mem>>
        %dma_wait3A_638 = tpu.memref_squeeze %dma_wait3A_637 : memref<1x!tpu.dma_semaphore, #tpu.memory_space<semaphore_mem>> -> memref<!tpu.dma_semaphore, #tpu.memory_space<semaphore_mem>>
        %dma_wait3A_639 = arith.constant 0 : i32
        %dma_wait3A_640 = tpu.memref_slice %arg9[%add3A_633, %dma_wait3A_639] : memref<204800x128xf32, #tpu.memory_space<hbm>> -> memref<128x128xf32, #tpu.memory_space<hbm>>
        tpu.wait_dma2 semaphore(%dma_wait3A_638 : memref<!tpu.dma_semaphore, #tpu.memory_space<semaphore_mem>>) src(%arg16 : memref<128x128xf32, #tpu.memory_space<vmem>>) dst(%dma_wait3A_640 : memref<128x128xf32, #tpu.memory_space<hbm>>)
      } else {
      }
      %add3A_539 = arith.constant 2 : i32
      %add3A_540 = arith.addi %add3A_526, %add3A_539 : i32
      %lt3A_541 = arith.constant 50 : i32
      %lt3A_542 = arith.cmpi slt, %add3A_540, %lt3A_541 : i32
      %convert_element_type3A_543 = arith.extui %lt3A_542 : i1 to i32
      %cond3A_544 = arith.constant 0 : i32
      %cond3A_545 = arith.cmpi ne, %convert_element_type3A_543, %cond3A_544 : i32
      scf.if %cond3A_545 {
        %add3A_630 = arith.constant 2 : i32
        %add3A_631 = arith.addi %add3A_526, %add3A_630 : i32
        %add3A_632 = arith.addi %mul3A_2, %add3A_631 : i32
        "tpu.region"() ({
          %run_scoped3A = tpu.sem_alloc : memref<!tpu.dma_semaphore, #tpu.memory_space<semaphore_mem>>
          %dma_start3A_643 = arith.constant 0 : i32
          %dma_start3A_644 = arith.constant 0 : i32
          %dma_start3A_645 = tpu.memref_slice %arg2[%add3A_632, %dma_start3A_643, %dma_start3A_644] : memref<1600x4x128xi32, #tpu.memory_space<hbm>> -> memref<1x4x128xi32, #tpu.memory_space<hbm>>
          %dma_start3A_646 = tpu.memref_squeeze %dma_start3A_645 : memref<1x4x128xi32, #tpu.memory_space<hbm>> -> memref<4x128xi32, #tpu.memory_space<hbm>>
          %dma_start3A_647 = arith.constant 0 : i32
          %dma_start3A_648 = arith.constant 0 : i32
          %dma_start3A_649 = tpu.memref_slice %arg2[%add3A_632, %dma_start3A_647, %dma_start3A_648] : memref<1600x4x128xi32, #tpu.memory_space<hbm>> -> memref<1x4x128xi32, #tpu.memory_space<hbm>>
          %dma_start3A_650 = tpu.memref_squeeze %dma_start3A_649 : memref<1x4x128xi32, #tpu.memory_space<hbm>> -> memref<4x128xi32, #tpu.memory_space<hbm>>
          tpu.enqueue_dma source(%dma_start3A_650 : memref<4x128xi32, #tpu.memory_space<hbm>>) target(%arg11 : memref<4x128xi32, #tpu.memory_space<vmem>>) target_semaphore(%run_scoped3A : memref<!tpu.dma_semaphore, #tpu.memory_space<semaphore_mem>>)
          %dma_wait3A_651 = arith.constant 0 : i32
          %dma_wait3A_652 = arith.constant 0 : i32
          %dma_wait3A_653 = tpu.memref_slice %arg2[%add3A_632, %dma_wait3A_651, %dma_wait3A_652] : memref<1600x4x128xi32, #tpu.memory_space<hbm>> -> memref<1x4x128xi32, #tpu.memory_space<hbm>>
          %dma_wait3A_654 = tpu.memref_squeeze %dma_wait3A_653 : memref<1x4x128xi32, #tpu.memory_space<hbm>> -> memref<4x128xi32, #tpu.memory_space<hbm>>
          %dma_wait3A_655 = arith.constant 0 : i32
          %dma_wait3A_656 = arith.constant 0 : i32
          %dma_wait3A_657 = tpu.memref_slice %arg2[%add3A_632, %dma_wait3A_655, %dma_wait3A_656] : memref<1600x4x128xi32, #tpu.memory_space<hbm>> -> memref<1x4x128xi32, #tpu.memory_space<hbm>>
          %dma_wait3A_658 = tpu.memref_squeeze %dma_wait3A_657 : memref<1x4x128xi32, #tpu.memory_space<hbm>> -> memref<4x128xi32, #tpu.memory_space<hbm>>
          tpu.wait_dma2 semaphore(%run_scoped3A : memref<!tpu.dma_semaphore, #tpu.memory_space<semaphore_mem>>) src(%dma_wait3A_658 : memref<4x128xi32, #tpu.memory_space<hbm>>) dst(%arg11 : memref<4x128xi32, #tpu.memory_space<vmem>>)
          tpu.yield
        }) : () -> ()
        %dma_start3A_633 = arith.constant 0 : i32
        %dma_start3A_634 = arith.constant 1 : i32
        %dma_start3A_635 = arith.constant 0 : i32
        %dma_start3A_636 = tpu.memref_slice %arg11[%dma_start3A_633, %dma_start3A_635] : memref<4x128xi32, #tpu.memory_space<vmem>> -> memref<1x128xi32, #tpu.memory_space<vmem>>
        %dma_start3A_637 = tpu.memref_squeeze %dma_start3A_636 : memref<1x128xi32, #tpu.memory_space<vmem>> -> memref<128xi32, #tpu.memory_space<vmem>>
        %dma_start3A_638 = arith.constant 0 : i32
        %dma_start3A_639 = arith.constant 0 : i32
        %dma_start3A_640 = tpu.memref_slice %arg3[%dma_start3A_638, %dma_start3A_639] : memref<100000x128xf32, #tpu.memory_space<hbm>> -> memref<100000x128xf32, #tpu.memory_space<hbm>>
        %dma_start3A_641 = tpu.memref_slice %arg24[%dma_start3A_634] : memref<5x!tpu.dma_semaphore, #tpu.memory_space<semaphore_mem>> -> memref<1x!tpu.dma_semaphore, #tpu.memory_space<semaphore_mem>>
        %dma_start3A_642 = tpu.memref_squeeze %dma_start3A_641 : memref<1x!tpu.dma_semaphore, #tpu.memory_space<semaphore_mem>> -> memref<!tpu.dma_semaphore, #tpu.memory_space<semaphore_mem>>
        tpu.enqueue_indirect_dma source(%dma_start3A_640 : memref<100000x128xf32, #tpu.memory_space<hbm>>) target(%arg16 : memref<128x128xf32, #tpu.memory_space<vmem>>) offsets(%dma_start3A_637 : memref<128xi32, #tpu.memory_space<vmem>>) semaphore(%dma_start3A_642 : memref<!tpu.dma_semaphore, #tpu.memory_space<semaphore_mem>>)
      } else {
      }
      %dma_wait3A_546 = arith.constant 1 : i32
      %dma_wait3A_547 = arith.constant 4 : i32
      %dma_wait3A_548 = arith.constant 0 : i32
      %dma_wait3A_549 = tpu.memref_slice %arg14[%dma_wait3A_546, %dma_wait3A_548] : memref<4x128xi32, #tpu.memory_space<vmem>> -> memref<1x128xi32, #tpu.memory_space<vmem>>
      %dma_wait3A_550 = tpu.memref_squeeze %dma_wait3A_549 : memref<1x128xi32, #tpu.memory_space<vmem>> -> memref<128xi32, #tpu.memory_space<vmem>>
      %dma_wait3A_551 = arith.constant 0 : i32
      %dma_wait3A_552 = arith.constant 0 : i32
      %dma_wait3A_553 = tpu.memref_slice %arg4[%dma_wait3A_551, %dma_wait3A_552] : memref<100000x128xf32, #tpu.memory_space<hbm>> -> memref<100000x128xf32, #tpu.memory_space<hbm>>
      %dma_wait3A_554 = tpu.memref_slice %arg25[%dma_wait3A_547] : memref<5x!tpu.dma_semaphore, #tpu.memory_space<semaphore_mem>> -> memref<1x!tpu.dma_semaphore, #tpu.memory_space<semaphore_mem>>
      %dma_wait3A_555 = tpu.memref_squeeze %dma_wait3A_554 : memref<1x!tpu.dma_semaphore, #tpu.memory_space<semaphore_mem>> -> memref<!tpu.dma_semaphore, #tpu.memory_space<semaphore_mem>>
      tpu.wait_indirect_dma semaphore(%dma_wait3A_555 : memref<!tpu.dma_semaphore, #tpu.memory_space<semaphore_mem>>) src(%dma_wait3A_553 : memref<100000x128xf32, #tpu.memory_space<hbm>>) dst(%arg19 : memref<128x128xf32, #tpu.memory_space<vmem>>)
      %dma_wait3A_556 = arith.constant 2 : i32
      %dma_wait3A_557 = arith.constant 4 : i32
      %dma_wait3A_558 = arith.constant 0 : i32
      %dma_wait3A_559 = tpu.memref_slice %arg14[%dma_wait3A_556, %dma_wait3A_558] : memref<4x128xi32, #tpu.memory_space<vmem>> -> memref<1x128xi32, #tpu.memory_space<vmem>>
      %dma_wait3A_560 = tpu.memref_squeeze %dma_wait3A_559 : memref<1x128xi32, #tpu.memory_space<vmem>> -> memref<128xi32, #tpu.memory_space<vmem>>
      %dma_wait3A_561 = arith.constant 0 : i32
      %dma_wait3A_562 = arith.constant 0 : i32
      %dma_wait3A_563 = tpu.memref_slice %arg5[%dma_wait3A_561, %dma_wait3A_562] : memref<100000x128xf32, #tpu.memory_space<hbm>> -> memref<100000x128xf32, #tpu.memory_space<hbm>>
      %dma_wait3A_564 = tpu.memref_slice %arg25[%dma_wait3A_557] : memref<5x!tpu.dma_semaphore, #tpu.memory_space<semaphore_mem>> -> memref<1x!tpu.dma_semaphore, #tpu.memory_space<semaphore_mem>>
      %dma_wait3A_565 = tpu.memref_squeeze %dma_wait3A_564 : memref<1x!tpu.dma_semaphore, #tpu.memory_space<semaphore_mem>> -> memref<!tpu.dma_semaphore, #tpu.memory_space<semaphore_mem>>
      tpu.wait_indirect_dma semaphore(%dma_wait3A_565 : memref<!tpu.dma_semaphore, #tpu.memory_space<semaphore_mem>>) src(%dma_wait3A_563 : memref<100000x128xf32, #tpu.memory_space<hbm>>) dst(%arg19 : memref<128x128xf32, #tpu.memory_space<vmem>>)
      %dma_wait3A_566 = arith.constant 3 : i32
      %dma_wait3A_567 = arith.constant 4 : i32
      %dma_wait3A_568 = arith.constant 0 : i32
      %dma_wait3A_569 = tpu.memref_slice %arg14[%dma_wait3A_566, %dma_wait3A_568] : memref<4x128xi32, #tpu.memory_space<vmem>> -> memref<1x128xi32, #tpu.memory_space<vmem>>
      %dma_wait3A_570 = tpu.memref_squeeze %dma_wait3A_569 : memref<1x128xi32, #tpu.memory_space<vmem>> -> memref<128xi32, #tpu.memory_space<vmem>>
      %dma_wait3A_571 = arith.constant 0 : i32
      %dma_wait3A_572 = arith.constant 0 : i32
      %dma_wait3A_573 = tpu.memref_slice %arg6[%dma_wait3A_571, %dma_wait3A_572] : memref<200x128xf32, #tpu.memory_space<hbm>> -> memref<200x128xf32, #tpu.memory_space<hbm>>
      %dma_wait3A_574 = tpu.memref_slice %arg25[%dma_wait3A_567] : memref<5x!tpu.dma_semaphore, #tpu.memory_space<semaphore_mem>> -> memref<1x!tpu.dma_semaphore, #tpu.memory_space<semaphore_mem>>
      %dma_wait3A_575 = tpu.memref_squeeze %dma_wait3A_574 : memref<1x!tpu.dma_semaphore, #tpu.memory_space<semaphore_mem>> -> memref<!tpu.dma_semaphore, #tpu.memory_space<semaphore_mem>>
      tpu.wait_indirect_dma semaphore(%dma_wait3A_575 : memref<!tpu.dma_semaphore, #tpu.memory_space<semaphore_mem>>) src(%dma_wait3A_573 : memref<200x128xf32, #tpu.memory_space<hbm>>) dst(%arg19 : memref<128x128xf32, #tpu.memory_space<vmem>>)
      %scan3A_576 = arith.constant 0 : i32
      %scan3A_577 = arith.constant 0 : i32
      %scan3A_578 = arith.constant 8 : i32
      %scan3A_579 = arith.addi %scan3A_577, %scan3A_578 : i32
      %scan3A_580 = arith.constant 1 : i32
      scf.for %scan3A_630 = %scan3A_577 to %scan3A_579 step %scan3A_580  : i32 {
        %mul3A_631 = arith.constant 16 : i32
        %mul3A_632 = arith.muli %scan3A_630, %mul3A_631 : i32
        %add3A_633 = vector.broadcast %mul3A_632 : i32 to vector<16xi32>
        %add3A_634 = arith.addi %add3A_633, %iota3A : vector<16xi32>
        %broadcast_in_dim3A = arith.constant 0.000000e+00 : f32
        %broadcast_in_dim3A_635 = vector.broadcast %broadcast_in_dim3A : f32 to vector<16xf32>
        %scan3A_636 = arith.constant 0 : i32
        %scan3A_637 = arith.constant 128 : i32
        %scan3A_638 = arith.addi %scan3A_636, %scan3A_637 : i32
        %scan3A_639 = arith.constant 8 : i32
        %scan3A_640:2 = scf.for %scan3A_692 = %scan3A_636 to %scan3A_638 step %scan3A_639 iter_args(%scan3A_693 = %broadcast_in_dim3A_635, %scan3A_694 = %broadcast_in_dim3A_635) -> (vector<16xf32>, vector<16xf32>)  : i32 {
          %add3A_695 = vector.broadcast %scan3A_692 : i32 to vector<16xi32>
          %add3A_696 = arith.addi %iota3A, %add3A_695 : vector<16xi32>
          %and3A = arith.constant 127 : i32
          %and3A_697 = vector.broadcast %and3A : i32 to vector<16xi32>
          %and3A_698 = arith.andi %add3A_696, %and3A_697 : vector<16xi32>
          %gather3A = tpu.vector_load_idx %arg19[%add3A_634, %and3A_698] : memref<128x128xf32, #tpu.memory_space<vmem>>[vector<16xi32>, vector<16xi32>], vector<16xf32>,
          %add3A_699 = arith.addf %scan3A_693, %gather3A : vector<16xf32>
          %mul3A_700 = arith.mulf %gather3A, %gather3A : vector<16xf32>
          %add3A_701 = arith.addf %scan3A_694, %mul3A_700 : vector<16xf32>
          %scan3A_702 = arith.constant 1 : i32
          %scan3A_703 = arith.addi %scan3A_692, %scan3A_702 : i32
          %add3A_704 = vector.broadcast %scan3A_703 : i32 to vector<16xi32>
          %add3A_705 = arith.addi %iota3A, %add3A_704 : vector<16xi32>
          %and3A_706 = arith.constant 127 : i32
          %and3A_707 = vector.broadcast %and3A_706 : i32 to vector<16xi32>
          %and3A_708 = arith.andi %add3A_705, %and3A_707 : vector<16xi32>
          %gather3A_709 = tpu.vector_load_idx %arg19[%add3A_634, %and3A_708] : memref<128x128xf32, #tpu.memory_space<vmem>>[vector<16xi32>, vector<16xi32>], vector<16xf32>,
          %add3A_710 = arith.addf %add3A_699, %gather3A_709 : vector<16xf32>
          %mul3A_711 = arith.mulf %gather3A_709, %gather3A_709 : vector<16xf32>
          %add3A_712 = arith.addf %add3A_701, %mul3A_711 : vector<16xf32>
          %scan3A_713 = arith.constant 2 : i32
          %scan3A_714 = arith.addi %scan3A_692, %scan3A_713 : i32
          %add3A_715 = vector.broadcast %scan3A_714 : i32 to vector<16xi32>
          %add3A_716 = arith.addi %iota3A, %add3A_715 : vector<16xi32>
          %and3A_717 = arith.constant 127 : i32
          %and3A_718 = vector.broadcast %and3A_717 : i32 to vector<16xi32>
          %and3A_719 = arith.andi %add3A_716, %and3A_718 : vector<16xi32>
          %gather3A_720 = tpu.vector_load_idx %arg19[%add3A_634, %and3A_719] : memref<128x128xf32, #tpu.memory_space<vmem>>[vector<16xi32>, vector<16xi32>], vector<16xf32>,
          %add3A_721 = arith.addf %add3A_710, %gather3A_720 : vector<16xf32>
          %mul3A_722 = arith.mulf %gather3A_720, %gather3A_720 : vector<16xf32>
          %add3A_723 = arith.addf %add3A_712, %mul3A_722 : vector<16xf32>
          %scan3A_724 = arith.constant 3 : i32
          %scan3A_725 = arith.addi %scan3A_692, %scan3A_724 : i32
          %add3A_726 = vector.broadcast %scan3A_725 : i32 to vector<16xi32>
          %add3A_727 = arith.addi %iota3A, %add3A_726 : vector<16xi32>
          %and3A_728 = arith.constant 127 : i32
          %and3A_729 = vector.broadcast %and3A_728 : i32 to vector<16xi32>
          %and3A_730 = arith.andi %add3A_727, %and3A_729 : vector<16xi32>
          %gather3A_731 = tpu.vector_load_idx %arg19[%add3A_634, %and3A_730] : memref<128x128xf32, #tpu.memory_space<vmem>>[vector<16xi32>, vector<16xi32>], vector<16xf32>,
          %add3A_732 = arith.addf %add3A_721, %gather3A_731 : vector<16xf32>
          %mul3A_733 = arith.mulf %gather3A_731, %gather3A_731 : vector<16xf32>
          %add3A_734 = arith.addf %add3A_723, %mul3A_733 : vector<16xf32>
          %scan3A_735 = arith.constant 4 : i32
          %scan3A_736 = arith.addi %scan3A_692, %scan3A_735 : i32
          %add3A_737 = vector.broadcast %scan3A_736 : i32 to vector<16xi32>
          %add3A_738 = arith.addi %iota3A, %add3A_737 : vector<16xi32>
          %and3A_739 = arith.constant 127 : i32
          %and3A_740 = vector.broadcast %and3A_739 : i32 to vector<16xi32>
          %and3A_741 = arith.andi %add3A_738, %and3A_740 : vector<16xi32>
          %gather3A_742 = tpu.vector_load_idx %arg19[%add3A_634, %and3A_741] : memref<128x128xf32, #tpu.memory_space<vmem>>[vector<16xi32>, vector<16xi32>], vector<16xf32>,
          %add3A_743 = arith.addf %add3A_732, %gather3A_742 : vector<16xf32>
          %mul3A_744 = arith.mulf %gather3A_742, %gather3A_742 : vector<16xf32>
          %add3A_745 = arith.addf %add3A_734, %mul3A_744 : vector<16xf32>
          %scan3A_746 = arith.constant 5 : i32
          %scan3A_747 = arith.addi %scan3A_692, %scan3A_746 : i32
          %add3A_748 = vector.broadcast %scan3A_747 : i32 to vector<16xi32>
          %add3A_749 = arith.addi %iota3A, %add3A_748 : vector<16xi32>
          %and3A_750 = arith.constant 127 : i32
          %and3A_751 = vector.broadcast %and3A_750 : i32 to vector<16xi32>
          %and3A_752 = arith.andi %add3A_749, %and3A_751 : vector<16xi32>
          %gather3A_753 = tpu.vector_load_idx %arg19[%add3A_634, %and3A_752] : memref<128x128xf32, #tpu.memory_space<vmem>>[vector<16xi32>, vector<16xi32>], vector<16xf32>,
          %add3A_754 = arith.addf %add3A_743, %gather3A_753 : vector<16xf32>
          %mul3A_755 = arith.mulf %gather3A_753, %gather3A_753 : vector<16xf32>
          %add3A_756 = arith.addf %add3A_745, %mul3A_755 : vector<16xf32>
          %scan3A_757 = arith.constant 6 : i32
          %scan3A_758 = arith.addi %scan3A_692, %scan3A_757 : i32
          %add3A_759 = vector.broadcast %scan3A_758 : i32 to vector<16xi32>
          %add3A_760 = arith.addi %iota3A, %add3A_759 : vector<16xi32>
          %and3A_761 = arith.constant 127 : i32
          %and3A_762 = vector.broadcast %and3A_761 : i32 to vector<16xi32>
          %and3A_763 = arith.andi %add3A_760, %and3A_762 : vector<16xi32>
          %gather3A_764 = tpu.vector_load_idx %arg19[%add3A_634, %and3A_763] : memref<128x128xf32, #tpu.memory_space<vmem>>[vector<16xi32>, vector<16xi32>], vector<16xf32>,
          %add3A_765 = arith.addf %add3A_754, %gather3A_764 : vector<16xf32>
          %mul3A_766 = arith.mulf %gather3A_764, %gather3A_764 : vector<16xf32>
          %add3A_767 = arith.addf %add3A_756, %mul3A_766 : vector<16xf32>
          %scan3A_768 = arith.constant 7 : i32
          %scan3A_769 = arith.addi %scan3A_692, %scan3A_768 : i32
          %add3A_770 = vector.broadcast %scan3A_769 : i32 to vector<16xi32>
          %add3A_771 = arith.addi %iota3A, %add3A_770 : vector<16xi32>
          %and3A_772 = arith.constant 127 : i32
          %and3A_773 = vector.broadcast %and3A_772 : i32 to vector<16xi32>
          %and3A_774 = arith.andi %add3A_771, %and3A_773 : vector<16xi32>
          %gather3A_775 = tpu.vector_load_idx %arg19[%add3A_634, %and3A_774] : memref<128x128xf32, #tpu.memory_space<vmem>>[vector<16xi32>, vector<16xi32>], vector<16xf32>,
          %add3A_776 = arith.addf %add3A_765, %gather3A_775 : vector<16xf32>
          %mul3A_777 = arith.mulf %gather3A_775, %gather3A_775 : vector<16xf32>
          %add3A_778 = arith.addf %add3A_767, %mul3A_777 : vector<16xf32>
          scf.yield %add3A_776, %add3A_778 : vector<16xf32>, vector<16xf32>
        }
        %scan3A_641 = arith.constant 128 : i32
        %mul3A_642 = arith.constant 7.812500e-03 : f32
        %mul3A_643 = vector.broadcast %mul3A_642 : f32 to vector<16xf32>
        %mul3A_644 = arith.mulf %scan3A_640#0, %mul3A_643 : vector<16xf32>
        %mul3A_645 = arith.constant 7.812500e-03 : f32
        %mul3A_646 = vector.broadcast %mul3A_645 : f32 to vector<16xf32>
        %mul3A_647 = arith.mulf %scan3A_640#1, %mul3A_646 : vector<16xf32>
        %mul3A_648 = arith.mulf %mul3A_644, %mul3A_644 : vector<16xf32>
        %sub3A = arith.subf %mul3A_647, %mul3A_648 : vector<16xf32>
        %add3A_649 = arith.constant 9.99999974E-6 : f32
        %add3A_650 = vector.broadcast %add3A_649 : f32 to vector<16xf32>
        %add3A_651 = arith.addf %sub3A, %add3A_650 : vector<16xf32>
        %bitcast_convert_type3A = tpu.bitcast %add3A_651 : vector<16xf32> -> vector<16xi32>
        %broadcast_in_dim3A_652 = arith.constant 1597463007 : i32
        %broadcast_in_dim3A_653 = vector.broadcast %broadcast_in_dim3A_652 : i32 to vector<16xi32>
        %shift_right_arithmetic3A = arith.constant 1 : i32
        %shift_right_arithmetic3A_654 = vector.broadcast %shift_right_arithmetic3A : i32 to vector<16xi32>
        %shift_right_arithmetic3A_655 = arith.shrsi %bitcast_convert_type3A, %shift_right_arithmetic3A_654 : vector<16xi32>
        %sub3A_656 = arith.subi %broadcast_in_dim3A_653, %shift_right_arithmetic3A_655 : vector<16xi32>
        %bitcast_convert_type3A_657 = tpu.bitcast %sub3A_656 : vector<16xi32> -> vector<16xf32>
        %mul3A_658 = arith.constant 5.000000e-01 : f32
        %mul3A_659 = vector.broadcast %mul3A_658 : f32 to vector<16xf32>
        %mul3A_660 = arith.mulf %mul3A_659, %add3A_651 : vector<16xf32>
        %mul3A_661 = arith.mulf %mul3A_660, %bitcast_convert_type3A_657 : vector<16xf32>
        %mul3A_662 = arith.mulf %mul3A_661, %bitcast_convert_type3A_657 : vector<16xf32>
        %sub3A_663 = arith.constant 1.500000e+00 : f32
        %sub3A_664 = vector.broadcast %sub3A_663 : f32 to vector<16xf32>
        %sub3A_665 = arith.subf %sub3A_664, %mul3A_662 : vector<16xf32>
        %mul3A_666 = arith.mulf %bitcast_convert_type3A_657, %sub3A_665 : vector<16xf32>
        %mul3A_667 = arith.constant 5.000000e-01 : f32
        %mul3A_668 = vector.broadcast %mul3A_667 : f32 to vector<16xf32>
        %mul3A_669 = arith.mulf %mul3A_668, %add3A_651 : vector<16xf32>
        %mul3A_670 = arith.mulf %mul3A_669, %mul3A_666 : vector<16xf32>
        %mul3A_671 = arith.mulf %mul3A_670, %mul3A_666 : vector<16xf32>
        %sub3A_672 = arith.constant 1.500000e+00 : f32
        %sub3A_673 = vector.broadcast %sub3A_672 : f32 to vector<16xf32>
        %sub3A_674 = arith.subf %sub3A_673, %mul3A_671 : vector<16xf32>
        %mul3A_675 = arith.mulf %mul3A_666, %sub3A_674 : vector<16xf32>
        %mul3A_676 = arith.constant 5.000000e-01 : f32
        %mul3A_677 = vector.broadcast %mul3A_676 : f32 to vector<16xf32>
        %mul3A_678 = arith.mulf %mul3A_677, %add3A_651 : vector<16xf32>
        %mul3A_679 = arith.mulf %mul3A_678, %mul3A_675 : vector<16xf32>
        %mul3A_680 = arith.mulf %mul3A_679, %mul3A_675 : vector<16xf32>
        %sub3A_681 = arith.constant 1.500000e+00 : f32
        %sub3A_682 = vector.broadcast %sub3A_681 : f32 to vector<16xf32>
        %sub3A_683 = arith.subf %sub3A_682, %mul3A_680 : vector<16xf32>
        %mul3A_684 = arith.mulf %mul3A_675, %sub3A_683 : vector<16xf32>
        %mul3A_685 = arith.constant 16 : i32
        %mul3A_686 = arith.muli %scan3A_630, %mul3A_685 : i32
        %swap3A = arith.index_cast %mul3A_686 : i32 to index
        %swap3A_687 = tpu.vector_load %arg22[%swap3A] {strides = array<i32>} : memref<128xf32, #tpu.memory_space<vmem>>, vector<16xf32>,
        tpu.vector_store %arg22[%swap3A], %mul3A_644 {strides = array<i32>} : memref<128xf32, #tpu.memory_space<vmem>>, vector<16xf32>,
        %mul3A_688 = arith.constant 16 : i32
        %mul3A_689 = arith.muli %scan3A_630, %mul3A_688 : i32
        %swap3A_690 = arith.index_cast %mul3A_689 : i32 to index
        %swap3A_691 = tpu.vector_load %arg23[%swap3A_690] {strides = array<i32>} : memref<128xf32, #tpu.memory_space<vmem>>, vector<16xf32>,
        tpu.vector_store %arg23[%swap3A_690], %mul3A_684 {strides = array<i32>} : memref<128xf32, #tpu.memory_space<vmem>>, vector<16xf32>,
      }
      %scan3A_581 = arith.constant 8 : i32
      %get3A_582 = arith.constant 0 : index
      %get3A_583 = tpu.vector_load %arg20[%get3A_582] {strides = array<i32>} : memref<128xf32, #tpu.memory_space<vmem>>, vector<16xf32>,
      %get3A_584 = arith.constant 16 : index
      %get3A_585 = tpu.vector_load %arg20[%get3A_584] {strides = array<i32>} : memref<128xf32, #tpu.memory_space<vmem>>, vector<16xf32>,
      %get3A_586 = arith.constant 32 : index
      %get3A_587 = tpu.vector_load %arg20[%get3A_586] {strides = array<i32>} : memref<128xf32, #tpu.memory_space<vmem>>, vector<16xf32>,
      %get3A_588 = arith.constant 48 : index
      %get3A_589 = tpu.vector_load %arg20[%get3A_588] {strides = array<i32>} : memref<128xf32, #tpu.memory_space<vmem>>, vector<16xf32>,
      %get3A_590 = arith.constant 64 : index
      %get3A_591 = tpu.vector_load %arg20[%get3A_590] {strides = array<i32>} : memref<128xf32, #tpu.memory_space<vmem>>, vector<16xf32>,
      %get3A_592 = arith.constant 80 : index
      %get3A_593 = tpu.vector_load %arg20[%get3A_592] {strides = array<i32>} : memref<128xf32, #tpu.memory_space<vmem>>, vector<16xf32>,
      %get3A_594 = arith.constant 96 : index
      %get3A_595 = tpu.vector_load %arg20[%get3A_594] {strides = array<i32>} : memref<128xf32, #tpu.memory_space<vmem>>, vector<16xf32>,
      %get3A_596 = arith.constant 112 : index
      %get3A_597 = tpu.vector_load %arg20[%get3A_596] {strides = array<i32>} : memref<128xf32, #tpu.memory_space<vmem>>, vector<16xf32>,
      %get3A_598 = arith.constant 0 : index
      %get3A_599 = tpu.vector_load %arg21[%get3A_598] {strides = array<i32>} : memref<128xf32, #tpu.memory_space<vmem>>, vector<16xf32>,
      %get3A_600 = arith.constant 16 : index
      %get3A_601 = tpu.vector_load %arg21[%get3A_600] {strides = array<i32>} : memref<128xf32, #tpu.memory_space<vmem>>, vector<16xf32>,
      %get3A_602 = arith.constant 32 : index
      %get3A_603 = tpu.vector_load %arg21[%get3A_602] {strides = array<i32>} : memref<128xf32, #tpu.memory_space<vmem>>, vector<16xf32>,
      %get3A_604 = arith.constant 48 : index
      %get3A_605 = tpu.vector_load %arg21[%get3A_604] {strides = array<i32>} : memref<128xf32, #tpu.memory_space<vmem>>, vector<16xf32>,
      %get3A_606 = arith.constant 64 : index
      %get3A_607 = tpu.vector_load %arg21[%get3A_606] {strides = array<i32>} : memref<128xf32, #tpu.memory_space<vmem>>, vector<16xf32>,
      %get3A_608 = arith.constant 80 : index
      %get3A_609 = tpu.vector_load %arg21[%get3A_608] {strides = array<i32>} : memref<128xf32, #tpu.memory_space<vmem>>, vector<16xf32>,
      %get3A_610 = arith.constant 96 : index
      %get3A_611 = tpu.vector_load %arg21[%get3A_610] {strides = array<i32>} : memref<128xf32, #tpu.memory_space<vmem>>, vector<16xf32>,
      %get3A_612 = arith.constant 112 : index
      %get3A_613 = tpu.vector_load %arg21[%get3A_612] {strides = array<i32>} : memref<128xf32, #tpu.memory_space<vmem>>, vector<16xf32>,
      %scan3A_614 = arith.constant 0 : i32
      %scan3A_615 = arith.constant 0 : i32
      %scan3A_616 = arith.constant 128 : i32
      %scan3A_617 = arith.addi %scan3A_615, %scan3A_616 : i32
      %scan3A_618 = arith.constant 2 : i32
      scf.for %scan3A_630 = %scan3A_615 to %scan3A_617 step %scan3A_618  : i32 {
        %broadcast_in_dim3A = vector.broadcast %scan3A_630 : i32 to vector<16xi32>
        %gather3A = tpu.vector_load_idx %arg22[%broadcast_in_dim3A] : memref<128xf32, #tpu.memory_space<vmem>>[vector<16xi32>], vector<16xf32>,
        %gather3A_631 = tpu.vector_load_idx %arg23[%broadcast_in_dim3A] : memref<128xf32, #tpu.memory_space<vmem>>[vector<16xi32>], vector<16xf32>,
        %get3A_632 = arith.index_cast %scan3A_630 : i32 to index
        %get3A_633 = arith.constant 0 : index
        %get3A_634 = tpu.vector_load %arg19[%get3A_632, %get3A_633] {strides = array<i32>} : memref<128x128xf32, #tpu.memory_space<vmem>>, vector<16xf32>,
        %sub3A = arith.subf %get3A_634, %gather3A : vector<16xf32>
        %mul3A_635 = arith.mulf %sub3A, %gather3A_631 : vector<16xf32>
        %mul3A_636 = arith.mulf %mul3A_635, %get3A_583 : vector<16xf32>
        %add3A_637 = arith.addf %mul3A_636, %get3A_599 : vector<16xf32>
        %swap3A = arith.index_cast %scan3A_630 : i32 to index
        %swap3A_638 = arith.constant 0 : index
        %swap3A_639 = tpu.vector_load %arg19[%swap3A, %swap3A_638] {strides = array<i32>} : memref<128x128xf32, #tpu.memory_space<vmem>>, vector<16xf32>,
        tpu.vector_store %arg19[%swap3A, %swap3A_638], %add3A_637 {strides = array<i32>} : memref<128x128xf32, #tpu.memory_space<vmem>>, vector<16xf32>,
        %get3A_640 = arith.index_cast %scan3A_630 : i32 to index
        %get3A_641 = arith.constant 16 : index
        %get3A_642 = tpu.vector_load %arg19[%get3A_640, %get3A_641] {strides = array<i32>} : memref<128x128xf32, #tpu.memory_space<vmem>>, vector<16xf32>,
        %sub3A_643 = arith.subf %get3A_642, %gather3A : vector<16xf32>
        %mul3A_644 = arith.mulf %sub3A_643, %gather3A_631 : vector<16xf32>
        %mul3A_645 = arith.mulf %mul3A_644, %get3A_585 : vector<16xf32>
        %add3A_646 = arith.addf %mul3A_645, %get3A_601 : vector<16xf32>
        %swap3A_647 = arith.index_cast %scan3A_630 : i32 to index
        %swap3A_648 = arith.constant 16 : index
        %swap3A_649 = tpu.vector_load %arg19[%swap3A_647, %swap3A_648] {strides = array<i32>} : memref<128x128xf32, #tpu.memory_space<vmem>>, vector<16xf32>,
        tpu.vector_store %arg19[%swap3A_647, %swap3A_648], %add3A_646 {strides = array<i32>} : memref<128x128xf32, #tpu.memory_space<vmem>>, vector<16xf32>,
        %get3A_650 = arith.index_cast %scan3A_630 : i32 to index
        %get3A_651 = arith.constant 32 : index
        %get3A_652 = tpu.vector_load %arg19[%get3A_650, %get3A_651] {strides = array<i32>} : memref<128x128xf32, #tpu.memory_space<vmem>>, vector<16xf32>,
        %sub3A_653 = arith.subf %get3A_652, %gather3A : vector<16xf32>
        %mul3A_654 = arith.mulf %sub3A_653, %gather3A_631 : vector<16xf32>
        %mul3A_655 = arith.mulf %mul3A_654, %get3A_587 : vector<16xf32>
        %add3A_656 = arith.addf %mul3A_655, %get3A_603 : vector<16xf32>
        %swap3A_657 = arith.index_cast %scan3A_630 : i32 to index
        %swap3A_658 = arith.constant 32 : index
        %swap3A_659 = tpu.vector_load %arg19[%swap3A_657, %swap3A_658] {strides = array<i32>} : memref<128x128xf32, #tpu.memory_space<vmem>>, vector<16xf32>,
        tpu.vector_store %arg19[%swap3A_657, %swap3A_658], %add3A_656 {strides = array<i32>} : memref<128x128xf32, #tpu.memory_space<vmem>>, vector<16xf32>,
        %get3A_660 = arith.index_cast %scan3A_630 : i32 to index
        %get3A_661 = arith.constant 48 : index
        %get3A_662 = tpu.vector_load %arg19[%get3A_660, %get3A_661] {strides = array<i32>} : memref<128x128xf32, #tpu.memory_space<vmem>>, vector<16xf32>,
        %sub3A_663 = arith.subf %get3A_662, %gather3A : vector<16xf32>
        %mul3A_664 = arith.mulf %sub3A_663, %gather3A_631 : vector<16xf32>
        %mul3A_665 = arith.mulf %mul3A_664, %get3A_589 : vector<16xf32>
        %add3A_666 = arith.addf %mul3A_665, %get3A_605 : vector<16xf32>
        %swap3A_667 = arith.index_cast %scan3A_630 : i32 to index
        %swap3A_668 = arith.constant 48 : index
        %swap3A_669 = tpu.vector_load %arg19[%swap3A_667, %swap3A_668] {strides = array<i32>} : memref<128x128xf32, #tpu.memory_space<vmem>>, vector<16xf32>,
        tpu.vector_store %arg19[%swap3A_667, %swap3A_668], %add3A_666 {strides = array<i32>} : memref<128x128xf32, #tpu.memory_space<vmem>>, vector<16xf32>,
        %get3A_670 = arith.index_cast %scan3A_630 : i32 to index
        %get3A_671 = arith.constant 64 : index
        %get3A_672 = tpu.vector_load %arg19[%get3A_670, %get3A_671] {strides = array<i32>} : memref<128x128xf32, #tpu.memory_space<vmem>>, vector<16xf32>,
        %sub3A_673 = arith.subf %get3A_672, %gather3A : vector<16xf32>
        %mul3A_674 = arith.mulf %sub3A_673, %gather3A_631 : vector<16xf32>
        %mul3A_675 = arith.mulf %mul3A_674, %get3A_591 : vector<16xf32>
        %add3A_676 = arith.addf %mul3A_675, %get3A_607 : vector<16xf32>
        %swap3A_677 = arith.index_cast %scan3A_630 : i32 to index
        %swap3A_678 = arith.constant 64 : index
        %swap3A_679 = tpu.vector_load %arg19[%swap3A_677, %swap3A_678] {strides = array<i32>} : memref<128x128xf32, #tpu.memory_space<vmem>>, vector<16xf32>,
        tpu.vector_store %arg19[%swap3A_677, %swap3A_678], %add3A_676 {strides = array<i32>} : memref<128x128xf32, #tpu.memory_space<vmem>>, vector<16xf32>,
        %get3A_680 = arith.index_cast %scan3A_630 : i32 to index
        %get3A_681 = arith.constant 80 : index
        %get3A_682 = tpu.vector_load %arg19[%get3A_680, %get3A_681] {strides = array<i32>} : memref<128x128xf32, #tpu.memory_space<vmem>>, vector<16xf32>,
        %sub3A_683 = arith.subf %get3A_682, %gather3A : vector<16xf32>
        %mul3A_684 = arith.mulf %sub3A_683, %gather3A_631 : vector<16xf32>
        %mul3A_685 = arith.mulf %mul3A_684, %get3A_593 : vector<16xf32>
        %add3A_686 = arith.addf %mul3A_685, %get3A_609 : vector<16xf32>
        %swap3A_687 = arith.index_cast %scan3A_630 : i32 to index
        %swap3A_688 = arith.constant 80 : index
        %swap3A_689 = tpu.vector_load %arg19[%swap3A_687, %swap3A_688] {strides = array<i32>} : memref<128x128xf32, #tpu.memory_space<vmem>>, vector<16xf32>,
        tpu.vector_store %arg19[%swap3A_687, %swap3A_688], %add3A_686 {strides = array<i32>} : memref<128x128xf32, #tpu.memory_space<vmem>>, vector<16xf32>,
        %get3A_690 = arith.index_cast %scan3A_630 : i32 to index
        %get3A_691 = arith.constant 96 : index
        %get3A_692 = tpu.vector_load %arg19[%get3A_690, %get3A_691] {strides = array<i32>} : memref<128x128xf32, #tpu.memory_space<vmem>>, vector<16xf32>,
        %sub3A_693 = arith.subf %get3A_692, %gather3A : vector<16xf32>
        %mul3A_694 = arith.mulf %sub3A_693, %gather3A_631 : vector<16xf32>
        %mul3A_695 = arith.mulf %mul3A_694, %get3A_595 : vector<16xf32>
        %add3A_696 = arith.addf %mul3A_695, %get3A_611 : vector<16xf32>
        %swap3A_697 = arith.index_cast %scan3A_630 : i32 to index
        %swap3A_698 = arith.constant 96 : index
        %swap3A_699 = tpu.vector_load %arg19[%swap3A_697, %swap3A_698] {strides = array<i32>} : memref<128x128xf32, #tpu.memory_space<vmem>>, vector<16xf32>,
        tpu.vector_store %arg19[%swap3A_697, %swap3A_698], %add3A_696 {strides = array<i32>} : memref<128x128xf32, #tpu.memory_space<vmem>>, vector<16xf32>,
        %get3A_700 = arith.index_cast %scan3A_630 : i32 to index
        %get3A_701 = arith.constant 112 : index
        %get3A_702 = tpu.vector_load %arg19[%get3A_700, %get3A_701] {strides = array<i32>} : memref<128x128xf32, #tpu.memory_space<vmem>>, vector<16xf32>,
        %sub3A_703 = arith.subf %get3A_702, %gather3A : vector<16xf32>
        %mul3A_704 = arith.mulf %sub3A_703, %gather3A_631 : vector<16xf32>
        %mul3A_705 = arith.mulf %mul3A_704, %get3A_597 : vector<16xf32>
        %add3A_706 = arith.addf %mul3A_705, %get3A_613 : vector<16xf32>
        %swap3A_707 = arith.index_cast %scan3A_630 : i32 to index
        %swap3A_708 = arith.constant 112 : index
        %swap3A_709 = tpu.vector_load %arg19[%swap3A_707, %swap3A_708] {strides = array<i32>} : memref<128x128xf32, #tpu.memory_space<vmem>>, vector<16xf32>,
        tpu.vector_store %arg19[%swap3A_707, %swap3A_708], %add3A_706 {strides = array<i32>} : memref<128x128xf32, #tpu.memory_space<vmem>>, vector<16xf32>,
        %scan3A_710 = arith.constant 1 : i32
        %scan3A_711 = arith.addi %scan3A_630, %scan3A_710 : i32
        %broadcast_in_dim3A_712 = vector.broadcast %scan3A_711 : i32 to vector<16xi32>
        %gather3A_713 = tpu.vector_load_idx %arg22[%broadcast_in_dim3A_712] : memref<128xf32, #tpu.memory_space<vmem>>[vector<16xi32>], vector<16xf32>,
        %gather3A_714 = tpu.vector_load_idx %arg23[%broadcast_in_dim3A_712] : memref<128xf32, #tpu.memory_space<vmem>>[vector<16xi32>], vector<16xf32>,
        %get3A_715 = arith.index_cast %scan3A_711 : i32 to index
        %get3A_716 = arith.constant 0 : index
        %get3A_717 = tpu.vector_load %arg19[%get3A_715, %get3A_716] {strides = array<i32>} : memref<128x128xf32, #tpu.memory_space<vmem>>, vector<16xf32>,
        %sub3A_718 = arith.subf %get3A_717, %gather3A_713 : vector<16xf32>
        %mul3A_719 = arith.mulf %sub3A_718, %gather3A_714 : vector<16xf32>
        %mul3A_720 = arith.mulf %mul3A_719, %get3A_583 : vector<16xf32>
        %add3A_721 = arith.addf %mul3A_720, %get3A_599 : vector<16xf32>
        %swap3A_722 = arith.index_cast %scan3A_711 : i32 to index
        %swap3A_723 = arith.constant 0 : index
        %swap3A_724 = tpu.vector_load %arg19[%swap3A_722, %swap3A_723] {strides = array<i32>} : memref<128x128xf32, #tpu.memory_space<vmem>>, vector<16xf32>,
        tpu.vector_store %arg19[%swap3A_722, %swap3A_723], %add3A_721 {strides = array<i32>} : memref<128x128xf32, #tpu.memory_space<vmem>>, vector<16xf32>,
        %get3A_725 = arith.index_cast %scan3A_711 : i32 to index
        %get3A_726 = arith.constant 16 : index
        %get3A_727 = tpu.vector_load %arg19[%get3A_725, %get3A_726] {strides = array<i32>} : memref<128x128xf32, #tpu.memory_space<vmem>>, vector<16xf32>,
        %sub3A_728 = arith.subf %get3A_727, %gather3A_713 : vector<16xf32>
        %mul3A_729 = arith.mulf %sub3A_728, %gather3A_714 : vector<16xf32>
        %mul3A_730 = arith.mulf %mul3A_729, %get3A_585 : vector<16xf32>
        %add3A_731 = arith.addf %mul3A_730, %get3A_601 : vector<16xf32>
        %swap3A_732 = arith.index_cast %scan3A_711 : i32 to index
        %swap3A_733 = arith.constant 16 : index
        %swap3A_734 = tpu.vector_load %arg19[%swap3A_732, %swap3A_733] {strides = array<i32>} : memref<128x128xf32, #tpu.memory_space<vmem>>, vector<16xf32>,
        tpu.vector_store %arg19[%swap3A_732, %swap3A_733], %add3A_731 {strides = array<i32>} : memref<128x128xf32, #tpu.memory_space<vmem>>, vector<16xf32>,
        %get3A_735 = arith.index_cast %scan3A_711 : i32 to index
        %get3A_736 = arith.constant 32 : index
        %get3A_737 = tpu.vector_load %arg19[%get3A_735, %get3A_736] {strides = array<i32>} : memref<128x128xf32, #tpu.memory_space<vmem>>, vector<16xf32>,
        %sub3A_738 = arith.subf %get3A_737, %gather3A_713 : vector<16xf32>
        %mul3A_739 = arith.mulf %sub3A_738, %gather3A_714 : vector<16xf32>
        %mul3A_740 = arith.mulf %mul3A_739, %get3A_587 : vector<16xf32>
        %add3A_741 = arith.addf %mul3A_740, %get3A_603 : vector<16xf32>
        %swap3A_742 = arith.index_cast %scan3A_711 : i32 to index
        %swap3A_743 = arith.constant 32 : index
        %swap3A_744 = tpu.vector_load %arg19[%swap3A_742, %swap3A_743] {strides = array<i32>} : memref<128x128xf32, #tpu.memory_space<vmem>>, vector<16xf32>,
        tpu.vector_store %arg19[%swap3A_742, %swap3A_743], %add3A_741 {strides = array<i32>} : memref<128x128xf32, #tpu.memory_space<vmem>>, vector<16xf32>,
        %get3A_745 = arith.index_cast %scan3A_711 : i32 to index
        %get3A_746 = arith.constant 48 : index
        %get3A_747 = tpu.vector_load %arg19[%get3A_745, %get3A_746] {strides = array<i32>} : memref<128x128xf32, #tpu.memory_space<vmem>>, vector<16xf32>,
        %sub3A_748 = arith.subf %get3A_747, %gather3A_713 : vector<16xf32>
        %mul3A_749 = arith.mulf %sub3A_748, %gather3A_714 : vector<16xf32>
        %mul3A_750 = arith.mulf %mul3A_749, %get3A_589 : vector<16xf32>
        %add3A_751 = arith.addf %mul3A_750, %get3A_605 : vector<16xf32>
        %swap3A_752 = arith.index_cast %scan3A_711 : i32 to index
        %swap3A_753 = arith.constant 48 : index
        %swap3A_754 = tpu.vector_load %arg19[%swap3A_752, %swap3A_753] {strides = array<i32>} : memref<128x128xf32, #tpu.memory_space<vmem>>, vector<16xf32>,
        tpu.vector_store %arg19[%swap3A_752, %swap3A_753], %add3A_751 {strides = array<i32>} : memref<128x128xf32, #tpu.memory_space<vmem>>, vector<16xf32>,
        %get3A_755 = arith.index_cast %scan3A_711 : i32 to index
        %get3A_756 = arith.constant 64 : index
        %get3A_757 = tpu.vector_load %arg19[%get3A_755, %get3A_756] {strides = array<i32>} : memref<128x128xf32, #tpu.memory_space<vmem>>, vector<16xf32>,
        %sub3A_758 = arith.subf %get3A_757, %gather3A_713 : vector<16xf32>
        %mul3A_759 = arith.mulf %sub3A_758, %gather3A_714 : vector<16xf32>
        %mul3A_760 = arith.mulf %mul3A_759, %get3A_591 : vector<16xf32>
        %add3A_761 = arith.addf %mul3A_760, %get3A_607 : vector<16xf32>
        %swap3A_762 = arith.index_cast %scan3A_711 : i32 to index
        %swap3A_763 = arith.constant 64 : index
        %swap3A_764 = tpu.vector_load %arg19[%swap3A_762, %swap3A_763] {strides = array<i32>} : memref<128x128xf32, #tpu.memory_space<vmem>>, vector<16xf32>,
        tpu.vector_store %arg19[%swap3A_762, %swap3A_763], %add3A_761 {strides = array<i32>} : memref<128x128xf32, #tpu.memory_space<vmem>>, vector<16xf32>,
        %get3A_765 = arith.index_cast %scan3A_711 : i32 to index
        %get3A_766 = arith.constant 80 : index
        %get3A_767 = tpu.vector_load %arg19[%get3A_765, %get3A_766] {strides = array<i32>} : memref<128x128xf32, #tpu.memory_space<vmem>>, vector<16xf32>,
        %sub3A_768 = arith.subf %get3A_767, %gather3A_713 : vector<16xf32>
        %mul3A_769 = arith.mulf %sub3A_768, %gather3A_714 : vector<16xf32>
        %mul3A_770 = arith.mulf %mul3A_769, %get3A_593 : vector<16xf32>
        %add3A_771 = arith.addf %mul3A_770, %get3A_609 : vector<16xf32>
        %swap3A_772 = arith.index_cast %scan3A_711 : i32 to index
        %swap3A_773 = arith.constant 80 : index
        %swap3A_774 = tpu.vector_load %arg19[%swap3A_772, %swap3A_773] {strides = array<i32>} : memref<128x128xf32, #tpu.memory_space<vmem>>, vector<16xf32>,
        tpu.vector_store %arg19[%swap3A_772, %swap3A_773], %add3A_771 {strides = array<i32>} : memref<128x128xf32, #tpu.memory_space<vmem>>, vector<16xf32>,
        %get3A_775 = arith.index_cast %scan3A_711 : i32 to index
        %get3A_776 = arith.constant 96 : index
        %get3A_777 = tpu.vector_load %arg19[%get3A_775, %get3A_776] {strides = array<i32>} : memref<128x128xf32, #tpu.memory_space<vmem>>, vector<16xf32>,
        %sub3A_778 = arith.subf %get3A_777, %gather3A_713 : vector<16xf32>
        %mul3A_779 = arith.mulf %sub3A_778, %gather3A_714 : vector<16xf32>
        %mul3A_780 = arith.mulf %mul3A_779, %get3A_595 : vector<16xf32>
        %add3A_781 = arith.addf %mul3A_780, %get3A_611 : vector<16xf32>
        %swap3A_782 = arith.index_cast %scan3A_711 : i32 to index
        %swap3A_783 = arith.constant 96 : index
        %swap3A_784 = tpu.vector_load %arg19[%swap3A_782, %swap3A_783] {strides = array<i32>} : memref<128x128xf32, #tpu.memory_space<vmem>>, vector<16xf32>,
        tpu.vector_store %arg19[%swap3A_782, %swap3A_783], %add3A_781 {strides = array<i32>} : memref<128x128xf32, #tpu.memory_space<vmem>>, vector<16xf32>,
        %get3A_785 = arith.index_cast %scan3A_711 : i32 to index
        %get3A_786 = arith.constant 112 : index
        %get3A_787 = tpu.vector_load %arg19[%get3A_785, %get3A_786] {strides = array<i32>} : memref<128x128xf32, #tpu.memory_space<vmem>>, vector<16xf32>,
        %sub3A_788 = arith.subf %get3A_787, %gather3A_713 : vector<16xf32>
        %mul3A_789 = arith.mulf %sub3A_788, %gather3A_714 : vector<16xf32>
        %mul3A_790 = arith.mulf %mul3A_789, %get3A_597 : vector<16xf32>
        %add3A_791 = arith.addf %mul3A_790, %get3A_613 : vector<16xf32>
        %swap3A_792 = arith.index_cast %scan3A_711 : i32 to index
        %swap3A_793 = arith.constant 112 : index
        %swap3A_794 = tpu.vector_load %arg19[%swap3A_792, %swap3A_793] {strides = array<i32>} : memref<128x128xf32, #tpu.memory_space<vmem>>, vector<16xf32>,
        tpu.vector_store %arg19[%swap3A_792, %swap3A_793], %add3A_791 {strides = array<i32>} : memref<128x128xf32, #tpu.memory_space<vmem>>, vector<16xf32>,
      }
      %scan3A_619 = arith.constant 128 : i32
      %mul3A_620 = arith.constant 128 : i32
      %mul3A_621 = arith.muli %add3A_526, %mul3A_620 : i32
      %add3A_622 = arith.addi %mul3A_4, %mul3A_621 : i32
      %dma_start3A_623 = arith.constant 4 : i32
      %dma_start3A_624 = arith.constant 0 : i32
      %dma_start3A_625 = tpu.memref_slice %arg9[%add3A_622, %dma_start3A_624] : memref<204800x128xf32, #tpu.memory_space<hbm>> -> memref<128x128xf32, #tpu.memory_space<hbm>>
      %dma_start3A_626 = tpu.memref_slice %arg26[%dma_start3A_623] : memref<5x!tpu.dma_semaphore, #tpu.memory_space<semaphore_mem>> -> memref<1x!tpu.dma_semaphore, #tpu.memory_space<semaphore_mem>>
      %dma_start3A_627 = tpu.memref_squeeze %dma_start3A_626 : memref<1x!tpu.dma_semaphore, #tpu.memory_space<semaphore_mem>> -> memref<!tpu.dma_semaphore, #tpu.memory_space<semaphore_mem>>
      %dma_start3A_628 = arith.constant 0 : i32
      %dma_start3A_629 = tpu.memref_slice %arg9[%add3A_622, %dma_start3A_628] : memref<204800x128xf32, #tpu.memory_space<hbm>> -> memref<128x128xf32, #tpu.memory_space<hbm>>
      tpu.enqueue_dma source(%arg19 : memref<128x128xf32, #tpu.memory_space<vmem>>) target(%dma_start3A_629 : memref<128x128xf32, #tpu.memory_space<hbm>>) target_semaphore(%dma_start3A_627 : memref<!tpu.dma_semaphore, #tpu.memory_space<semaphore_mem>>)
    }
    %scan3A_71 = arith.constant 10 : i32
    %add3A_72 = arith.constant 6016 : i32
    %add3A_73 = arith.addi %mul3A_4, %add3A_72 : i32
    %dma_wait3A_74 = arith.constant 2 : i32
    %dma_wait3A_75 = arith.constant 0 : i32
    %dma_wait3A_76 = tpu.memref_slice %arg9[%add3A_73, %dma_wait3A_75] : memref<204800x128xf32, #tpu.memory_space<hbm>> -> memref<128x128xf32, #tpu.memory_space<hbm>>
    %dma_wait3A_77 = tpu.memref_slice %arg26[%dma_wait3A_74] : memref<5x!tpu.dma_semaphore, #tpu.memory_space<semaphore_mem>> -> memref<1x!tpu.dma_semaphore, #tpu.memory_space<semaphore_mem>>
    %dma_wait3A_78 = tpu.memref_squeeze %dma_wait3A_77 : memref<1x!tpu.dma_semaphore, #tpu.memory_space<semaphore_mem>> -> memref<!tpu.dma_semaphore, #tpu.memory_space<semaphore_mem>>
    %dma_wait3A_79 = arith.constant 0 : i32
    %dma_wait3A_80 = tpu.memref_slice %arg9[%add3A_73, %dma_wait3A_79] : memref<204800x128xf32, #tpu.memory_space<hbm>> -> memref<128x128xf32, #tpu.memory_space<hbm>>
    tpu.wait_dma2 semaphore(%dma_wait3A_78 : memref<!tpu.dma_semaphore, #tpu.memory_space<semaphore_mem>>) src(%arg17 : memref<128x128xf32, #tpu.memory_space<vmem>>) dst(%dma_wait3A_80 : memref<128x128xf32, #tpu.memory_space<hbm>>)
    %add3A_81 = arith.constant 6144 : i32
    %add3A_82 = arith.addi %mul3A_4, %add3A_81 : i32
    %dma_wait3A_83 = arith.constant 3 : i32
    %dma_wait3A_84 = arith.constant 0 : i32
    %dma_wait3A_85 = tpu.memref_slice %arg9[%add3A_82, %dma_wait3A_84] : memref<204800x128xf32, #tpu.memory_space<hbm>> -> memref<128x128xf32, #tpu.memory_space<hbm>>
    %dma_wait3A_86 = tpu.memref_slice %arg26[%dma_wait3A_83] : memref<5x!tpu.dma_semaphore, #tpu.memory_space<semaphore_mem>> -> memref<1x!tpu.dma_semaphore, #tpu.memory_space<semaphore_mem>>
    %dma_wait3A_87 = tpu.memref_squeeze %dma_wait3A_86 : memref<1x!tpu.dma_semaphore, #tpu.memory_space<semaphore_mem>> -> memref<!tpu.dma_semaphore, #tpu.memory_space<semaphore_mem>>
    %dma_wait3A_88 = arith.constant 0 : i32
    %dma_wait3A_89 = tpu.memref_slice %arg9[%add3A_82, %dma_wait3A_88] : memref<204800x128xf32, #tpu.memory_space<hbm>> -> memref<128x128xf32, #tpu.memory_space<hbm>>
    tpu.wait_dma2 semaphore(%dma_wait3A_87 : memref<!tpu.dma_semaphore, #tpu.memory_space<semaphore_mem>>) src(%arg18 : memref<128x128xf32, #tpu.memory_space<vmem>>) dst(%dma_wait3A_89 : memref<128x128xf32, #tpu.memory_space<hbm>>)
    %add3A_90 = arith.constant 6272 : i32
    %add3A_91 = arith.addi %mul3A_4, %add3A_90 : i32
    %dma_wait3A_92 = arith.constant 4 : i32
    %dma_wait3A_93 = arith.constant 0 : i32
    %dma_wait3A_94 = tpu.memref_slice %arg9[%add3A_91, %dma_wait3A_93] : memref<204800x128xf32, #tpu.memory_space<hbm>> -> memref<128x128xf32, #tpu.memory_space<hbm>>
    %dma_wait3A_95 = tpu.memref_slice %arg26[%dma_wait3A_92] : memref<5x!tpu.dma_semaphore, #tpu.memory_space<semaphore_mem>> -> memref<1x!tpu.dma_semaphore, #tpu.memory_space<semaphore_mem>>
    %dma_wait3A_96 = tpu.memref_squeeze %dma_wait3A_95 : memref<1x!tpu.dma_semaphore, #tpu.memory_space<semaphore_mem>> -> memref<!tpu.dma_semaphore, #tpu.memory_space<semaphore_mem>>
    %dma_wait3A_97 = arith.constant 0 : i32
    %dma_wait3A_98 = tpu.memref_slice %arg9[%add3A_91, %dma_wait3A_97] : memref<204800x128xf32, #tpu.memory_space<hbm>> -> memref<128x128xf32, #tpu.memory_space<hbm>>
    tpu.wait_dma2 semaphore(%dma_wait3A_96 : memref<!tpu.dma_semaphore, #tpu.memory_space<semaphore_mem>>) src(%arg19 : memref<128x128xf32, #tpu.memory_space<vmem>>) dst(%dma_wait3A_98 : memref<128x128xf32, #tpu.memory_space<hbm>>)
    return
  }
}

</mosaic_0001>

<sc_bundles>
// kernel: kernel.3.cloned.1.call-start
scs
__scs_entry_jumppad:
0x0: {  	(pc) =	sbr.rel $0x88, $3  }
0x1: {  	(tag) =	ssettag $0x0;
	lr =	simm.s32 $0x1  }
0x2: {  	[smem:$0x3F97] =	sst lr;
	_ =	strace $0xD0000000  }
0x3: {  	_ = 	snop  }
0x4: {  	_ = 	snop  }
0x5: {  	_ = 	snop  }
0x6: {  	_ = 	snop  }
0x7: {  	_ = 	snop  }
__scs_overlays_trampoline_lowered:
0x8: {  	[smem:$0x3FA6] =	sst s0  }
0x9: {  	[smem:$0x3FA7] =	sst s1  }
0xa: {  	[smem:$0x3FA8] =	sst s2  }
0xb: {  	[smem:$0x3FA9] =	sst s3  }
0xc: {  	[smem:$0x3FAA] =	sst s4  }
0xd: {  	[smem:$0x3FAB] =	sst s5  }
0xe: {  	[smem:$0x3FAC] =	sst s6  }
0xf: {  	[smem:$0x3FAD] =	sst s7  }
0x10: {  	[smem:$0x3FAE] =	sst s8  }
0x11: {  	[smem:$0x3FAF] =	sst s9;
	s0 =	simm.s32 @!p0 $0x0  }
0x12: {  	s1 =	sld [smem:$0x3F95];
	s0 =	simm.s32 @p0 $0x1  }
0x13: {  	[smem:$0x3FB0] =	sst s0;
	s0 =	simm.s32 @!p1 $0x0  }
0x14: {  	s2 =	sld [smem:$0x3F94];
	s0 =	simm.s32 @p1 $0x1  }
0x15: {  	[smem:$0x3FB1] =	sst s0;
	s0 =	simm.s32 @!p2 $0x0  }
0x16: {  	s3 =	sld [smem:$0x3FDB];
	s0 =	simm.s32 @p2 $0x1  }
0x17: {  	s4 =	simm.s32 $0x1BF5;
	[smem:$0x3FB3] =	sst s0  }
0x18: {  	s0 =	sld [smem:$0x3F96];
	_ =	swait.ge [sflag:s4], $0x0  }
0x19: {  	s7 =	sld [smem:$0x3F97]  }
0x1a: {  	s8 =	sadd.s32 $0xFFFFE003, lr  }
0x1b: {  	s9 =	sadd.s32 $0xFFFFFEF7, lr;
	s5 =	simm.s32 $0xFFFFFFFF;
	p2 =	slt.u32 s8, $0xFFFFF086  }
0x1c: {  	p1 =	slt.u32 s9, $0xF7A;
	s5 =	simm.s32 @!p2 $0x0  }
0x1d: {  	s5 =	simm.s32 @p1 $0x1;
	p0 =	seq.s32 s7, s2  }
0x1e: {  	s7 =	smul.u32 @!p0 $0xF7A, s2;
	p2 =	seq.s32 @!p0 s5, $0x0  }
0x1f: {  	s9 =	smul.u32 $0xF7A, s1;
	s8 =	simm.s32 @!p0 $0x1BF5;
	p2 =	por !p2, p0  }
0x20: {  	[sflag:s8] =	ssyncset.s32 @!p0 $0xFFFFF086;
	s6 =	sadd.s32 @!p0 s3, s7;
	s7 =	simm.s32 @!p0 $0x108  }
0x21: {  	s3 =	sadd.s32 s3, s9;
	s6 =	sadd.s32 @!p0 $0x88, s6;
	s7 =	simm.s32 @p2 $0x1082  }
0x22: {  	[simem:s7], [sflag:s8] =	dma.local @!p0 [hbm:s6], $0xF7A  }
0x23: {  	s9 =	sor.u32 $0xD0000000, s2;
	s6 =	simm.s32 $0x108;
	_ =	swait.ge @!p0 [sflag:s8], $0x0  }
0x24: {  	s3 =	sadd.s32 $0x88, s3;
	s6 =	simm.s32 @!p1 $0x1082;
	[sflag:s4] =	ssyncset.s32 $0xFFFFF086  }
0x25: {  	[simem:s6], [sflag:s4] =	dma.local [hbm:s3], $0xF7A  }
0x26: {  	[smem:$0x3F97] =	sst s1;
	(tag) =	ssettag s2;
	_ =	strace s9  }
0x27: {  	s1 =	sld [smem:$0x3FA7]  }
0x28: {  	s2 =	sld [smem:$0x3FA8]  }
0x29: {  	s4 =	sld [smem:$0x3FAA]  }
0x2a: {  	p0 =	seq.s32 s5, $0x0;
	s5 =	sld [smem:$0x3FAB]  }
0x2b: {  	s6 =	sld [smem:$0x3FAC]  }
0x2c: {  	s7 =	sld [smem:$0x3FAD]  }
0x2d: {  	s3 =	simm.s32 $0x108;
	s8 =	sld [smem:$0x3FAE]  }
0x2e: {  	s3 =	simm.s32 @!p0 $0x1082;
	s9 =	sld [smem:$0x3FAF]  }
0x2f: {  	lr =	sadd.s32 s0, s3;
	s0 =	sld [smem:$0x3FA6]  }
0x30: {  	s3 =	sld [smem:$0x3FA9]  }
0x31: {  	[smem:$0x3FB2] =	sst s10  }
0x32: {  	s10 =	sld [smem:$0x3FB0];
	_ =	sdelay $0x3  }
0x33: {  	p0 =	seq.s32 s10, $0x1;
	s10 =	sld [smem:$0x3FB2];
	_ =	sdelay $0x3  }
0x34: {  	[smem:$0x3FB2] =	sst s10  }
0x35: {  	s10 =	sld [smem:$0x3FB1];
	_ =	sdelay $0x3  }
0x36: {  	p1 =	seq.s32 s10, $0x1;
	s10 =	sld [smem:$0x3FB2];
	_ =	sdelay $0x3  }
0x37: {  	[smem:$0x3FB2] =	sst s10  }
0x38: {  	s10 =	sld [smem:$0x3FB3]  }
0x39: {  	_ = 	snop;
	(pc) =	sbr.ind lr, $3  }
0x3a: {  	_ = 	snop  }
0x3b: {  	_ = 	snop  }
0x3c: {  	p2 =	seq.s32 s10, $0x1;
	s10 =	sld [smem:$0x3FB2]  }
0x3d: {  	_ =	shalt  }
0x3e: {  	_ =	shalt  }
0x3f: {  	_ =	shalt  }
0x40: {  	_ =	shalt  }
0x41: {  	_ =	shalt  }
0x42: {  	_ =	shalt  }
0x43: {  	_ =	shalt  }
0x44: {  	_ =	shalt  }
0x45: {  	_ =	shalt  }
0x46: {  	_ =	shalt  }
0x47: {  	_ =	shalt  }
0x48: {  	_ =	shalt  }
0x49: {  	_ =	shalt  }
0x4a: {  	_ =	shalt  }
0x4b: {  	_ =	shalt  }
0x4c: {  	_ =	shalt  }
0x4d: {  	_ =	shalt  }
0x4e: {  	_ =	shalt  }
0x4f: {  	_ =	shalt  }
0x50: {  	_ =	shalt  }
0x51: {  	_ =	shalt  }
0x52: {  	_ =	shalt  }
0x53: {  	_ =	shalt  }
0x54: {  	_ =	shalt  }
0x55: {  	_ =	shalt  }
0x56: {  	_ =	shalt  }
0x57: {  	_ =	shalt  }
0x58: {  	_ =	shalt  }
0x59: {  	_ =	shalt  }
0x5a: {  	_ =	shalt  }
0x5b: {  	_ =	shalt  }
0x5c: {  	_ =	shalt  }
0x5d: {  	_ =	shalt  }
0x5e: {  	_ =	shalt  }
0x5f: {  	_ =	shalt  }
0x60: {  	_ =	shalt  }
0x61: {  	_ =	shalt  }
0x62: {  	_ =	shalt  }
0x63: {  	_ =	shalt  }
0x64: {  	_ =	shalt  }
0x65: {  	_ =	shalt  }
0x66: {  	_ =	shalt  }
0x67: {  	_ =	shalt  }
0x68: {  	_ =	shalt  }
0x69: {  	_ =	shalt  }
0x6a: {  	_ =	shalt  }
0x6b: {  	_ =	shalt  }
0x6c: {  	_ =	shalt  }
0x6d: {  	_ =	shalt  }
0x6e: {  	_ =	shalt  }
0x6f: {  	_ =	shalt  }
0x70: {  	_ =	shalt  }
0x71: {  	_ =	shalt  }
0x72: {  	_ =	shalt  }
0x73: {  	_ =	shalt  }
0x74: {  	_ =	shalt  }
0x75: {  	_ =	shalt  }
0x76: {  	_ =	shalt  }
0x77: {  	_ =	shalt  }
0x78: {  	_ =	shalt  }
0x79: {  	_ =	shalt  }
0x7a: {  	_ =	shalt  }
0x7b: {  	_ =	shalt  }
0x7c: {  	_ =	shalt  }
0x7d: {  	_ =	shalt  }
0x7e: {  	_ =	shalt  }
0x7f: {  	_ =	shalt  }
0x80: {  	_ =	shalt  }
0x81: {  	_ =	shalt  }
0x82: {  	_ =	shalt  }
0x83: {  	_ =	shalt  }
0x84: {  	_ =	shalt  }
0x85: {  	_ =	shalt  }
0x86: {  	_ =	shalt  }
0x87: {  	_ =	shalt  }
.Lfunc_end0:
.L_simem_size_0:
called_computation_lowered:
.L_overlay_start_0:
0x88: {  	s2 =	sld [smem:$0x3FD9]  }
0x89: {  	s3 =	sld [smem:$0x3FFE];
	_ =	sdelay $0x1  }
0x8a: {  	s1 =	srdreg.scid  }
0x8b: {  	s0 =	sand.u32 $0x1, s1  }
0x8c: {  	s17 =	sshll.u32 s0, $0xA;
	s2 =	sadd.s32 s3, s2  }
0x8d: {  	s2 =	sadd.s32 s2, s17  }
0x8e: {  	[smem:$0x3FBE] =	sst s2  }
0x8f: {  	_ = 	snop  }
0x90: {  	s2 =	sld [smem:$0x3FC5]  }
0x91: {  	s18 =	sld [smem:$0x3FC4]  }
0x92: {  	s4 =	sld [smem:$0x3FC3]  }
0x93: {  	s5 =	sld [smem:$0x3FC2]  }
0x94: {  	s6 =	sld [smem:$0x3FC1]  }
0x95: {  	s7 =	sld [smem:$0x3FC0]  }
0x96: {  	s8 =	sld [smem:$0x3FD0];
	(tm) =	ssettm $0x1  }
0x97: {  	s9 =	sld [smem:$0x3FFB];
	_ =	sdelay $0x3  }
0x98: {  	_ =	strace s9  }
0x99: {  	s9 =	sld [smem:$0x3FFC];
	_ =	sdelay $0x3  }
0x9a: {  	_ =	strace s9  }
0x9b: {  	s9 =	sld [smem:$0x3FFD];
	_ =	sdelay $0x3  }
0x9c: {  	_ =	strace s9  }
0x9d: {  	_ =	strace $0x8FFFFFFF  }
0x9e: {  	s19 =	sld [smem:$0x3FDB];
	_ =	sdelay $0x1  }
0x9f: {  	s10 =	simm.s32 $_scs_section_size  }
0xa0: {  	s11 =	simm.s32 $_size__tile_overlayer_lowered;
	s12 =	simm.s32 $_tile_overlayer_lowered  }
0xa1: {  	s22 =	simm.s32 $0x1BFF;
	s21 =	sshll.u32 s12, $0x1;
	s9 =	sadd.s32 s10, s19  }
0xa2: {  	s13 =	simm.s32 $0x0;
	s20 =	sshll.u32 s11, $0x1;
	s11 =	sadd.s32 s21, s9  }
0xa3: {  	[timem:s13], [sflag:s22] =	dma.local [hbm:s11], s20  }
0xa4: {  	_ =	swait.ge [sflag:s22], s20  }
0xa5: {  	s10 =	ssub.s32 $0x0, s20;
	[sflag:s22] =	ssyncset.done $0x0  }
0xa6: {  	[sflag:s22] =	ssyncadd.s32 s10;
	_ =	sdelay $0x1  }
0xa7: {  	s23 =	simm.s32 $0x1B8B  }
0xa8: {  	_ =	swait.ge [sflag:s23], $0x1  }
0xa9: {  	[sflag:s23] =	ssyncset.done $0x0  }
0xaa: {  	s25 =	simm.s32 $0x1B8E;
	s24 =	sld [smem:$0x3FFE];
	[sflag:s23] =	ssyncadd.s32 $0xFFFFFFFF  }
0xab: {  	s26 =	simm.s32 $execute0_lowered;
	[smem:$0x3FD2] =	sst s25  }
0xac: {  	s11 =	sshll.u32 s26, $0x1;
	_ =	strace $0x80000046;
	[dreg:$0x1] =	wrdreg $0xFFFFFFFF  }
0xad: {  	s28 =	simm.s32 $_size_execute0_lowered;
	s9 =	sadd.s32 s9, s11;
	[dreg:$0x0] =	wrdreg $0x0  }
0xae: {  	s11 =	sshll.u32 s28, $0x1;
	[dreg:$0x2] =	wrdreg s9  }
0xaf: {  	[dreg:$0x3] =	wrdreg s11  }
0xb0: {  	[dreg:$0x4] =	wrdreg $0xC0  }
0xb1: {  	_ =	task [dreg:s13], $0x5FFFF  }
0xb2: {  	[dreg:$0x1] =	wrdreg $0xFFFFFFFF  }
0xb3: {  	[dreg:$0x0] =	wrdreg $0x60  }
0xb4: {  	[dreg:$0x2] =	wrdreg s24  }
0xb5: {  	[dreg:$0x3] =	wrdreg s2  }
0xb6: {  	[dreg:$0x4] =	wrdreg s18  }
0xb7: {  	[dreg:$0x5] =	wrdreg s4  }
0xb8: {  	[dreg:$0x6] =	wrdreg s5  }
0xb9: {  	[dreg:$0x7] =	wrdreg s6  }
0xba: {  	[dreg:$0x8] =	wrdreg s7  }
0xbb: {  	[dreg:$0x9] =	wrdreg s8  }
0xbc: {  	[dreg:$0xa] =	wrdreg $0x9  }
0xbd: {  	_ =	task.clear_ibuf [dreg:s13], $0xBFFFF;
	_ =	strace $0x90000046  }
0xbe: {  	s29 =	simm.s32 $0x9;
	_ =	strace $0x80000048  }
0xbf: {  	_ =	swait.ge [sflag:s29], $0x1  }
0xc0: {  	[sflag:s29] =	ssyncadd.s32 $0xFFFFFFFF  }
0xc1: {  	_ =	strace $0x90000048  }
0xc2: {  	_ =	sfence  }
0xc3: {  	s30 =	sld [smem:$0x0];
	_ =	sdelay $0x2  }
0xc4: {  	s31 =	sshll.u32 s1, $0xD;
	s1 =	sshrl.u32 s1, $0x2  }
0xc5: {  	s3 =	sand.u32 $0x4000, s31;
	s1 =	sadd.s32 s1, s30  }
0xc6: {  	s0 =	sor.u32 s3, s0;
	s1 =	sshll.u32 s1, $0x11  }
0xc7: {  	s0 =	sor.u32 s1, s0  }
0xc8: {  	s0 =	sadd.s32 $0x8F2B, s0  }
0xc9: {  	[sflag:s0] =	ssyncadd.remote.s32 $0x1  }
0xca: {  	_ =	sfence.sel $0xFFFF  }
0xcb: {  	[dreg:$0x0] =	wrdreg $0xFFFFFFFF;
	(pc) =	sbr.abs _section_cstart, $3  }
0xcc: {  	[dreg:$0x1] =	wrdreg $0xFFFFFFFF  }
0xcd: {  	_ =	task.clear_ibuf [dreg:s13], $0x2FFFF;
	_ =	strace $0x9FFFFFFF  }
0xce: {  	(tm) =	ssettm $0x7FFFFFFF  }
0xcf: {  	_ =	shalt  }
tec
execute0_lowered:
.L_overlay_start_1:
0x0: {  	(tag) =	ssettag $0x1  }
0x1: {  	s1 =	rddreg [dreg:$0x0]  }
0x2: {  	s0 =	rddreg [dreg:$0x1]  }
0x3: {  	s2 =	srdreg.scid;
	s3 =	stileid.u32  }
0x4: {  	s9 =	simm.s32 $0x0;
	s21 =	simm.s32 $0x10;
	s30 =	simm.s32 $0x4A00  }
0x5: {  	s20 =	simm.s32 $0x8A00;
	s28 =	simm.s32 $0x14B00;
	s29 =	simm.s32 $0x14B80  }
0x6: {  	s6 =	simm.s32 $0x7;
	s2 =	sand.u32 $0x1, s2;
	s3 =	sshll.u32 s3, $0x1  }
0x7: {  	s19 =	simm.s32 $0x10A00;
	s12 =	simm.s32 $0x8;
	s3 =	sor.u32 s2, s3  }
0x8: {  	s17 =	simm.s32 $0x9;
	s18 =	simm.s32 $0xA;
	s5 =	smul.u32 $0xC80, s3  }
0x9: {  	[smem:$0x7FF] =	sst s9;
	s10 =	sadd.s32 $0xA00, s1;
	s23 =	smul.u32 $0x1900, s3  }
0xa: {  	_ =	strace $0x80000047;
	s22 =	ssub.s32 $0x2, s2;
	s13 =	smul.u32 $0xC8000, s3  }
0xb: {  	s11 =	smul.u32 $0x32, s3;
	s4 =	sadd.s32 s10, s5;
	[dreg:$0xa] =	wrdreg s23  }
0xc: {  	s2 =	sshrl.u32 s22, $0x1;
	s25 =	sor.u32 $0x4000, s13;
	[dreg:$0x9] =	wrdreg s4  }
0xd: {  	s1 =	ssub.s32 s22, s2;
	s26 =	sadd.s32 $0x5, s11;
	[dreg:$0xc] =	wrdreg s25  }
0xe: {  	s22 =	simm.s32 $0x6;
	s31 =	sadd.s32 $0x6, s11;
	[dreg:$0xd] =	wrdreg s26  }
0xf: {  	s1 =	smax.u32 s1, $0x1;
	s24 =	sadd.s32 $0x40, s4;
	[dreg:$0xe] =	wrdreg s31  }
0x10: {  	v0 =	vlaneseq.u32;
	[dreg:$0xf] =	wrdreg s1;
	s25 =	simm.s32 $0xA00;
	s1 =	simm.s32 $0xCA00  }
0x11: {  	v1 =	vmul.u32 $0x80, v0;
	s4 =	simm.s32 $0x0;
	[dreg:$0xb] =	wrdreg s24;
	s24 =	simm.s32 $0x80  }
.LBB2_1:
0x12: {  	[dreg:$0x10] =	wrdreg s4  }
0x13: {  	s2 =	rddreg [dreg:$0x5];
	s3 =	simm.s32 $0x14A00  }
0x14: {  	[tilespmem:s3], [sflag:$0x10] =	stream.linear.gather [hbm4b:s2+s9], $0x80, $0x38;
	[tilespmem:$0x14C00] =	vst v63  }
0x15: {  	_ =	swait.ge [sflag:s21], $0x80  }
0x16: {  	[sflag:s21] =	ssyncset.done $0x0  }
0x17: {  	[sflag:s21] =	ssyncadd.s32 $0xFFFFFF80  }
0x18: {  	s5 =	simm.s32 $0x14A80;
	s4 =	rddreg [dreg:$0x6]  }
0x19: {  	[tilespmem:s5], [sflag:$0x10] =	stream.linear.gather [hbm4b:s4+s9], $0x80, $0x38;
	[tilespmem:$0x14C00] =	vst v63  }
0x1a: {  	_ =	swait.ge [sflag:s21], $0x80  }
0x1b: {  	[sflag:s21] =	ssyncset.done $0x0  }
0x1c: {  	s7 =	rddreg [dreg:$0x9];
	[sflag:s21] =	ssyncadd.s32 $0xFFFFFF80  }
0x1d: {  	[tilespmem:s9], [sflag:$0x10] =	stream.linear.gather [hbm4b:s7+s9], $0x200, $0x38;
	[tilespmem:$0x14C00] =	vst v63  }
0x1e: {  	_ =	swait.ge [sflag:s21], $0x200  }
0x1f: {  	[sflag:s21] =	ssyncset.done $0x0  }
0x20: {  	s14 =	simm.s32 $0x200;
	s8 =	rddreg [dreg:$0xb];
	[sflag:s21] =	ssyncadd.s32 $0xFFFFFE00  }
0x21: {  	[tilespmem:s14], [sflag:$0x10] =	stream.linear.gather [hbm4b:s8+s9], $0x200, $0x38;
	[tilespmem:$0x14C00] =	vst v63  }
0x22: {  	_ =	swait.ge [sflag:s21], $0x200  }
0x23: {  	[sflag:s21] =	ssyncset.done $0x0  }
0x24: {  	s15 =	simm.s32 $0x1;
	[sflag:s21] =	ssyncadd.s32 $0xFFFFFE00  }
0x25: {  	[tilespmem:s25], [sflag:$0x1] =	stream.indirect.gather [hbm4b:s0+s24], $0x80, s9, s24, $0xb8;
	[tilespmem:$0x14C00] =	vst v63  }
0x26: {  	_ =	swait.ge [sflag:s15], $0x4000  }
0x27: {  	[sflag:s15] =	ssyncset.done $0x0  }
0x28: {  	[sflag:s15] =	ssyncadd.s32 $0xFFFFC000  }
0x29: {  	s2 =	rddreg [dreg:$0x2]  }
0x2a: {  	[tilespmem:s25], [sflag:$0x6] =	stream.indirect.gather.add.f32 [hbm:s2], $0x80, s24, s24, $0xb8;
	[tilespmem:$0x14C00] =	vst v63  }
0x2b: {  	s23 =	simm.s32 $0x100;
	s16 =	rddreg [dreg:$0x3]  }
0x2c: {  	[tilespmem:s25], [sflag:$0x6] =	stream.indirect.gather.add.f32 [hbm:s16], $0x80, s23, s24, $0xb8;
	[tilespmem:$0x14C00] =	vst v63  }
0x2d: {  	s31 =	simm.s32 $0x180;
	s26 =	rddreg [dreg:$0x4]  }
0x2e: {  	[tilespmem:s25], [sflag:$0x6] =	stream.indirect.gather.add.f32 [hbm:s26], $0x80, s31, s24, $0xb8;
	[tilespmem:$0x14C00] =	vst v63  }
0x2f: {  	s7 =	simm.s32 $0x0  }
0x30: {  	[tilespmem:s30], [sflag:$0x2] =	stream.indirect.gather [hbm4b:s0+s24], $0x80, s14, s24, $0xb8;
	[tilespmem:$0x14C00] =	vst v63  }
.LBB2_2:
0x31: {  	s2 =	simm.s32 $0x2  }
0x32: {  	_ =	swait.ge [sflag:s2], $0x4000  }
0x33: {  	[sflag:s2] =	ssyncset.done $0x0  }
0x34: {  	s3 =	simm.s32 $0x280;
	s5 =	simm.s32 $0x300;
	[sflag:s2] =	ssyncadd.s32 $0xFFFFC000  }
0x35: {  	s26 =	smul.u32 $0x5, s7;
	s14 =	simm.s32 $0x380;
	s2 =	rddreg [dreg:$0x2]  }
0x36: {  	[tilespmem:s30], [sflag:$0x7] =	stream.indirect.gather.add.f32 [hbm:s2], $0x80, s3, s24, $0xb8;
	[tilespmem:$0x14C00] =	vst v63  }
0x37: {  	p0 =	seq.s32 s7, $0x0;
	s23 =	sadd.s32 $0x2, s26;
	s4 =	rddreg [dreg:$0x3]  }
0x38: {  	[tilespmem:s30], [sflag:$0x7] =	stream.indirect.gather.add.f32 [hbm:s4], $0x80, s5, s24, $0xb8;
	[tilespmem:$0x14C00] =	vst v63  }
0x39: {  	s15 =	sadd.s32 s11, s23;
	s8 =	rddreg [dreg:$0x4];
	s2 =	simm.s32 @!p0 $0xD  }
0x3a: {  	[tilespmem:s30], [sflag:$0x7] =	stream.indirect.gather.add.f32 [hbm:s8], $0x80, s14, s24, $0xb8;
	[tilespmem:$0x14C00] =	vst v63  }
0x3b: {  	s3 =	sshll.u32 s15, $0x6;
	_ =	swait.ge @!p0 [sflag:s2], $0x4000  }
0x3c: {  	s31 =	simm.s32 $0x400;
	s3 =	sand.u32 $0x1FFFFFC0, s3;
	[sflag:s2] =	ssyncset.done @!p0 $0x0  }
0x3d: {  	s16 =	sadd.s32 s10, s3;
	s5 =	simm.s32 $0x0;
	[sflag:s2] =	ssyncadd.s32 @!p0 $0xFFFFC000  }
0x3e: {  	[tilespmem:s31], [sflag:$0x10] =	stream.linear.gather [hbm4b:s16+s5], $0x200, $0x38;
	[tilespmem:$0x14C00] =	vst v63  }
0x3f: {  	_ =	swait.ge [sflag:s21], $0x200  }
0x40: {  	[sflag:s21] =	ssyncset.done $0x0  }
0x41: {  	[sflag:s21] =	ssyncadd.s32 $0xFFFFFE00  }
0x42: {  	[tilespmem:s20], [sflag:$0x3] =	stream.indirect.gather [hbm4b:s0+s24], $0x80, s31, s24, $0xb8;
	[tilespmem:$0x14C00] =	vst v63  }
0x43: {  	_ =	swait.ge [sflag:s22], $0x4000  }
0x44: {  	[sflag:s22] =	ssyncset.done $0x0  }
0x45: {  	[sflag:s22] =	ssyncadd.s32 $0xFFFFC000  }
0x46: {  	_ =	swait.ge [sflag:s22], $0x4000  }
0x47: {  	[sflag:s22] =	ssyncset.done $0x0  }
0x48: {  	[sflag:s22] =	ssyncadd.s32 $0xFFFFC000  }
0x49: {  	_ =	swait.ge [sflag:s22], $0x4000  }
0x4a: {  	[sflag:s22] =	ssyncset.done $0x0  }
0x4b: {  	s14 =	simm.s32 $0x0;
	[sflag:s22] =	ssyncadd.s32 $0xFFFFC000  }
.LBB2_3:
0x4c: {  	s15 =	sshll.u32 s14, $0x4  }
0x4d: {  	v2 =	vmov s15  }
0x4e: {  	v3 =	vadd.s32 s5, v0;
	v2 =	vshll.u32 v2, $0x7  }
0x4f: {  	s2 =	simm.s32 $0x1;
	v3 =	vand.u32 $0x7F, v3;
	v2 =	vor.u32 v1, v2  }
0x50: {  	v4 =	vadd.s32 s2, v0;
	v3 =	vor.u32 v2, v3  }
0x51: {  	s31 =	simm.s32 $0x2;
	v4 =	vand.u32 $0x7F, v4  }
0x52: {  	v5 =	vadd.s32 s31, v0;
	v4 =	vor.u32 v2, v4  }
0x53: {  	s3 =	simm.s32 $0x3;
	v5 =	vand.u32 $0x7F, v5  }
0x54: {  	v6 =	vadd.s32 s3, v0;
	v5 =	vor.u32 v2, v5  }
0x55: {  	s4 =	simm.s32 $0x4;
	v9 =	vld.idx.msk [tilespmem:v3+s25+$0x0], $0xffff;
	v3 =	vand.u32 $0x7F, v6  }
0x56: {  	s8 =	simm.s32 $0x5;
	v6 =	vadd.s32 s4, v0;
	v10 =	vor.u32 v2, v3  }
0x57: {  	v7 =	vadd.s32 s8, v0;
	v6 =	vand.u32 $0x7F, v6;
	v3 =	vld.idx.msk [tilespmem:v4+s25+$0x0], $0xffff  }
0x58: {  	s16 =	simm.s32 $0x6;
	v4 =	vor.u32 v2, v6;
	v6 =	vand.u32 $0x7F, v7  }
0x59: {  	v11 =	vimm.f32 $0.0e+00;
	s3 =	simm.s32 $0x7;
	v7 =	vadd.s32 s16, v0;
	v8 =	vor.u32 v2, v6;
	v6 =	vld.idx.msk [tilespmem:v5+s25+$0x0], $0xffff  }
0x5a: {  	s2 =	simm.s32 $0x8;
	v12 =	vadd.s32 s3, v0;
	v7 =	vand.u32 $0x7F, v7;
	v14 =	vmul.f32 v9, v9  }
0x5b: {  	v15 =	vadd.s32 s2, v0;
	v16 =	vand.u32 $0x7F, v12;
	v7 =	vor.u32 v2, v7;
	v5 =	vld.idx.msk [tilespmem:v10+s25+$0x0], $0xffff  }
0x5c: {  	s31 =	simm.s32 $0x9;
	v13 =	vadd.f32 v9, v11;
	v12 =	vadd.f32 v14, v11;
	v14 =	vmul.f32 v3, v3  }
0x5d: {  	s8 =	simm.s32 $0x10;
	v9 =	vor.u32 v2, v16;
	v10 =	vand.u32 $0x7F, v15;
	v4 =	vld.idx.msk [tilespmem:v4+s25+$0x0], $0xffff;
	v11 =	vadd.s32 s31, v0  }
.LBB2_4:
0x5e: {  	p1 =	slt.u32 s8, $0x78;
	s3 =	sadd.s32 $0x2, s2;
	v3 =	vadd.f32 v3, v13;
	v12 =	vadd.f32 v14, v12;
	v13 =	vmul.f32 v6, v6;
	v8 =	vld.idx.msk [tilespmem:v8+s25+$0x0], $0xffff  }
0x5f: {  	v10 =	vor.u32 v2, v10;
	v11 =	vand.u32 $0x7F, v11;
	v14 =	vadd.s32 s3, v0  }
0x60: {  	s3 =	sadd.s32 $0x3, s2;
	v3 =	vadd.f32 v6, v3;
	v6 =	vadd.f32 v13, v12;
	v12 =	vmul.f32 v5, v5;
	v7 =	vld.idx.msk [tilespmem:v7+s25+$0x0], $0xffff  }
0x61: {  	v11 =	vor.u32 v2, v11;
	v13 =	vand.u32 $0x7F, v14;
	v14 =	vadd.s32 s3, v0  }
0x62: {  	s3 =	sadd.s32 $0x4, s2;
	v3 =	vadd.f32 v5, v3;
	v5 =	vadd.f32 v12, v6;
	v6 =	vmul.f32 v4, v4;
	v9 =	vld.idx.msk [tilespmem:v9+s25+$0x0], $0xffff  }
0x63: {  	v12 =	vor.u32 v2, v13;
	v13 =	vand.u32 $0x7F, v14;
	v14 =	vadd.s32 s3, v0  }
0x64: {  	s3 =	sadd.s32 $0x5, s2;
	v10 =	vld.idx.msk [tilespmem:v10+s25+$0x0], $0xffff;
	v4 =	vadd.f32 v4, v3;
	v5 =	vadd.f32 v6, v5;
	v6 =	vmul.f32 v8, v8  }
0x65: {  	v13 =	vor.u32 v2, v13;
	v14 =	vand.u32 $0x7F, v14;
	v15 =	vadd.s32 s3, v0  }
0x66: {  	s3 =	sadd.s32 $0x6, s2;
	v3 =	vld.idx.msk [tilespmem:v11+s25+$0x0], $0xffff;
	v4 =	vadd.f32 v8, v4;
	v5 =	vadd.f32 v6, v5;
	v8 =	vmul.f32 v7, v7  }
0x67: {  	v11 =	vor.u32 v2, v14;
	v14 =	vand.u32 $0x7F, v15;
	v15 =	vadd.s32 s3, v0  }
0x68: {  	s3 =	sadd.s32 $0x7, s2;
	s2 =	smov.u32 s8;
	v6 =	vld.idx.msk [tilespmem:v12+s25+$0x0], $0xffff;
	v4 =	vadd.f32 v7, v4;
	v7 =	vadd.f32 v8, v5;
	v12 =	vmul.f32 v9, v9  }
.Ltmp0:
0x69: {  	v8 =	vor.u32 v2, v14;
	v14 =	vand.u32 $0x7F, v15;
	v15 =	vadd.s32 s3, v0;
	(pc) =	sbr.rel @p1 .LBB2_4-.Ltmp0, $4  }
0x6a: {  	v16 =	vmul.f32 v10, v10;
	v5 =	vld.idx.msk [tilespmem:v13+s25+$0x0], $0xffff;
	v4 =	vadd.f32 v9, v4;
	v9 =	vadd.f32 v12, v7  }
0x6b: {  	v17 =	vadd.s32 s8, v0;
	v15 =	vand.u32 $0x7F, v15;
	v7 =	vor.u32 v2, v14  }
0x6c: {  	s3 =	sadd.s32 $0x1, s8;
	v14 =	vmul.f32 v3, v3;
	v13 =	vadd.f32 v10, v4;
	v12 =	vadd.f32 v16, v9;
	v4 =	vld.idx.msk [tilespmem:v11+s25+$0x0], $0xffff  }
0x6d: {  	s8 =	sadd.s32 $0x8, s8;
	v10 =	vand.u32 $0x7F, v17;
	v11 =	vadd.s32 s3, v0;
	v9 =	vor.u32 v2, v15  }
0x6e: {  	_ = 	snop  }
0x6f: {  	v3 =	vadd.f32 v3, v13;
	_ =	sdelay $0x1  }
0x70: {  	s3 =	sadd.s32 $0x2, s2;
	v12 =	vadd.f32 v14, v12;
	v61 =	vmul.f32 v6, v6;
	v3 =	vadd.f32 v6, v3  }
0x71: {  	v62 =	vld.idx.msk [tilespmem:v8+s25+$0x0], $0xffff;
	v63 =	vor.u32 v2, v10;
	v16 =	vand.u32 $0x7F, v11;
	v17 =	vadd.s32 s3, v0  }
0x72: {  	s31 =	sadd.s32 $0x3, s2;
	v18 =	vmul.f32 v5, v5;
	v12 =	vadd.f32 v61, v12;
	v3 =	vadd.f32 v5, v3  }
0x73: {  	v19 =	vld.idx.msk [tilespmem:v7+s25+$0x0], $0xffff;
	v20 =	vor.u32 v2, v16;
	v22 =	vadd.s32 s31, v0;
	v21 =	vand.u32 $0x7F, v17  }
0x74: {  	s4 =	sadd.s32 $0x4, s2;
	v23 =	vmul.f32 v4, v4;
	v12 =	vadd.f32 v18, v12;
	v3 =	vadd.f32 v4, v3  }
0x75: {  	v24 =	vld.idx.msk [tilespmem:v9+s25+$0x0], $0xffff;
	v27 =	vadd.s32 s4, v0;
	v26 =	vand.u32 $0x7F, v22;
	v25 =	vor.u32 v2, v21  }
0x76: {  	s8 =	sadd.s32 $0x5, s2;
	v28 =	vmul.f32 v62, v62;
	v12 =	vadd.f32 v23, v12;
	v3 =	vadd.f32 v62, v3  }
0x77: {  	v32 =	vadd.s32 s8, v0;
	v31 =	vand.u32 $0x7F, v27;
	v30 =	vor.u32 v2, v26;
	v29 =	vld.idx.msk [tilespmem:v63+s25+$0x0], $0xffff  }
0x78: {  	s16 =	sadd.s32 $0x6, s2;
	v33 =	vmul.f32 v19, v19;
	v12 =	vadd.f32 v28, v12;
	v3 =	vadd.f32 v19, v3  }
0x79: {  	v37 =	vadd.s32 s16, v0;
	v36 =	vand.u32 $0x7F, v32;
	v35 =	vor.u32 v2, v31;
	v34 =	vld.idx.msk [tilespmem:v20+s25+$0x0], $0xffff  }
0x7a: {  	s31 =	sadd.s32 $0x7, s2;
	v38 =	vmul.f32 v24, v24;
	v12 =	vadd.f32 v33, v12;
	v3 =	vadd.f32 v24, v3  }
0x7b: {  	v41 =	vand.u32 $0x7F, v37;
	v42 =	vadd.s32 s31, v0;
	v40 =	vor.u32 v2, v36;
	v39 =	vld.idx.msk [tilespmem:v25+s25+$0x0], $0xffff  }
0x7c: {  	v43 =	vmul.f32 v29, v29;
	v12 =	vadd.f32 v38, v12;
	v3 =	vadd.f32 v29, v3  }
0x7d: {  	v45 =	vor.u32 v2, v41;
	v46 =	vand.u32 $0x7F, v42;
	v44 =	vld.idx.msk [tilespmem:v30+s25+$0x0], $0xffff  }
0x7e: {  	v48 =	vmul.f32 v34, v34;
	v47 =	vadd.f32 v43, v12;
	v3 =	vadd.f32 v34, v3  }
0x7f: {  	v2 =	vor.u32 v2, v46;
	v49 =	vld.idx.msk [tilespmem:v35+s25+$0x0], $0xffff  }
0x80: {  	v51 =	vmul.f32 v39, v39;
	v50 =	vadd.f32 v48, v47;
	v3 =	vadd.f32 v39, v3  }
0x81: {  	v52 =	vld.idx.msk [tilespmem:v40+s25+$0x0], $0xffff  }
0x82: {  	v53 =	vmul.f32 v44, v44;
	v7 =	vadd.f32 v51, v50;
	v3 =	vadd.f32 v44, v3  }
0x83: {  	v54 =	vld.idx.msk [tilespmem:v45+s25+$0x0], $0xffff  }
0x84: {  	v55 =	vmul.f32 v49, v49;
	v7 =	vadd.f32 v53, v7;
	v3 =	vadd.f32 v49, v3  }
0x85: {  	v2 =	vld.idx.msk [tilespmem:v2+s25+$0x0], $0xffff  }
0x86: {  	v57 =	vmul.f32 v52, v52;
	v56 =	vadd.f32 v55, v7;
	v3 =	vadd.f32 v52, v3;
	_ =	sdelay $0x1  }
0x87: {  	v59 =	vmul.f32 v54, v54;
	v58 =	vadd.f32 v57, v56;
	v3 =	vadd.f32 v54, v3;
	_ =	sdelay $0x1  }
0x88: {  	v60 =	vmul.f32 v2, v2;
	v4 =	vadd.f32 v59, v58;
	v2 =	vadd.f32 v2, v3;
	_ =	sdelay $0x1  }
0x89: {  	v3 =	vadd.f32 v60, v4;
	v2 =	vmul.f32 $7.812500000e-03, v2;
	_ =	sdelay $0x1  }
0x8a: {  	v3 =	vmul.f32 $7.812500000e-03, v3;
	v61 =	vmul.f32 v2, v2;
	_ =	sdelay $0x1  }
0x8b: {  	v3 =	vsub.f32 v3, v61;
	_ =	sdelay $0x1  }
0x8c: {  	v3 =	vadd.f32 $9.999999740e-06, v3;
	_ =	sdelay $0x1  }
0x8d: {  	v62 =	vshra.s32 v3, $0x1;
	v3 =	vmul.f32 $5.000000000e-01, v3  }
0x8e: {  	v4 =	vsub.s32 $0x5F3759DF, v62  }
0x8f: {  	v63 =	vmul.f32 v4, v3;
	_ =	sdelay $0x1  }
0x90: {  	v5 =	vmul.f32 v4, v63;
	_ =	sdelay $0x1  }
0x91: {  	v5 =	vsub.f32 $1.500000000e+00, v5;
	_ =	sdelay $0x1  }
0x92: {  	v4 =	vmul.f32 v4, v5;
	_ =	sdelay $0x1  }
0x93: {  	v5 =	vmul.f32 v4, v3;
	_ =	sdelay $0x1  }
0x94: {  	v5 =	vmul.f32 v5, v4;
	_ =	sdelay $0x1  }
0x95: {  	v5 =	vsub.f32 $1.500000000e+00, v5;
	_ =	sdelay $0x1  }
0x96: {  	v4 =	vmul.f32 v5, v4;
	_ =	sdelay $0x1  }
0x97: {  	v3 =	vmul.f32 v4, v3;
	_ =	sdelay $0x1  }
0x98: {  	s14 =	sadd.s32 $0x1, s14;
	v3 =	vmul.f32 v3, v4  }
0x99: {  	p1 =	sne.s32 s14, $0x8  }
.Ltmp1:
0x9a: {  	v3 =	vsub.f32 $1.500000000e+00, v3;
	(pc) =	sbr.rel @p1 .LBB2_3-.Ltmp1, $4  }
0x9b: {  	_ = 	snop  }
0x9c: {  	v3 =	vmul.f32 v3, v4  }
0x9d: {  	[tilespmem:s15+$0x14B00] =	vst v2  }
0x9e: {  	[tilespmem:s15+$0x14B80] =	vst v3  }
0x9f: {  	v8 =	vld [tilespmem:$0x14A00]  }
0xa0: {  	v9 =	vld [tilespmem:$0x14A10]  }
0xa1: {  	v2 =	vld [tilespmem:$0x14A20];
	s2 =	simm.s32 $0x0  }
0xa2: {  	v7 =	vld [tilespmem:$0x14A30];
	v3 =	vmov s2  }
0xa3: {  	v6 =	vld [tilespmem:$0x14A40];
	v10 =	vand.u32 $0xFFFFFFFE, v3  }
0xa4: {  	v5 =	vld [tilespmem:$0x14A50];
	v10 =	vbroadcast v10, $0x0  }
0xa5: {  	v4 =	vld [tilespmem:$0x14A60];
	s15 =	simm.s32 $0xA80  }
0xa6: {  	v12 =	vld [tilespmem:s15+$0xFFFFFFE0]  }
0xa7: {  	v13 =	vld [tilespmem:s15+$0xFFFFFFA0]  }
0xa8: {  	v14 =	vld [tilespmem:s15+$0xFFFFFF80]  }
0xa9: {  	v17 =	vld [tilespmem:s15+$0xFFFFFFC0]  }
0xaa: {  	v16 =	vld.idx.msk [tilespmem:v10+s28+$0x0], $0xffff  }
0xab: {  	v19 =	vld [tilespmem:s15+$0xFFFFFFF0]  }
0xac: {  	v20 =	vld [tilespmem:s15+$0xFFFFFF90]  }
0xad: {  	v18 =	vld.idx.msk [tilespmem:v10+s29+$0x0], $0xffff  }
0xae: {  	v21 =	vld [tilespmem:s15+$0xFFFFFFB0]  }
0xaf: {  	v11 =	vld [tilespmem:$0x14A80];
	v22 =	vsub.f32 v14, v16  }
0xb0: {  	v15 =	vld [tilespmem:s15+$0xFFFFFFD0];
	v13 =	vsub.f32 v13, v16;
	v23 =	vsub.f32 v17, v16  }
0xb1: {  	v3 =	vld [tilespmem:$0x14A70];
	v17 =	vsub.f32 v12, v16;
	v19 =	vsub.f32 v19, v16  }
0xb2: {  	v10 =	vld [tilespmem:$0x14AA0];
	v20 =	vsub.f32 v20, v16;
	v22 =	vmul.f32 v22, v18;
	v25 =	vmul.f32 v13, v18  }
0xb3: {  	v14 =	vld [tilespmem:$0x14A90];
	v21 =	vsub.f32 v21, v16;
	v17 =	vmul.f32 v17, v18;
	v19 =	vmul.f32 v19, v18  }
0xb4: {  	v13 =	vld [tilespmem:$0x14AF0];
	v20 =	vmul.f32 v20, v18;
	v22 =	vmul.f32 v22, v8  }
0xb5: {  	v24 =	vsub.f32 v15, v16;
	v15 =	vld [tilespmem:$0x14AB0];
	v21 =	vmul.f32 v21, v18;
	v25 =	vmul.f32 v25, v2  }
0xb6: {  	v12 =	vld [tilespmem:$0x14AE0];
	v23 =	vmul.f32 v23, v18;
	v20 =	vmul.f32 v20, v9;
	v22 =	vadd.f32 v22, v11  }
0xb7: {  	v26 =	vmul.f32 v17, v4;
	v17 =	vld [tilespmem:$0x14AD0];
	v19 =	vmul.f32 v19, v3;
	v25 =	vadd.f32 v25, v10  }
0xb8: {  	v16 =	vld [tilespmem:$0x14AC0];
	v18 =	vmul.f32 v24, v18;
	v21 =	vmul.f32 v21, v7;
	v20 =	vadd.f32 v20, v14;
	[tilespmem:s15+$0xFFFFFF80] =	vst v22  }
0xb9: {  	v19 =	vadd.f32 v19, v13;
	[tilespmem:s15+$0xFFFFFFA0] =	vst v25  }
0xba: {  	s31 =	simm.s32 $0x1;
	v18 =	vmul.f32 v18, v5;
	v21 =	vadd.f32 v21, v15;
	[tilespmem:s15+$0xFFFFFF90] =	vst v20  }
0xbb: {  	v23 =	vmul.f32 v23, v6;
	v22 =	vadd.f32 v26, v12;
	[tilespmem:s15+$0xFFFFFFF0] =	vst v19;
	v19 =	vmov s31  }
0xbc: {  	[tilespmem:s15+$0xFFFFFFB0] =	vst v21;
	v18 =	vadd.f32 v18, v17  }
0xbd: {  	v59 =	vld [tilespmem:s15+$0x50];
	[tilespmem:s15+$0xFFFFFFE0] =	vst v22;
	v22 =	vadd.f32 v23, v16  }
0xbe: {  	v20 =	vld [tilespmem:s15+$0x0];
	[tilespmem:s15+$0xFFFFFFD0] =	vst v18  }
0xbf: {  	v18 =	vld [tilespmem:s15+$0x30];
	[tilespmem:s15+$0xFFFFFFC0] =	vst v22  }
0xc0: {  	v21 =	vld.idx.msk [tilespmem:v19+s28+$0x0], $0xffff  }
0xc1: {  	v22 =	vld [tilespmem:s15+$0x10]  }
0xc2: {  	v19 =	vld.idx.msk [tilespmem:v19+s29+$0x0], $0xffff  }
0xc3: {  	v23 =	vld [tilespmem:s15+$0x40]  }
0xc4: {  	v60 =	vld [tilespmem:s15+$0x20]  }
0xc5: {  	v61 =	vld [tilespmem:s15+$0x60];
	v20 =	vsub.f32 v20, v21  }
0xc6: {  	v22 =	vsub.f32 v22, v21  }
0xc7: {  	v27 =	vld [tilespmem:s15+$0x70];
	v18 =	vsub.f32 v18, v21;
	v20 =	vmul.f32 v20, v19  }
0xc8: {  	v23 =	vsub.f32 v23, v21;
	v24 =	vsub.f32 v59, v21;
	v22 =	vmul.f32 v22, v19  }
0xc9: {  	v25 =	vsub.f32 v60, v21;
	v18 =	vmul.f32 v18, v19;
	v20 =	vmul.f32 v20, v8  }
0xca: {  	v26 =	vsub.f32 v61, v21;
	v23 =	vmul.f32 v23, v19;
	v22 =	vmul.f32 v22, v9  }
0xcb: {  	v24 =	vmul.f32 v24, v19;
	v18 =	vmul.f32 v18, v7;
	v20 =	vadd.f32 v20, v11  }
0xcc: {  	v21 =	vsub.f32 v27, v21;
	v23 =	vmul.f32 v23, v6;
	v22 =	vadd.f32 v22, v14  }
0xcd: {  	v26 =	vmul.f32 v26, v19;
	v18 =	vadd.f32 v18, v15;
	[tilespmem:s15+$0x0] =	vst v20;
	v20 =	vmul.f32 v24, v5  }
0xce: {  	s14 =	simm.s32 $0x2;
	v25 =	vmul.f32 v25, v19;
	v19 =	vmul.f32 v21, v19;
	v21 =	vadd.f32 v23, v16;
	[tilespmem:s15+$0x10] =	vst v22  }
0xcf: {  	v23 =	vmov s14;
	v22 =	vmul.f32 v26, v4;
	[tilespmem:s15+$0x30] =	vst v18;
	v18 =	vadd.f32 v20, v17  }
0xd0: {  	v62 =	vmul.f32 v19, v3;
	[tilespmem:s15+$0x40] =	vst v21;
	v21 =	vand.u32 $0xFFFFFFFE, v23  }
0xd1: {  	s5 =	simm.s32 $0xB80;
	v20 =	vmul.f32 v25, v2;
	v63 =	vadd.f32 v22, v12;
	[tilespmem:s15+$0x50] =	vst v18;
	v18 =	vbroadcast v21, $0x0  }
0xd2: {  	v19 =	vld [tilespmem:s5+$0xFFFFFFE0]  }
0xd3: {  	s16 =	simm.s32 $0x4;
	s8 =	simm.s32 $0xB80;
	v22 =	vadd.f32 v62, v13;
	v21 =	vadd.f32 v20, v10;
	v20 =	vld [tilespmem:s5+$0xFFFFFFA0];
	[tilespmem:s15+$0x60] =	vst v63  }
.LBB2_7:
0xd4: {  	p1 =	slt.u32 s16, $0x7E  }
0xd5: {  	v23 =	vld [tilespmem:s5+$0xFFFFFF80];
	s8 =	sadd.s32 $0x100, s8;
	[tilespmem:s15+$0x20] =	vst v21;
	s2 =	smov.u32 s16;
	s16 =	sadd.s32 $0x2, s16  }
0xd6: {  	v21 =	vld [tilespmem:s5+$0xFFFFFFD0];
	[tilespmem:s15+$0x70] =	vst v22;
	s15 =	smov.u32 s5;
	s5 =	smov.u32 s8  }
0xd7: {  	v22 =	vld.idx.msk [tilespmem:v18+s28+$0x0], $0xffff  }
0xd8: {  	v24 =	vld.idx.msk [tilespmem:v18+s29+$0x0], $0xffff  }
0xd9: {  	v18 =	vld [tilespmem:s15+$0xFFFFFFC0]  }
0xda: {  	v25 =	vld [tilespmem:s15+$0xFFFFFF90]  }
0xdb: {  	v26 =	vld [tilespmem:s15+$0xFFFFFFB0]  }
0xdc: {  	v27 =	vld [tilespmem:s15+$0xFFFFFFF0]  }
0xdd: {  	v23 =	vsub.f32 v23, v22;
	v20 =	vsub.f32 v20, v22  }
0xde: {  	v28 =	vmov s2;
	v21 =	vsub.f32 v21, v22;
	v29 =	vsub.f32 v18, v22  }
0xdf: {  	v19 =	vsub.f32 v19, v22;
	v18 =	vand.u32 $0xFFFFFFFE, v28;
	v25 =	vsub.f32 v25, v22  }
0xe0: {  	v23 =	vmul.f32 v23, v24;
	v18 =	vbroadcast v18, $0x0;
	v26 =	vsub.f32 v26, v22  }
0xe1: {  	v19 =	vmul.f32 v19, v24;
	v28 =	vmul.f32 v29, v24;
	v22 =	vsub.f32 v27, v22  }
0xe2: {  	v20 =	vmul.f32 v20, v24;
	v26 =	vmul.f32 v26, v24  }
0xe3: {  	v23 =	vmul.f32 v23, v8;
	v22 =	vmul.f32 v22, v24  }
0xe4: {  	v20 =	vmul.f32 v20, v2;
	v26 =	vmul.f32 v26, v7  }
0xe5: {  	v19 =	vmul.f32 v19, v4;
	v25 =	vmul.f32 v25, v24;
	v23 =	vadd.f32 v23, v11  }
0xe6: {  	v20 =	vadd.f32 v20, v10;
	v22 =	vmul.f32 v22, v3;
	v26 =	vadd.f32 v26, v15  }
0xe7: {  	v19 =	vadd.f32 v19, v12;
	[tilespmem:s15+$0xFFFFFF80] =	vst v23;
	v23 =	vmul.f32 v25, v9;
	v25 =	vmul.f32 v28, v6  }
0xe8: {  	[tilespmem:s15+$0xFFFFFFA0] =	vst v20;
	v20 =	vmul.f32 v21, v24;
	v21 =	vadd.f32 v22, v13  }
0xe9: {  	s3 =	sadd.s32 $0x1, s14;
	s14 =	smov.u32 s2;
	v22 =	vadd.f32 v23, v14;
	v23 =	vadd.f32 v25, v16;
	[tilespmem:s15+$0xFFFFFFE0] =	vst v19  }
0xea: {  	v19 =	vmul.f32 v20, v5;
	[tilespmem:s15+$0xFFFFFFF0] =	vst v21;
	v20 =	vmov s3  }
0xeb: {  	[tilespmem:s15+$0xFFFFFF90] =	vst v22  }
0xec: {  	[tilespmem:s15+$0xFFFFFFB0] =	vst v26;
	v19 =	vadd.f32 v19, v17;
	v21 =	vld [tilespmem:s15+$0x0]  }
0xed: {  	[tilespmem:s15+$0xFFFFFFC0] =	vst v23;
	v22 =	vld [tilespmem:s15+$0x20]  }
0xee: {  	[tilespmem:s15+$0xFFFFFFD0] =	vst v19;
	v19 =	vld [tilespmem:s15+$0x30]  }
0xef: {  	v23 =	vld.idx.msk [tilespmem:v20+s28+$0x0], $0xffff  }
0xf0: {  	v24 =	vld [tilespmem:s15+$0x10]  }
0xf1: {  	v20 =	vld.idx.msk [tilespmem:v20+s29+$0x0], $0xffff  }
0xf2: {  	v25 =	vld [tilespmem:s15+$0x40]  }
0xf3: {  	v26 =	vld [tilespmem:s15+$0x50]  }
0xf4: {  	v27 =	vld [tilespmem:s15+$0x60]  }
0xf5: {  	v21 =	vsub.f32 v21, v23;
	v24 =	vsub.f32 v24, v23;
	v28 =	vld [tilespmem:s15+$0x70]  }
0xf6: {  	v22 =	vsub.f32 v22, v23;
	v19 =	vsub.f32 v19, v23  }
0xf7: {  	v21 =	vmul.f32 v21, v20;
	v24 =	vmul.f32 v24, v20;
	v25 =	vsub.f32 v25, v23  }
0xf8: {  	v22 =	vmul.f32 v22, v20;
	v19 =	vmul.f32 v19, v20;
	v26 =	vsub.f32 v26, v23  }
0xf9: {  	v21 =	vmul.f32 v21, v8;
	v24 =	vmul.f32 v24, v9;
	v27 =	vsub.f32 v27, v23  }
0xfa: {  	v25 =	vmul.f32 v25, v20;
	v26 =	vmul.f32 v26, v20;
	v23 =	vsub.f32 v28, v23  }
0xfb: {  	v19 =	vmul.f32 v19, v7;
	v21 =	vadd.f32 v21, v11;
	v24 =	vadd.f32 v24, v14  }
0xfc: {  	v25 =	vmul.f32 v25, v6;
	v27 =	vmul.f32 v27, v20  }
0xfd: {  	v19 =	vadd.f32 v19, v15;
	v20 =	vmul.f32 v23, v20;
	[tilespmem:s15+$0x0] =	vst v21;
	v21 =	vmul.f32 v26, v5  }
.Ltmp2:
0xfe: {  	v22 =	vmul.f32 v22, v2;
	v23 =	vadd.f32 v25, v16;
	[tilespmem:s15+$0x10] =	vst v24;
	v24 =	vmul.f32 v27, v4;
	(pc) =	sbr.rel @p1 .LBB2_7-.Ltmp2, $4  }
0xff: {  	v20 =	vmul.f32 v20, v3;
	[tilespmem:s15+$0x30] =	vst v19;
	v25 =	vadd.f32 v21, v17  }
0x100: {  	v21 =	vadd.f32 v22, v10;
	[tilespmem:s15+$0x40] =	vst v23;
	v23 =	vadd.f32 v24, v12  }
0x101: {  	v22 =	vadd.f32 v20, v13;
	v19 =	vld [tilespmem:s8+$0xFFFFFFE0];
	[tilespmem:s15+$0x50] =	vst v25  }
0x102: {  	v20 =	vld [tilespmem:s8+$0xFFFFFFA0];
	[tilespmem:s15+$0x60] =	vst v23  }
0x103: {  	_ = 	snop  }
0x104: {  	v23 =	vld [tilespmem:s5+$0xFFFFFF80]  }
0x105: {  	[tilespmem:s15+$0x20] =	vst v21;
	v37 =	vld [tilespmem:s5+$0xFFFFFFD0]  }
0x106: {  	[tilespmem:s15+$0x70] =	vst v22;
	v24 =	vld [tilespmem:s5+$0xFFFFFFC0]  }
0x107: {  	v22 =	vld.idx.msk [tilespmem:v18+s28+$0x0], $0xffff  }
0x108: {  	v26 =	vld [tilespmem:s5+$0xFFFFFF90]  }
0x109: {  	v38 =	vld.idx.msk [tilespmem:v18+s29+$0x0], $0xffff  }
0x10a: {  	v25 =	vld [tilespmem:s5+$0xFFFFFFF0]  }
0x10b: {  	v27 =	vld [tilespmem:s5+$0xFFFFFFB0]  }
0x10c: {  	v23 =	vsub.f32 v23, v22  }
0x10d: {  	v20 =	vsub.f32 v20, v22;
	v24 =	vsub.f32 v24, v22  }
0x10e: {  	v19 =	vsub.f32 v19, v22;
	v21 =	vsub.f32 v37, v22;
	v23 =	vmul.f32 v23, v38  }
0x10f: {  	v25 =	vsub.f32 v25, v22;
	v26 =	vsub.f32 v26, v22;
	v20 =	vmul.f32 v20, v38  }
0x110: {  	v22 =	vsub.f32 v27, v22;
	v19 =	vmul.f32 v19, v38;
	v23 =	vmul.f32 v23, v8  }
0x111: {  	v25 =	vmul.f32 v25, v38;
	v20 =	vmul.f32 v20, v2  }
0x112: {  	v22 =	vmul.f32 v22, v38;
	v19 =	vmul.f32 v19, v4;
	v23 =	vadd.f32 v23, v11  }
0x113: {  	v24 =	vmul.f32 v24, v38;
	v25 =	vmul.f32 v25, v3;
	v20 =	vadd.f32 v20, v10  }
0x114: {  	v18 =	vmul.f32 v21, v38;
	v22 =	vmul.f32 v22, v7;
	v19 =	vadd.f32 v19, v12;
	[tilespmem:s5+$0xFFFFFF80] =	vst v23  }
0x115: {  	v26 =	vmul.f32 v26, v38;
	v41 =	vmul.f32 v24, v6;
	v40 =	vadd.f32 v25, v13;
	[tilespmem:s5+$0xFFFFFFA0] =	vst v20  }
0x116: {  	s2 =	sadd.s32 $0x1, s14;
	v18 =	vmul.f32 v18, v5;
	v42 =	vadd.f32 v22, v15;
	[tilespmem:s5+$0xFFFFFFE0] =	vst v19  }
0x117: {  	v43 =	vmov s2;
	v39 =	vmul.f32 v26, v9;
	v21 =	vadd.f32 v41, v16;
	[tilespmem:s5+$0xFFFFFFF0] =	vst v40  }
0x118: {  	v44 =	vld [tilespmem:s5+$0x0];
	v18 =	vadd.f32 v18, v17;
	[tilespmem:s5+$0xFFFFFFB0] =	vst v42  }
0x119: {  	v45 =	vld [tilespmem:s5+$0x30];
	v23 =	vadd.f32 v39, v14;
	[tilespmem:s5+$0xFFFFFFC0] =	vst v21  }
0x11a: {  	v46 =	vld [tilespmem:s5+$0x10];
	[tilespmem:s5+$0xFFFFFFD0] =	vst v18  }
0x11b: {  	v47 =	vld [tilespmem:s5+$0x40];
	[tilespmem:s5+$0xFFFFFF90] =	vst v23  }
0x11c: {  	v21 =	vld.idx.msk [tilespmem:v43+s28+$0x0], $0xffff  }
0x11d: {  	v48 =	vld [tilespmem:s5+$0x50]  }
0x11e: {  	v20 =	vld.idx.msk [tilespmem:v43+s29+$0x0], $0xffff  }
0x11f: {  	v49 =	vld [tilespmem:s5+$0x20]  }
0x120: {  	v50 =	vld [tilespmem:s5+$0x60]  }
0x121: {  	v51 =	vld [tilespmem:s5+$0x70];
	v19 =	vsub.f32 v44, v21  }
0x122: {  	v22 =	vsub.f32 v46, v21  }
0x123: {  	v18 =	vsub.f32 v45, v21;
	v23 =	vsub.f32 v47, v21;
	v19 =	vmul.f32 v19, v20  }
0x124: {  	v24 =	vsub.f32 v48, v21;
	v25 =	vsub.f32 v49, v21;
	v22 =	vmul.f32 v22, v20  }
0x125: {  	v54 =	vsub.f32 v50, v21;
	v18 =	vmul.f32 v18, v20;
	v52 =	vmul.f32 v19, v8  }
0x126: {  	v21 =	vsub.f32 v51, v21;
	v55 =	vmul.f32 v23, v20;
	v53 =	vmul.f32 v22, v9  }
0x127: {  	v56 =	vmul.f32 v24, v20;
	v57 =	vmul.f32 v18, v7;
	v8 =	vadd.f32 v52, v11  }
0x128: {  	v59 =	vmul.f32 v54, v20;
	v58 =	vmul.f32 v55, v6;
	v9 =	vadd.f32 v53, v14  }
0x129: {  	v60 =	vmul.f32 v25, v20;
	v61 =	vmul.f32 v56, v5;
	v7 =	vadd.f32 v57, v15;
	[tilespmem:s5+$0x0] =	vst v8  }
0x12a: {  	v62 =	vmul.f32 v21, v20;
	v63 =	vmul.f32 v59, v4;
	v6 =	vadd.f32 v58, v16;
	[tilespmem:s5+$0x10] =	vst v9  }
0x12b: {  	v2 =	vmul.f32 v60, v2;
	v5 =	vadd.f32 v61, v17;
	[tilespmem:s5+$0x30] =	vst v7  }
0x12c: {  	s8 =	smul.u32 $0x280, s7;
	v3 =	vmul.f32 v62, v3;
	v4 =	vadd.f32 v63, v12;
	[tilespmem:s5+$0x40] =	vst v6  }
0x12d: {  	s3 =	rddreg [dreg:$0xa];
	v2 =	vadd.f32 v2, v10;
	[tilespmem:s5+$0x50] =	vst v5  }
0x12e: {  	s2 =	sadd.s32 s3, s8;
	v3 =	vadd.f32 v3, v13;
	[tilespmem:s5+$0x60] =	vst v4  }
0x12f: {  	s14 =	rddreg [dreg:$0x7];
	s2 =	sshll.u32 s2, $0x4;
	[tilespmem:s5+$0x20] =	vst v2  }
0x130: {  	s15 =	simm.s32 $0x3;
	s2 =	sadd.s32 s14, s2;
	[tilespmem:s5+$0x70] =	vst v3  }
0x131: {  	[hbm4b:s2+s9] =	stream.linear.scatter [tilespmem:s25], [sflag:$0xB], $0x4000, $0x38;
	[tilespmem:$0x14C00] =	vst v63  }
0x132: {  	_ =	swait.ge [sflag:s15], $0x4000  }
0x133: {  	[sflag:s15] =	ssyncset.done $0x0  }
0x134: {  	[sflag:s15] =	ssyncadd.s32 $0xFFFFC000  }
0x135: {  	s16 =	simm.s32 $0x480;
	s4 =	simm.s32 $0x500;
	s2 =	rddreg [dreg:$0x2]  }
0x136: {  	[tilespmem:s20], [sflag:$0x8] =	stream.indirect.gather.add.f32 [hbm:s2], $0x80, s16, s24, $0xb8;
	[tilespmem:$0x14C00] =	vst v63  }
0x137: {  	s31 =	sadd.s32 $0x3, s26;
	s8 =	simm.s32 $0x580;
	s3 =	rddreg [dreg:$0x3]  }
0x138: {  	[tilespmem:s20], [sflag:$0x8] =	stream.indirect.gather.add.f32 [hbm:s3], $0x80, s4, s24, $0xb8;
	[tilespmem:$0x14C00] =	vst v63  }
0x139: {  	s14 =	sadd.s32 s11, s31;
	s5 =	rddreg [dreg:$0x4];
	s2 =	simm.s32 @!p0 $0xE  }
0x13a: {  	[tilespmem:s20], [sflag:$0x8] =	stream.indirect.gather.add.f32 [hbm:s5], $0x80, s8, s24, $0xb8;
	[tilespmem:$0x14C00] =	vst v63  }
0x13b: {  	s3 =	sshll.u32 s14, $0x6;
	_ =	swait.ge @!p0 [sflag:s2], $0x4000  }
0x13c: {  	s16 =	simm.s32 $0x600;
	s3 =	sand.u32 $0x1FFFFFC0, s3;
	[sflag:s2] =	ssyncset.done @!p0 $0x0  }
0x13d: {  	s15 =	sadd.s32 s10, s3;
	s5 =	simm.s32 $0x0;
	[sflag:s2] =	ssyncadd.s32 @!p0 $0xFFFFC000  }
0x13e: {  	[tilespmem:s16], [sflag:$0x10] =	stream.linear.gather [hbm4b:s15+s5], $0x200, $0x38;
	[tilespmem:$0x14C00] =	vst v63  }
0x13f: {  	_ =	swait.ge [sflag:s21], $0x200  }
0x140: {  	[sflag:s21] =	ssyncset.done $0x0  }
0x141: {  	[sflag:s21] =	ssyncadd.s32 $0xFFFFFE00  }
0x142: {  	[tilespmem:s1], [sflag:$0x4] =	stream.indirect.gather [hbm4b:s0+s24], $0x80, s16, s24, $0xb8;
	[tilespmem:$0x14C00] =	vst v63  }
0x143: {  	_ =	swait.ge [sflag:s6], $0x4000  }
0x144: {  	[sflag:s6] =	ssyncset.done $0x0  }
0x145: {  	[sflag:s6] =	ssyncadd.s32 $0xFFFFC000  }
0x146: {  	_ =	swait.ge [sflag:s6], $0x4000  }
0x147: {  	[sflag:s6] =	ssyncset.done $0x0  }
0x148: {  	[sflag:s6] =	ssyncadd.s32 $0xFFFFC000  }
0x149: {  	_ =	swait.ge [sflag:s6], $0x4000  }
0x14a: {  	[sflag:s6] =	ssyncset.done $0x0  }
0x14b: {  	s14 =	simm.s32 $0x0;
	[sflag:s6] =	ssyncadd.s32 $0xFFFFC000  }
.LBB2_9:
0x14c: {  	s15 =	sshll.u32 s14, $0x4  }
0x14d: {  	v2 =	vmov s15  }
0x14e: {  	v3 =	vadd.s32 s5, v0;
	v2 =	vshll.u32 v2, $0x7  }
0x14f: {  	s2 =	simm.s32 $0x1;
	v3 =	vand.u32 $0x7F, v3;
	v2 =	vor.u32 v1, v2  }
0x150: {  	v4 =	vadd.s32 s2, v0;
	v3 =	vor.u32 v2, v3  }
0x151: {  	s8 =	simm.s32 $0x2;
	v4 =	vand.u32 $0x7F, v4  }
0x152: {  	v5 =	vadd.s32 s8, v0;
	v4 =	vor.u32 v2, v4  }
0x153: {  	s16 =	simm.s32 $0x3;
	v5 =	vand.u32 $0x7F, v5  }
0x154: {  	v6 =	vadd.s32 s16, v0;
	v5 =	vor.u32 v2, v5  }
0x155: {  	s3 =	simm.s32 $0x4;
	v9 =	vld.idx.msk [tilespmem:v3+s30+$0x0], $0xffff;
	v3 =	vand.u32 $0x7F, v6  }
0x156: {  	s4 =	simm.s32 $0x5;
	v6 =	vadd.s32 s3, v0;
	v10 =	vor.u32 v2, v3  }
0x157: {  	v7 =	vadd.s32 s4, v0;
	v6 =	vand.u32 $0x7F, v6;
	v3 =	vld.idx.msk [tilespmem:v4+s30+$0x0], $0xffff  }
0x158: {  	s8 =	simm.s32 $0x6;
	v4 =	vor.u32 v2, v6;
	v6 =	vand.u32 $0x7F, v7  }
0x159: {  	v11 =	vimm.f32 $0.0e+00;
	s3 =	simm.s32 $0x7;
	v7 =	vadd.s32 s8, v0;
	v8 =	vor.u32 v2, v6;
	v6 =	vld.idx.msk [tilespmem:v5+s30+$0x0], $0xffff  }
0x15a: {  	s2 =	simm.s32 $0x8;
	v12 =	vadd.s32 s3, v0;
	v7 =	vand.u32 $0x7F, v7;
	v14 =	vmul.f32 v9, v9  }
0x15b: {  	v15 =	vadd.s32 s2, v0;
	v16 =	vand.u32 $0x7F, v12;
	v7 =	vor.u32 v2, v7;
	v5 =	vld.idx.msk [tilespmem:v10+s30+$0x0], $0xffff  }
0x15c: {  	s16 =	simm.s32 $0x9;
	v13 =	vadd.f32 v9, v11;
	v12 =	vadd.f32 v14, v11;
	v14 =	vmul.f32 v3, v3  }
0x15d: {  	s8 =	simm.s32 $0x10;
	v9 =	vor.u32 v2, v16;
	v10 =	vand.u32 $0x7F, v15;
	v4 =	vld.idx.msk [tilespmem:v4+s30+$0x0], $0xffff;
	v11 =	vadd.s32 s16, v0  }
.LBB2_10:
0x15e: {  	p1 =	slt.u32 s8, $0x78;
	s3 =	sadd.s32 $0x2, s2;
	v3 =	vadd.f32 v3, v13;
	v12 =	vadd.f32 v14, v12;
	v13 =	vmul.f32 v6, v6;
	v8 =	vld.idx.msk [tilespmem:v8+s30+$0x0], $0xffff  }
0x15f: {  	v10 =	vor.u32 v2, v10;
	v11 =	vand.u32 $0x7F, v11;
	v14 =	vadd.s32 s3, v0  }
0x160: {  	s3 =	sadd.s32 $0x3, s2;
	v3 =	vadd.f32 v6, v3;
	v6 =	vadd.f32 v13, v12;
	v12 =	vmul.f32 v5, v5;
	v7 =	vld.idx.msk [tilespmem:v7+s30+$0x0], $0xffff  }
0x161: {  	v11 =	vor.u32 v2, v11;
	v13 =	vand.u32 $0x7F, v14;
	v14 =	vadd.s32 s3, v0  }
0x162: {  	s3 =	sadd.s32 $0x4, s2;
	v3 =	vadd.f32 v5, v3;
	v5 =	vadd.f32 v12, v6;
	v6 =	vmul.f32 v4, v4;
	v9 =	vld.idx.msk [tilespmem:v9+s30+$0x0], $0xffff  }
0x163: {  	v12 =	vor.u32 v2, v13;
	v13 =	vand.u32 $0x7F, v14;
	v14 =	vadd.s32 s3, v0  }
0x164: {  	s3 =	sadd.s32 $0x5, s2;
	v10 =	vld.idx.msk [tilespmem:v10+s30+$0x0], $0xffff;
	v4 =	vadd.f32 v4, v3;
	v5 =	vadd.f32 v6, v5;
	v6 =	vmul.f32 v8, v8  }
0x165: {  	v13 =	vor.u32 v2, v13;
	v14 =	vand.u32 $0x7F, v14;
	v15 =	vadd.s32 s3, v0  }
0x166: {  	s3 =	sadd.s32 $0x6, s2;
	v3 =	vld.idx.msk [tilespmem:v11+s30+$0x0], $0xffff;
	v4 =	vadd.f32 v8, v4;
	v5 =	vadd.f32 v6, v5;
	v8 =	vmul.f32 v7, v7  }
0x167: {  	v11 =	vor.u32 v2, v14;
	v14 =	vand.u32 $0x7F, v15;
	v15 =	vadd.s32 s3, v0  }
0x168: {  	s3 =	sadd.s32 $0x7, s2;
	s2 =	smov.u32 s8;
	v6 =	vld.idx.msk [tilespmem:v12+s30+$0x0], $0xffff;
	v4 =	vadd.f32 v7, v4;
	v7 =	vadd.f32 v8, v5;
	v12 =	vmul.f32 v9, v9  }
.Ltmp3:
0x169: {  	v8 =	vor.u32 v2, v14;
	v14 =	vand.u32 $0x7F, v15;
	v15 =	vadd.s32 s3, v0;
	(pc) =	sbr.rel @p1 .LBB2_10-.Ltmp3, $4  }
0x16a: {  	v16 =	vmul.f32 v10, v10;
	v5 =	vld.idx.msk [tilespmem:v13+s30+$0x0], $0xffff;
	v4 =	vadd.f32 v9, v4;
	v9 =	vadd.f32 v12, v7  }
0x16b: {  	v17 =	vadd.s32 s8, v0;
	v15 =	vand.u32 $0x7F, v15;
	v7 =	vor.u32 v2, v14  }
0x16c: {  	s3 =	sadd.s32 $0x1, s8;
	v14 =	vmul.f32 v3, v3;
	v13 =	vadd.f32 v10, v4;
	v12 =	vadd.f32 v16, v9;
	v4 =	vld.idx.msk [tilespmem:v11+s30+$0x0], $0xffff  }
0x16d: {  	s8 =	sadd.s32 $0x8, s8;
	v10 =	vand.u32 $0x7F, v17;
	v11 =	vadd.s32 s3, v0;
	v9 =	vor.u32 v2, v15  }
0x16e: {  	_ = 	snop  }
0x16f: {  	v3 =	vadd.f32 v3, v13;
	_ =	sdelay $0x1  }
0x170: {  	s3 =	sadd.s32 $0x2, s2;
	v12 =	vadd.f32 v14, v12;
	v61 =	vmul.f32 v6, v6;
	v3 =	vadd.f32 v6, v3  }
0x171: {  	v62 =	vld.idx.msk [tilespmem:v8+s30+$0x0], $0xffff;
	v63 =	vor.u32 v2, v10;
	v16 =	vand.u32 $0x7F, v11;
	v17 =	vadd.s32 s3, v0  }
0x172: {  	s8 =	sadd.s32 $0x3, s2;
	v18 =	vmul.f32 v5, v5;
	v12 =	vadd.f32 v61, v12;
	v3 =	vadd.f32 v5, v3  }
0x173: {  	v19 =	vld.idx.msk [tilespmem:v7+s30+$0x0], $0xffff;
	v20 =	vor.u32 v2, v16;
	v22 =	vadd.s32 s8, v0;
	v21 =	vand.u32 $0x7F, v17  }
0x174: {  	s16 =	sadd.s32 $0x4, s2;
	v23 =	vmul.f32 v4, v4;
	v12 =	vadd.f32 v18, v12;
	v3 =	vadd.f32 v4, v3  }
0x175: {  	v24 =	vld.idx.msk [tilespmem:v9+s30+$0x0], $0xffff;
	v27 =	vadd.s32 s16, v0;
	v26 =	vand.u32 $0x7F, v22;
	v25 =	vor.u32 v2, v21  }
0x176: {  	s4 =	sadd.s32 $0x5, s2;
	v28 =	vmul.f32 v62, v62;
	v12 =	vadd.f32 v23, v12;
	v3 =	vadd.f32 v62, v3  }
0x177: {  	v32 =	vadd.s32 s4, v0;
	v31 =	vand.u32 $0x7F, v27;
	v30 =	vor.u32 v2, v26;
	v29 =	vld.idx.msk [tilespmem:v63+s30+$0x0], $0xffff  }
0x178: {  	s8 =	sadd.s32 $0x6, s2;
	v33 =	vmul.f32 v19, v19;
	v12 =	vadd.f32 v28, v12;
	v3 =	vadd.f32 v19, v3  }
0x179: {  	v36 =	vand.u32 $0x7F, v32;
	v37 =	vadd.s32 s8, v0;
	v35 =	vor.u32 v2, v31;
	v34 =	vld.idx.msk [tilespmem:v20+s30+$0x0], $0xffff  }
0x17a: {  	s16 =	sadd.s32 $0x7, s2;
	v38 =	vmul.f32 v24, v24;
	v12 =	vadd.f32 v33, v12;
	v3 =	vadd.f32 v24, v3  }
0x17b: {  	v42 =	vadd.s32 s16, v0;
	v40 =	vor.u32 v2, v36;
	v41 =	vand.u32 $0x7F, v37;
	v39 =	vld.idx.msk [tilespmem:v25+s30+$0x0], $0xffff  }
0x17c: {  	v43 =	vmul.f32 v29, v29;
	v12 =	vadd.f32 v38, v12;
	v3 =	vadd.f32 v29, v3  }
0x17d: {  	v46 =	vand.u32 $0x7F, v42;
	v45 =	vor.u32 v2, v41;
	v44 =	vld.idx.msk [tilespmem:v30+s30+$0x0], $0xffff  }
0x17e: {  	v48 =	vmul.f32 v34, v34;
	v47 =	vadd.f32 v43, v12;
	v3 =	vadd.f32 v34, v3  }
0x17f: {  	v2 =	vor.u32 v2, v46;
	v49 =	vld.idx.msk [tilespmem:v35+s30+$0x0], $0xffff  }
0x180: {  	v51 =	vmul.f32 v39, v39;
	v50 =	vadd.f32 v48, v47;
	v3 =	vadd.f32 v39, v3  }
0x181: {  	v52 =	vld.idx.msk [tilespmem:v40+s30+$0x0], $0xffff  }
0x182: {  	v53 =	vmul.f32 v44, v44;
	v7 =	vadd.f32 v51, v50;
	v3 =	vadd.f32 v44, v3  }
0x183: {  	v54 =	vld.idx.msk [tilespmem:v45+s30+$0x0], $0xffff  }
0x184: {  	v55 =	vmul.f32 v49, v49;
	v7 =	vadd.f32 v53, v7;
	v3 =	vadd.f32 v49, v3  }
0x185: {  	v2 =	vld.idx.msk [tilespmem:v2+s30+$0x0], $0xffff  }
0x186: {  	v57 =	vmul.f32 v52, v52;
	v56 =	vadd.f32 v55, v7;
	v3 =	vadd.f32 v52, v3;
	_ =	sdelay $0x1  }
0x187: {  	v59 =	vmul.f32 v54, v54;
	v58 =	vadd.f32 v57, v56;
	v3 =	vadd.f32 v54, v3;
	_ =	sdelay $0x1  }
0x188: {  	v60 =	vmul.f32 v2, v2;
	v4 =	vadd.f32 v59, v58;
	v2 =	vadd.f32 v2, v3;
	_ =	sdelay $0x1  }
0x189: {  	v3 =	vadd.f32 v60, v4;
	v2 =	vmul.f32 $7.812500000e-03, v2;
	_ =	sdelay $0x1  }
0x18a: {  	v3 =	vmul.f32 $7.812500000e-03, v3;
	v61 =	vmul.f32 v2, v2;
	_ =	sdelay $0x1  }
0x18b: {  	v3 =	vsub.f32 v3, v61;
	_ =	sdelay $0x1  }
0x18c: {  	v3 =	vadd.f32 $9.999999740e-06, v3;
	_ =	sdelay $0x1  }
0x18d: {  	v62 =	vshra.s32 v3, $0x1;
	v3 =	vmul.f32 $5.000000000e-01, v3  }
0x18e: {  	v4 =	vsub.s32 $0x5F3759DF, v62  }
0x18f: {  	v63 =	vmul.f32 v4, v3;
	_ =	sdelay $0x1  }
0x190: {  	v5 =	vmul.f32 v4, v63;
	_ =	sdelay $0x1  }
0x191: {  	v5 =	vsub.f32 $1.500000000e+00, v5;
	_ =	sdelay $0x1  }
0x192: {  	v4 =	vmul.f32 v4, v5;
	_ =	sdelay $0x1  }
0x193: {  	v5 =	vmul.f32 v4, v3;
	_ =	sdelay $0x1  }
0x194: {  	v5 =	vmul.f32 v5, v4;
	_ =	sdelay $0x1  }
0x195: {  	v5 =	vsub.f32 $1.500000000e+00, v5;
	_ =	sdelay $0x1  }
0x196: {  	v4 =	vmul.f32 v5, v4;
	_ =	sdelay $0x1  }
0x197: {  	v3 =	vmul.f32 v4, v3;
	_ =	sdelay $0x1  }
0x198: {  	s14 =	sadd.s32 $0x1, s14;
	v3 =	vmul.f32 v3, v4  }
0x199: {  	p1 =	sne.s32 s14, $0x8  }
.Ltmp4:
0x19a: {  	v3 =	vsub.f32 $1.500000000e+00, v3;
	(pc) =	sbr.rel @p1 .LBB2_9-.Ltmp4, $4  }
0x19b: {  	_ = 	snop  }
0x19c: {  	v3 =	vmul.f32 v3, v4  }
0x19d: {  	[tilespmem:s15+$0x14B00] =	vst v2  }
0x19e: {  	[tilespmem:s15+$0x14B80] =	vst v3  }
0x19f: {  	v8 =	vld [tilespmem:$0x14A00]  }
0x1a0: {  	v9 =	vld [tilespmem:$0x14A10]  }
0x1a1: {  	v2 =	vld [tilespmem:$0x14A20];
	s2 =	simm.s32 $0x0  }
0x1a2: {  	v7 =	vld [tilespmem:$0x14A30];
	v3 =	vmov s2  }
0x1a3: {  	v6 =	vld [tilespmem:$0x14A40];
	v10 =	vand.u32 $0xFFFFFFFE, v3  }
0x1a4: {  	v5 =	vld [tilespmem:$0x14A50];
	v10 =	vbroadcast v10, $0x0  }
0x1a5: {  	v4 =	vld [tilespmem:$0x14A60];
	s15 =	simm.s32 $0x4A80  }
0x1a6: {  	v12 =	vld [tilespmem:s15+$0xFFFFFFE0]  }
0x1a7: {  	v13 =	vld [tilespmem:s15+$0xFFFFFFA0]  }
0x1a8: {  	v14 =	vld [tilespmem:s15+$0xFFFFFF80]  }
0x1a9: {  	v17 =	vld [tilespmem:s15+$0xFFFFFFC0]  }
0x1aa: {  	v16 =	vld.idx.msk [tilespmem:v10+s28+$0x0], $0xffff  }
0x1ab: {  	v19 =	vld [tilespmem:s15+$0xFFFFFFF0]  }
0x1ac: {  	v20 =	vld [tilespmem:s15+$0xFFFFFF90]  }
0x1ad: {  	v18 =	vld.idx.msk [tilespmem:v10+s29+$0x0], $0xffff  }
0x1ae: {  	v21 =	vld [tilespmem:s15+$0xFFFFFFB0]  }
0x1af: {  	v11 =	vld [tilespmem:$0x14A80];
	v22 =	vsub.f32 v14, v16  }
0x1b0: {  	v15 =	vld [tilespmem:s15+$0xFFFFFFD0];
	v13 =	vsub.f32 v13, v16;
	v23 =	vsub.f32 v17, v16  }
0x1b1: {  	v3 =	vld [tilespmem:$0x14A70];
	v17 =	vsub.f32 v12, v16;
	v19 =	vsub.f32 v19, v16  }
0x1b2: {  	v10 =	vld [tilespmem:$0x14AA0];
	v20 =	vsub.f32 v20, v16;
	v22 =	vmul.f32 v22, v18;
	v25 =	vmul.f32 v13, v18  }
0x1b3: {  	v14 =	vld [tilespmem:$0x14A90];
	v21 =	vsub.f32 v21, v16;
	v17 =	vmul.f32 v17, v18;
	v19 =	vmul.f32 v19, v18  }
0x1b4: {  	v13 =	vld [tilespmem:$0x14AF0];
	v20 =	vmul.f32 v20, v18;
	v22 =	vmul.f32 v22, v8  }
0x1b5: {  	v24 =	vsub.f32 v15, v16;
	v15 =	vld [tilespmem:$0x14AB0];
	v21 =	vmul.f32 v21, v18;
	v25 =	vmul.f32 v25, v2  }
0x1b6: {  	v12 =	vld [tilespmem:$0x14AE0];
	v23 =	vmul.f32 v23, v18;
	v20 =	vmul.f32 v20, v9;
	v22 =	vadd.f32 v22, v11  }
0x1b7: {  	v26 =	vmul.f32 v17, v4;
	v17 =	vld [tilespmem:$0x14AD0];
	v19 =	vmul.f32 v19, v3;
	v25 =	vadd.f32 v25, v10  }
0x1b8: {  	v16 =	vld [tilespmem:$0x14AC0];
	v18 =	vmul.f32 v24, v18;
	v21 =	vmul.f32 v21, v7;
	v20 =	vadd.f32 v20, v14;
	[tilespmem:s15+$0xFFFFFF80] =	vst v22  }
0x1b9: {  	v19 =	vadd.f32 v19, v13;
	[tilespmem:s15+$0xFFFFFFA0] =	vst v25  }
0x1ba: {  	s16 =	simm.s32 $0x1;
	v18 =	vmul.f32 v18, v5;
	v21 =	vadd.f32 v21, v15;
	[tilespmem:s15+$0xFFFFFF90] =	vst v20  }
0x1bb: {  	v23 =	vmul.f32 v23, v6;
	v22 =	vadd.f32 v26, v12;
	[tilespmem:s15+$0xFFFFFFF0] =	vst v19;
	v19 =	vmov s16  }
0x1bc: {  	[tilespmem:s15+$0xFFFFFFB0] =	vst v21;
	v18 =	vadd.f32 v18, v17  }
0x1bd: {  	v59 =	vld [tilespmem:s15+$0x50];
	[tilespmem:s15+$0xFFFFFFE0] =	vst v22;
	v22 =	vadd.f32 v23, v16  }
0x1be: {  	v20 =	vld [tilespmem:s15+$0x0];
	[tilespmem:s15+$0xFFFFFFD0] =	vst v18  }
0x1bf: {  	v18 =	vld [tilespmem:s15+$0x30];
	[tilespmem:s15+$0xFFFFFFC0] =	vst v22  }
0x1c0: {  	v21 =	vld.idx.msk [tilespmem:v19+s28+$0x0], $0xffff  }
0x1c1: {  	v22 =	vld [tilespmem:s15+$0x10]  }
0x1c2: {  	v19 =	vld.idx.msk [tilespmem:v19+s29+$0x0], $0xffff  }
0x1c3: {  	v23 =	vld [tilespmem:s15+$0x40]  }
0x1c4: {  	v60 =	vld [tilespmem:s15+$0x20]  }
0x1c5: {  	v61 =	vld [tilespmem:s15+$0x60];
	v20 =	vsub.f32 v20, v21  }
0x1c6: {  	v22 =	vsub.f32 v22, v21  }
0x1c7: {  	v27 =	vld [tilespmem:s15+$0x70];
	v18 =	vsub.f32 v18, v21;
	v20 =	vmul.f32 v20, v19  }
0x1c8: {  	v23 =	vsub.f32 v23, v21;
	v24 =	vsub.f32 v59, v21;
	v22 =	vmul.f32 v22, v19  }
0x1c9: {  	v25 =	vsub.f32 v60, v21;
	v18 =	vmul.f32 v18, v19;
	v20 =	vmul.f32 v20, v8  }
0x1ca: {  	v26 =	vsub.f32 v61, v21;
	v23 =	vmul.f32 v23, v19;
	v22 =	vmul.f32 v22, v9  }
0x1cb: {  	v24 =	vmul.f32 v24, v19;
	v18 =	vmul.f32 v18, v7;
	v20 =	vadd.f32 v20, v11  }
0x1cc: {  	v21 =	vsub.f32 v27, v21;
	v23 =	vmul.f32 v23, v6;
	v22 =	vadd.f32 v22, v14  }
0x1cd: {  	v26 =	vmul.f32 v26, v19;
	v18 =	vadd.f32 v18, v15;
	[tilespmem:s15+$0x0] =	vst v20;
	v20 =	vmul.f32 v24, v5  }
0x1ce: {  	s14 =	simm.s32 $0x2;
	v25 =	vmul.f32 v25, v19;
	v19 =	vmul.f32 v21, v19;
	v21 =	vadd.f32 v23, v16;
	[tilespmem:s15+$0x10] =	vst v22  }
0x1cf: {  	v23 =	vmov s14;
	v22 =	vmul.f32 v26, v4;
	[tilespmem:s15+$0x30] =	vst v18;
	v18 =	vadd.f32 v20, v17  }
0x1d0: {  	v62 =	vmul.f32 v19, v3;
	[tilespmem:s15+$0x40] =	vst v21;
	v21 =	vand.u32 $0xFFFFFFFE, v23  }
0x1d1: {  	s5 =	simm.s32 $0x4B80;
	v20 =	vmul.f32 v25, v2;
	v63 =	vadd.f32 v22, v12;
	[tilespmem:s15+$0x50] =	vst v18;
	v18 =	vbroadcast v21, $0x0  }
0x1d2: {  	v19 =	vld [tilespmem:s5+$0xFFFFFFE0]  }
0x1d3: {  	s8 =	simm.s32 $0x4B80;
	s16 =	simm.s32 $0x4;
	v22 =	vadd.f32 v62, v13;
	v21 =	vadd.f32 v20, v10;
	v20 =	vld [tilespmem:s5+$0xFFFFFFA0];
	[tilespmem:s15+$0x60] =	vst v63  }
.LBB2_13:
0x1d4: {  	p1 =	slt.u32 s16, $0x7E  }
0x1d5: {  	v23 =	vld [tilespmem:s5+$0xFFFFFF80];
	s8 =	sadd.s32 $0x100, s8;
	[tilespmem:s15+$0x20] =	vst v21;
	s2 =	smov.u32 s16;
	s16 =	sadd.s32 $0x2, s16  }
0x1d6: {  	v21 =	vld [tilespmem:s5+$0xFFFFFFD0];
	[tilespmem:s15+$0x70] =	vst v22;
	s15 =	smov.u32 s5;
	s5 =	smov.u32 s8  }
0x1d7: {  	v22 =	vld.idx.msk [tilespmem:v18+s28+$0x0], $0xffff  }
0x1d8: {  	v24 =	vld.idx.msk [tilespmem:v18+s29+$0x0], $0xffff  }
0x1d9: {  	v18 =	vld [tilespmem:s15+$0xFFFFFFC0]  }
0x1da: {  	v25 =	vld [tilespmem:s15+$0xFFFFFF90]  }
0x1db: {  	v26 =	vld [tilespmem:s15+$0xFFFFFFB0]  }
0x1dc: {  	v27 =	vld [tilespmem:s15+$0xFFFFFFF0]  }
0x1dd: {  	v23 =	vsub.f32 v23, v22;
	v20 =	vsub.f32 v20, v22  }
0x1de: {  	v28 =	vmov s2;
	v21 =	vsub.f32 v21, v22;
	v29 =	vsub.f32 v18, v22  }
0x1df: {  	v19 =	vsub.f32 v19, v22;
	v18 =	vand.u32 $0xFFFFFFFE, v28;
	v25 =	vsub.f32 v25, v22  }
0x1e0: {  	v23 =	vmul.f32 v23, v24;
	v18 =	vbroadcast v18, $0x0;
	v26 =	vsub.f32 v26, v22  }
0x1e1: {  	v19 =	vmul.f32 v19, v24;
	v28 =	vmul.f32 v29, v24;
	v22 =	vsub.f32 v27, v22  }
0x1e2: {  	v20 =	vmul.f32 v20, v24;
	v26 =	vmul.f32 v26, v24  }
0x1e3: {  	v23 =	vmul.f32 v23, v8;
	v22 =	vmul.f32 v22, v24  }
0x1e4: {  	v20 =	vmul.f32 v20, v2;
	v26 =	vmul.f32 v26, v7  }
0x1e5: {  	v19 =	vmul.f32 v19, v4;
	v25 =	vmul.f32 v25, v24;
	v23 =	vadd.f32 v23, v11  }
0x1e6: {  	v20 =	vadd.f32 v20, v10;
	v22 =	vmul.f32 v22, v3;
	v26 =	vadd.f32 v26, v15  }
0x1e7: {  	v19 =	vadd.f32 v19, v12;
	[tilespmem:s15+$0xFFFFFF80] =	vst v23;
	v23 =	vmul.f32 v25, v9;
	v25 =	vmul.f32 v28, v6  }
0x1e8: {  	[tilespmem:s15+$0xFFFFFFA0] =	vst v20;
	v20 =	vmul.f32 v21, v24;
	v21 =	vadd.f32 v22, v13  }
0x1e9: {  	s3 =	sadd.s32 $0x1, s14;
	s14 =	smov.u32 s2;
	v22 =	vadd.f32 v23, v14;
	v23 =	vadd.f32 v25, v16;
	[tilespmem:s15+$0xFFFFFFE0] =	vst v19  }
0x1ea: {  	v19 =	vmul.f32 v20, v5;
	[tilespmem:s15+$0xFFFFFFF0] =	vst v21;
	v20 =	vmov s3  }
0x1eb: {  	[tilespmem:s15+$0xFFFFFF90] =	vst v22  }
0x1ec: {  	[tilespmem:s15+$0xFFFFFFB0] =	vst v26;
	v19 =	vadd.f32 v19, v17;
	v21 =	vld [tilespmem:s15+$0x0]  }
0x1ed: {  	[tilespmem:s15+$0xFFFFFFC0] =	vst v23;
	v22 =	vld [tilespmem:s15+$0x20]  }
0x1ee: {  	[tilespmem:s15+$0xFFFFFFD0] =	vst v19;
	v19 =	vld [tilespmem:s15+$0x30]  }
0x1ef: {  	v23 =	vld.idx.msk [tilespmem:v20+s28+$0x0], $0xffff  }
0x1f0: {  	v24 =	vld [tilespmem:s15+$0x10]  }
0x1f1: {  	v20 =	vld.idx.msk [tilespmem:v20+s29+$0x0], $0xffff  }
0x1f2: {  	v25 =	vld [tilespmem:s15+$0x40]  }
0x1f3: {  	v26 =	vld [tilespmem:s15+$0x50]  }
0x1f4: {  	v27 =	vld [tilespmem:s15+$0x60]  }
0x1f5: {  	v21 =	vsub.f32 v21, v23;
	v24 =	vsub.f32 v24, v23;
	v28 =	vld [tilespmem:s15+$0x70]  }
0x1f6: {  	v22 =	vsub.f32 v22, v23;
	v19 =	vsub.f32 v19, v23  }
0x1f7: {  	v21 =	vmul.f32 v21, v20;
	v24 =	vmul.f32 v24, v20;
	v25 =	vsub.f32 v25, v23  }
0x1f8: {  	v22 =	vmul.f32 v22, v20;
	v19 =	vmul.f32 v19, v20;
	v26 =	vsub.f32 v26, v23  }
0x1f9: {  	v21 =	vmul.f32 v21, v8;
	v24 =	vmul.f32 v24, v9;
	v27 =	vsub.f32 v27, v23  }
0x1fa: {  	v25 =	vmul.f32 v25, v20;
	v26 =	vmul.f32 v26, v20;
	v23 =	vsub.f32 v28, v23  }
0x1fb: {  	v19 =	vmul.f32 v19, v7;
	v21 =	vadd.f32 v21, v11;
	v24 =	vadd.f32 v24, v14  }
0x1fc: {  	v25 =	vmul.f32 v25, v6;
	v27 =	vmul.f32 v27, v20  }
0x1fd: {  	v19 =	vadd.f32 v19, v15;
	v20 =	vmul.f32 v23, v20;
	[tilespmem:s15+$0x0] =	vst v21;
	v21 =	vmul.f32 v26, v5  }
.Ltmp5:
0x1fe: {  	v22 =	vmul.f32 v22, v2;
	v23 =	vadd.f32 v25, v16;
	[tilespmem:s15+$0x10] =	vst v24;
	v24 =	vmul.f32 v27, v4;
	(pc) =	sbr.rel @p1 .LBB2_13-.Ltmp5, $4  }
0x1ff: {  	v20 =	vmul.f32 v20, v3;
	[tilespmem:s15+$0x30] =	vst v19;
	v25 =	vadd.f32 v21, v17  }
0x200: {  	v21 =	vadd.f32 v22, v10;
	[tilespmem:s15+$0x40] =	vst v23;
	v23 =	vadd.f32 v24, v12  }
0x201: {  	v22 =	vadd.f32 v20, v13;
	v19 =	vld [tilespmem:s8+$0xFFFFFFE0];
	[tilespmem:s15+$0x50] =	vst v25  }
0x202: {  	v20 =	vld [tilespmem:s8+$0xFFFFFFA0];
	[tilespmem:s15+$0x60] =	vst v23  }
0x203: {  	_ = 	snop  }
0x204: {  	v23 =	vld [tilespmem:s5+$0xFFFFFF80]  }
0x205: {  	[tilespmem:s15+$0x20] =	vst v21;
	v37 =	vld [tilespmem:s5+$0xFFFFFFD0]  }
0x206: {  	[tilespmem:s15+$0x70] =	vst v22;
	v24 =	vld [tilespmem:s5+$0xFFFFFFC0]  }
0x207: {  	v22 =	vld.idx.msk [tilespmem:v18+s28+$0x0], $0xffff  }
0x208: {  	v26 =	vld [tilespmem:s5+$0xFFFFFF90]  }
0x209: {  	v38 =	vld.idx.msk [tilespmem:v18+s29+$0x0], $0xffff  }
0x20a: {  	v25 =	vld [tilespmem:s5+$0xFFFFFFF0]  }
0x20b: {  	v27 =	vld [tilespmem:s5+$0xFFFFFFB0]  }
0x20c: {  	v23 =	vsub.f32 v23, v22  }
0x20d: {  	v20 =	vsub.f32 v20, v22;
	v24 =	vsub.f32 v24, v22  }
0x20e: {  	v19 =	vsub.f32 v19, v22;
	v21 =	vsub.f32 v37, v22;
	v23 =	vmul.f32 v23, v38  }
0x20f: {  	v25 =	vsub.f32 v25, v22;
	v26 =	vsub.f32 v26, v22;
	v20 =	vmul.f32 v20, v38  }
0x210: {  	v22 =	vsub.f32 v27, v22;
	v19 =	vmul.f32 v19, v38;
	v23 =	vmul.f32 v23, v8  }
0x211: {  	v25 =	vmul.f32 v25, v38;
	v20 =	vmul.f32 v20, v2  }
0x212: {  	v22 =	vmul.f32 v22, v38;
	v19 =	vmul.f32 v19, v4;
	v23 =	vadd.f32 v23, v11  }
0x213: {  	v24 =	vmul.f32 v24, v38;
	v25 =	vmul.f32 v25, v3;
	v20 =	vadd.f32 v20, v10  }
0x214: {  	v18 =	vmul.f32 v21, v38;
	v22 =	vmul.f32 v22, v7;
	v19 =	vadd.f32 v19, v12;
	[tilespmem:s5+$0xFFFFFF80] =	vst v23  }
0x215: {  	v26 =	vmul.f32 v26, v38;
	v41 =	vmul.f32 v24, v6;
	v40 =	vadd.f32 v25, v13;
	[tilespmem:s5+$0xFFFFFFA0] =	vst v20  }
0x216: {  	s2 =	sadd.s32 $0x1, s14;
	v18 =	vmul.f32 v18, v5;
	v42 =	vadd.f32 v22, v15;
	[tilespmem:s5+$0xFFFFFFE0] =	vst v19  }
0x217: {  	v43 =	vmov s2;
	v39 =	vmul.f32 v26, v9;
	v21 =	vadd.f32 v41, v16;
	[tilespmem:s5+$0xFFFFFFF0] =	vst v40  }
0x218: {  	v44 =	vld [tilespmem:s5+$0x0];
	v18 =	vadd.f32 v18, v17;
	[tilespmem:s5+$0xFFFFFFB0] =	vst v42  }
0x219: {  	v45 =	vld [tilespmem:s5+$0x30];
	v23 =	vadd.f32 v39, v14;
	[tilespmem:s5+$0xFFFFFFC0] =	vst v21  }
0x21a: {  	v46 =	vld [tilespmem:s5+$0x10];
	[tilespmem:s5+$0xFFFFFFD0] =	vst v18  }
0x21b: {  	v47 =	vld [tilespmem:s5+$0x40];
	[tilespmem:s5+$0xFFFFFF90] =	vst v23  }
0x21c: {  	v21 =	vld.idx.msk [tilespmem:v43+s28+$0x0], $0xffff  }
0x21d: {  	v48 =	vld [tilespmem:s5+$0x50]  }
0x21e: {  	v20 =	vld.idx.msk [tilespmem:v43+s29+$0x0], $0xffff  }
0x21f: {  	v49 =	vld [tilespmem:s5+$0x20]  }
0x220: {  	v50 =	vld [tilespmem:s5+$0x60]  }
0x221: {  	v51 =	vld [tilespmem:s5+$0x70];
	v19 =	vsub.f32 v44, v21  }
0x222: {  	v22 =	vsub.f32 v46, v21  }
0x223: {  	v18 =	vsub.f32 v45, v21;
	v23 =	vsub.f32 v47, v21;
	v19 =	vmul.f32 v19, v20  }
0x224: {  	v24 =	vsub.f32 v48, v21;
	v25 =	vsub.f32 v49, v21;
	v22 =	vmul.f32 v22, v20  }
0x225: {  	v54 =	vsub.f32 v50, v21;
	v18 =	vmul.f32 v18, v20;
	v52 =	vmul.f32 v19, v8  }
0x226: {  	v21 =	vsub.f32 v51, v21;
	v55 =	vmul.f32 v23, v20;
	v53 =	vmul.f32 v22, v9  }
0x227: {  	v56 =	vmul.f32 v24, v20;
	v57 =	vmul.f32 v18, v7;
	v8 =	vadd.f32 v52, v11  }
0x228: {  	v59 =	vmul.f32 v54, v20;
	v58 =	vmul.f32 v55, v6;
	v9 =	vadd.f32 v53, v14  }
0x229: {  	v60 =	vmul.f32 v25, v20;
	v61 =	vmul.f32 v56, v5;
	v7 =	vadd.f32 v57, v15;
	[tilespmem:s5+$0x0] =	vst v8  }
0x22a: {  	v62 =	vmul.f32 v21, v20;
	v63 =	vmul.f32 v59, v4;
	v6 =	vadd.f32 v58, v16;
	[tilespmem:s5+$0x10] =	vst v9  }
0x22b: {  	v2 =	vmul.f32 v60, v2;
	v5 =	vadd.f32 v61, v17;
	[tilespmem:s5+$0x30] =	vst v7  }
0x22c: {  	v3 =	vmul.f32 v62, v3;
	v4 =	vadd.f32 v63, v12;
	[tilespmem:s5+$0x40] =	vst v6  }
0x22d: {  	s4 =	smul.u32 $0x14000, s7;
	v2 =	vadd.f32 v2, v10;
	[tilespmem:s5+$0x50] =	vst v5  }
0x22e: {  	s3 =	rddreg [dreg:$0xc];
	v3 =	vadd.f32 v3, v13;
	[tilespmem:s5+$0x60] =	vst v4  }
0x22f: {  	s2 =	sadd.s32 s4, s3;
	[tilespmem:s5+$0x20] =	vst v2  }
0x230: {  	s2 =	sshrl.u32 s2, $0x3;
	[tilespmem:s5+$0x70] =	vst v3;
	s5 =	rddreg [dreg:$0x7]  }
0x231: {  	s8 =	simm.s32 $0x4;
	s2 =	sadd.s32 s5, s2  }
0x232: {  	[hbm4b:s2+s9] =	stream.linear.scatter [tilespmem:s30], [sflag:$0xC], $0x4000, $0x38;
	[tilespmem:$0x14C00] =	vst v63  }
0x233: {  	_ =	swait.ge [sflag:s8], $0x4000  }
0x234: {  	[sflag:s8] =	ssyncset.done $0x0  }
0x235: {  	[sflag:s8] =	ssyncadd.s32 $0xFFFFC000  }
0x236: {  	s14 =	simm.s32 $0x680;
	s2 =	rddreg [dreg:$0x2]  }
0x237: {  	[tilespmem:s1], [sflag:$0x9] =	stream.indirect.gather.add.f32 [hbm:s2], $0x80, s14, s24, $0xb8;
	[tilespmem:$0x14C00] =	vst v63  }
0x238: {  	s16 =	simm.s32 $0x700;
	s15 =	rddreg [dreg:$0x3]  }
0x239: {  	[tilespmem:s1], [sflag:$0x9] =	stream.indirect.gather.add.f32 [hbm:s15], $0x80, s16, s24, $0xb8;
	[tilespmem:$0x14C00] =	vst v63  }
0x23a: {  	s5 =	simm.s32 $0x780;
	s15 =	sadd.s32 $0x4, s26  }
0x23b: {  	s4 =	rddreg [dreg:$0x4];
	s2 =	simm.s32 @!p0 $0xF;
	s8 =	sadd.s32 s11, s15  }
0x23c: {  	[tilespmem:s1], [sflag:$0x9] =	stream.indirect.gather.add.f32 [hbm:s4], $0x80, s5, s24, $0xb8;
	[tilespmem:$0x14C00] =	vst v63  }
0x23d: {  	s3 =	sshll.u32 s8, $0x6;
	_ =	swait.ge @!p0 [sflag:s2], $0x4000  }
0x23e: {  	s16 =	simm.s32 $0x800;
	s3 =	sand.u32 $0x1FFFFFC0, s3;
	[sflag:s2] =	ssyncset.done @!p0 $0x0  }
0x23f: {  	s5 =	simm.s32 $0x0;
	s14 =	sadd.s32 s10, s3;
	[sflag:s2] =	ssyncadd.s32 @!p0 $0xFFFFC000  }
0x240: {  	[tilespmem:s16], [sflag:$0x10] =	stream.linear.gather [hbm4b:s14+s5], $0x200, $0x38;
	[tilespmem:$0x14C00] =	vst v63  }
0x241: {  	_ =	swait.ge [sflag:s21], $0x200  }
0x242: {  	[sflag:s21] =	ssyncset.done $0x0  }
0x243: {  	[sflag:s21] =	ssyncadd.s32 $0xFFFFFE00  }
0x244: {  	[tilespmem:s19], [sflag:$0x5] =	stream.indirect.gather [hbm4b:s0+s24], $0x80, s16, s24, $0xb8;
	[tilespmem:$0x14C00] =	vst v63  }
0x245: {  	_ =	swait.ge [sflag:s12], $0x4000  }
0x246: {  	[sflag:s12] =	ssyncset.done $0x0  }
0x247: {  	[sflag:s12] =	ssyncadd.s32 $0xFFFFC000  }
0x248: {  	_ =	swait.ge [sflag:s12], $0x4000  }
0x249: {  	[sflag:s12] =	ssyncset.done $0x0  }
0x24a: {  	[sflag:s12] =	ssyncadd.s32 $0xFFFFC000  }
0x24b: {  	_ =	swait.ge [sflag:s12], $0x4000  }
0x24c: {  	[sflag:s12] =	ssyncset.done $0x0  }
0x24d: {  	s14 =	simm.s32 $0x0;
	[sflag:s12] =	ssyncadd.s32 $0xFFFFC000  }
.LBB2_15:
0x24e: {  	s16 =	sshll.u32 s14, $0x4  }
0x24f: {  	v2 =	vmov s16  }
0x250: {  	v3 =	vadd.s32 s5, v0;
	v2 =	vshll.u32 v2, $0x7  }
0x251: {  	s2 =	simm.s32 $0x1;
	v3 =	vand.u32 $0x7F, v3;
	v2 =	vor.u32 v1, v2  }
0x252: {  	v4 =	vadd.s32 s2, v0;
	v3 =	vor.u32 v2, v3  }
0x253: {  	s3 =	simm.s32 $0x2;
	v4 =	vand.u32 $0x7F, v4  }
0x254: {  	v5 =	vadd.s32 s3, v0;
	v4 =	vor.u32 v2, v4  }
0x255: {  	s4 =	simm.s32 $0x3;
	v5 =	vand.u32 $0x7F, v5  }
0x256: {  	v6 =	vadd.s32 s4, v0;
	v5 =	vor.u32 v2, v5  }
0x257: {  	s8 =	simm.s32 $0x4;
	v9 =	vld.idx.msk [tilespmem:v3+s20+$0x0], $0xffff;
	v3 =	vand.u32 $0x7F, v6  }
0x258: {  	s3 =	simm.s32 $0x5;
	v6 =	vadd.s32 s8, v0;
	v10 =	vor.u32 v2, v3  }
0x259: {  	v7 =	vadd.s32 s3, v0;
	v6 =	vand.u32 $0x7F, v6;
	v3 =	vld.idx.msk [tilespmem:v4+s20+$0x0], $0xffff  }
0x25a: {  	s4 =	simm.s32 $0x6;
	v4 =	vor.u32 v2, v6;
	v6 =	vand.u32 $0x7F, v7  }
0x25b: {  	v11 =	vimm.f32 $0.0e+00;
	s3 =	simm.s32 $0x7;
	v7 =	vadd.s32 s4, v0;
	v8 =	vor.u32 v2, v6;
	v6 =	vld.idx.msk [tilespmem:v5+s20+$0x0], $0xffff  }
0x25c: {  	s2 =	simm.s32 $0x8;
	v12 =	vadd.s32 s3, v0;
	v7 =	vand.u32 $0x7F, v7;
	v14 =	vmul.f32 v9, v9  }
0x25d: {  	v15 =	vadd.s32 s2, v0;
	v16 =	vand.u32 $0x7F, v12;
	v7 =	vor.u32 v2, v7;
	v5 =	vld.idx.msk [tilespmem:v10+s20+$0x0], $0xffff  }
0x25e: {  	s8 =	simm.s32 $0x9;
	v13 =	vadd.f32 v9, v11;
	v12 =	vadd.f32 v14, v11;
	v14 =	vmul.f32 v3, v3  }
0x25f: {  	v9 =	vor.u32 v2, v16;
	v10 =	vand.u32 $0x7F, v15;
	v4 =	vld.idx.msk [tilespmem:v4+s20+$0x0], $0xffff;
	v11 =	vadd.s32 s8, v0;
	s8 =	simm.s32 $0x10  }
.LBB2_16:
0x260: {  	p0 =	slt.u32 s8, $0x78;
	s3 =	sadd.s32 $0x2, s2;
	v3 =	vadd.f32 v3, v13;
	v12 =	vadd.f32 v14, v12;
	v13 =	vmul.f32 v6, v6;
	v8 =	vld.idx.msk [tilespmem:v8+s20+$0x0], $0xffff  }
0x261: {  	v10 =	vor.u32 v2, v10;
	v11 =	vand.u32 $0x7F, v11;
	v14 =	vadd.s32 s3, v0  }
0x262: {  	s3 =	sadd.s32 $0x3, s2;
	v3 =	vadd.f32 v6, v3;
	v6 =	vadd.f32 v13, v12;
	v12 =	vmul.f32 v5, v5;
	v7 =	vld.idx.msk [tilespmem:v7+s20+$0x0], $0xffff  }
0x263: {  	v11 =	vor.u32 v2, v11;
	v13 =	vand.u32 $0x7F, v14;
	v14 =	vadd.s32 s3, v0  }
0x264: {  	s3 =	sadd.s32 $0x4, s2;
	v3 =	vadd.f32 v5, v3;
	v5 =	vadd.f32 v12, v6;
	v6 =	vmul.f32 v4, v4;
	v9 =	vld.idx.msk [tilespmem:v9+s20+$0x0], $0xffff  }
0x265: {  	v12 =	vor.u32 v2, v13;
	v13 =	vand.u32 $0x7F, v14;
	v14 =	vadd.s32 s3, v0  }
0x266: {  	s3 =	sadd.s32 $0x5, s2;
	v10 =	vld.idx.msk [tilespmem:v10+s20+$0x0], $0xffff;
	v4 =	vadd.f32 v4, v3;
	v5 =	vadd.f32 v6, v5;
	v6 =	vmul.f32 v8, v8  }
0x267: {  	v13 =	vor.u32 v2, v13;
	v14 =	vand.u32 $0x7F, v14;
	v15 =	vadd.s32 s3, v0  }
0x268: {  	s3 =	sadd.s32 $0x6, s2;
	v3 =	vld.idx.msk [tilespmem:v11+s20+$0x0], $0xffff;
	v4 =	vadd.f32 v8, v4;
	v5 =	vadd.f32 v6, v5;
	v8 =	vmul.f32 v7, v7  }
0x269: {  	v11 =	vor.u32 v2, v14;
	v14 =	vand.u32 $0x7F, v15;
	v15 =	vadd.s32 s3, v0  }
0x26a: {  	s3 =	sadd.s32 $0x7, s2;
	s2 =	smov.u32 s8;
	v6 =	vld.idx.msk [tilespmem:v12+s20+$0x0], $0xffff;
	v4 =	vadd.f32 v7, v4;
	v7 =	vadd.f32 v8, v5;
	v12 =	vmul.f32 v9, v9  }
.Ltmp6:
0x26b: {  	v8 =	vor.u32 v2, v14;
	v14 =	vand.u32 $0x7F, v15;
	v15 =	vadd.s32 s3, v0;
	(pc) =	sbr.rel @p0 .LBB2_16-.Ltmp6, $4  }
0x26c: {  	v16 =	vmul.f32 v10, v10;
	v5 =	vld.idx.msk [tilespmem:v13+s20+$0x0], $0xffff;
	v4 =	vadd.f32 v9, v4;
	v9 =	vadd.f32 v12, v7  }
0x26d: {  	v17 =	vadd.s32 s8, v0;
	v15 =	vand.u32 $0x7F, v15;
	v7 =	vor.u32 v2, v14  }
0x26e: {  	s3 =	sadd.s32 $0x1, s8;
	v14 =	vmul.f32 v3, v3;
	v13 =	vadd.f32 v10, v4;
	v12 =	vadd.f32 v16, v9;
	v4 =	vld.idx.msk [tilespmem:v11+s20+$0x0], $0xffff  }
0x26f: {  	s8 =	sadd.s32 $0x8, s8;
	v10 =	vand.u32 $0x7F, v17;
	v11 =	vadd.s32 s3, v0;
	v9 =	vor.u32 v2, v15  }
0x270: {  	_ = 	snop  }
0x271: {  	v3 =	vadd.f32 v3, v13;
	_ =	sdelay $0x1  }
0x272: {  	s3 =	sadd.s32 $0x2, s2;
	v12 =	vadd.f32 v14, v12;
	v61 =	vmul.f32 v6, v6;
	v3 =	vadd.f32 v6, v3  }
0x273: {  	v62 =	vld.idx.msk [tilespmem:v8+s20+$0x0], $0xffff;
	v63 =	vor.u32 v2, v10;
	v16 =	vand.u32 $0x7F, v11;
	v17 =	vadd.s32 s3, v0  }
0x274: {  	s8 =	sadd.s32 $0x3, s2;
	v18 =	vmul.f32 v5, v5;
	v12 =	vadd.f32 v61, v12;
	v3 =	vadd.f32 v5, v3  }
0x275: {  	v19 =	vld.idx.msk [tilespmem:v7+s20+$0x0], $0xffff;
	v20 =	vor.u32 v2, v16;
	v22 =	vadd.s32 s8, v0;
	v21 =	vand.u32 $0x7F, v17  }
0x276: {  	s4 =	sadd.s32 $0x4, s2;
	v23 =	vmul.f32 v4, v4;
	v12 =	vadd.f32 v18, v12;
	v3 =	vadd.f32 v4, v3  }
0x277: {  	v24 =	vld.idx.msk [tilespmem:v9+s20+$0x0], $0xffff;
	v27 =	vadd.s32 s4, v0;
	v26 =	vand.u32 $0x7F, v22;
	v25 =	vor.u32 v2, v21  }
0x278: {  	s8 =	sadd.s32 $0x5, s2;
	v28 =	vmul.f32 v62, v62;
	v12 =	vadd.f32 v23, v12;
	v3 =	vadd.f32 v62, v3  }
0x279: {  	v31 =	vand.u32 $0x7F, v27;
	v32 =	vadd.s32 s8, v0;
	v30 =	vor.u32 v2, v26;
	v29 =	vld.idx.msk [tilespmem:v63+s20+$0x0], $0xffff  }
0x27a: {  	s4 =	sadd.s32 $0x6, s2;
	v33 =	vmul.f32 v19, v19;
	v12 =	vadd.f32 v28, v12;
	v3 =	vadd.f32 v19, v3  }
0x27b: {  	v37 =	vadd.s32 s4, v0;
	v35 =	vor.u32 v2, v31;
	v36 =	vand.u32 $0x7F, v32;
	v34 =	vld.idx.msk [tilespmem:v20+s20+$0x0], $0xffff  }
0x27c: {  	s8 =	sadd.s32 $0x7, s2;
	v38 =	vmul.f32 v24, v24;
	v12 =	vadd.f32 v33, v12;
	v3 =	vadd.f32 v24, v3  }
0x27d: {  	v41 =	vand.u32 $0x7F, v37;
	v42 =	vadd.s32 s8, v0;
	v40 =	vor.u32 v2, v36;
	v39 =	vld.idx.msk [tilespmem:v25+s20+$0x0], $0xffff  }
0x27e: {  	v43 =	vmul.f32 v29, v29;
	v12 =	vadd.f32 v38, v12;
	v3 =	vadd.f32 v29, v3  }
0x27f: {  	v45 =	vor.u32 v2, v41;
	v46 =	vand.u32 $0x7F, v42;
	v44 =	vld.idx.msk [tilespmem:v30+s20+$0x0], $0xffff  }
0x280: {  	v48 =	vmul.f32 v34, v34;
	v47 =	vadd.f32 v43, v12;
	v3 =	vadd.f32 v34, v3  }
0x281: {  	v2 =	vor.u32 v2, v46;
	v49 =	vld.idx.msk [tilespmem:v35+s20+$0x0], $0xffff  }
0x282: {  	v51 =	vmul.f32 v39, v39;
	v50 =	vadd.f32 v48, v47;
	v3 =	vadd.f32 v39, v3  }
0x283: {  	v52 =	vld.idx.msk [tilespmem:v40+s20+$0x0], $0xffff  }
0x284: {  	v53 =	vmul.f32 v44, v44;
	v7 =	vadd.f32 v51, v50;
	v3 =	vadd.f32 v44, v3  }
0x285: {  	v54 =	vld.idx.msk [tilespmem:v45+s20+$0x0], $0xffff  }
0x286: {  	v55 =	vmul.f32 v49, v49;
	v7 =	vadd.f32 v53, v7;
	v3 =	vadd.f32 v49, v3  }
0x287: {  	v2 =	vld.idx.msk [tilespmem:v2+s20+$0x0], $0xffff  }
0x288: {  	v57 =	vmul.f32 v52, v52;
	v56 =	vadd.f32 v55, v7;
	v3 =	vadd.f32 v52, v3;
	_ =	sdelay $0x1  }
0x289: {  	v59 =	vmul.f32 v54, v54;
	v58 =	vadd.f32 v57, v56;
	v3 =	vadd.f32 v54, v3;
	_ =	sdelay $0x1  }
0x28a: {  	v60 =	vmul.f32 v2, v2;
	v4 =	vadd.f32 v59, v58;
	v2 =	vadd.f32 v2, v3;
	_ =	sdelay $0x1  }
0x28b: {  	v3 =	vadd.f32 v60, v4;
	v2 =	vmul.f32 $7.812500000e-03, v2;
	_ =	sdelay $0x1  }
0x28c: {  	v3 =	vmul.f32 $7.812500000e-03, v3;
	v61 =	vmul.f32 v2, v2;
	_ =	sdelay $0x1  }
0x28d: {  	v3 =	vsub.f32 v3, v61;
	_ =	sdelay $0x1  }
0x28e: {  	v3 =	vadd.f32 $9.999999740e-06, v3;
	_ =	sdelay $0x1  }
0x28f: {  	v62 =	vshra.s32 v3, $0x1;
	v3 =	vmul.f32 $5.000000000e-01, v3  }
0x290: {  	v4 =	vsub.s32 $0x5F3759DF, v62  }
0x291: {  	v63 =	vmul.f32 v4, v3;
	_ =	sdelay $0x1  }
0x292: {  	v5 =	vmul.f32 v4, v63;
	_ =	sdelay $0x1  }
0x293: {  	v5 =	vsub.f32 $1.500000000e+00, v5;
	_ =	sdelay $0x1  }
0x294: {  	v4 =	vmul.f32 v4, v5;
	_ =	sdelay $0x1  }
0x295: {  	v5 =	vmul.f32 v4, v3;
	_ =	sdelay $0x1  }
0x296: {  	v5 =	vmul.f32 v5, v4;
	_ =	sdelay $0x1  }
0x297: {  	v5 =	vsub.f32 $1.500000000e+00, v5;
	_ =	sdelay $0x1  }
0x298: {  	v4 =	vmul.f32 v5, v4;
	_ =	sdelay $0x1  }
0x299: {  	v3 =	vmul.f32 v4, v3;
	_ =	sdelay $0x1  }
0x29a: {  	s14 =	sadd.s32 $0x1, s14;
	v3 =	vmul.f32 v3, v4  }
0x29b: {  	p0 =	sne.s32 s14, $0x8  }
.Ltmp7:
0x29c: {  	v3 =	vsub.f32 $1.500000000e+00, v3;
	(pc) =	sbr.rel @p0 .LBB2_15-.Ltmp7, $4  }
0x29d: {  	_ = 	snop  }
0x29e: {  	v3 =	vmul.f32 v3, v4  }
0x29f: {  	[tilespmem:s16+$0x14B00] =	vst v2  }
0x2a0: {  	[tilespmem:s16+$0x14B80] =	vst v3  }
0x2a1: {  	v8 =	vld [tilespmem:$0x14A00]  }
0x2a2: {  	v9 =	vld [tilespmem:$0x14A10]  }
0x2a3: {  	v2 =	vld [tilespmem:$0x14A20];
	s2 =	simm.s32 $0x0  }
0x2a4: {  	v7 =	vld [tilespmem:$0x14A30];
	v3 =	vmov s2  }
0x2a5: {  	v6 =	vld [tilespmem:$0x14A40];
	v10 =	vand.u32 $0xFFFFFFFE, v3  }
0x2a6: {  	v5 =	vld [tilespmem:$0x14A50];
	v10 =	vbroadcast v10, $0x0  }
0x2a7: {  	v4 =	vld [tilespmem:$0x14A60];
	s5 =	simm.s32 $0x8A80  }
0x2a8: {  	v12 =	vld [tilespmem:s5+$0xFFFFFFE0]  }
0x2a9: {  	v13 =	vld [tilespmem:s5+$0xFFFFFFA0]  }
0x2aa: {  	v14 =	vld [tilespmem:s5+$0xFFFFFF80]  }
0x2ab: {  	v17 =	vld [tilespmem:s5+$0xFFFFFFC0]  }
0x2ac: {  	v16 =	vld.idx.msk [tilespmem:v10+s28+$0x0], $0xffff  }
0x2ad: {  	v19 =	vld [tilespmem:s5+$0xFFFFFFF0]  }
0x2ae: {  	v20 =	vld [tilespmem:s5+$0xFFFFFF90]  }
0x2af: {  	v18 =	vld.idx.msk [tilespmem:v10+s29+$0x0], $0xffff  }
0x2b0: {  	v21 =	vld [tilespmem:s5+$0xFFFFFFB0]  }
0x2b1: {  	v11 =	vld [tilespmem:$0x14A80];
	v22 =	vsub.f32 v14, v16  }
0x2b2: {  	v15 =	vld [tilespmem:s5+$0xFFFFFFD0];
	v13 =	vsub.f32 v13, v16;
	v23 =	vsub.f32 v17, v16  }
0x2b3: {  	v3 =	vld [tilespmem:$0x14A70];
	v17 =	vsub.f32 v12, v16;
	v19 =	vsub.f32 v19, v16  }
0x2b4: {  	v10 =	vld [tilespmem:$0x14AA0];
	v20 =	vsub.f32 v20, v16;
	v22 =	vmul.f32 v22, v18;
	v25 =	vmul.f32 v13, v18  }
0x2b5: {  	v14 =	vld [tilespmem:$0x14A90];
	v21 =	vsub.f32 v21, v16;
	v17 =	vmul.f32 v17, v18;
	v19 =	vmul.f32 v19, v18  }
0x2b6: {  	v13 =	vld [tilespmem:$0x14AF0];
	v20 =	vmul.f32 v20, v18;
	v22 =	vmul.f32 v22, v8  }
0x2b7: {  	v24 =	vsub.f32 v15, v16;
	v15 =	vld [tilespmem:$0x14AB0];
	v21 =	vmul.f32 v21, v18;
	v25 =	vmul.f32 v25, v2  }
0x2b8: {  	v12 =	vld [tilespmem:$0x14AE0];
	v23 =	vmul.f32 v23, v18;
	v20 =	vmul.f32 v20, v9;
	v22 =	vadd.f32 v22, v11  }
0x2b9: {  	v26 =	vmul.f32 v17, v4;
	v17 =	vld [tilespmem:$0x14AD0];
	v19 =	vmul.f32 v19, v3;
	v25 =	vadd.f32 v25, v10  }
0x2ba: {  	v16 =	vld [tilespmem:$0x14AC0];
	v18 =	vmul.f32 v24, v18;
	v21 =	vmul.f32 v21, v7;
	v20 =	vadd.f32 v20, v14;
	[tilespmem:s5+$0xFFFFFF80] =	vst v22  }
0x2bb: {  	v19 =	vadd.f32 v19, v13;
	[tilespmem:s5+$0xFFFFFFA0] =	vst v25  }
0x2bc: {  	s16 =	simm.s32 $0x1;
	v18 =	vmul.f32 v18, v5;
	v21 =	vadd.f32 v21, v15;
	[tilespmem:s5+$0xFFFFFF90] =	vst v20  }
0x2bd: {  	v23 =	vmul.f32 v23, v6;
	v22 =	vadd.f32 v26, v12;
	[tilespmem:s5+$0xFFFFFFF0] =	vst v19;
	v19 =	vmov s16  }
0x2be: {  	[tilespmem:s5+$0xFFFFFFB0] =	vst v21;
	v18 =	vadd.f32 v18, v17  }
0x2bf: {  	v59 =	vld [tilespmem:s5+$0x50];
	[tilespmem:s5+$0xFFFFFFE0] =	vst v22;
	v22 =	vadd.f32 v23, v16  }
0x2c0: {  	v20 =	vld [tilespmem:s5+$0x0];
	[tilespmem:s5+$0xFFFFFFD0] =	vst v18  }
0x2c1: {  	v18 =	vld [tilespmem:s5+$0x30];
	[tilespmem:s5+$0xFFFFFFC0] =	vst v22  }
0x2c2: {  	v21 =	vld.idx.msk [tilespmem:v19+s28+$0x0], $0xffff  }
0x2c3: {  	v22 =	vld [tilespmem:s5+$0x10]  }
0x2c4: {  	v19 =	vld.idx.msk [tilespmem:v19+s29+$0x0], $0xffff  }
0x2c5: {  	v23 =	vld [tilespmem:s5+$0x40]  }
0x2c6: {  	v60 =	vld [tilespmem:s5+$0x20]  }
0x2c7: {  	v61 =	vld [tilespmem:s5+$0x60];
	v20 =	vsub.f32 v20, v21  }
0x2c8: {  	v22 =	vsub.f32 v22, v21  }
0x2c9: {  	v27 =	vld [tilespmem:s5+$0x70];
	v18 =	vsub.f32 v18, v21;
	v20 =	vmul.f32 v20, v19  }
0x2ca: {  	v23 =	vsub.f32 v23, v21;
	v24 =	vsub.f32 v59, v21;
	v22 =	vmul.f32 v22, v19  }
0x2cb: {  	v25 =	vsub.f32 v60, v21;
	v18 =	vmul.f32 v18, v19;
	v20 =	vmul.f32 v20, v8  }
0x2cc: {  	v26 =	vsub.f32 v61, v21;
	v23 =	vmul.f32 v23, v19;
	v22 =	vmul.f32 v22, v9  }
0x2cd: {  	v24 =	vmul.f32 v24, v19;
	v18 =	vmul.f32 v18, v7;
	v20 =	vadd.f32 v20, v11  }
0x2ce: {  	v21 =	vsub.f32 v27, v21;
	v23 =	vmul.f32 v23, v6;
	v22 =	vadd.f32 v22, v14  }
0x2cf: {  	v26 =	vmul.f32 v26, v19;
	v18 =	vadd.f32 v18, v15;
	[tilespmem:s5+$0x0] =	vst v20;
	v20 =	vmul.f32 v24, v5  }
0x2d0: {  	s16 =	simm.s32 $0x2;
	v25 =	vmul.f32 v25, v19;
	v19 =	vmul.f32 v21, v19;
	v21 =	vadd.f32 v23, v16;
	[tilespmem:s5+$0x10] =	vst v22  }
0x2d1: {  	v23 =	vmov s16;
	v22 =	vmul.f32 v26, v4;
	[tilespmem:s5+$0x30] =	vst v18;
	v18 =	vadd.f32 v20, v17  }
0x2d2: {  	v62 =	vmul.f32 v19, v3;
	[tilespmem:s5+$0x40] =	vst v21;
	v21 =	vand.u32 $0xFFFFFFFE, v23  }
0x2d3: {  	s14 =	simm.s32 $0x8B80;
	v20 =	vmul.f32 v25, v2;
	v63 =	vadd.f32 v22, v12;
	[tilespmem:s5+$0x50] =	vst v18;
	v18 =	vbroadcast v21, $0x0  }
0x2d4: {  	v19 =	vld [tilespmem:s14+$0xFFFFFFE0]  }
0x2d5: {  	s8 =	simm.s32 $0x4;
	s2 =	simm.s32 $0x8B80;
	v22 =	vadd.f32 v62, v13;
	v21 =	vadd.f32 v20, v10;
	v20 =	vld [tilespmem:s14+$0xFFFFFFA0];
	[tilespmem:s5+$0x60] =	vst v63  }
.LBB2_19:
0x2d6: {  	p0 =	slt.u32 s8, $0x7E  }
0x2d7: {  	v23 =	vld [tilespmem:s14+$0xFFFFFF80];
	s2 =	sadd.s32 $0x100, s2;
	[tilespmem:s5+$0x20] =	vst v21;
	s3 =	smov.u32 s8;
	s8 =	sadd.s32 $0x2, s8  }
0x2d8: {  	v21 =	vld [tilespmem:s14+$0xFFFFFFD0];
	[tilespmem:s5+$0x70] =	vst v22;
	s5 =	smov.u32 s14;
	s14 =	smov.u32 s2  }
0x2d9: {  	v22 =	vld.idx.msk [tilespmem:v18+s28+$0x0], $0xffff  }
0x2da: {  	v24 =	vld.idx.msk [tilespmem:v18+s29+$0x0], $0xffff  }
0x2db: {  	v18 =	vld [tilespmem:s5+$0xFFFFFFC0]  }
0x2dc: {  	v25 =	vld [tilespmem:s5+$0xFFFFFF90]  }
0x2dd: {  	v26 =	vld [tilespmem:s5+$0xFFFFFFB0]  }
0x2de: {  	v27 =	vld [tilespmem:s5+$0xFFFFFFF0]  }
0x2df: {  	v23 =	vsub.f32 v23, v22;
	v20 =	vsub.f32 v20, v22  }
0x2e0: {  	v28 =	vmov s3;
	v21 =	vsub.f32 v21, v22;
	v29 =	vsub.f32 v18, v22  }
0x2e1: {  	v19 =	vsub.f32 v19, v22;
	v18 =	vand.u32 $0xFFFFFFFE, v28;
	v25 =	vsub.f32 v25, v22  }
0x2e2: {  	v23 =	vmul.f32 v23, v24;
	v18 =	vbroadcast v18, $0x0;
	v26 =	vsub.f32 v26, v22  }
0x2e3: {  	v19 =	vmul.f32 v19, v24;
	v28 =	vmul.f32 v29, v24;
	v22 =	vsub.f32 v27, v22  }
0x2e4: {  	v20 =	vmul.f32 v20, v24;
	v26 =	vmul.f32 v26, v24  }
0x2e5: {  	v23 =	vmul.f32 v23, v8;
	v22 =	vmul.f32 v22, v24  }
0x2e6: {  	v20 =	vmul.f32 v20, v2;
	v26 =	vmul.f32 v26, v7  }
0x2e7: {  	v19 =	vmul.f32 v19, v4;
	v25 =	vmul.f32 v25, v24;
	v23 =	vadd.f32 v23, v11  }
0x2e8: {  	v20 =	vadd.f32 v20, v10;
	v22 =	vmul.f32 v22, v3;
	v26 =	vadd.f32 v26, v15  }
0x2e9: {  	v19 =	vadd.f32 v19, v12;
	[tilespmem:s5+$0xFFFFFF80] =	vst v23;
	v23 =	vmul.f32 v25, v9;
	v25 =	vmul.f32 v28, v6  }
0x2ea: {  	[tilespmem:s5+$0xFFFFFFA0] =	vst v20;
	v20 =	vmul.f32 v21, v24;
	v21 =	vadd.f32 v22, v13  }
0x2eb: {  	s4 =	sadd.s32 $0x1, s16;
	s16 =	smov.u32 s3;
	v22 =	vadd.f32 v23, v14;
	v23 =	vadd.f32 v25, v16;
	[tilespmem:s5+$0xFFFFFFE0] =	vst v19  }
0x2ec: {  	v19 =	vmul.f32 v20, v5;
	[tilespmem:s5+$0xFFFFFFF0] =	vst v21;
	v20 =	vmov s4  }
0x2ed: {  	[tilespmem:s5+$0xFFFFFF90] =	vst v22  }
0x2ee: {  	[tilespmem:s5+$0xFFFFFFB0] =	vst v26;
	v19 =	vadd.f32 v19, v17;
	v21 =	vld [tilespmem:s5+$0x0]  }
0x2ef: {  	[tilespmem:s5+$0xFFFFFFC0] =	vst v23;
	v22 =	vld [tilespmem:s5+$0x20]  }
0x2f0: {  	[tilespmem:s5+$0xFFFFFFD0] =	vst v19;
	v19 =	vld [tilespmem:s5+$0x30]  }
0x2f1: {  	v23 =	vld.idx.msk [tilespmem:v20+s28+$0x0], $0xffff  }
0x2f2: {  	v24 =	vld [tilespmem:s5+$0x10]  }
0x2f3: {  	v20 =	vld.idx.msk [tilespmem:v20+s29+$0x0], $0xffff  }
0x2f4: {  	v25 =	vld [tilespmem:s5+$0x40]  }
0x2f5: {  	v26 =	vld [tilespmem:s5+$0x50]  }
0x2f6: {  	v27 =	vld [tilespmem:s5+$0x60]  }
0x2f7: {  	v21 =	vsub.f32 v21, v23;
	v24 =	vsub.f32 v24, v23;
	v28 =	vld [tilespmem:s5+$0x70]  }
0x2f8: {  	v22 =	vsub.f32 v22, v23;
	v19 =	vsub.f32 v19, v23  }
0x2f9: {  	v21 =	vmul.f32 v21, v20;
	v24 =	vmul.f32 v24, v20;
	v25 =	vsub.f32 v25, v23  }
0x2fa: {  	v22 =	vmul.f32 v22, v20;
	v19 =	vmul.f32 v19, v20;
	v26 =	vsub.f32 v26, v23  }
0x2fb: {  	v21 =	vmul.f32 v21, v8;
	v24 =	vmul.f32 v24, v9;
	v27 =	vsub.f32 v27, v23  }
0x2fc: {  	v25 =	vmul.f32 v25, v20;
	v26 =	vmul.f32 v26, v20;
	v23 =	vsub.f32 v28, v23  }
0x2fd: {  	v19 =	vmul.f32 v19, v7;
	v21 =	vadd.f32 v21, v11;
	v24 =	vadd.f32 v24, v14  }
0x2fe: {  	v25 =	vmul.f32 v25, v6;
	v27 =	vmul.f32 v27, v20  }
0x2ff: {  	v19 =	vadd.f32 v19, v15;
	v20 =	vmul.f32 v23, v20;
	[tilespmem:s5+$0x0] =	vst v21;
	v21 =	vmul.f32 v26, v5  }
.Ltmp8:
0x300: {  	v22 =	vmul.f32 v22, v2;
	v23 =	vadd.f32 v25, v16;
	[tilespmem:s5+$0x10] =	vst v24;
	v24 =	vmul.f32 v27, v4;
	(pc) =	sbr.rel @p0 .LBB2_19-.Ltmp8, $4  }
0x301: {  	v20 =	vmul.f32 v20, v3;
	[tilespmem:s5+$0x30] =	vst v19;
	v25 =	vadd.f32 v21, v17  }
0x302: {  	v21 =	vadd.f32 v22, v10;
	[tilespmem:s5+$0x40] =	vst v23;
	v23 =	vadd.f32 v24, v12  }
0x303: {  	v22 =	vadd.f32 v20, v13;
	v19 =	vld [tilespmem:s2+$0xFFFFFFE0];
	[tilespmem:s5+$0x50] =	vst v25  }
0x304: {  	v20 =	vld [tilespmem:s2+$0xFFFFFFA0];
	[tilespmem:s5+$0x60] =	vst v23  }
0x305: {  	_ = 	snop  }
0x306: {  	v23 =	vld [tilespmem:s14+$0xFFFFFF80]  }
0x307: {  	[tilespmem:s5+$0x20] =	vst v21;
	v37 =	vld [tilespmem:s14+$0xFFFFFFD0]  }
0x308: {  	[tilespmem:s5+$0x70] =	vst v22;
	v24 =	vld [tilespmem:s14+$0xFFFFFFC0]  }
0x309: {  	v22 =	vld.idx.msk [tilespmem:v18+s28+$0x0], $0xffff  }
0x30a: {  	v26 =	vld [tilespmem:s14+$0xFFFFFF90]  }
0x30b: {  	v38 =	vld.idx.msk [tilespmem:v18+s29+$0x0], $0xffff  }
0x30c: {  	v25 =	vld [tilespmem:s14+$0xFFFFFFF0]  }
0x30d: {  	v27 =	vld [tilespmem:s14+$0xFFFFFFB0]  }
0x30e: {  	v23 =	vsub.f32 v23, v22  }
0x30f: {  	v20 =	vsub.f32 v20, v22;
	v24 =	vsub.f32 v24, v22  }
0x310: {  	v19 =	vsub.f32 v19, v22;
	v21 =	vsub.f32 v37, v22;
	v23 =	vmul.f32 v23, v38  }
0x311: {  	v25 =	vsub.f32 v25, v22;
	v26 =	vsub.f32 v26, v22;
	v20 =	vmul.f32 v20, v38  }
0x312: {  	v22 =	vsub.f32 v27, v22;
	v19 =	vmul.f32 v19, v38;
	v23 =	vmul.f32 v23, v8  }
0x313: {  	v25 =	vmul.f32 v25, v38;
	v20 =	vmul.f32 v20, v2  }
0x314: {  	v22 =	vmul.f32 v22, v38;
	v19 =	vmul.f32 v19, v4;
	v23 =	vadd.f32 v23, v11  }
0x315: {  	v24 =	vmul.f32 v24, v38;
	v25 =	vmul.f32 v25, v3;
	v20 =	vadd.f32 v20, v10  }
0x316: {  	v18 =	vmul.f32 v21, v38;
	v22 =	vmul.f32 v22, v7;
	v19 =	vadd.f32 v19, v12;
	[tilespmem:s14+$0xFFFFFF80] =	vst v23  }
0x317: {  	v26 =	vmul.f32 v26, v38;
	v41 =	vmul.f32 v24, v6;
	v40 =	vadd.f32 v25, v13;
	[tilespmem:s14+$0xFFFFFFA0] =	vst v20  }
0x318: {  	s2 =	sadd.s32 $0x1, s16;
	v18 =	vmul.f32 v18, v5;
	v42 =	vadd.f32 v22, v15;
	[tilespmem:s14+$0xFFFFFFE0] =	vst v19  }
0x319: {  	v43 =	vmov s2;
	v39 =	vmul.f32 v26, v9;
	v21 =	vadd.f32 v41, v16;
	[tilespmem:s14+$0xFFFFFFF0] =	vst v40  }
0x31a: {  	v44 =	vld [tilespmem:s14+$0x0];
	v18 =	vadd.f32 v18, v17;
	[tilespmem:s14+$0xFFFFFFB0] =	vst v42  }
0x31b: {  	v45 =	vld [tilespmem:s14+$0x30];
	v23 =	vadd.f32 v39, v14;
	[tilespmem:s14+$0xFFFFFFC0] =	vst v21  }
0x31c: {  	v46 =	vld [tilespmem:s14+$0x10];
	[tilespmem:s14+$0xFFFFFFD0] =	vst v18  }
0x31d: {  	v47 =	vld [tilespmem:s14+$0x40];
	[tilespmem:s14+$0xFFFFFF90] =	vst v23  }
0x31e: {  	v21 =	vld.idx.msk [tilespmem:v43+s28+$0x0], $0xffff  }
0x31f: {  	v48 =	vld [tilespmem:s14+$0x50]  }
0x320: {  	v20 =	vld.idx.msk [tilespmem:v43+s29+$0x0], $0xffff  }
0x321: {  	v49 =	vld [tilespmem:s14+$0x20]  }
0x322: {  	v50 =	vld [tilespmem:s14+$0x60]  }
0x323: {  	v51 =	vld [tilespmem:s14+$0x70];
	v19 =	vsub.f32 v44, v21  }
0x324: {  	v22 =	vsub.f32 v46, v21  }
0x325: {  	v18 =	vsub.f32 v45, v21;
	v23 =	vsub.f32 v47, v21;
	v19 =	vmul.f32 v19, v20  }
0x326: {  	v24 =	vsub.f32 v48, v21;
	v25 =	vsub.f32 v49, v21;
	v22 =	vmul.f32 v22, v20  }
0x327: {  	v54 =	vsub.f32 v50, v21;
	v18 =	vmul.f32 v18, v20;
	v52 =	vmul.f32 v19, v8  }
0x328: {  	v21 =	vsub.f32 v51, v21;
	v55 =	vmul.f32 v23, v20;
	v53 =	vmul.f32 v22, v9  }
0x329: {  	v56 =	vmul.f32 v24, v20;
	v57 =	vmul.f32 v18, v7;
	v8 =	vadd.f32 v52, v11  }
0x32a: {  	v59 =	vmul.f32 v54, v20;
	v58 =	vmul.f32 v55, v6;
	v9 =	vadd.f32 v53, v14  }
0x32b: {  	v60 =	vmul.f32 v25, v20;
	v61 =	vmul.f32 v56, v5;
	v7 =	vadd.f32 v57, v15;
	[tilespmem:s14+$0x0] =	vst v8  }
0x32c: {  	v62 =	vmul.f32 v21, v20;
	v63 =	vmul.f32 v59, v4;
	v6 =	vadd.f32 v58, v16;
	[tilespmem:s14+$0x10] =	vst v9  }
0x32d: {  	v2 =	vmul.f32 v60, v2;
	v5 =	vadd.f32 v61, v17;
	[tilespmem:s14+$0x30] =	vst v7  }
0x32e: {  	v3 =	vmul.f32 v62, v3;
	v4 =	vadd.f32 v63, v12;
	[tilespmem:s14+$0x40] =	vst v6  }
0x32f: {  	s23 =	sshll.u32 s23, $0xE;
	v2 =	vadd.f32 v2, v10;
	[tilespmem:s14+$0x50] =	vst v5  }
0x330: {  	s2 =	sadd.s32 s13, s23;
	v3 =	vadd.f32 v3, v13;
	[tilespmem:s14+$0x60] =	vst v4  }
0x331: {  	s3 =	rddreg [dreg:$0x7];
	s2 =	sshrl.u32 s2, $0x3;
	[tilespmem:s14+$0x20] =	vst v2  }
0x332: {  	s2 =	sadd.s32 s3, s2;
	s3 =	simm.s32 $0x5;
	[tilespmem:s14+$0x70] =	vst v3  }
0x333: {  	[hbm4b:s2+s9] =	stream.linear.scatter [tilespmem:s20], [sflag:$0xD], $0x4000, $0x38;
	[tilespmem:$0x14C00] =	vst v63  }
0x334: {  	_ =	swait.ge [sflag:s3], $0x4000  }
0x335: {  	[sflag:s3] =	ssyncset.done $0x0  }
0x336: {  	[sflag:s3] =	ssyncadd.s32 $0xFFFFC000  }
0x337: {  	s2 =	rddreg [dreg:$0x2]  }
0x338: {  	s4 =	simm.s32 $0x880;
	s8 =	simm.s32 $0x900;
	s5 =	rddreg [dreg:$0x3]  }
0x339: {  	[tilespmem:s19], [sflag:$0xA] =	stream.indirect.gather.add.f32 [hbm:s2], $0x80, s4, s24, $0xb8;
	[tilespmem:$0x14C00] =	vst v63  }
0x33a: {  	s16 =	simm.s32 $0x980;
	p0 =	seq.s32 s7, $0x9;
	s2 =	rddreg [dreg:$0xd]  }
0x33b: {  	[tilespmem:s19], [sflag:$0xA] =	stream.indirect.gather.add.f32 [hbm:s5], $0x80, s8, s24, $0xb8;
	[tilespmem:$0x14C00] =	vst v63  }
0x33c: {  	s23 =	simm.s32 $0xB;
	s14 =	rddreg [dreg:$0x4];
	s2 =	sadd.s32 @!p0 s26, s2  }
0x33d: {  	[tilespmem:s19], [sflag:$0xA] =	stream.indirect.gather.add.f32 [hbm:s14], $0x80, s16, s24, $0xb8;
	[tilespmem:$0x14C00] =	vst v63  }
0x33e: {  	s2 =	sshll.u32 @!p0 s2, $0x6;
	_ =	swait.ge [sflag:s23], $0x4000  }
0x33f: {  	s2 =	sand.u32 @!p0 $0x1FFFFFC0, s2;
	[sflag:s23] =	ssyncset.done $0x0  }
0x340: {  	s3 =	simm.s32 @!p0 $0x0;
	s2 =	sadd.s32 @!p0 s10, s2;
	[sflag:s23] =	ssyncadd.s32 $0xFFFFC000  }
0x341: {  	[tilespmem:s3], [sflag:$0x10] =	stream.linear.gather @!p0 [hbm4b:s2+s3], $0x200, $0x38;
	[tilespmem:$0x14C00] =	vst v63  }
0x342: {  	s2 =	simm.s32 @!p0 $0x10  }
0x343: {  	_ =	swait.ge @!p0 [sflag:s2], $0x200  }
0x344: {  	[sflag:s2] =	ssyncset.done @!p0 $0x0  }
0x345: {  	s4 =	simm.s32 @!p0 $0xA00;
	[sflag:s2] =	ssyncadd.s32 @!p0 $0xFFFFFE00;
	s2 =	simm.s32 @!p0 $0x80  }
0x346: {  	[tilespmem:s4], [sflag:$0x1] =	stream.indirect.gather @!p0 [hbm4b:s0+s2], $0x80, s3, s2, $0xb8;
	[tilespmem:$0x14C00] =	vst v63  }
0x347: {  	_ =	swait.ge [sflag:s17], $0x4000  }
0x348: {  	[sflag:s17] =	ssyncset.done $0x0  }
0x349: {  	[sflag:s17] =	ssyncadd.s32 $0xFFFFC000  }
0x34a: {  	_ =	swait.ge [sflag:s17], $0x4000  }
0x34b: {  	[sflag:s17] =	ssyncset.done $0x0  }
0x34c: {  	[sflag:s17] =	ssyncadd.s32 $0xFFFFC000  }
0x34d: {  	_ =	swait.ge [sflag:s17], $0x4000  }
0x34e: {  	[sflag:s17] =	ssyncset.done $0x0  }
0x34f: {  	s5 =	simm.s32 $0x0;
	s14 =	simm.s32 $0x0;
	[sflag:s17] =	ssyncadd.s32 $0xFFFFC000  }
.LBB2_21:
0x350: {  	s16 =	sshll.u32 s14, $0x4  }
0x351: {  	v2 =	vmov s16  }
0x352: {  	v3 =	vadd.s32 s5, v0;
	v2 =	vshll.u32 v2, $0x7  }
0x353: {  	s2 =	simm.s32 $0x1;
	v3 =	vand.u32 $0x7F, v3;
	v2 =	vor.u32 v1, v2  }
0x354: {  	v4 =	vadd.s32 s2, v0;
	v3 =	vor.u32 v2, v3  }
0x355: {  	s8 =	simm.s32 $0x2;
	v4 =	vand.u32 $0x7F, v4  }
0x356: {  	v5 =	vadd.s32 s8, v0;
	v4 =	vor.u32 v2, v4  }
0x357: {  	s23 =	simm.s32 $0x3;
	v5 =	vand.u32 $0x7F, v5  }
0x358: {  	v6 =	vadd.s32 s23, v0;
	v5 =	vor.u32 v2, v5  }
0x359: {  	s3 =	simm.s32 $0x4;
	v9 =	vld.idx.msk [tilespmem:v3+s1+$0x0], $0xffff;
	v3 =	vand.u32 $0x7F, v6  }
0x35a: {  	s4 =	simm.s32 $0x5;
	v6 =	vadd.s32 s3, v0;
	v10 =	vor.u32 v2, v3  }
0x35b: {  	v7 =	vadd.s32 s4, v0;
	v6 =	vand.u32 $0x7F, v6;
	v3 =	vld.idx.msk [tilespmem:v4+s1+$0x0], $0xffff  }
0x35c: {  	s8 =	simm.s32 $0x6;
	v4 =	vor.u32 v2, v6;
	v6 =	vand.u32 $0x7F, v7  }
0x35d: {  	v11 =	vimm.f32 $0.0e+00;
	s3 =	simm.s32 $0x7;
	v7 =	vadd.s32 s8, v0;
	v8 =	vor.u32 v2, v6;
	v6 =	vld.idx.msk [tilespmem:v5+s1+$0x0], $0xffff  }
0x35e: {  	s2 =	simm.s32 $0x8;
	v12 =	vadd.s32 s3, v0;
	v7 =	vand.u32 $0x7F, v7;
	v14 =	vmul.f32 v9, v9  }
0x35f: {  	v15 =	vadd.s32 s2, v0;
	v16 =	vand.u32 $0x7F, v12;
	v7 =	vor.u32 v2, v7;
	v5 =	vld.idx.msk [tilespmem:v10+s1+$0x0], $0xffff  }
0x360: {  	s23 =	simm.s32 $0x9;
	v13 =	vadd.f32 v9, v11;
	v12 =	vadd.f32 v14, v11;
	v14 =	vmul.f32 v3, v3  }
0x361: {  	s8 =	simm.s32 $0x10;
	v9 =	vor.u32 v2, v16;
	v10 =	vand.u32 $0x7F, v15;
	v4 =	vld.idx.msk [tilespmem:v4+s1+$0x0], $0xffff;
	v11 =	vadd.s32 s23, v0  }
.LBB2_22:
0x362: {  	p0 =	slt.u32 s8, $0x78;
	s3 =	sadd.s32 $0x2, s2;
	v3 =	vadd.f32 v3, v13;
	v12 =	vadd.f32 v14, v12;
	v13 =	vmul.f32 v6, v6;
	v8 =	vld.idx.msk [tilespmem:v8+s1+$0x0], $0xffff  }
0x363: {  	v10 =	vor.u32 v2, v10;
	v11 =	vand.u32 $0x7F, v11;
	v14 =	vadd.s32 s3, v0  }
0x364: {  	s3 =	sadd.s32 $0x3, s2;
	v3 =	vadd.f32 v6, v3;
	v6 =	vadd.f32 v13, v12;
	v12 =	vmul.f32 v5, v5;
	v7 =	vld.idx.msk [tilespmem:v7+s1+$0x0], $0xffff  }
0x365: {  	v11 =	vor.u32 v2, v11;
	v13 =	vand.u32 $0x7F, v14;
	v14 =	vadd.s32 s3, v0  }
0x366: {  	s3 =	sadd.s32 $0x4, s2;
	v3 =	vadd.f32 v5, v3;
	v5 =	vadd.f32 v12, v6;
	v6 =	vmul.f32 v4, v4;
	v9 =	vld.idx.msk [tilespmem:v9+s1+$0x0], $0xffff  }
0x367: {  	v12 =	vor.u32 v2, v13;
	v13 =	vand.u32 $0x7F, v14;
	v14 =	vadd.s32 s3, v0  }
0x368: {  	s3 =	sadd.s32 $0x5, s2;
	v10 =	vld.idx.msk [tilespmem:v10+s1+$0x0], $0xffff;
	v4 =	vadd.f32 v4, v3;
	v5 =	vadd.f32 v6, v5;
	v6 =	vmul.f32 v8, v8  }
0x369: {  	v13 =	vor.u32 v2, v13;
	v14 =	vand.u32 $0x7F, v14;
	v15 =	vadd.s32 s3, v0  }
0x36a: {  	s3 =	sadd.s32 $0x6, s2;
	v3 =	vld.idx.msk [tilespmem:v11+s1+$0x0], $0xffff;
	v4 =	vadd.f32 v8, v4;
	v5 =	vadd.f32 v6, v5;
	v8 =	vmul.f32 v7, v7  }
0x36b: {  	v11 =	vor.u32 v2, v14;
	v14 =	vand.u32 $0x7F, v15;
	v15 =	vadd.s32 s3, v0  }
0x36c: {  	s3 =	sadd.s32 $0x7, s2;
	s2 =	smov.u32 s8;
	v6 =	vld.idx.msk [tilespmem:v12+s1+$0x0], $0xffff;
	v4 =	vadd.f32 v7, v4;
	v7 =	vadd.f32 v8, v5;
	v12 =	vmul.f32 v9, v9  }
.Ltmp9:
0x36d: {  	v8 =	vor.u32 v2, v14;
	v14 =	vand.u32 $0x7F, v15;
	v15 =	vadd.s32 s3, v0;
	(pc) =	sbr.rel @p0 .LBB2_22-.Ltmp9, $4  }
0x36e: {  	v16 =	vmul.f32 v10, v10;
	v5 =	vld.idx.msk [tilespmem:v13+s1+$0x0], $0xffff;
	v4 =	vadd.f32 v9, v4;
	v9 =	vadd.f32 v12, v7  }
0x36f: {  	v17 =	vadd.s32 s8, v0;
	v15 =	vand.u32 $0x7F, v15;
	v7 =	vor.u32 v2, v14  }
0x370: {  	s3 =	sadd.s32 $0x1, s8;
	v14 =	vmul.f32 v3, v3;
	v13 =	vadd.f32 v10, v4;
	v12 =	vadd.f32 v16, v9;
	v4 =	vld.idx.msk [tilespmem:v11+s1+$0x0], $0xffff  }
0x371: {  	s8 =	sadd.s32 $0x8, s8;
	v10 =	vand.u32 $0x7F, v17;
	v11 =	vadd.s32 s3, v0;
	v9 =	vor.u32 v2, v15  }
0x372: {  	_ = 	snop  }
0x373: {  	v3 =	vadd.f32 v3, v13;
	_ =	sdelay $0x1  }
0x374: {  	s3 =	sadd.s32 $0x2, s2;
	v12 =	vadd.f32 v14, v12;
	v61 =	vmul.f32 v6, v6;
	v3 =	vadd.f32 v6, v3  }
0x375: {  	v62 =	vld.idx.msk [tilespmem:v8+s1+$0x0], $0xffff;
	v63 =	vor.u32 v2, v10;
	v16 =	vand.u32 $0x7F, v11;
	v17 =	vadd.s32 s3, v0  }
0x376: {  	s8 =	sadd.s32 $0x3, s2;
	v18 =	vmul.f32 v5, v5;
	v12 =	vadd.f32 v61, v12;
	v3 =	vadd.f32 v5, v3  }
0x377: {  	v19 =	vld.idx.msk [tilespmem:v7+s1+$0x0], $0xffff;
	v20 =	vor.u32 v2, v16;
	v22 =	vadd.s32 s8, v0;
	v21 =	vand.u32 $0x7F, v17  }
0x378: {  	s23 =	sadd.s32 $0x4, s2;
	v23 =	vmul.f32 v4, v4;
	v12 =	vadd.f32 v18, v12;
	v3 =	vadd.f32 v4, v3  }
0x379: {  	v24 =	vld.idx.msk [tilespmem:v9+s1+$0x0], $0xffff;
	v27 =	vadd.s32 s23, v0;
	v26 =	vand.u32 $0x7F, v22;
	v25 =	vor.u32 v2, v21  }
0x37a: {  	s4 =	sadd.s32 $0x5, s2;
	v28 =	vmul.f32 v62, v62;
	v12 =	vadd.f32 v23, v12;
	v3 =	vadd.f32 v62, v3  }
0x37b: {  	v32 =	vadd.s32 s4, v0;
	v31 =	vand.u32 $0x7F, v27;
	v30 =	vor.u32 v2, v26;
	v29 =	vld.idx.msk [tilespmem:v63+s1+$0x0], $0xffff  }
0x37c: {  	s8 =	sadd.s32 $0x6, s2;
	v33 =	vmul.f32 v19, v19;
	v12 =	vadd.f32 v28, v12;
	v3 =	vadd.f32 v19, v3  }
0x37d: {  	v36 =	vand.u32 $0x7F, v32;
	v37 =	vadd.s32 s8, v0;
	v35 =	vor.u32 v2, v31;
	v34 =	vld.idx.msk [tilespmem:v20+s1+$0x0], $0xffff  }
0x37e: {  	s23 =	sadd.s32 $0x7, s2;
	v38 =	vmul.f32 v24, v24;
	v12 =	vadd.f32 v33, v12;
	v3 =	vadd.f32 v24, v3  }
0x37f: {  	v42 =	vadd.s32 s23, v0;
	v40 =	vor.u32 v2, v36;
	v41 =	vand.u32 $0x7F, v37;
	v39 =	vld.idx.msk [tilespmem:v25+s1+$0x0], $0xffff  }
0x380: {  	v43 =	vmul.f32 v29, v29;
	v12 =	vadd.f32 v38, v12;
	v3 =	vadd.f32 v29, v3  }
0x381: {  	v46 =	vand.u32 $0x7F, v42;
	v45 =	vor.u32 v2, v41;
	v44 =	vld.idx.msk [tilespmem:v30+s1+$0x0], $0xffff  }
0x382: {  	v48 =	vmul.f32 v34, v34;
	v47 =	vadd.f32 v43, v12;
	v3 =	vadd.f32 v34, v3  }
0x383: {  	v2 =	vor.u32 v2, v46;
	v49 =	vld.idx.msk [tilespmem:v35+s1+$0x0], $0xffff  }
0x384: {  	v51 =	vmul.f32 v39, v39;
	v50 =	vadd.f32 v48, v47;
	v3 =	vadd.f32 v39, v3  }
0x385: {  	v52 =	vld.idx.msk [tilespmem:v40+s1+$0x0], $0xffff  }
0x386: {  	v53 =	vmul.f32 v44, v44;
	v7 =	vadd.f32 v51, v50;
	v3 =	vadd.f32 v44, v3  }
0x387: {  	v54 =	vld.idx.msk [tilespmem:v45+s1+$0x0], $0xffff  }
0x388: {  	v55 =	vmul.f32 v49, v49;
	v7 =	vadd.f32 v53, v7;
	v3 =	vadd.f32 v49, v3  }
0x389: {  	v2 =	vld.idx.msk [tilespmem:v2+s1+$0x0], $0xffff  }
0x38a: {  	v57 =	vmul.f32 v52, v52;
	v56 =	vadd.f32 v55, v7;
	v3 =	vadd.f32 v52, v3;
	_ =	sdelay $0x1  }
0x38b: {  	v59 =	vmul.f32 v54, v54;
	v58 =	vadd.f32 v57, v56;
	v3 =	vadd.f32 v54, v3;
	_ =	sdelay $0x1  }
0x38c: {  	v60 =	vmul.f32 v2, v2;
	v4 =	vadd.f32 v59, v58;
	v2 =	vadd.f32 v2, v3;
	_ =	sdelay $0x1  }
0x38d: {  	v3 =	vadd.f32 v60, v4;
	v2 =	vmul.f32 $7.812500000e-03, v2;
	_ =	sdelay $0x1  }
0x38e: {  	v3 =	vmul.f32 $7.812500000e-03, v3;
	v61 =	vmul.f32 v2, v2;
	_ =	sdelay $0x1  }
0x38f: {  	v3 =	vsub.f32 v3, v61;
	_ =	sdelay $0x1  }
0x390: {  	v3 =	vadd.f32 $9.999999740e-06, v3;
	_ =	sdelay $0x1  }
0x391: {  	v62 =	vshra.s32 v3, $0x1;
	v3 =	vmul.f32 $5.000000000e-01, v3  }
0x392: {  	v4 =	vsub.s32 $0x5F3759DF, v62  }
0x393: {  	v63 =	vmul.f32 v4, v3;
	_ =	sdelay $0x1  }
0x394: {  	v5 =	vmul.f32 v4, v63;
	_ =	sdelay $0x1  }
0x395: {  	v5 =	vsub.f32 $1.500000000e+00, v5;
	_ =	sdelay $0x1  }
0x396: {  	v4 =	vmul.f32 v4, v5;
	_ =	sdelay $0x1  }
0x397: {  	v5 =	vmul.f32 v4, v3;
	_ =	sdelay $0x1  }
0x398: {  	v5 =	vmul.f32 v5, v4;
	_ =	sdelay $0x1  }
0x399: {  	v5 =	vsub.f32 $1.500000000e+00, v5;
	_ =	sdelay $0x1  }
0x39a: {  	v4 =	vmul.f32 v5, v4;
	_ =	sdelay $0x1  }
0x39b: {  	v3 =	vmul.f32 v4, v3;
	_ =	sdelay $0x1  }
0x39c: {  	s14 =	sadd.s32 $0x1, s14;
	v3 =	vmul.f32 v3, v4  }
0x39d: {  	p0 =	sne.s32 s14, $0x8  }
.Ltmp10:
0x39e: {  	v3 =	vsub.f32 $1.500000000e+00, v3;
	(pc) =	sbr.rel @p0 .LBB2_21-.Ltmp10, $4  }
0x39f: {  	_ = 	snop  }
0x3a0: {  	v3 =	vmul.f32 v3, v4  }
0x3a1: {  	[tilespmem:s16+$0x14B00] =	vst v2  }
0x3a2: {  	[tilespmem:s16+$0x14B80] =	vst v3  }
0x3a3: {  	v8 =	vld [tilespmem:$0x14A00]  }
0x3a4: {  	v9 =	vld [tilespmem:$0x14A10]  }
0x3a5: {  	v2 =	vld [tilespmem:$0x14A20];
	s2 =	simm.s32 $0x0  }
0x3a6: {  	v7 =	vld [tilespmem:$0x14A30];
	v3 =	vmov s2  }
0x3a7: {  	v6 =	vld [tilespmem:$0x14A40];
	v10 =	vand.u32 $0xFFFFFFFE, v3  }
0x3a8: {  	v5 =	vld [tilespmem:$0x14A50];
	v10 =	vbroadcast v10, $0x0  }
0x3a9: {  	v4 =	vld [tilespmem:$0x14A60];
	s5 =	simm.s32 $0xCA80  }
0x3aa: {  	v12 =	vld [tilespmem:s5+$0xFFFFFFE0]  }
0x3ab: {  	v13 =	vld [tilespmem:s5+$0xFFFFFFA0]  }
0x3ac: {  	v14 =	vld [tilespmem:s5+$0xFFFFFF80]  }
0x3ad: {  	v17 =	vld [tilespmem:s5+$0xFFFFFFC0]  }
0x3ae: {  	v16 =	vld.idx.msk [tilespmem:v10+s28+$0x0], $0xffff  }
0x3af: {  	v19 =	vld [tilespmem:s5+$0xFFFFFFF0]  }
0x3b0: {  	v20 =	vld [tilespmem:s5+$0xFFFFFF90]  }
0x3b1: {  	v18 =	vld.idx.msk [tilespmem:v10+s29+$0x0], $0xffff  }
0x3b2: {  	v21 =	vld [tilespmem:s5+$0xFFFFFFB0]  }
0x3b3: {  	v11 =	vld [tilespmem:$0x14A80];
	v22 =	vsub.f32 v14, v16  }
0x3b4: {  	v15 =	vld [tilespmem:s5+$0xFFFFFFD0];
	v13 =	vsub.f32 v13, v16;
	v23 =	vsub.f32 v17, v16  }
0x3b5: {  	v3 =	vld [tilespmem:$0x14A70];
	v17 =	vsub.f32 v12, v16;
	v19 =	vsub.f32 v19, v16  }
0x3b6: {  	v10 =	vld [tilespmem:$0x14AA0];
	v20 =	vsub.f32 v20, v16;
	v22 =	vmul.f32 v22, v18;
	v25 =	vmul.f32 v13, v18  }
0x3b7: {  	v14 =	vld [tilespmem:$0x14A90];
	v21 =	vsub.f32 v21, v16;
	v17 =	vmul.f32 v17, v18;
	v19 =	vmul.f32 v19, v18  }
0x3b8: {  	v13 =	vld [tilespmem:$0x14AF0];
	v20 =	vmul.f32 v20, v18;
	v22 =	vmul.f32 v22, v8  }
0x3b9: {  	v24 =	vsub.f32 v15, v16;
	v15 =	vld [tilespmem:$0x14AB0];
	v21 =	vmul.f32 v21, v18;
	v25 =	vmul.f32 v25, v2  }
0x3ba: {  	v12 =	vld [tilespmem:$0x14AE0];
	v23 =	vmul.f32 v23, v18;
	v20 =	vmul.f32 v20, v9;
	v22 =	vadd.f32 v22, v11  }
0x3bb: {  	v26 =	vmul.f32 v17, v4;
	v17 =	vld [tilespmem:$0x14AD0];
	v19 =	vmul.f32 v19, v3;
	v25 =	vadd.f32 v25, v10  }
0x3bc: {  	v16 =	vld [tilespmem:$0x14AC0];
	v18 =	vmul.f32 v24, v18;
	v21 =	vmul.f32 v21, v7;
	v20 =	vadd.f32 v20, v14;
	[tilespmem:s5+$0xFFFFFF80] =	vst v22  }
0x3bd: {  	v19 =	vadd.f32 v19, v13;
	[tilespmem:s5+$0xFFFFFFA0] =	vst v25  }
0x3be: {  	s23 =	simm.s32 $0x1;
	v18 =	vmul.f32 v18, v5;
	v21 =	vadd.f32 v21, v15;
	[tilespmem:s5+$0xFFFFFF90] =	vst v20  }
0x3bf: {  	v23 =	vmul.f32 v23, v6;
	v22 =	vadd.f32 v26, v12;
	[tilespmem:s5+$0xFFFFFFF0] =	vst v19;
	v19 =	vmov s23  }
0x3c0: {  	[tilespmem:s5+$0xFFFFFFB0] =	vst v21;
	v18 =	vadd.f32 v18, v17  }
0x3c1: {  	v59 =	vld [tilespmem:s5+$0x50];
	[tilespmem:s5+$0xFFFFFFE0] =	vst v22;
	v22 =	vadd.f32 v23, v16  }
0x3c2: {  	v20 =	vld [tilespmem:s5+$0x0];
	[tilespmem:s5+$0xFFFFFFD0] =	vst v18  }
0x3c3: {  	v18 =	vld [tilespmem:s5+$0x30];
	[tilespmem:s5+$0xFFFFFFC0] =	vst v22  }
0x3c4: {  	v21 =	vld.idx.msk [tilespmem:v19+s28+$0x0], $0xffff  }
0x3c5: {  	v22 =	vld [tilespmem:s5+$0x10]  }
0x3c6: {  	v19 =	vld.idx.msk [tilespmem:v19+s29+$0x0], $0xffff  }
0x3c7: {  	v23 =	vld [tilespmem:s5+$0x40]  }
0x3c8: {  	v60 =	vld [tilespmem:s5+$0x20]  }
0x3c9: {  	v61 =	vld [tilespmem:s5+$0x60];
	v20 =	vsub.f32 v20, v21  }
0x3ca: {  	v22 =	vsub.f32 v22, v21  }
0x3cb: {  	v27 =	vld [tilespmem:s5+$0x70];
	v18 =	vsub.f32 v18, v21;
	v20 =	vmul.f32 v20, v19  }
0x3cc: {  	v23 =	vsub.f32 v23, v21;
	v24 =	vsub.f32 v59, v21;
	v22 =	vmul.f32 v22, v19  }
0x3cd: {  	v25 =	vsub.f32 v60, v21;
	v18 =	vmul.f32 v18, v19;
	v20 =	vmul.f32 v20, v8  }
0x3ce: {  	v26 =	vsub.f32 v61, v21;
	v23 =	vmul.f32 v23, v19;
	v22 =	vmul.f32 v22, v9  }
0x3cf: {  	v24 =	vmul.f32 v24, v19;
	v18 =	vmul.f32 v18, v7;
	v20 =	vadd.f32 v20, v11  }
0x3d0: {  	v21 =	vsub.f32 v27, v21;
	v23 =	vmul.f32 v23, v6;
	v22 =	vadd.f32 v22, v14  }
0x3d1: {  	v26 =	vmul.f32 v26, v19;
	v18 =	vadd.f32 v18, v15;
	[tilespmem:s5+$0x0] =	vst v20;
	v20 =	vmul.f32 v24, v5  }
0x3d2: {  	s16 =	simm.s32 $0x2;
	v25 =	vmul.f32 v25, v19;
	v19 =	vmul.f32 v21, v19;
	v21 =	vadd.f32 v23, v16;
	[tilespmem:s5+$0x10] =	vst v22  }
0x3d3: {  	v23 =	vmov s16;
	v22 =	vmul.f32 v26, v4;
	[tilespmem:s5+$0x30] =	vst v18;
	v18 =	vadd.f32 v20, v17  }
0x3d4: {  	v62 =	vmul.f32 v19, v3;
	[tilespmem:s5+$0x40] =	vst v21;
	v21 =	vand.u32 $0xFFFFFFFE, v23  }
0x3d5: {  	s14 =	simm.s32 $0xCB80;
	v20 =	vmul.f32 v25, v2;
	v63 =	vadd.f32 v22, v12;
	[tilespmem:s5+$0x50] =	vst v18;
	v18 =	vbroadcast v21, $0x0  }
0x3d6: {  	v19 =	vld [tilespmem:s14+$0xFFFFFFE0]  }
0x3d7: {  	s8 =	simm.s32 $0x4;
	s2 =	simm.s32 $0xCB80;
	v22 =	vadd.f32 v62, v13;
	v21 =	vadd.f32 v20, v10;
	v20 =	vld [tilespmem:s14+$0xFFFFFFA0];
	[tilespmem:s5+$0x60] =	vst v63  }
.LBB2_25:
0x3d8: {  	p0 =	slt.u32 s8, $0x7E  }
0x3d9: {  	v23 =	vld [tilespmem:s14+$0xFFFFFF80];
	s2 =	sadd.s32 $0x100, s2;
	[tilespmem:s5+$0x20] =	vst v21;
	s3 =	smov.u32 s8;
	s8 =	sadd.s32 $0x2, s8  }
0x3da: {  	v21 =	vld [tilespmem:s14+$0xFFFFFFD0];
	[tilespmem:s5+$0x70] =	vst v22;
	s5 =	smov.u32 s14;
	s14 =	smov.u32 s2  }
0x3db: {  	v22 =	vld.idx.msk [tilespmem:v18+s28+$0x0], $0xffff  }
0x3dc: {  	v24 =	vld.idx.msk [tilespmem:v18+s29+$0x0], $0xffff  }
0x3dd: {  	v18 =	vld [tilespmem:s5+$0xFFFFFFC0]  }
0x3de: {  	v25 =	vld [tilespmem:s5+$0xFFFFFF90]  }
0x3df: {  	v26 =	vld [tilespmem:s5+$0xFFFFFFB0]  }
0x3e0: {  	v27 =	vld [tilespmem:s5+$0xFFFFFFF0]  }
0x3e1: {  	v23 =	vsub.f32 v23, v22;
	v20 =	vsub.f32 v20, v22  }
0x3e2: {  	v28 =	vmov s3;
	v21 =	vsub.f32 v21, v22;
	v29 =	vsub.f32 v18, v22  }
0x3e3: {  	v19 =	vsub.f32 v19, v22;
	v18 =	vand.u32 $0xFFFFFFFE, v28;
	v25 =	vsub.f32 v25, v22  }
0x3e4: {  	v23 =	vmul.f32 v23, v24;
	v18 =	vbroadcast v18, $0x0;
	v26 =	vsub.f32 v26, v22  }
0x3e5: {  	v19 =	vmul.f32 v19, v24;
	v28 =	vmul.f32 v29, v24;
	v22 =	vsub.f32 v27, v22  }
0x3e6: {  	v20 =	vmul.f32 v20, v24;
	v26 =	vmul.f32 v26, v24  }
0x3e7: {  	v23 =	vmul.f32 v23, v8;
	v22 =	vmul.f32 v22, v24  }
0x3e8: {  	v20 =	vmul.f32 v20, v2;
	v26 =	vmul.f32 v26, v7  }
0x3e9: {  	v19 =	vmul.f32 v19, v4;
	v25 =	vmul.f32 v25, v24;
	v23 =	vadd.f32 v23, v11  }
0x3ea: {  	v20 =	vadd.f32 v20, v10;
	v22 =	vmul.f32 v22, v3;
	v26 =	vadd.f32 v26, v15  }
0x3eb: {  	v19 =	vadd.f32 v19, v12;
	[tilespmem:s5+$0xFFFFFF80] =	vst v23;
	v23 =	vmul.f32 v25, v9;
	v25 =	vmul.f32 v28, v6  }
0x3ec: {  	[tilespmem:s5+$0xFFFFFFA0] =	vst v20;
	v20 =	vmul.f32 v21, v24;
	v21 =	vadd.f32 v22, v13  }
0x3ed: {  	s4 =	sadd.s32 $0x1, s16;
	s16 =	smov.u32 s3;
	v22 =	vadd.f32 v23, v14;
	v23 =	vadd.f32 v25, v16;
	[tilespmem:s5+$0xFFFFFFE0] =	vst v19  }
0x3ee: {  	v19 =	vmul.f32 v20, v5;
	[tilespmem:s5+$0xFFFFFFF0] =	vst v21;
	v20 =	vmov s4  }
0x3ef: {  	[tilespmem:s5+$0xFFFFFF90] =	vst v22  }
0x3f0: {  	[tilespmem:s5+$0xFFFFFFB0] =	vst v26;
	v19 =	vadd.f32 v19, v17;
	v21 =	vld [tilespmem:s5+$0x0]  }
0x3f1: {  	[tilespmem:s5+$0xFFFFFFC0] =	vst v23;
	v22 =	vld [tilespmem:s5+$0x20]  }
0x3f2: {  	[tilespmem:s5+$0xFFFFFFD0] =	vst v19;
	v19 =	vld [tilespmem:s5+$0x30]  }
0x3f3: {  	v23 =	vld.idx.msk [tilespmem:v20+s28+$0x0], $0xffff  }
0x3f4: {  	v24 =	vld [tilespmem:s5+$0x10]  }
0x3f5: {  	v20 =	vld.idx.msk [tilespmem:v20+s29+$0x0], $0xffff  }
0x3f6: {  	v25 =	vld [tilespmem:s5+$0x40]  }
0x3f7: {  	v26 =	vld [tilespmem:s5+$0x50]  }
0x3f8: {  	v27 =	vld [tilespmem:s5+$0x60]  }
0x3f9: {  	v21 =	vsub.f32 v21, v23;
	v24 =	vsub.f32 v24, v23;
	v28 =	vld [tilespmem:s5+$0x70]  }
0x3fa: {  	v22 =	vsub.f32 v22, v23;
	v19 =	vsub.f32 v19, v23  }
0x3fb: {  	v21 =	vmul.f32 v21, v20;
	v24 =	vmul.f32 v24, v20;
	v25 =	vsub.f32 v25, v23  }
0x3fc: {  	v22 =	vmul.f32 v22, v20;
	v19 =	vmul.f32 v19, v20;
	v26 =	vsub.f32 v26, v23  }
0x3fd: {  	v21 =	vmul.f32 v21, v8;
	v24 =	vmul.f32 v24, v9;
	v27 =	vsub.f32 v27, v23  }
0x3fe: {  	v25 =	vmul.f32 v25, v20;
	v26 =	vmul.f32 v26, v20;
	v23 =	vsub.f32 v28, v23  }
0x3ff: {  	v19 =	vmul.f32 v19, v7;
	v21 =	vadd.f32 v21, v11;
	v24 =	vadd.f32 v24, v14  }
0x400: {  	v25 =	vmul.f32 v25, v6;
	v27 =	vmul.f32 v27, v20  }
0x401: {  	v19 =	vadd.f32 v19, v15;
	v20 =	vmul.f32 v23, v20;
	[tilespmem:s5+$0x0] =	vst v21;
	v21 =	vmul.f32 v26, v5  }
.Ltmp11:
0x402: {  	v22 =	vmul.f32 v22, v2;
	v23 =	vadd.f32 v25, v16;
	[tilespmem:s5+$0x10] =	vst v24;
	v24 =	vmul.f32 v27, v4;
	(pc) =	sbr.rel @p0 .LBB2_25-.Ltmp11, $4  }
0x403: {  	v20 =	vmul.f32 v20, v3;
	[tilespmem:s5+$0x30] =	vst v19;
	v25 =	vadd.f32 v21, v17  }
0x404: {  	v21 =	vadd.f32 v22, v10;
	[tilespmem:s5+$0x40] =	vst v23;
	v23 =	vadd.f32 v24, v12  }
0x405: {  	v22 =	vadd.f32 v20, v13;
	v19 =	vld [tilespmem:s2+$0xFFFFFFE0];
	[tilespmem:s5+$0x50] =	vst v25  }
0x406: {  	v20 =	vld [tilespmem:s2+$0xFFFFFFA0];
	[tilespmem:s5+$0x60] =	vst v23  }
0x407: {  	_ = 	snop  }
0x408: {  	v23 =	vld [tilespmem:s14+$0xFFFFFF80]  }
0x409: {  	[tilespmem:s5+$0x20] =	vst v21;
	v37 =	vld [tilespmem:s14+$0xFFFFFFD0]  }
0x40a: {  	[tilespmem:s5+$0x70] =	vst v22;
	v24 =	vld [tilespmem:s14+$0xFFFFFFC0]  }
0x40b: {  	v22 =	vld.idx.msk [tilespmem:v18+s28+$0x0], $0xffff  }
0x40c: {  	v26 =	vld [tilespmem:s14+$0xFFFFFF90]  }
0x40d: {  	v38 =	vld.idx.msk [tilespmem:v18+s29+$0x0], $0xffff  }
0x40e: {  	v25 =	vld [tilespmem:s14+$0xFFFFFFF0]  }
0x40f: {  	v27 =	vld [tilespmem:s14+$0xFFFFFFB0]  }
0x410: {  	v23 =	vsub.f32 v23, v22  }
0x411: {  	v20 =	vsub.f32 v20, v22;
	v24 =	vsub.f32 v24, v22  }
0x412: {  	v19 =	vsub.f32 v19, v22;
	v21 =	vsub.f32 v37, v22;
	v23 =	vmul.f32 v23, v38  }
0x413: {  	v25 =	vsub.f32 v25, v22;
	v26 =	vsub.f32 v26, v22;
	v20 =	vmul.f32 v20, v38  }
0x414: {  	v22 =	vsub.f32 v27, v22;
	v19 =	vmul.f32 v19, v38;
	v23 =	vmul.f32 v23, v8  }
0x415: {  	v25 =	vmul.f32 v25, v38;
	v20 =	vmul.f32 v20, v2  }
0x416: {  	v22 =	vmul.f32 v22, v38;
	v19 =	vmul.f32 v19, v4;
	v23 =	vadd.f32 v23, v11  }
0x417: {  	v24 =	vmul.f32 v24, v38;
	v25 =	vmul.f32 v25, v3;
	v20 =	vadd.f32 v20, v10  }
0x418: {  	v18 =	vmul.f32 v21, v38;
	v22 =	vmul.f32 v22, v7;
	v19 =	vadd.f32 v19, v12;
	[tilespmem:s14+$0xFFFFFF80] =	vst v23  }
0x419: {  	v26 =	vmul.f32 v26, v38;
	v41 =	vmul.f32 v24, v6;
	v40 =	vadd.f32 v25, v13;
	[tilespmem:s14+$0xFFFFFFA0] =	vst v20  }
0x41a: {  	s2 =	sadd.s32 $0x1, s16;
	v18 =	vmul.f32 v18, v5;
	v42 =	vadd.f32 v22, v15;
	[tilespmem:s14+$0xFFFFFFE0] =	vst v19  }
0x41b: {  	v43 =	vmov s2;
	v39 =	vmul.f32 v26, v9;
	v21 =	vadd.f32 v41, v16;
	[tilespmem:s14+$0xFFFFFFF0] =	vst v40  }
0x41c: {  	v44 =	vld [tilespmem:s14+$0x0];
	v18 =	vadd.f32 v18, v17;
	[tilespmem:s14+$0xFFFFFFB0] =	vst v42  }
0x41d: {  	v45 =	vld [tilespmem:s14+$0x30];
	v23 =	vadd.f32 v39, v14;
	[tilespmem:s14+$0xFFFFFFC0] =	vst v21  }
0x41e: {  	v46 =	vld [tilespmem:s14+$0x10];
	[tilespmem:s14+$0xFFFFFFD0] =	vst v18  }
0x41f: {  	v47 =	vld [tilespmem:s14+$0x40];
	[tilespmem:s14+$0xFFFFFF90] =	vst v23  }
0x420: {  	v21 =	vld.idx.msk [tilespmem:v43+s28+$0x0], $0xffff  }
0x421: {  	v48 =	vld [tilespmem:s14+$0x50]  }
0x422: {  	v20 =	vld.idx.msk [tilespmem:v43+s29+$0x0], $0xffff  }
0x423: {  	v49 =	vld [tilespmem:s14+$0x20]  }
0x424: {  	v50 =	vld [tilespmem:s14+$0x60]  }
0x425: {  	v51 =	vld [tilespmem:s14+$0x70];
	v19 =	vsub.f32 v44, v21  }
0x426: {  	v22 =	vsub.f32 v46, v21  }
0x427: {  	v18 =	vsub.f32 v45, v21;
	v23 =	vsub.f32 v47, v21;
	v19 =	vmul.f32 v19, v20  }
0x428: {  	v24 =	vsub.f32 v48, v21;
	v25 =	vsub.f32 v49, v21;
	v22 =	vmul.f32 v22, v20  }
0x429: {  	v54 =	vsub.f32 v50, v21;
	v18 =	vmul.f32 v18, v20;
	v52 =	vmul.f32 v19, v8  }
0x42a: {  	v21 =	vsub.f32 v51, v21;
	v55 =	vmul.f32 v23, v20;
	v53 =	vmul.f32 v22, v9  }
0x42b: {  	v56 =	vmul.f32 v24, v20;
	v57 =	vmul.f32 v18, v7;
	v8 =	vadd.f32 v52, v11  }
0x42c: {  	v59 =	vmul.f32 v54, v20;
	v58 =	vmul.f32 v55, v6;
	v9 =	vadd.f32 v53, v14  }
0x42d: {  	v60 =	vmul.f32 v25, v20;
	v61 =	vmul.f32 v56, v5;
	v7 =	vadd.f32 v57, v15;
	[tilespmem:s14+$0x0] =	vst v8  }
0x42e: {  	v62 =	vmul.f32 v21, v20;
	v63 =	vmul.f32 v59, v4;
	v6 =	vadd.f32 v58, v16;
	[tilespmem:s14+$0x10] =	vst v9  }
0x42f: {  	v2 =	vmul.f32 v60, v2;
	v5 =	vadd.f32 v61, v17;
	[tilespmem:s14+$0x30] =	vst v7  }
0x430: {  	v3 =	vmul.f32 v62, v3;
	v4 =	vadd.f32 v63, v12;
	[tilespmem:s14+$0x40] =	vst v6  }
0x431: {  	s31 =	sshll.u32 s31, $0xE;
	v2 =	vadd.f32 v2, v10;
	[tilespmem:s14+$0x50] =	vst v5  }
0x432: {  	s2 =	sadd.s32 s13, s31;
	v3 =	vadd.f32 v3, v13;
	[tilespmem:s14+$0x60] =	vst v4  }
0x433: {  	s3 =	rddreg [dreg:$0x7];
	s2 =	sshrl.u32 s2, $0x3;
	[tilespmem:s14+$0x20] =	vst v2  }
0x434: {  	p0 =	sne.s32 s7, $0x9;
	s2 =	sadd.s32 s3, s2;
	[tilespmem:s14+$0x70] =	vst v3  }
0x435: {  	[hbm4b:s2+s9] =	stream.linear.scatter [tilespmem:s1], [sflag:$0xE], $0x4000, $0x38;
	[tilespmem:$0x14C00] =	vst v63  }
0x436: {  	s2 =	simm.s32 @p0 $0x1  }
0x437: {  	_ =	swait.ge @p0 [sflag:s2], $0x4000  }
0x438: {  	[sflag:s2] =	ssyncset.done @p0 $0x0  }
0x439: {  	[sflag:s2] =	ssyncadd.s32 @p0 $0xFFFFC000  }
0x43a: {  	s3 =	simm.s32 @p0 $0xA00;
	s2 =	simm.s32 @p0 $0x80;
	s4 =	rddreg [dreg:$0x2]  }
0x43b: {  	[tilespmem:s3], [sflag:$0x6] =	stream.indirect.gather.add.f32 @p0 [hbm:s4], $0x80, s2, s2, $0xb8;
	[tilespmem:$0x14C00] =	vst v63  }
0x43c: {  	s5 =	rddreg [dreg:$0x3];
	s4 =	simm.s32 @p0 $0x100  }
0x43d: {  	[tilespmem:s3], [sflag:$0x6] =	stream.indirect.gather.add.f32 @p0 [hbm:s5], $0x80, s4, s2, $0xb8;
	[tilespmem:$0x14C00] =	vst v63  }
0x43e: {  	s4 =	simm.s32 @p0 $0x180;
	s5 =	rddreg [dreg:$0x4]  }
0x43f: {  	[tilespmem:s3], [sflag:$0x6] =	stream.indirect.gather.add.f32 @p0 [hbm:s5], $0x80, s4, s2, $0xb8;
	[tilespmem:$0x14C00] =	vst v63  }
0x440: {  	s3 =	simm.s32 @p0 $0xC  }
0x441: {  	_ =	swait.ge @p0 [sflag:s3], $0x4000  }
0x442: {  	s4 =	rddreg [dreg:$0xe]  }
0x443: {  	s4 =	sadd.s32 @p0 s26, s4  }
0x444: {  	[sflag:s3] =	ssyncset.done @p0 $0x0;
	s4 =	sshll.u32 @p0 s4, $0x6  }
0x445: {  	[sflag:s3] =	ssyncadd.s32 @p0 $0xFFFFC000;
	s3 =	sand.u32 @p0 $0x1FFFFFC0, s4  }
0x446: {  	s5 =	simm.s32 @p0 $0x200;
	s4 =	simm.s32 @p0 $0x0;
	s3 =	sadd.s32 @p0 s10, s3  }
0x447: {  	[tilespmem:s5], [sflag:$0x10] =	stream.linear.gather @p0 [hbm4b:s3+s4], $0x200, $0x38;
	[tilespmem:$0x14C00] =	vst v63  }
0x448: {  	s3 =	simm.s32 @p0 $0x10  }
0x449: {  	_ =	swait.ge @p0 [sflag:s3], $0x200  }
0x44a: {  	[sflag:s3] =	ssyncset.done @p0 $0x0  }
0x44b: {  	[sflag:s3] =	ssyncadd.s32 @p0 $0xFFFFFE00;
	s3 =	simm.s32 @p0 $0x4A00  }
0x44c: {  	[tilespmem:s3], [sflag:$0x2] =	stream.indirect.gather @p0 [hbm4b:s0+s2], $0x80, s5, s2, $0xb8;
	[tilespmem:$0x14C00] =	vst v63  }
0x44d: {  	s2 =	simm.s32 @!p0 $0xC  }
0x44e: {  	_ =	swait.ge @!p0 [sflag:s2], $0x4000  }
0x44f: {  	[sflag:s2] =	ssyncset.done @!p0 $0x0  }
0x450: {  	[sflag:s2] =	ssyncadd.s32 @!p0 $0xFFFFC000  }
0x451: {  	_ =	swait.ge [sflag:s18], $0x4000  }
0x452: {  	[sflag:s18] =	ssyncset.done $0x0  }
0x453: {  	[sflag:s18] =	ssyncadd.s32 $0xFFFFC000  }
0x454: {  	_ =	swait.ge [sflag:s18], $0x4000  }
0x455: {  	[sflag:s18] =	ssyncset.done $0x0  }
0x456: {  	[sflag:s18] =	ssyncadd.s32 $0xFFFFC000  }
0x457: {  	_ =	swait.ge [sflag:s18], $0x4000  }
0x458: {  	[sflag:s18] =	ssyncset.done $0x0  }
0x459: {  	s14 =	simm.s32 $0x0;
	s5 =	simm.s32 $0x0;
	[sflag:s18] =	ssyncadd.s32 $0xFFFFC000  }
.LBB2_27:
0x45a: {  	s16 =	sshll.u32 s14, $0x4  }
0x45b: {  	v2 =	vmov s16  }
0x45c: {  	v3 =	vadd.s32 s5, v0;
	v2 =	vshll.u32 v2, $0x7  }
0x45d: {  	s2 =	simm.s32 $0x1;
	v3 =	vand.u32 $0x7F, v3;
	v2 =	vor.u32 v1, v2  }
0x45e: {  	v4 =	vadd.s32 s2, v0;
	v3 =	vor.u32 v2, v3  }
0x45f: {  	s3 =	simm.s32 $0x2;
	v4 =	vand.u32 $0x7F, v4  }
0x460: {  	v5 =	vadd.s32 s3, v0;
	v4 =	vor.u32 v2, v4  }
0x461: {  	s4 =	simm.s32 $0x3;
	v5 =	vand.u32 $0x7F, v5  }
0x462: {  	v6 =	vadd.s32 s4, v0;
	v5 =	vor.u32 v2, v5  }
0x463: {  	s8 =	simm.s32 $0x4;
	v9 =	vld.idx.msk [tilespmem:v3+s19+$0x0], $0xffff;
	v3 =	vand.u32 $0x7F, v6  }
0x464: {  	s23 =	simm.s32 $0x5;
	v6 =	vadd.s32 s8, v0;
	v10 =	vor.u32 v2, v3  }
0x465: {  	v7 =	vadd.s32 s23, v0;
	v6 =	vand.u32 $0x7F, v6;
	v3 =	vld.idx.msk [tilespmem:v4+s19+$0x0], $0xffff  }
0x466: {  	s26 =	simm.s32 $0x6;
	v4 =	vor.u32 v2, v6;
	v6 =	vand.u32 $0x7F, v7  }
0x467: {  	v11 =	vimm.f32 $0.0e+00;
	s3 =	simm.s32 $0x7;
	v7 =	vadd.s32 s26, v0;
	v8 =	vor.u32 v2, v6;
	v6 =	vld.idx.msk [tilespmem:v5+s19+$0x0], $0xffff  }
0x468: {  	s2 =	simm.s32 $0x8;
	v12 =	vadd.s32 s3, v0;
	v7 =	vand.u32 $0x7F, v7;
	v14 =	vmul.f32 v9, v9  }
0x469: {  	v15 =	vadd.s32 s2, v0;
	v16 =	vand.u32 $0x7F, v12;
	v7 =	vor.u32 v2, v7;
	v5 =	vld.idx.msk [tilespmem:v10+s19+$0x0], $0xffff  }
0x46a: {  	s31 =	simm.s32 $0x9;
	v13 =	vadd.f32 v9, v11;
	v12 =	vadd.f32 v14, v11;
	v14 =	vmul.f32 v3, v3  }
0x46b: {  	s8 =	simm.s32 $0x10;
	v9 =	vor.u32 v2, v16;
	v10 =	vand.u32 $0x7F, v15;
	v4 =	vld.idx.msk [tilespmem:v4+s19+$0x0], $0xffff;
	v11 =	vadd.s32 s31, v0  }
.LBB2_28:
0x46c: {  	p0 =	slt.u32 s8, $0x78;
	s3 =	sadd.s32 $0x2, s2;
	v3 =	vadd.f32 v3, v13;
	v12 =	vadd.f32 v14, v12;
	v13 =	vmul.f32 v6, v6;
	v8 =	vld.idx.msk [tilespmem:v8+s19+$0x0], $0xffff  }
0x46d: {  	v10 =	vor.u32 v2, v10;
	v11 =	vand.u32 $0x7F, v11;
	v14 =	vadd.s32 s3, v0  }
0x46e: {  	s3 =	sadd.s32 $0x3, s2;
	v3 =	vadd.f32 v6, v3;
	v6 =	vadd.f32 v13, v12;
	v12 =	vmul.f32 v5, v5;
	v7 =	vld.idx.msk [tilespmem:v7+s19+$0x0], $0xffff  }
0x46f: {  	v11 =	vor.u32 v2, v11;
	v13 =	vand.u32 $0x7F, v14;
	v14 =	vadd.s32 s3, v0  }
0x470: {  	s3 =	sadd.s32 $0x4, s2;
	v3 =	vadd.f32 v5, v3;
	v5 =	vadd.f32 v12, v6;
	v6 =	vmul.f32 v4, v4;
	v9 =	vld.idx.msk [tilespmem:v9+s19+$0x0], $0xffff  }
0x471: {  	v12 =	vor.u32 v2, v13;
	v13 =	vand.u32 $0x7F, v14;
	v14 =	vadd.s32 s3, v0  }
0x472: {  	s3 =	sadd.s32 $0x5, s2;
	v10 =	vld.idx.msk [tilespmem:v10+s19+$0x0], $0xffff;
	v4 =	vadd.f32 v4, v3;
	v5 =	vadd.f32 v6, v5;
	v6 =	vmul.f32 v8, v8  }
0x473: {  	v13 =	vor.u32 v2, v13;
	v14 =	vand.u32 $0x7F, v14;
	v15 =	vadd.s32 s3, v0  }
0x474: {  	s3 =	sadd.s32 $0x6, s2;
	v3 =	vld.idx.msk [tilespmem:v11+s19+$0x0], $0xffff;
	v4 =	vadd.f32 v8, v4;
	v5 =	vadd.f32 v6, v5;
	v8 =	vmul.f32 v7, v7  }
0x475: {  	v11 =	vor.u32 v2, v14;
	v14 =	vand.u32 $0x7F, v15;
	v15 =	vadd.s32 s3, v0  }
0x476: {  	s3 =	sadd.s32 $0x7, s2;
	s2 =	smov.u32 s8;
	v6 =	vld.idx.msk [tilespmem:v12+s19+$0x0], $0xffff;
	v4 =	vadd.f32 v7, v4;
	v7 =	vadd.f32 v8, v5;
	v12 =	vmul.f32 v9, v9  }
.Ltmp12:
0x477: {  	v8 =	vor.u32 v2, v14;
	v14 =	vand.u32 $0x7F, v15;
	v15 =	vadd.s32 s3, v0;
	(pc) =	sbr.rel @p0 .LBB2_28-.Ltmp12, $4  }
0x478: {  	v16 =	vmul.f32 v10, v10;
	v5 =	vld.idx.msk [tilespmem:v13+s19+$0x0], $0xffff;
	v4 =	vadd.f32 v9, v4;
	v9 =	vadd.f32 v12, v7  }
0x479: {  	v17 =	vadd.s32 s8, v0;
	v15 =	vand.u32 $0x7F, v15;
	v7 =	vor.u32 v2, v14  }
0x47a: {  	s3 =	sadd.s32 $0x1, s8;
	v14 =	vmul.f32 v3, v3;
	v13 =	vadd.f32 v10, v4;
	v12 =	vadd.f32 v16, v9;
	v4 =	vld.idx.msk [tilespmem:v11+s19+$0x0], $0xffff  }
0x47b: {  	s8 =	sadd.s32 $0x8, s8;
	v10 =	vand.u32 $0x7F, v17;
	v11 =	vadd.s32 s3, v0;
	v9 =	vor.u32 v2, v15  }
0x47c: {  	_ = 	snop  }
0x47d: {  	v3 =	vadd.f32 v3, v13;
	_ =	sdelay $0x1  }
0x47e: {  	s3 =	sadd.s32 $0x2, s2;
	v12 =	vadd.f32 v14, v12;
	v61 =	vmul.f32 v6, v6;
	v3 =	vadd.f32 v6, v3  }
0x47f: {  	v62 =	vld.idx.msk [tilespmem:v8+s19+$0x0], $0xffff;
	v63 =	vor.u32 v2, v10;
	v16 =	vand.u32 $0x7F, v11;
	v17 =	vadd.s32 s3, v0  }
0x480: {  	s4 =	sadd.s32 $0x3, s2;
	v18 =	vmul.f32 v5, v5;
	v12 =	vadd.f32 v61, v12;
	v3 =	vadd.f32 v5, v3  }
0x481: {  	v19 =	vld.idx.msk [tilespmem:v7+s19+$0x0], $0xffff;
	v20 =	vor.u32 v2, v16;
	v22 =	vadd.s32 s4, v0;
	v21 =	vand.u32 $0x7F, v17  }
0x482: {  	s8 =	sadd.s32 $0x4, s2;
	v23 =	vmul.f32 v4, v4;
	v12 =	vadd.f32 v18, v12;
	v3 =	vadd.f32 v4, v3  }
0x483: {  	v24 =	vld.idx.msk [tilespmem:v9+s19+$0x0], $0xffff;
	v27 =	vadd.s32 s8, v0;
	v26 =	vand.u32 $0x7F, v22;
	v25 =	vor.u32 v2, v21  }
0x484: {  	s23 =	sadd.s32 $0x5, s2;
	v28 =	vmul.f32 v62, v62;
	v12 =	vadd.f32 v23, v12;
	v3 =	vadd.f32 v62, v3  }
0x485: {  	v32 =	vadd.s32 s23, v0;
	v31 =	vand.u32 $0x7F, v27;
	v30 =	vor.u32 v2, v26;
	v29 =	vld.idx.msk [tilespmem:v63+s19+$0x0], $0xffff  }
0x486: {  	s26 =	sadd.s32 $0x6, s2;
	v33 =	vmul.f32 v19, v19;
	v12 =	vadd.f32 v28, v12;
	v3 =	vadd.f32 v19, v3  }
0x487: {  	v37 =	vadd.s32 s26, v0;
	v36 =	vand.u32 $0x7F, v32;
	v35 =	vor.u32 v2, v31;
	v34 =	vld.idx.msk [tilespmem:v20+s19+$0x0], $0xffff  }
0x488: {  	s31 =	sadd.s32 $0x7, s2;
	v38 =	vmul.f32 v24, v24;
	v12 =	vadd.f32 v33, v12;
	v3 =	vadd.f32 v24, v3  }
0x489: {  	v42 =	vadd.s32 s31, v0;
	v41 =	vand.u32 $0x7F, v37;
	v40 =	vor.u32 v2, v36;
	v39 =	vld.idx.msk [tilespmem:v25+s19+$0x0], $0xffff  }
0x48a: {  	v43 =	vmul.f32 v29, v29;
	v12 =	vadd.f32 v38, v12;
	v3 =	vadd.f32 v29, v3  }
0x48b: {  	v46 =	vand.u32 $0x7F, v42;
	v45 =	vor.u32 v2, v41;
	v44 =	vld.idx.msk [tilespmem:v30+s19+$0x0], $0xffff  }
0x48c: {  	v48 =	vmul.f32 v34, v34;
	v47 =	vadd.f32 v43, v12;
	v3 =	vadd.f32 v34, v3  }
0x48d: {  	v2 =	vor.u32 v2, v46;
	v49 =	vld.idx.msk [tilespmem:v35+s19+$0x0], $0xffff  }
0x48e: {  	v51 =	vmul.f32 v39, v39;
	v50 =	vadd.f32 v48, v47;
	v3 =	vadd.f32 v39, v3  }
0x48f: {  	v52 =	vld.idx.msk [tilespmem:v40+s19+$0x0], $0xffff  }
0x490: {  	v53 =	vmul.f32 v44, v44;
	v7 =	vadd.f32 v51, v50;
	v3 =	vadd.f32 v44, v3  }
0x491: {  	v54 =	vld.idx.msk [tilespmem:v45+s19+$0x0], $0xffff  }
0x492: {  	v55 =	vmul.f32 v49, v49;
	v7 =	vadd.f32 v53, v7;
	v3 =	vadd.f32 v49, v3  }
0x493: {  	v2 =	vld.idx.msk [tilespmem:v2+s19+$0x0], $0xffff  }
0x494: {  	v57 =	vmul.f32 v52, v52;
	v56 =	vadd.f32 v55, v7;
	v3 =	vadd.f32 v52, v3;
	_ =	sdelay $0x1  }
0x495: {  	v59 =	vmul.f32 v54, v54;
	v58 =	vadd.f32 v57, v56;
	v3 =	vadd.f32 v54, v3;
	_ =	sdelay $0x1  }
0x496: {  	v60 =	vmul.f32 v2, v2;
	v4 =	vadd.f32 v59, v58;
	v2 =	vadd.f32 v2, v3;
	_ =	sdelay $0x1  }
0x497: {  	v3 =	vadd.f32 v60, v4;
	v2 =	vmul.f32 $7.812500000e-03, v2;
	_ =	sdelay $0x1  }
0x498: {  	v3 =	vmul.f32 $7.812500000e-03, v3;
	v61 =	vmul.f32 v2, v2;
	_ =	sdelay $0x1  }
0x499: {  	v3 =	vsub.f32 v3, v61;
	_ =	sdelay $0x1  }
0x49a: {  	v3 =	vadd.f32 $9.999999740e-06, v3;
	_ =	sdelay $0x1  }
0x49b: {  	v62 =	vshra.s32 v3, $0x1;
	v3 =	vmul.f32 $5.000000000e-01, v3  }
0x49c: {  	v4 =	vsub.s32 $0x5F3759DF, v62  }
0x49d: {  	v63 =	vmul.f32 v4, v3;
	_ =	sdelay $0x1  }
0x49e: {  	v5 =	vmul.f32 v4, v63;
	_ =	sdelay $0x1  }
0x49f: {  	v5 =	vsub.f32 $1.500000000e+00, v5;
	_ =	sdelay $0x1  }
0x4a0: {  	v4 =	vmul.f32 v4, v5;
	_ =	sdelay $0x1  }
0x4a1: {  	v5 =	vmul.f32 v4, v3;
	_ =	sdelay $0x1  }
0x4a2: {  	v5 =	vmul.f32 v5, v4;
	_ =	sdelay $0x1  }
0x4a3: {  	v5 =	vsub.f32 $1.500000000e+00, v5;
	_ =	sdelay $0x1  }
0x4a4: {  	v4 =	vmul.f32 v5, v4;
	_ =	sdelay $0x1  }
0x4a5: {  	v3 =	vmul.f32 v4, v3;
	_ =	sdelay $0x1  }
0x4a6: {  	s14 =	sadd.s32 $0x1, s14;
	v3 =	vmul.f32 v3, v4  }
0x4a7: {  	p0 =	sne.s32 s14, $0x8  }
.Ltmp13:
0x4a8: {  	v3 =	vsub.f32 $1.500000000e+00, v3;
	(pc) =	sbr.rel @p0 .LBB2_27-.Ltmp13, $4  }
0x4a9: {  	_ = 	snop  }
0x4aa: {  	v3 =	vmul.f32 v3, v4  }
0x4ab: {  	[tilespmem:s16+$0x14B00] =	vst v2  }
0x4ac: {  	[tilespmem:s16+$0x14B80] =	vst v3  }
0x4ad: {  	v8 =	vld [tilespmem:$0x14A00]  }
0x4ae: {  	v9 =	vld [tilespmem:$0x14A10]  }
0x4af: {  	v2 =	vld [tilespmem:$0x14A20];
	s2 =	simm.s32 $0x0  }
0x4b0: {  	v7 =	vld [tilespmem:$0x14A30];
	v3 =	vmov s2  }
0x4b1: {  	v6 =	vld [tilespmem:$0x14A40];
	v10 =	vand.u32 $0xFFFFFFFE, v3  }
0x4b2: {  	v5 =	vld [tilespmem:$0x14A50];
	v10 =	vbroadcast v10, $0x0  }
0x4b3: {  	v4 =	vld [tilespmem:$0x14A60];
	s5 =	simm.s32 $0x10A80  }
0x4b4: {  	v12 =	vld [tilespmem:s5+$0xFFFFFFE0]  }
0x4b5: {  	v13 =	vld [tilespmem:s5+$0xFFFFFFA0]  }
0x4b6: {  	v14 =	vld [tilespmem:s5+$0xFFFFFF80]  }
0x4b7: {  	v17 =	vld [tilespmem:s5+$0xFFFFFFC0]  }
0x4b8: {  	v16 =	vld.idx.msk [tilespmem:v10+s28+$0x0], $0xffff  }
0x4b9: {  	v19 =	vld [tilespmem:s5+$0xFFFFFFF0]  }
0x4ba: {  	v20 =	vld [tilespmem:s5+$0xFFFFFF90]  }
0x4bb: {  	v18 =	vld.idx.msk [tilespmem:v10+s29+$0x0], $0xffff  }
0x4bc: {  	v21 =	vld [tilespmem:s5+$0xFFFFFFB0]  }
0x4bd: {  	v11 =	vld [tilespmem:$0x14A80];
	v22 =	vsub.f32 v14, v16  }
0x4be: {  	v15 =	vld [tilespmem:s5+$0xFFFFFFD0];
	v13 =	vsub.f32 v13, v16;
	v23 =	vsub.f32 v17, v16  }
0x4bf: {  	v3 =	vld [tilespmem:$0x14A70];
	v17 =	vsub.f32 v12, v16;
	v19 =	vsub.f32 v19, v16  }
0x4c0: {  	v10 =	vld [tilespmem:$0x14AA0];
	v20 =	vsub.f32 v20, v16;
	v22 =	vmul.f32 v22, v18;
	v25 =	vmul.f32 v13, v18  }
0x4c1: {  	v14 =	vld [tilespmem:$0x14A90];
	v21 =	vsub.f32 v21, v16;
	v17 =	vmul.f32 v17, v18;
	v19 =	vmul.f32 v19, v18  }
0x4c2: {  	v13 =	vld [tilespmem:$0x14AF0];
	v20 =	vmul.f32 v20, v18;
	v22 =	vmul.f32 v22, v8  }
0x4c3: {  	v24 =	vsub.f32 v15, v16;
	v15 =	vld [tilespmem:$0x14AB0];
	v21 =	vmul.f32 v21, v18;
	v25 =	vmul.f32 v25, v2  }
0x4c4: {  	v12 =	vld [tilespmem:$0x14AE0];
	v23 =	vmul.f32 v23, v18;
	v20 =	vmul.f32 v20, v9;
	v22 =	vadd.f32 v22, v11  }
0x4c5: {  	v26 =	vmul.f32 v17, v4;
	v17 =	vld [tilespmem:$0x14AD0];
	v19 =	vmul.f32 v19, v3;
	v25 =	vadd.f32 v25, v10  }
0x4c6: {  	v16 =	vld [tilespmem:$0x14AC0];
	v18 =	vmul.f32 v24, v18;
	v21 =	vmul.f32 v21, v7;
	v20 =	vadd.f32 v20, v14;
	[tilespmem:s5+$0xFFFFFF80] =	vst v22  }
0x4c7: {  	v19 =	vadd.f32 v19, v13;
	[tilespmem:s5+$0xFFFFFFA0] =	vst v25  }
0x4c8: {  	s31 =	simm.s32 $0x1;
	v18 =	vmul.f32 v18, v5;
	v21 =	vadd.f32 v21, v15;
	[tilespmem:s5+$0xFFFFFF90] =	vst v20  }
0x4c9: {  	v23 =	vmul.f32 v23, v6;
	v22 =	vadd.f32 v26, v12;
	[tilespmem:s5+$0xFFFFFFF0] =	vst v19;
	v19 =	vmov s31  }
0x4ca: {  	[tilespmem:s5+$0xFFFFFFB0] =	vst v21;
	v18 =	vadd.f32 v18, v17  }
0x4cb: {  	v59 =	vld [tilespmem:s5+$0x50];
	[tilespmem:s5+$0xFFFFFFE0] =	vst v22;
	v22 =	vadd.f32 v23, v16  }
0x4cc: {  	v20 =	vld [tilespmem:s5+$0x0];
	[tilespmem:s5+$0xFFFFFFD0] =	vst v18  }
0x4cd: {  	v18 =	vld [tilespmem:s5+$0x30];
	[tilespmem:s5+$0xFFFFFFC0] =	vst v22  }
0x4ce: {  	v21 =	vld.idx.msk [tilespmem:v19+s28+$0x0], $0xffff  }
0x4cf: {  	v22 =	vld [tilespmem:s5+$0x10]  }
0x4d0: {  	v19 =	vld.idx.msk [tilespmem:v19+s29+$0x0], $0xffff  }
0x4d1: {  	v23 =	vld [tilespmem:s5+$0x40]  }
0x4d2: {  	v60 =	vld [tilespmem:s5+$0x20]  }
0x4d3: {  	v61 =	vld [tilespmem:s5+$0x60];
	v20 =	vsub.f32 v20, v21  }
0x4d4: {  	v22 =	vsub.f32 v22, v21  }
0x4d5: {  	v27 =	vld [tilespmem:s5+$0x70];
	v18 =	vsub.f32 v18, v21;
	v20 =	vmul.f32 v20, v19  }
0x4d6: {  	v23 =	vsub.f32 v23, v21;
	v24 =	vsub.f32 v59, v21;
	v22 =	vmul.f32 v22, v19  }
0x4d7: {  	v25 =	vsub.f32 v60, v21;
	v18 =	vmul.f32 v18, v19;
	v20 =	vmul.f32 v20, v8  }
0x4d8: {  	v26 =	vsub.f32 v61, v21;
	v23 =	vmul.f32 v23, v19;
	v22 =	vmul.f32 v22, v9  }
0x4d9: {  	v24 =	vmul.f32 v24, v19;
	v18 =	vmul.f32 v18, v7;
	v20 =	vadd.f32 v20, v11  }
0x4da: {  	v21 =	vsub.f32 v27, v21;
	v23 =	vmul.f32 v23, v6;
	v22 =	vadd.f32 v22, v14  }
0x4db: {  	v26 =	vmul.f32 v26, v19;
	v18 =	vadd.f32 v18, v15;
	[tilespmem:s5+$0x0] =	vst v20;
	v20 =	vmul.f32 v24, v5  }
0x4dc: {  	s16 =	simm.s32 $0x2;
	v25 =	vmul.f32 v25, v19;
	v19 =	vmul.f32 v21, v19;
	v21 =	vadd.f32 v23, v16;
	[tilespmem:s5+$0x10] =	vst v22  }
0x4dd: {  	v23 =	vmov s16;
	v22 =	vmul.f32 v26, v4;
	[tilespmem:s5+$0x30] =	vst v18;
	v18 =	vadd.f32 v20, v17  }
0x4de: {  	v62 =	vmul.f32 v19, v3;
	[tilespmem:s5+$0x40] =	vst v21;
	v21 =	vand.u32 $0xFFFFFFFE, v23  }
0x4df: {  	s14 =	simm.s32 $0x10B80;
	v20 =	vmul.f32 v25, v2;
	v63 =	vadd.f32 v22, v12;
	[tilespmem:s5+$0x50] =	vst v18;
	v18 =	vbroadcast v21, $0x0  }
0x4e0: {  	v19 =	vld [tilespmem:s14+$0xFFFFFFE0]  }
0x4e1: {  	s8 =	simm.s32 $0x4;
	s2 =	simm.s32 $0x10B80;
	v22 =	vadd.f32 v62, v13;
	v21 =	vadd.f32 v20, v10;
	v20 =	vld [tilespmem:s14+$0xFFFFFFA0];
	[tilespmem:s5+$0x60] =	vst v63  }
.LBB2_31:
0x4e2: {  	p0 =	slt.u32 s8, $0x7E  }
0x4e3: {  	v23 =	vld [tilespmem:s14+$0xFFFFFF80];
	s2 =	sadd.s32 $0x100, s2;
	[tilespmem:s5+$0x20] =	vst v21;
	s3 =	smov.u32 s8;
	s8 =	sadd.s32 $0x2, s8  }
0x4e4: {  	v21 =	vld [tilespmem:s14+$0xFFFFFFD0];
	[tilespmem:s5+$0x70] =	vst v22;
	s5 =	smov.u32 s14;
	s14 =	smov.u32 s2  }
0x4e5: {  	v22 =	vld.idx.msk [tilespmem:v18+s28+$0x0], $0xffff  }
0x4e6: {  	v24 =	vld.idx.msk [tilespmem:v18+s29+$0x0], $0xffff  }
0x4e7: {  	v18 =	vld [tilespmem:s5+$0xFFFFFFC0]  }
0x4e8: {  	v25 =	vld [tilespmem:s5+$0xFFFFFF90]  }
0x4e9: {  	v26 =	vld [tilespmem:s5+$0xFFFFFFB0]  }
0x4ea: {  	v27 =	vld [tilespmem:s5+$0xFFFFFFF0]  }
0x4eb: {  	v23 =	vsub.f32 v23, v22;
	v20 =	vsub.f32 v20, v22  }
0x4ec: {  	v28 =	vmov s3;
	v21 =	vsub.f32 v21, v22;
	v29 =	vsub.f32 v18, v22  }
0x4ed: {  	v19 =	vsub.f32 v19, v22;
	v18 =	vand.u32 $0xFFFFFFFE, v28;
	v25 =	vsub.f32 v25, v22  }
0x4ee: {  	v23 =	vmul.f32 v23, v24;
	v18 =	vbroadcast v18, $0x0;
	v26 =	vsub.f32 v26, v22  }
0x4ef: {  	v19 =	vmul.f32 v19, v24;
	v28 =	vmul.f32 v29, v24;
	v22 =	vsub.f32 v27, v22  }
0x4f0: {  	v20 =	vmul.f32 v20, v24;
	v26 =	vmul.f32 v26, v24  }
0x4f1: {  	v23 =	vmul.f32 v23, v8;
	v22 =	vmul.f32 v22, v24  }
0x4f2: {  	v20 =	vmul.f32 v20, v2;
	v26 =	vmul.f32 v26, v7  }
0x4f3: {  	v19 =	vmul.f32 v19, v4;
	v25 =	vmul.f32 v25, v24;
	v23 =	vadd.f32 v23, v11  }
0x4f4: {  	v20 =	vadd.f32 v20, v10;
	v22 =	vmul.f32 v22, v3;
	v26 =	vadd.f32 v26, v15  }
0x4f5: {  	v19 =	vadd.f32 v19, v12;
	[tilespmem:s5+$0xFFFFFF80] =	vst v23;
	v23 =	vmul.f32 v25, v9;
	v25 =	vmul.f32 v28, v6  }
0x4f6: {  	[tilespmem:s5+$0xFFFFFFA0] =	vst v20;
	v20 =	vmul.f32 v21, v24;
	v21 =	vadd.f32 v22, v13  }
0x4f7: {  	s4 =	sadd.s32 $0x1, s16;
	s16 =	smov.u32 s3;
	v22 =	vadd.f32 v23, v14;
	v23 =	vadd.f32 v25, v16;
	[tilespmem:s5+$0xFFFFFFE0] =	vst v19  }
0x4f8: {  	v19 =	vmul.f32 v20, v5;
	[tilespmem:s5+$0xFFFFFFF0] =	vst v21;
	v20 =	vmov s4  }
0x4f9: {  	[tilespmem:s5+$0xFFFFFF90] =	vst v22  }
0x4fa: {  	[tilespmem:s5+$0xFFFFFFB0] =	vst v26;
	v19 =	vadd.f32 v19, v17;
	v21 =	vld [tilespmem:s5+$0x0]  }
0x4fb: {  	[tilespmem:s5+$0xFFFFFFC0] =	vst v23;
	v22 =	vld [tilespmem:s5+$0x20]  }
0x4fc: {  	[tilespmem:s5+$0xFFFFFFD0] =	vst v19;
	v19 =	vld [tilespmem:s5+$0x30]  }
0x4fd: {  	v23 =	vld.idx.msk [tilespmem:v20+s28+$0x0], $0xffff  }
0x4fe: {  	v24 =	vld [tilespmem:s5+$0x10]  }
0x4ff: {  	v20 =	vld.idx.msk [tilespmem:v20+s29+$0x0], $0xffff  }
0x500: {  	v25 =	vld [tilespmem:s5+$0x40]  }
0x501: {  	v26 =	vld [tilespmem:s5+$0x50]  }
0x502: {  	v27 =	vld [tilespmem:s5+$0x60]  }
0x503: {  	v21 =	vsub.f32 v21, v23;
	v24 =	vsub.f32 v24, v23;
	v28 =	vld [tilespmem:s5+$0x70]  }
0x504: {  	v22 =	vsub.f32 v22, v23;
	v19 =	vsub.f32 v19, v23  }
0x505: {  	v21 =	vmul.f32 v21, v20;
	v24 =	vmul.f32 v24, v20;
	v25 =	vsub.f32 v25, v23  }
0x506: {  	v22 =	vmul.f32 v22, v20;
	v19 =	vmul.f32 v19, v20;
	v26 =	vsub.f32 v26, v23  }
0x507: {  	v21 =	vmul.f32 v21, v8;
	v24 =	vmul.f32 v24, v9;
	v27 =	vsub.f32 v27, v23  }
0x508: {  	v25 =	vmul.f32 v25, v20;
	v26 =	vmul.f32 v26, v20;
	v23 =	vsub.f32 v28, v23  }
0x509: {  	v19 =	vmul.f32 v19, v7;
	v21 =	vadd.f32 v21, v11;
	v24 =	vadd.f32 v24, v14  }
0x50a: {  	v25 =	vmul.f32 v25, v6;
	v27 =	vmul.f32 v27, v20  }
0x50b: {  	v19 =	vadd.f32 v19, v15;
	v20 =	vmul.f32 v23, v20;
	[tilespmem:s5+$0x0] =	vst v21;
	v21 =	vmul.f32 v26, v5  }
.Ltmp14:
0x50c: {  	v22 =	vmul.f32 v22, v2;
	v23 =	vadd.f32 v25, v16;
	[tilespmem:s5+$0x10] =	vst v24;
	v24 =	vmul.f32 v27, v4;
	(pc) =	sbr.rel @p0 .LBB2_31-.Ltmp14, $4  }
0x50d: {  	v20 =	vmul.f32 v20, v3;
	[tilespmem:s5+$0x30] =	vst v19;
	v25 =	vadd.f32 v21, v17  }
0x50e: {  	v21 =	vadd.f32 v22, v10;
	[tilespmem:s5+$0x40] =	vst v23;
	v23 =	vadd.f32 v24, v12  }
0x50f: {  	v22 =	vadd.f32 v20, v13;
	v19 =	vld [tilespmem:s2+$0xFFFFFFE0];
	[tilespmem:s5+$0x50] =	vst v25  }
0x510: {  	v20 =	vld [tilespmem:s2+$0xFFFFFFA0];
	[tilespmem:s5+$0x60] =	vst v23  }
0x511: {  	_ = 	snop  }
0x512: {  	v23 =	vld [tilespmem:s14+$0xFFFFFF80]  }
0x513: {  	[tilespmem:s5+$0x20] =	vst v21;
	v37 =	vld [tilespmem:s14+$0xFFFFFFD0]  }
0x514: {  	[tilespmem:s5+$0x70] =	vst v22;
	v24 =	vld [tilespmem:s14+$0xFFFFFFC0]  }
0x515: {  	v22 =	vld.idx.msk [tilespmem:v18+s28+$0x0], $0xffff  }
0x516: {  	v26 =	vld [tilespmem:s14+$0xFFFFFF90]  }
0x517: {  	v38 =	vld.idx.msk [tilespmem:v18+s29+$0x0], $0xffff  }
0x518: {  	v25 =	vld [tilespmem:s14+$0xFFFFFFF0]  }
0x519: {  	v27 =	vld [tilespmem:s14+$0xFFFFFFB0]  }
0x51a: {  	v23 =	vsub.f32 v23, v22  }
0x51b: {  	v20 =	vsub.f32 v20, v22;
	v24 =	vsub.f32 v24, v22  }
0x51c: {  	v19 =	vsub.f32 v19, v22;
	v21 =	vsub.f32 v37, v22;
	v23 =	vmul.f32 v23, v38  }
0x51d: {  	v25 =	vsub.f32 v25, v22;
	v26 =	vsub.f32 v26, v22;
	v20 =	vmul.f32 v20, v38  }
0x51e: {  	v22 =	vsub.f32 v27, v22;
	v19 =	vmul.f32 v19, v38;
	v23 =	vmul.f32 v23, v8  }
0x51f: {  	v25 =	vmul.f32 v25, v38;
	v20 =	vmul.f32 v20, v2  }
0x520: {  	v22 =	vmul.f32 v22, v38;
	v19 =	vmul.f32 v19, v4;
	v23 =	vadd.f32 v23, v11  }
0x521: {  	v24 =	vmul.f32 v24, v38;
	v25 =	vmul.f32 v25, v3;
	v20 =	vadd.f32 v20, v10  }
0x522: {  	v18 =	vmul.f32 v21, v38;
	v22 =	vmul.f32 v22, v7;
	v19 =	vadd.f32 v19, v12;
	[tilespmem:s14+$0xFFFFFF80] =	vst v23  }
0x523: {  	v26 =	vmul.f32 v26, v38;
	v41 =	vmul.f32 v24, v6;
	v40 =	vadd.f32 v25, v13;
	[tilespmem:s14+$0xFFFFFFA0] =	vst v20  }
0x524: {  	s2 =	sadd.s32 $0x1, s16;
	v18 =	vmul.f32 v18, v5;
	v42 =	vadd.f32 v22, v15;
	[tilespmem:s14+$0xFFFFFFE0] =	vst v19  }
0x525: {  	v43 =	vmov s2;
	v39 =	vmul.f32 v26, v9;
	v21 =	vadd.f32 v41, v16;
	[tilespmem:s14+$0xFFFFFFF0] =	vst v40  }
0x526: {  	v44 =	vld [tilespmem:s14+$0x0];
	v18 =	vadd.f32 v18, v17;
	[tilespmem:s14+$0xFFFFFFB0] =	vst v42  }
0x527: {  	v45 =	vld [tilespmem:s14+$0x30];
	v23 =	vadd.f32 v39, v14;
	[tilespmem:s14+$0xFFFFFFC0] =	vst v21  }
0x528: {  	v46 =	vld [tilespmem:s14+$0x10];
	[tilespmem:s14+$0xFFFFFFD0] =	vst v18  }
0x529: {  	v47 =	vld [tilespmem:s14+$0x40];
	[tilespmem:s14+$0xFFFFFF90] =	vst v23  }
0x52a: {  	v21 =	vld.idx.msk [tilespmem:v43+s28+$0x0], $0xffff  }
0x52b: {  	v48 =	vld [tilespmem:s14+$0x50]  }
0x52c: {  	v20 =	vld.idx.msk [tilespmem:v43+s29+$0x0], $0xffff  }
0x52d: {  	v49 =	vld [tilespmem:s14+$0x20]  }
0x52e: {  	v50 =	vld [tilespmem:s14+$0x60]  }
0x52f: {  	v51 =	vld [tilespmem:s14+$0x70];
	v19 =	vsub.f32 v44, v21  }
0x530: {  	v22 =	vsub.f32 v46, v21  }
0x531: {  	v18 =	vsub.f32 v45, v21;
	v23 =	vsub.f32 v47, v21;
	v19 =	vmul.f32 v19, v20  }
0x532: {  	v24 =	vsub.f32 v48, v21;
	v25 =	vsub.f32 v49, v21;
	v22 =	vmul.f32 v22, v20  }
0x533: {  	v54 =	vsub.f32 v50, v21;
	v18 =	vmul.f32 v18, v20;
	v52 =	vmul.f32 v19, v8  }
0x534: {  	v21 =	vsub.f32 v51, v21;
	v55 =	vmul.f32 v23, v20;
	v53 =	vmul.f32 v22, v9  }
0x535: {  	v56 =	vmul.f32 v24, v20;
	v57 =	vmul.f32 v18, v7;
	v8 =	vadd.f32 v52, v11  }
0x536: {  	v59 =	vmul.f32 v54, v20;
	v58 =	vmul.f32 v55, v6;
	v9 =	vadd.f32 v53, v14  }
0x537: {  	v60 =	vmul.f32 v25, v20;
	v61 =	vmul.f32 v56, v5;
	v7 =	vadd.f32 v57, v15;
	[tilespmem:s14+$0x0] =	vst v8  }
0x538: {  	v62 =	vmul.f32 v21, v20;
	v63 =	vmul.f32 v59, v4;
	v6 =	vadd.f32 v58, v16;
	[tilespmem:s14+$0x10] =	vst v9  }
0x539: {  	s7 =	sadd.s32 $0x1, s7;
	v2 =	vmul.f32 v60, v2;
	v5 =	vadd.f32 v61, v17;
	[tilespmem:s14+$0x30] =	vst v7  }
0x53a: {  	p0 =	sne.s32 s7, $0xA;
	v3 =	vmul.f32 v62, v3;
	v4 =	vadd.f32 v63, v12;
	[tilespmem:s14+$0x40] =	vst v6  }
.Ltmp15:
0x53b: {  	s31 =	sshll.u32 s15, $0xE;
	v2 =	vadd.f32 v2, v10;
	[tilespmem:s14+$0x50] =	vst v5;
	(pc) =	sbr.rel @p0 .LBB2_2-.Ltmp15, $4  }
0x53c: {  	s2 =	sadd.s32 s13, s31;
	v3 =	vadd.f32 v3, v13;
	[tilespmem:s14+$0x60] =	vst v4  }
0x53d: {  	s3 =	rddreg [dreg:$0x7];
	s2 =	sshrl.u32 s2, $0x3;
	[tilespmem:s14+$0x20] =	vst v2  }
0x53e: {  	s2 =	sadd.s32 s3, s2;
	[tilespmem:s14+$0x70] =	vst v3  }
0x53f: {  	[hbm4b:s2+s9] =	stream.linear.scatter [tilespmem:s19], [sflag:$0xF], $0x4000, $0x38;
	[tilespmem:$0x14C00] =	vst v63  }
0x540: {  	s2 =	simm.s32 $0xD  }
0x541: {  	_ =	swait.ge [sflag:s2], $0x4000  }
0x542: {  	[sflag:s2] =	ssyncset.done $0x0  }
0x543: {  	s26 =	simm.s32 $0xE;
	[sflag:s2] =	ssyncadd.s32 $0xFFFFC000  }
0x544: {  	_ =	swait.ge [sflag:s26], $0x4000  }
0x545: {  	[sflag:s26] =	ssyncset.done $0x0  }
0x546: {  	s3 =	simm.s32 $0xF;
	[sflag:s26] =	ssyncadd.s32 $0xFFFFC000  }
0x547: {  	_ =	swait.ge [sflag:s3], $0x4000  }
0x548: {  	s4 =	rddreg [dreg:$0x10]  }
0x549: {  	s31 =	rddreg [dreg:$0xf];
	s4 =	sadd.s32 $0x1, s4  }
0x54a: {  	p0 =	sne.s32 s4, s31  }
.Ltmp16:
0x54b: {  	_ = 	snop;
	(pc) =	sbr.rel @p0 .LBB2_1-.Ltmp16, $3  }
0x54c: {  	_ =	sdelay $0x1  }
0x54d: {  	[sflag:s3] =	ssyncset.done $0x0  }
0x54e: {  	[sflag:s3] =	ssyncadd.s32 $0xFFFFC000  }
0x54f: {  	_ =	sfence.sel $0x180000  }
0x550: {  	[bflag:$0x0] =	sbarrier.arrive $0xFFFF  }
0x551: {  	_ =	strace $0x90000047  }
0x552: {  	s0 =	stileid.u32;
	[bflag:$0x2] =	sbarrier.arrive $0xFFFF  }
0x553: {  	p0 =	sne.s32 s0, $0x0;
	s0 =	rddreg [dreg:$0x8]  }
0x554: {  	s0 =	sadd.s32 @!p0 $0x100000, s0  }
0x555: {  	[sflag:s0] =	ssyncadd.tile.s32 @!p0 $0x1;
	_ =	shalt  }
.Lfunc_end2:
_tile_overlayer_lowered:
.L_overlay_start_2:
0x556: {  	(tag) =	ssettag $0x2  }
0x557: {  	s0 =	rddreg [dreg:$0x0];
	s2 =	stileid.u32  }
0x558: {  	s1 =	rddreg [dreg:$0x1];
	p0 =	sne.s32 s2, $0x0  }
0x559: {  	s3 =	rddreg [dreg:$0x2];
	[bflag:$0x3] =	sbarrier.arrive $0xFFFF;
	s2 =	simm.s32 @!p0 $0x1C10  }
0x55a: {  	[timem:s3], [sflag:s2] =	dma.local @!p0 [hbm:s0], s1  }
0x55b: {  	s0 =	simm.s32 @!p0 $0x10  }
0x55c: {  	_ =	swait.ge @!p0 [sflag:s0], s1  }
0x55d: {  	s1 =	ssub.s32 @!p0 $0x0, s1;
	[sflag:s0] =	ssyncset.done @!p0 $0x0  }
0x55e: {  	[sflag:s0] =	ssyncadd.s32 @!p0 s1  }
0x55f: {  	[bflag:$0x3] =	sbarrier.arrive $0xFFFF  }
0x560: {  	_ =	shalt  }

</sc_bundles>
